<compile_context>
chip_gen: v7x
topology: tpu7x:2x2x1
jax: 0.10.2.dev20260603
libtpu: 0.0.44.dev20260713+nightly
codegen_flags: <defaults>
</compile_context>

<pallas_src>
import functools

import jax
import jax.numpy as jnp
from jax import lax
from jax.experimental import pallas as pl
from jax.experimental.pallas import tpu as pltpu
from jax.experimental.pallas import tpu_sc as plsc

N = 10000
E = 320000
NFEAT = 128
NHID = 128
NCLASS = 64

CHUNK = 64
NSC = 2
NTILES = 16
NW = NSC * NTILES
NP = 10240
RPT = NP // NTILES
DEG_W = 128
BLKCH = 16
BLOCKS = 10
NBLK = NW * BLOCKS
BLK0 = 10
BLK1 = 0
TPT = BLOCKS * BLKCH
EPAD = NW * TPT * CHUNK
NBUF = 2


@functools.cache
def _mesh():
    return plsc.VectorSubcoreMesh(core_axis_name="c", subcore_axis_name="s")


@functools.cache
def _deg_kernel_fn():
    @functools.partial(
        pl.kernel,
        out_type=jax.ShapeDtypeStruct((NSC * NP, DEG_W), jnp.float32),
        mesh=_mesh(),
        scratch_types=[
            pltpu.VMEM((BLKCH, CHUNK), jnp.int32),
            pltpu.VMEM((CHUNK, DEG_W), jnp.float32),
            pltpu.VMEM_SHARED((NP, DEG_W), jnp.float32),
            pltpu.SemaphoreType.DMA,
        ],
    )
    def _deg_kernel(dst_hbm, ones_hbm, zeros_hbm, out_hbm, ibd, ones_v, acc,
                    ssem):
        c = lax.axis_index("c")
        s = lax.axis_index("s")
        wid = s * NSC + c
        r0 = s * RPT
        pltpu.sync_copy(ones_hbm, ones_v)
        pltpu.sync_copy(zeros_hbm.at[pl.ds(r0, RPT)], acc.at[pl.ds(r0, RPT)])
        plsc.subcore_barrier()

        def block(blk, carry):
            bi = wid * BLOCKS + blk
            pltpu.sync_copy(dst_hbm.at[bi], ibd)
            descs = [pltpu.async_copy(ones_v, acc.at[ibd.at[k]], ssem,
                                      add=True)
                     for k in range(BLKCH)]
            for dsc in descs:
                dsc.wait()
            return carry

        lax.fori_loop(0, BLOCKS, block, 0)
        plsc.subcore_barrier()
        pltpu.sync_copy(acc.at[pl.ds(r0, RPT)],
                        out_hbm.at[pl.ds(c * NP + r0, RPT)])

    return _deg_kernel


@functools.cache
def _make_agg(F):
    @functools.partial(
        pl.kernel,
        out_type=jax.ShapeDtypeStruct((NSC * NP, F), jnp.float32),
        mesh=_mesh(),
        scratch_types=[
            pltpu.VMEM((BLKCH, CHUNK), jnp.int32),
            pltpu.VMEM((BLKCH, CHUNK), jnp.int32),
            pltpu.VMEM((CHUNK, F), jnp.float32),
            pltpu.VMEM((CHUNK, F), jnp.float32),
            pltpu.VMEM((CHUNK, F), jnp.float32),
            pltpu.VMEM((CHUNK, F), jnp.float32),
            pltpu.VMEM_SHARED((NP, F), jnp.float32),
            pltpu.SemaphoreType.DMA,
        ],
    )
    def agg(y_hbm, src_hbm, dst_hbm, zeros_hbm, out_hbm,
            ibs, ibd, rows0, rows1, rows2, rows3, acc, gsem):
        c = lax.axis_index("c")
        s = lax.axis_index("s")
        wid = s * NSC + c
        r0 = s * RPT
        pltpu.sync_copy(zeros_hbm.at[pl.ds(r0, RPT)], acc.at[pl.ds(r0, RPT)])
        plsc.subcore_barrier()

        slots = [rows0, rows1, rows2, rows3]

        def slot(k):
            return slots[k % 4]

        def block(blk, carry):
            bi = wid * BLOCKS + blk
            pltpu.sync_copy(src_hbm.at[bi], ibs)
            pltpu.sync_copy(dst_hbm.at[bi], ibd)
            gd = [pltpu.async_copy(y_hbm.at[ibs.at[k]], slot(k), gsem)
                  for k in range(3)]
            for k in range(BLKCH):
                if k + 3 < BLKCH:
                    gd.append(pltpu.async_copy(y_hbm.at[ibs.at[k + 3]],
                                               slot(k + 3), gsem))
                gd[k].wait()
                pltpu.sync_copy(slot(k), acc.at[ibd.at[k]], add=True)
            return carry

        lax.fori_loop(0, BLOCKS, block, 0)
        plsc.subcore_barrier()
        pltpu.sync_copy(acc.at[pl.ds(r0, RPT)],
                        out_hbm.at[pl.ds(c * NP + r0, RPT)])

    return agg



RBLK = 5000


def _deg_d(degp):
    deg = degp[0, :, 0] + degp[1, :, 0] + 1.0
    return lax.rsqrt(deg)


def _t1_body(x_ref, degp_ref, w_ref, o_ref):
    d = _deg_d(degp_ref[...])
    o_ref[...] = jnp.dot(x_ref[...], w_ref[...],
                         preferred_element_type=jnp.float32) * d[:, None]


def _tmid_body(p_ref, y_ref, degp_ref, b_ref, w_ref, o_ref):
    d = _deg_d(degp_ref[...])
    p = p_ref[0] + p_ref[1] + y_ref[...]
    h = jnp.maximum(p * d[:, None] + b_ref[...], 0.0)
    o_ref[...] = jnp.dot(h, w_ref[...],
                         preferred_element_type=jnp.float32) * d[:, None]


def _tout_body(p_ref, y_ref, degp_ref, b_ref, o_ref):
    d = _deg_d(degp_ref[...])
    p = (p_ref[0] + p_ref[1] + y_ref[...])[:, :NCLASS]
    o_ref[...] = p * d[:, None] + b_ref[...]


def _t1(x, degp, W):
    return pl.pallas_call(
        _t1_body,
        grid=(N // RBLK,),
        in_specs=[
            pl.BlockSpec((RBLK, NFEAT), lambda i: (i, 0)),
            pl.BlockSpec((NSC, RBLK, DEG_W), lambda i: (0, i, 0)),
            pl.BlockSpec((NFEAT, NHID), lambda i: (0, 0)),
        ],
        out_specs=pl.BlockSpec((RBLK, NHID), lambda i: (i, 0)),
        out_shape=jax.ShapeDtypeStruct((N, NHID), jnp.float32),
    )(x, degp, W)


def _tmid(p, y, degp, b, W, fout):
    return pl.pallas_call(
        _tmid_body,
        grid=(N // RBLK,),
        in_specs=[
            pl.BlockSpec((NSC, RBLK, NHID), lambda i: (0, i, 0)),
            pl.BlockSpec((RBLK, NHID), lambda i: (i, 0)),
            pl.BlockSpec((NSC, RBLK, DEG_W), lambda i: (0, i, 0)),
            pl.BlockSpec((1, NHID), lambda i: (0, 0)),
            pl.BlockSpec((NHID, fout), lambda i: (0, 0)),
        ],
        out_specs=pl.BlockSpec((RBLK, fout), lambda i: (i, 0)),
        out_shape=jax.ShapeDtypeStruct((N, fout), jnp.float32),
    )(p, y, degp, b, W)


def _tout(p, y, degp, b):
    return pl.pallas_call(
        _tout_body,
        grid=(N // RBLK,),
        in_specs=[
            pl.BlockSpec((NSC, RBLK, NHID), lambda i: (0, i, 0)),
            pl.BlockSpec((RBLK, NHID), lambda i: (i, 0)),
            pl.BlockSpec((NSC, RBLK, DEG_W), lambda i: (0, i, 0)),
            pl.BlockSpec((1, NCLASS), lambda i: (0, 0)),
        ],
        out_specs=pl.BlockSpec((RBLK, NCLASS), lambda i: (i, 0)),
        out_shape=jax.ShapeDtypeStruct((N, NCLASS), jnp.float32),
    )(p, y, degp, b)



def kernel(x, adj, W1, b1, Wx, bx, W2, b2):
    npad = EPAD - E
    pad_src = jnp.arange(npad, dtype=jnp.int32) % N
    pad_dst = N + jnp.arange(npad, dtype=jnp.int32) % (NP - N)
    src = jnp.concatenate(
        [adj[0].astype(jnp.int32), pad_src]).reshape(NW * BLOCKS, BLKCH, CHUNK)
    dst = jnp.concatenate(
        [adj[1].astype(jnp.int32), pad_dst]).reshape(NW * BLOCKS, BLKCH, CHUNK)

    ones8 = jnp.ones((CHUNK, DEG_W), jnp.float32)
    zeros8 = jnp.zeros((NP, DEG_W), jnp.float32)
    zeros128 = jnp.zeros((NP, NHID), jnp.float32)
    W2p = jnp.concatenate([W2, jnp.zeros((NHID, NHID - NCLASS), jnp.float32)],
                          axis=1)

    degp = _deg_kernel_fn()(dst, ones8, zeros8).reshape(NSC, NP, DEG_W)

    y1 = _t1(x, degp, W1)
    p1 = _make_agg(NHID)(y1, src, dst, zeros128).reshape(NSC, NP, NHID)
    y2 = _tmid(p1, y1, degp, b1.reshape(1, NHID), Wx, NHID)
    p2 = _make_agg(NHID)(y2, src, dst, zeros128).reshape(NSC, NP, NHID)
    y3 = _tmid(p2, y2, degp, bx.reshape(1, NHID), W2p, NHID)
    q = _make_agg(NHID)(y3, src, dst, zeros128).reshape(NSC, NP, NHID)
    return _tout(q, y3, degp, b2.reshape(1, NCLASS))

# --- scband reference (transcript-rebuilt; emitter-appended) ---
"""Pipeline reference for scband-sagcnxbn-76261439308014 (READ-ONLY COPY).

The authoritative reference and input builder live on the scoring server;
editing this copy changes nothing except your own understanding.
"""

import jax, jax.numpy as jnp
import numpy as np

N_NODES = 10000
N_EDGES = 320000
NFEAT = 128
NHID = 128
NCLASS = 64


def gcn_layer(x, src, dst, W, b):
    # GCNConv with symmetric normalization and self-loops (PyG gcn_norm semantics)
    n = x.shape[0]
    xw = x @ W
    self_idx = jnp.arange(n, dtype=src.dtype)
    src2 = jnp.concatenate([src, self_idx])
    dst2 = jnp.concatenate([dst, self_idx])
    ew = jnp.ones(src2.shape[0], dtype=x.dtype)
    deg = jax.ops.segment_sum(ew, dst2, num_segments=n)
    deg_inv_sqrt = jnp.where(deg > 0, 1.0 / jnp.sqrt(deg), 0.0)
    norm = deg_inv_sqrt[src2] * deg_inv_sqrt[dst2]
    msgs = xw[src2] * norm[:, None]
    out = jax.ops.segment_sum(msgs, dst2, num_segments=n)
    return out + b


def setup_inputs(seed: int = 0) -> dict:
    key = jax.random.key(seed)
    k = jax.random.split(key, 8)
    x = jax.random.normal(k[0], (N_NODES, NFEAT), dtype=jnp.float32)
    adj = jax.random.randint(k[1], (2, N_EDGES), 0, N_NODES, dtype=jnp.int64)
    s1 = 1.0 / np.sqrt(NFEAT)
    s2 = 1.0 / np.sqrt(NHID)
    W1 = jax.random.uniform(k[2], (NFEAT, NHID), jnp.float32, -s1, s1)
    b1 = jnp.zeros((NHID,), jnp.float32)
    Wx = jax.random.uniform(k[3], (NHID, NHID), jnp.float32, -s2, s2)
    bx = jnp.zeros((NHID,), jnp.float32)
    W2 = jax.random.uniform(k[4], (NHID, NCLASS), jnp.float32, -s2, s2)
    b2 = jnp.zeros((NCLASS,), jnp.float32)
    return {"x": x, "adj": adj, "W1": W1, "b1": b1, "Wx": Wx, "bx": bx, "W2": W2, "b2": b2}


def reference(x, adj, W1, b1, Wx, bx, W2, b2):
    src = adj[0]
    dst = adj[1]
    h = gcn_layer(x, src, dst, W1, b1)
    h = jax.nn.relu(h)
    h = gcn_layer(h, src, dst, Wx, bx)
    h = jax.nn.relu(h)
    out = gcn_layer(h, src, dst, W2, b2)
    return out

if __name__ == "__main__":
    import jax
    _d = setup_inputs()
    print(jax.jit(kernel)(*tuple(_d.values())))

</pallas_src>

<mosaic_0001>
#map = affine_map<(d0, d1) -> (0, 0)>
#map1 = affine_map<(d0, d1) -> (0, 0, 0)>
module attributes {stable_mosaic.version = 14 : i64} {
  func.func @agg(%arg0: i32, %arg1: i32, %arg2: memref<10000x128xf32, #tpu.memory_space<hbm>>, %arg3: memref<320x16x64xi32, #tpu.memory_space<hbm>>, %arg4: memref<320x16x64xi32, #tpu.memory_space<hbm>>, %arg5: memref<10240x128xf32, #tpu.memory_space<hbm>>, %arg6: memref<20480x128xf32, #tpu.memory_space<hbm>>, %arg7: memref<16x64xi32, #tpu.memory_space<vmem>>, %arg8: memref<16x64xi32, #tpu.memory_space<vmem>>, %arg9: memref<64x128xf32, #tpu.memory_space<vmem>>, %arg10: memref<64x128xf32, #tpu.memory_space<vmem>>, %arg11: memref<64x128xf32, #tpu.memory_space<vmem>>, %arg12: memref<64x128xf32, #tpu.memory_space<vmem>>, %arg13: memref<10240x128xf32, #tpu.memory_space<vmem_shared>>, %arg14: memref<!tpu.dma_semaphore, #tpu.memory_space<semaphore_mem>>) attributes {dimension_semantics = [#tpu.dimension_semantics<core_parallel>, #tpu.dimension_semantics<subcore_parallel>], iteration_bounds = array<i64: 2, 16>, scalar_prefetch = 0 : i64, scratch_operands = 8 : i64, tpu.core_type = #tpu.core_type<sc_vector_subcore>, window_params = [{transform_indices = #map}, {transform_indices = #map1}, {transform_indices = #map1}, {transform_indices = #map}, {transform_indices = #map}]} {
    %mul3A = arith.constant 2 : i32
    %mul3A_0 = arith.muli %arg1, %mul3A : i32
    %add3A = arith.addi %mul3A_0, %arg0 : i32
    %mul3A_1 = arith.constant 640 : i32
    %mul3A_2 = arith.muli %arg1, %mul3A_1 : i32
    "tpu.region"() ({
      %run_scoped3A = tpu.sem_alloc : memref<!tpu.dma_semaphore, #tpu.memory_space<semaphore_mem>>
      %dma_start3A = arith.constant 0 : i32
      %dma_start3A_12 = tpu.memref_slice %arg13[%mul3A_2, %dma_start3A] : memref<10240x128xf32, #tpu.memory_space<vmem_shared>> -> memref<640x128xf32, #tpu.memory_space<vmem_shared>>
      %dma_start3A_13 = arith.constant 0 : i32
      %dma_start3A_14 = tpu.memref_slice %arg5[%mul3A_2, %dma_start3A_13] : memref<10240x128xf32, #tpu.memory_space<hbm>> -> memref<640x128xf32, #tpu.memory_space<hbm>>
      tpu.enqueue_dma source(%dma_start3A_14 : memref<640x128xf32, #tpu.memory_space<hbm>>) target(%dma_start3A_12 : memref<640x128xf32, #tpu.memory_space<vmem_shared>>) target_semaphore(%run_scoped3A : memref<!tpu.dma_semaphore, #tpu.memory_space<semaphore_mem>>)
      %dma_wait3A = arith.constant 0 : i32
      %dma_wait3A_15 = tpu.memref_slice %arg13[%mul3A_2, %dma_wait3A] : memref<10240x128xf32, #tpu.memory_space<vmem_shared>> -> memref<640x128xf32, #tpu.memory_space<vmem_shared>>
      %dma_wait3A_16 = arith.constant 0 : i32
      %dma_wait3A_17 = tpu.memref_slice %arg5[%mul3A_2, %dma_wait3A_16] : memref<10240x128xf32, #tpu.memory_space<hbm>> -> memref<640x128xf32, #tpu.memory_space<hbm>>
      tpu.wait_dma2 semaphore(%run_scoped3A : memref<!tpu.dma_semaphore, #tpu.memory_space<semaphore_mem>>) src(%dma_wait3A_17 : memref<640x128xf32, #tpu.memory_space<hbm>>) dst(%dma_wait3A_15 : memref<640x128xf32, #tpu.memory_space<vmem_shared>>)
      tpu.yield
    }) : () -> ()
    %barrier3A = arith.constant 0 : index
    tpu.barrier barrier_id(%barrier3A)
    %scan3A = arith.constant 0 : i32
    %scan3A_3 = arith.constant 0 : i32
    %scan3A_4 = arith.constant 10 : i32
    %scan3A_5 = arith.addi %scan3A_3, %scan3A_4 : i32
    %scan3A_6 = arith.constant 1 : i32
    scf.for %scan3A_12 = %scan3A_3 to %scan3A_5 step %scan3A_6  : i32 {
      %mul3A_13 = arith.constant 10 : i32
      %mul3A_14 = arith.muli %add3A, %mul3A_13 : i32
      %add3A_15 = arith.addi %mul3A_14, %scan3A_12 : i32
      "tpu.region"() ({
        %run_scoped3A_253 = tpu.sem_alloc : memref<!tpu.dma_semaphore, #tpu.memory_space<semaphore_mem>>
        %dma_start3A_254 = arith.constant 0 : i32
        %dma_start3A_255 = arith.constant 0 : i32
        %dma_start3A_256 = tpu.memref_slice %arg3[%add3A_15, %dma_start3A_254, %dma_start3A_255] : memref<320x16x64xi32, #tpu.memory_space<hbm>> -> memref<1x16x64xi32, #tpu.memory_space<hbm>>
        %dma_start3A_257 = tpu.memref_squeeze %dma_start3A_256 : memref<1x16x64xi32, #tpu.memory_space<hbm>> -> memref<16x64xi32, #tpu.memory_space<hbm>>
        %dma_start3A_258 = arith.constant 0 : i32
        %dma_start3A_259 = arith.constant 0 : i32
        %dma_start3A_260 = tpu.memref_slice %arg3[%add3A_15, %dma_start3A_258, %dma_start3A_259] : memref<320x16x64xi32, #tpu.memory_space<hbm>> -> memref<1x16x64xi32, #tpu.memory_space<hbm>>
        %dma_start3A_261 = tpu.memref_squeeze %dma_start3A_260 : memref<1x16x64xi32, #tpu.memory_space<hbm>> -> memref<16x64xi32, #tpu.memory_space<hbm>>
        tpu.enqueue_dma source(%dma_start3A_261 : memref<16x64xi32, #tpu.memory_space<hbm>>) target(%arg7 : memref<16x64xi32, #tpu.memory_space<vmem>>) target_semaphore(%run_scoped3A_253 : memref<!tpu.dma_semaphore, #tpu.memory_space<semaphore_mem>>)
        %dma_wait3A_262 = arith.constant 0 : i32
        %dma_wait3A_263 = arith.constant 0 : i32
        %dma_wait3A_264 = tpu.memref_slice %arg3[%add3A_15, %dma_wait3A_262, %dma_wait3A_263] : memref<320x16x64xi32, #tpu.memory_space<hbm>> -> memref<1x16x64xi32, #tpu.memory_space<hbm>>
        %dma_wait3A_265 = tpu.memref_squeeze %dma_wait3A_264 : memref<1x16x64xi32, #tpu.memory_space<hbm>> -> memref<16x64xi32, #tpu.memory_space<hbm>>
        %dma_wait3A_266 = arith.constant 0 : i32
        %dma_wait3A_267 = arith.constant 0 : i32
        %dma_wait3A_268 = tpu.memref_slice %arg3[%add3A_15, %dma_wait3A_266, %dma_wait3A_267] : memref<320x16x64xi32, #tpu.memory_space<hbm>> -> memref<1x16x64xi32, #tpu.memory_space<hbm>>
        %dma_wait3A_269 = tpu.memref_squeeze %dma_wait3A_268 : memref<1x16x64xi32, #tpu.memory_space<hbm>> -> memref<16x64xi32, #tpu.memory_space<hbm>>
        tpu.wait_dma2 semaphore(%run_scoped3A_253 : memref<!tpu.dma_semaphore, #tpu.memory_space<semaphore_mem>>) src(%dma_wait3A_269 : memref<16x64xi32, #tpu.memory_space<hbm>>) dst(%arg7 : memref<16x64xi32, #tpu.memory_space<vmem>>)
        tpu.yield
      }) : () -> ()
      "tpu.region"() ({
        %run_scoped3A_253 = tpu.sem_alloc : memref<!tpu.dma_semaphore, #tpu.memory_space<semaphore_mem>>
        %dma_start3A_254 = arith.constant 0 : i32
        %dma_start3A_255 = arith.constant 0 : i32
        %dma_start3A_256 = tpu.memref_slice %arg4[%add3A_15, %dma_start3A_254, %dma_start3A_255] : memref<320x16x64xi32, #tpu.memory_space<hbm>> -> memref<1x16x64xi32, #tpu.memory_space<hbm>>
        %dma_start3A_257 = tpu.memref_squeeze %dma_start3A_256 : memref<1x16x64xi32, #tpu.memory_space<hbm>> -> memref<16x64xi32, #tpu.memory_space<hbm>>
        %dma_start3A_258 = arith.constant 0 : i32
        %dma_start3A_259 = arith.constant 0 : i32
        %dma_start3A_260 = tpu.memref_slice %arg4[%add3A_15, %dma_start3A_258, %dma_start3A_259] : memref<320x16x64xi32, #tpu.memory_space<hbm>> -> memref<1x16x64xi32, #tpu.memory_space<hbm>>
        %dma_start3A_261 = tpu.memref_squeeze %dma_start3A_260 : memref<1x16x64xi32, #tpu.memory_space<hbm>> -> memref<16x64xi32, #tpu.memory_space<hbm>>
        tpu.enqueue_dma source(%dma_start3A_261 : memref<16x64xi32, #tpu.memory_space<hbm>>) target(%arg8 : memref<16x64xi32, #tpu.memory_space<vmem>>) target_semaphore(%run_scoped3A_253 : memref<!tpu.dma_semaphore, #tpu.memory_space<semaphore_mem>>)
        %dma_wait3A_262 = arith.constant 0 : i32
        %dma_wait3A_263 = arith.constant 0 : i32
        %dma_wait3A_264 = tpu.memref_slice %arg4[%add3A_15, %dma_wait3A_262, %dma_wait3A_263] : memref<320x16x64xi32, #tpu.memory_space<hbm>> -> memref<1x16x64xi32, #tpu.memory_space<hbm>>
        %dma_wait3A_265 = tpu.memref_squeeze %dma_wait3A_264 : memref<1x16x64xi32, #tpu.memory_space<hbm>> -> memref<16x64xi32, #tpu.memory_space<hbm>>
        %dma_wait3A_266 = arith.constant 0 : i32
        %dma_wait3A_267 = arith.constant 0 : i32
        %dma_wait3A_268 = tpu.memref_slice %arg4[%add3A_15, %dma_wait3A_266, %dma_wait3A_267] : memref<320x16x64xi32, #tpu.memory_space<hbm>> -> memref<1x16x64xi32, #tpu.memory_space<hbm>>
        %dma_wait3A_269 = tpu.memref_squeeze %dma_wait3A_268 : memref<1x16x64xi32, #tpu.memory_space<hbm>> -> memref<16x64xi32, #tpu.memory_space<hbm>>
        tpu.wait_dma2 semaphore(%run_scoped3A_253 : memref<!tpu.dma_semaphore, #tpu.memory_space<semaphore_mem>>) src(%dma_wait3A_269 : memref<16x64xi32, #tpu.memory_space<hbm>>) dst(%arg8 : memref<16x64xi32, #tpu.memory_space<vmem>>)
        tpu.yield
      }) : () -> ()
      %dma_start3A = arith.constant 0 : i32
      %dma_start3A_16 = arith.constant 0 : i32
      %dma_start3A_17 = tpu.memref_slice %arg7[%dma_start3A, %dma_start3A_16] : memref<16x64xi32, #tpu.memory_space<vmem>> -> memref<1x64xi32, #tpu.memory_space<vmem>>
      %dma_start3A_18 = tpu.memref_squeeze %dma_start3A_17 : memref<1x64xi32, #tpu.memory_space<vmem>> -> memref<64xi32, #tpu.memory_space<vmem>>
      %dma_start3A_19 = arith.constant 0 : i32
      %dma_start3A_20 = arith.constant 0 : i32
      %dma_start3A_21 = tpu.memref_slice %arg2[%dma_start3A_19, %dma_start3A_20] : memref<10000x128xf32, #tpu.memory_space<hbm>> -> memref<10000x128xf32, #tpu.memory_space<hbm>>
      tpu.enqueue_indirect_dma source(%dma_start3A_21 : memref<10000x128xf32, #tpu.memory_space<hbm>>) target(%arg9 : memref<64x128xf32, #tpu.memory_space<vmem>>) offsets(%dma_start3A_18 : memref<64xi32, #tpu.memory_space<vmem>>) semaphore(%arg14 : memref<!tpu.dma_semaphore, #tpu.memory_space<semaphore_mem>>)
      %dma_start3A_22 = arith.constant 1 : i32
      %dma_start3A_23 = arith.constant 0 : i32
      %dma_start3A_24 = tpu.memref_slice %arg7[%dma_start3A_22, %dma_start3A_23] : memref<16x64xi32, #tpu.memory_space<vmem>> -> memref<1x64xi32, #tpu.memory_space<vmem>>
      %dma_start3A_25 = tpu.memref_squeeze %dma_start3A_24 : memref<1x64xi32, #tpu.memory_space<vmem>> -> memref<64xi32, #tpu.memory_space<vmem>>
      %dma_start3A_26 = arith.constant 0 : i32
      %dma_start3A_27 = arith.constant 0 : i32
      %dma_start3A_28 = tpu.memref_slice %arg2[%dma_start3A_26, %dma_start3A_27] : memref<10000x128xf32, #tpu.memory_space<hbm>> -> memref<10000x128xf32, #tpu.memory_space<hbm>>
      tpu.enqueue_indirect_dma source(%dma_start3A_28 : memref<10000x128xf32, #tpu.memory_space<hbm>>) target(%arg10 : memref<64x128xf32, #tpu.memory_space<vmem>>) offsets(%dma_start3A_25 : memref<64xi32, #tpu.memory_space<vmem>>) semaphore(%arg14 : memref<!tpu.dma_semaphore, #tpu.memory_space<semaphore_mem>>)
      %dma_start3A_29 = arith.constant 2 : i32
      %dma_start3A_30 = arith.constant 0 : i32
      %dma_start3A_31 = tpu.memref_slice %arg7[%dma_start3A_29, %dma_start3A_30] : memref<16x64xi32, #tpu.memory_space<vmem>> -> memref<1x64xi32, #tpu.memory_space<vmem>>
      %dma_start3A_32 = tpu.memref_squeeze %dma_start3A_31 : memref<1x64xi32, #tpu.memory_space<vmem>> -> memref<64xi32, #tpu.memory_space<vmem>>
      %dma_start3A_33 = arith.constant 0 : i32
      %dma_start3A_34 = arith.constant 0 : i32
      %dma_start3A_35 = tpu.memref_slice %arg2[%dma_start3A_33, %dma_start3A_34] : memref<10000x128xf32, #tpu.memory_space<hbm>> -> memref<10000x128xf32, #tpu.memory_space<hbm>>
      tpu.enqueue_indirect_dma source(%dma_start3A_35 : memref<10000x128xf32, #tpu.memory_space<hbm>>) target(%arg11 : memref<64x128xf32, #tpu.memory_space<vmem>>) offsets(%dma_start3A_32 : memref<64xi32, #tpu.memory_space<vmem>>) semaphore(%arg14 : memref<!tpu.dma_semaphore, #tpu.memory_space<semaphore_mem>>)
      %dma_start3A_36 = arith.constant 3 : i32
      %dma_start3A_37 = arith.constant 0 : i32
      %dma_start3A_38 = tpu.memref_slice %arg7[%dma_start3A_36, %dma_start3A_37] : memref<16x64xi32, #tpu.memory_space<vmem>> -> memref<1x64xi32, #tpu.memory_space<vmem>>
      %dma_start3A_39 = tpu.memref_squeeze %dma_start3A_38 : memref<1x64xi32, #tpu.memory_space<vmem>> -> memref<64xi32, #tpu.memory_space<vmem>>
      %dma_start3A_40 = arith.constant 0 : i32
      %dma_start3A_41 = arith.constant 0 : i32
      %dma_start3A_42 = tpu.memref_slice %arg2[%dma_start3A_40, %dma_start3A_41] : memref<10000x128xf32, #tpu.memory_space<hbm>> -> memref<10000x128xf32, #tpu.memory_space<hbm>>
      tpu.enqueue_indirect_dma source(%dma_start3A_42 : memref<10000x128xf32, #tpu.memory_space<hbm>>) target(%arg12 : memref<64x128xf32, #tpu.memory_space<vmem>>) offsets(%dma_start3A_39 : memref<64xi32, #tpu.memory_space<vmem>>) semaphore(%arg14 : memref<!tpu.dma_semaphore, #tpu.memory_space<semaphore_mem>>)
      %dma_wait3A = arith.constant 0 : i32
      %dma_wait3A_43 = arith.constant 0 : i32
      %dma_wait3A_44 = tpu.memref_slice %arg7[%dma_wait3A, %dma_wait3A_43] : memref<16x64xi32, #tpu.memory_space<vmem>> -> memref<1x64xi32, #tpu.memory_space<vmem>>
      %dma_wait3A_45 = tpu.memref_squeeze %dma_wait3A_44 : memref<1x64xi32, #tpu.memory_space<vmem>> -> memref<64xi32, #tpu.memory_space<vmem>>
      %dma_wait3A_46 = arith.constant 0 : i32
      %dma_wait3A_47 = arith.constant 0 : i32
      %dma_wait3A_48 = tpu.memref_slice %arg2[%dma_wait3A_46, %dma_wait3A_47] : memref<10000x128xf32, #tpu.memory_space<hbm>> -> memref<10000x128xf32, #tpu.memory_space<hbm>>
      tpu.wait_indirect_dma semaphore(%arg14 : memref<!tpu.dma_semaphore, #tpu.memory_space<semaphore_mem>>) src(%dma_wait3A_48 : memref<10000x128xf32, #tpu.memory_space<hbm>>) dst(%arg9 : memref<64x128xf32, #tpu.memory_space<vmem>>)
      %run_scoped3A = arith.constant 0 : i32
      "tpu.region"() ({
        %run_scoped3A_253 = tpu.sem_alloc : memref<!tpu.dma_semaphore, #tpu.memory_space<semaphore_mem>>
        %dma_start3A_254 = arith.constant 0 : i32
        %dma_start3A_255 = tpu.memref_slice %arg8[%run_scoped3A, %dma_start3A_254] : memref<16x64xi32, #tpu.memory_space<vmem>> -> memref<1x64xi32, #tpu.memory_space<vmem>>
        %dma_start3A_256 = tpu.memref_squeeze %dma_start3A_255 : memref<1x64xi32, #tpu.memory_space<vmem>> -> memref<64xi32, #tpu.memory_space<vmem>>
        %dma_start3A_257 = arith.constant 0 : i32
        %dma_start3A_258 = arith.constant 0 : i32
        %dma_start3A_259 = tpu.memref_slice %arg13[%dma_start3A_257, %dma_start3A_258] : memref<10240x128xf32, #tpu.memory_space<vmem_shared>> -> memref<10240x128xf32, #tpu.memory_space<vmem_shared>>
        tpu.enqueue_indirect_dma source(%arg9 : memref<64x128xf32, #tpu.memory_space<vmem>>) target(%dma_start3A_259 : memref<10240x128xf32, #tpu.memory_space<vmem_shared>>) offsets(%dma_start3A_256 : memref<64xi32, #tpu.memory_space<vmem>>) semaphore(%run_scoped3A_253 : memref<!tpu.dma_semaphore, #tpu.memory_space<semaphore_mem>>) {add = true}
        %dma_wait3A_260 = arith.constant 0 : i32
        %dma_wait3A_261 = tpu.memref_slice %arg8[%run_scoped3A, %dma_wait3A_260] : memref<16x64xi32, #tpu.memory_space<vmem>> -> memref<1x64xi32, #tpu.memory_space<vmem>>
        %dma_wait3A_262 = tpu.memref_squeeze %dma_wait3A_261 : memref<1x64xi32, #tpu.memory_space<vmem>> -> memref<64xi32, #tpu.memory_space<vmem>>
        %dma_wait3A_263 = arith.constant 0 : i32
        %dma_wait3A_264 = arith.constant 0 : i32
        %dma_wait3A_265 = tpu.memref_slice %arg13[%dma_wait3A_263, %dma_wait3A_264] : memref<10240x128xf32, #tpu.memory_space<vmem_shared>> -> memref<10240x128xf32, #tpu.memory_space<vmem_shared>>
        tpu.wait_indirect_dma semaphore(%run_scoped3A_253 : memref<!tpu.dma_semaphore, #tpu.memory_space<semaphore_mem>>) src(%arg9 : memref<64x128xf32, #tpu.memory_space<vmem>>) dst(%dma_wait3A_265 : memref<10240x128xf32, #tpu.memory_space<vmem_shared>>)
        tpu.yield
      }) : () -> ()
      %dma_start3A_49 = arith.constant 4 : i32
      %dma_start3A_50 = arith.constant 0 : i32
      %dma_start3A_51 = tpu.memref_slice %arg7[%dma_start3A_49, %dma_start3A_50] : memref<16x64xi32, #tpu.memory_space<vmem>> -> memref<1x64xi32, #tpu.memory_space<vmem>>
      %dma_start3A_52 = tpu.memref_squeeze %dma_start3A_51 : memref<1x64xi32, #tpu.memory_space<vmem>> -> memref<64xi32, #tpu.memory_space<vmem>>
      %dma_start3A_53 = arith.constant 0 : i32
      %dma_start3A_54 = arith.constant 0 : i32
      %dma_start3A_55 = tpu.memref_slice %arg2[%dma_start3A_53, %dma_start3A_54] : memref<10000x128xf32, #tpu.memory_space<hbm>> -> memref<10000x128xf32, #tpu.memory_space<hbm>>
      tpu.enqueue_indirect_dma source(%dma_start3A_55 : memref<10000x128xf32, #tpu.memory_space<hbm>>) target(%arg9 : memref<64x128xf32, #tpu.memory_space<vmem>>) offsets(%dma_start3A_52 : memref<64xi32, #tpu.memory_space<vmem>>) semaphore(%arg14 : memref<!tpu.dma_semaphore, #tpu.memory_space<semaphore_mem>>)
      %dma_wait3A_56 = arith.constant 1 : i32
      %dma_wait3A_57 = arith.constant 0 : i32
      %dma_wait3A_58 = tpu.memref_slice %arg7[%dma_wait3A_56, %dma_wait3A_57] : memref<16x64xi32, #tpu.memory_space<vmem>> -> memref<1x64xi32, #tpu.memory_space<vmem>>
      %dma_wait3A_59 = tpu.memref_squeeze %dma_wait3A_58 : memref<1x64xi32, #tpu.memory_space<vmem>> -> memref<64xi32, #tpu.memory_space<vmem>>
      %dma_wait3A_60 = arith.constant 0 : i32
      %dma_wait3A_61 = arith.constant 0 : i32
      %dma_wait3A_62 = tpu.memref_slice %arg2[%dma_wait3A_60, %dma_wait3A_61] : memref<10000x128xf32, #tpu.memory_space<hbm>> -> memref<10000x128xf32, #tpu.memory_space<hbm>>
      tpu.wait_indirect_dma semaphore(%arg14 : memref<!tpu.dma_semaphore, #tpu.memory_space<semaphore_mem>>) src(%dma_wait3A_62 : memref<10000x128xf32, #tpu.memory_space<hbm>>) dst(%arg10 : memref<64x128xf32, #tpu.memory_space<vmem>>)
      %run_scoped3A_63 = arith.constant 1 : i32
      "tpu.region"() ({
        %run_scoped3A_253 = tpu.sem_alloc : memref<!tpu.dma_semaphore, #tpu.memory_space<semaphore_mem>>
        %dma_start3A_254 = arith.constant 0 : i32
        %dma_start3A_255 = tpu.memref_slice %arg8[%run_scoped3A_63, %dma_start3A_254] : memref<16x64xi32, #tpu.memory_space<vmem>> -> memref<1x64xi32, #tpu.memory_space<vmem>>
        %dma_start3A_256 = tpu.memref_squeeze %dma_start3A_255 : memref<1x64xi32, #tpu.memory_space<vmem>> -> memref<64xi32, #tpu.memory_space<vmem>>
        %dma_start3A_257 = arith.constant 0 : i32
        %dma_start3A_258 = arith.constant 0 : i32
        %dma_start3A_259 = tpu.memref_slice %arg13[%dma_start3A_257, %dma_start3A_258] : memref<10240x128xf32, #tpu.memory_space<vmem_shared>> -> memref<10240x128xf32, #tpu.memory_space<vmem_shared>>
        tpu.enqueue_indirect_dma source(%arg10 : memref<64x128xf32, #tpu.memory_space<vmem>>) target(%dma_start3A_259 : memref<10240x128xf32, #tpu.memory_space<vmem_shared>>) offsets(%dma_start3A_256 : memref<64xi32, #tpu.memory_space<vmem>>) semaphore(%run_scoped3A_253 : memref<!tpu.dma_semaphore, #tpu.memory_space<semaphore_mem>>) {add = true}
        %dma_wait3A_260 = arith.constant 0 : i32
        %dma_wait3A_261 = tpu.memref_slice %arg8[%run_scoped3A_63, %dma_wait3A_260] : memref<16x64xi32, #tpu.memory_space<vmem>> -> memref<1x64xi32, #tpu.memory_space<vmem>>
        %dma_wait3A_262 = tpu.memref_squeeze %dma_wait3A_261 : memref<1x64xi32, #tpu.memory_space<vmem>> -> memref<64xi32, #tpu.memory_space<vmem>>
        %dma_wait3A_263 = arith.constant 0 : i32
        %dma_wait3A_264 = arith.constant 0 : i32
        %dma_wait3A_265 = tpu.memref_slice %arg13[%dma_wait3A_263, %dma_wait3A_264] : memref<10240x128xf32, #tpu.memory_space<vmem_shared>> -> memref<10240x128xf32, #tpu.memory_space<vmem_shared>>
        tpu.wait_indirect_dma semaphore(%run_scoped3A_253 : memref<!tpu.dma_semaphore, #tpu.memory_space<semaphore_mem>>) src(%arg10 : memref<64x128xf32, #tpu.memory_space<vmem>>) dst(%dma_wait3A_265 : memref<10240x128xf32, #tpu.memory_space<vmem_shared>>)
        tpu.yield
      }) : () -> ()
      %dma_start3A_64 = arith.constant 5 : i32
      %dma_start3A_65 = arith.constant 0 : i32
      %dma_start3A_66 = tpu.memref_slice %arg7[%dma_start3A_64, %dma_start3A_65] : memref<16x64xi32, #tpu.memory_space<vmem>> -> memref<1x64xi32, #tpu.memory_space<vmem>>
      %dma_start3A_67 = tpu.memref_squeeze %dma_start3A_66 : memref<1x64xi32, #tpu.memory_space<vmem>> -> memref<64xi32, #tpu.memory_space<vmem>>
      %dma_start3A_68 = arith.constant 0 : i32
      %dma_start3A_69 = arith.constant 0 : i32
      %dma_start3A_70 = tpu.memref_slice %arg2[%dma_start3A_68, %dma_start3A_69] : memref<10000x128xf32, #tpu.memory_space<hbm>> -> memref<10000x128xf32, #tpu.memory_space<hbm>>
      tpu.enqueue_indirect_dma source(%dma_start3A_70 : memref<10000x128xf32, #tpu.memory_space<hbm>>) target(%arg10 : memref<64x128xf32, #tpu.memory_space<vmem>>) offsets(%dma_start3A_67 : memref<64xi32, #tpu.memory_space<vmem>>) semaphore(%arg14 : memref<!tpu.dma_semaphore, #tpu.memory_space<semaphore_mem>>)
      %dma_wait3A_71 = arith.constant 2 : i32
      %dma_wait3A_72 = arith.constant 0 : i32
      %dma_wait3A_73 = tpu.memref_slice %arg7[%dma_wait3A_71, %dma_wait3A_72] : memref<16x64xi32, #tpu.memory_space<vmem>> -> memref<1x64xi32, #tpu.memory_space<vmem>>
      %dma_wait3A_74 = tpu.memref_squeeze %dma_wait3A_73 : memref<1x64xi32, #tpu.memory_space<vmem>> -> memref<64xi32, #tpu.memory_space<vmem>>
      %dma_wait3A_75 = arith.constant 0 : i32
      %dma_wait3A_76 = arith.constant 0 : i32
      %dma_wait3A_77 = tpu.memref_slice %arg2[%dma_wait3A_75, %dma_wait3A_76] : memref<10000x128xf32, #tpu.memory_space<hbm>> -> memref<10000x128xf32, #tpu.memory_space<hbm>>
      tpu.wait_indirect_dma semaphore(%arg14 : memref<!tpu.dma_semaphore, #tpu.memory_space<semaphore_mem>>) src(%dma_wait3A_77 : memref<10000x128xf32, #tpu.memory_space<hbm>>) dst(%arg11 : memref<64x128xf32, #tpu.memory_space<vmem>>)
      %run_scoped3A_78 = arith.constant 2 : i32
      "tpu.region"() ({
        %run_scoped3A_253 = tpu.sem_alloc : memref<!tpu.dma_semaphore, #tpu.memory_space<semaphore_mem>>
        %dma_start3A_254 = arith.constant 0 : i32
        %dma_start3A_255 = tpu.memref_slice %arg8[%run_scoped3A_78, %dma_start3A_254] : memref<16x64xi32, #tpu.memory_space<vmem>> -> memref<1x64xi32, #tpu.memory_space<vmem>>
        %dma_start3A_256 = tpu.memref_squeeze %dma_start3A_255 : memref<1x64xi32, #tpu.memory_space<vmem>> -> memref<64xi32, #tpu.memory_space<vmem>>
        %dma_start3A_257 = arith.constant 0 : i32
        %dma_start3A_258 = arith.constant 0 : i32
        %dma_start3A_259 = tpu.memref_slice %arg13[%dma_start3A_257, %dma_start3A_258] : memref<10240x128xf32, #tpu.memory_space<vmem_shared>> -> memref<10240x128xf32, #tpu.memory_space<vmem_shared>>
        tpu.enqueue_indirect_dma source(%arg11 : memref<64x128xf32, #tpu.memory_space<vmem>>) target(%dma_start3A_259 : memref<10240x128xf32, #tpu.memory_space<vmem_shared>>) offsets(%dma_start3A_256 : memref<64xi32, #tpu.memory_space<vmem>>) semaphore(%run_scoped3A_253 : memref<!tpu.dma_semaphore, #tpu.memory_space<semaphore_mem>>) {add = true}
        %dma_wait3A_260 = arith.constant 0 : i32
        %dma_wait3A_261 = tpu.memref_slice %arg8[%run_scoped3A_78, %dma_wait3A_260] : memref<16x64xi32, #tpu.memory_space<vmem>> -> memref<1x64xi32, #tpu.memory_space<vmem>>
        %dma_wait3A_262 = tpu.memref_squeeze %dma_wait3A_261 : memref<1x64xi32, #tpu.memory_space<vmem>> -> memref<64xi32, #tpu.memory_space<vmem>>
        %dma_wait3A_263 = arith.constant 0 : i32
        %dma_wait3A_264 = arith.constant 0 : i32
        %dma_wait3A_265 = tpu.memref_slice %arg13[%dma_wait3A_263, %dma_wait3A_264] : memref<10240x128xf32, #tpu.memory_space<vmem_shared>> -> memref<10240x128xf32, #tpu.memory_space<vmem_shared>>
        tpu.wait_indirect_dma semaphore(%run_scoped3A_253 : memref<!tpu.dma_semaphore, #tpu.memory_space<semaphore_mem>>) src(%arg11 : memref<64x128xf32, #tpu.memory_space<vmem>>) dst(%dma_wait3A_265 : memref<10240x128xf32, #tpu.memory_space<vmem_shared>>)
        tpu.yield
      }) : () -> ()
      %dma_start3A_79 = arith.constant 6 : i32
      %dma_start3A_80 = arith.constant 0 : i32
      %dma_start3A_81 = tpu.memref_slice %arg7[%dma_start3A_79, %dma_start3A_80] : memref<16x64xi32, #tpu.memory_space<vmem>> -> memref<1x64xi32, #tpu.memory_space<vmem>>
      %dma_start3A_82 = tpu.memref_squeeze %dma_start3A_81 : memref<1x64xi32, #tpu.memory_space<vmem>> -> memref<64xi32, #tpu.memory_space<vmem>>
      %dma_start3A_83 = arith.constant 0 : i32
      %dma_start3A_84 = arith.constant 0 : i32
      %dma_start3A_85 = tpu.memref_slice %arg2[%dma_start3A_83, %dma_start3A_84] : memref<10000x128xf32, #tpu.memory_space<hbm>> -> memref<10000x128xf32, #tpu.memory_space<hbm>>
      tpu.enqueue_indirect_dma source(%dma_start3A_85 : memref<10000x128xf32, #tpu.memory_space<hbm>>) target(%arg11 : memref<64x128xf32, #tpu.memory_space<vmem>>) offsets(%dma_start3A_82 : memref<64xi32, #tpu.memory_space<vmem>>) semaphore(%arg14 : memref<!tpu.dma_semaphore, #tpu.memory_space<semaphore_mem>>)
      %dma_wait3A_86 = arith.constant 3 : i32
      %dma_wait3A_87 = arith.constant 0 : i32
      %dma_wait3A_88 = tpu.memref_slice %arg7[%dma_wait3A_86, %dma_wait3A_87] : memref<16x64xi32, #tpu.memory_space<vmem>> -> memref<1x64xi32, #tpu.memory_space<vmem>>
      %dma_wait3A_89 = tpu.memref_squeeze %dma_wait3A_88 : memref<1x64xi32, #tpu.memory_space<vmem>> -> memref<64xi32, #tpu.memory_space<vmem>>
      %dma_wait3A_90 = arith.constant 0 : i32
      %dma_wait3A_91 = arith.constant 0 : i32
      %dma_wait3A_92 = tpu.memref_slice %arg2[%dma_wait3A_90, %dma_wait3A_91] : memref<10000x128xf32, #tpu.memory_space<hbm>> -> memref<10000x128xf32, #tpu.memory_space<hbm>>
      tpu.wait_indirect_dma semaphore(%arg14 : memref<!tpu.dma_semaphore, #tpu.memory_space<semaphore_mem>>) src(%dma_wait3A_92 : memref<10000x128xf32, #tpu.memory_space<hbm>>) dst(%arg12 : memref<64x128xf32, #tpu.memory_space<vmem>>)
      %run_scoped3A_93 = arith.constant 3 : i32
      "tpu.region"() ({
        %run_scoped3A_253 = tpu.sem_alloc : memref<!tpu.dma_semaphore, #tpu.memory_space<semaphore_mem>>
        %dma_start3A_254 = arith.constant 0 : i32
        %dma_start3A_255 = tpu.memref_slice %arg8[%run_scoped3A_93, %dma_start3A_254] : memref<16x64xi32, #tpu.memory_space<vmem>> -> memref<1x64xi32, #tpu.memory_space<vmem>>
        %dma_start3A_256 = tpu.memref_squeeze %dma_start3A_255 : memref<1x64xi32, #tpu.memory_space<vmem>> -> memref<64xi32, #tpu.memory_space<vmem>>
        %dma_start3A_257 = arith.constant 0 : i32
        %dma_start3A_258 = arith.constant 0 : i32
        %dma_start3A_259 = tpu.memref_slice %arg13[%dma_start3A_257, %dma_start3A_258] : memref<10240x128xf32, #tpu.memory_space<vmem_shared>> -> memref<10240x128xf32, #tpu.memory_space<vmem_shared>>
        tpu.enqueue_indirect_dma source(%arg12 : memref<64x128xf32, #tpu.memory_space<vmem>>) target(%dma_start3A_259 : memref<10240x128xf32, #tpu.memory_space<vmem_shared>>) offsets(%dma_start3A_256 : memref<64xi32, #tpu.memory_space<vmem>>) semaphore(%run_scoped3A_253 : memref<!tpu.dma_semaphore, #tpu.memory_space<semaphore_mem>>) {add = true}
        %dma_wait3A_260 = arith.constant 0 : i32
        %dma_wait3A_261 = tpu.memref_slice %arg8[%run_scoped3A_93, %dma_wait3A_260] : memref<16x64xi32, #tpu.memory_space<vmem>> -> memref<1x64xi32, #tpu.memory_space<vmem>>
        %dma_wait3A_262 = tpu.memref_squeeze %dma_wait3A_261 : memref<1x64xi32, #tpu.memory_space<vmem>> -> memref<64xi32, #tpu.memory_space<vmem>>
        %dma_wait3A_263 = arith.constant 0 : i32
        %dma_wait3A_264 = arith.constant 0 : i32
        %dma_wait3A_265 = tpu.memref_slice %arg13[%dma_wait3A_263, %dma_wait3A_264] : memref<10240x128xf32, #tpu.memory_space<vmem_shared>> -> memref<10240x128xf32, #tpu.memory_space<vmem_shared>>
        tpu.wait_indirect_dma semaphore(%run_scoped3A_253 : memref<!tpu.dma_semaphore, #tpu.memory_space<semaphore_mem>>) src(%arg12 : memref<64x128xf32, #tpu.memory_space<vmem>>) dst(%dma_wait3A_265 : memref<10240x128xf32, #tpu.memory_space<vmem_shared>>)
        tpu.yield
      }) : () -> ()
      %dma_start3A_94 = arith.constant 7 : i32
      %dma_start3A_95 = arith.constant 0 : i32
      %dma_start3A_96 = tpu.memref_slice %arg7[%dma_start3A_94, %dma_start3A_95] : memref<16x64xi32, #tpu.memory_space<vmem>> -> memref<1x64xi32, #tpu.memory_space<vmem>>
      %dma_start3A_97 = tpu.memref_squeeze %dma_start3A_96 : memref<1x64xi32, #tpu.memory_space<vmem>> -> memref<64xi32, #tpu.memory_space<vmem>>
      %dma_start3A_98 = arith.constant 0 : i32
      %dma_start3A_99 = arith.constant 0 : i32
      %dma_start3A_100 = tpu.memref_slice %arg2[%dma_start3A_98, %dma_start3A_99] : memref<10000x128xf32, #tpu.memory_space<hbm>> -> memref<10000x128xf32, #tpu.memory_space<hbm>>
      tpu.enqueue_indirect_dma source(%dma_start3A_100 : memref<10000x128xf32, #tpu.memory_space<hbm>>) target(%arg12 : memref<64x128xf32, #tpu.memory_space<vmem>>) offsets(%dma_start3A_97 : memref<64xi32, #tpu.memory_space<vmem>>) semaphore(%arg14 : memref<!tpu.dma_semaphore, #tpu.memory_space<semaphore_mem>>)
      %dma_wait3A_101 = arith.constant 4 : i32
      %dma_wait3A_102 = arith.constant 0 : i32
      %dma_wait3A_103 = tpu.memref_slice %arg7[%dma_wait3A_101, %dma_wait3A_102] : memref<16x64xi32, #tpu.memory_space<vmem>> -> memref<1x64xi32, #tpu.memory_space<vmem>>
      %dma_wait3A_104 = tpu.memref_squeeze %dma_wait3A_103 : memref<1x64xi32, #tpu.memory_space<vmem>> -> memref<64xi32, #tpu.memory_space<vmem>>
      %dma_wait3A_105 = arith.constant 0 : i32
      %dma_wait3A_106 = arith.constant 0 : i32
      %dma_wait3A_107 = tpu.memref_slice %arg2[%dma_wait3A_105, %dma_wait3A_106] : memref<10000x128xf32, #tpu.memory_space<hbm>> -> memref<10000x128xf32, #tpu.memory_space<hbm>>
      tpu.wait_indirect_dma semaphore(%arg14 : memref<!tpu.dma_semaphore, #tpu.memory_space<semaphore_mem>>) src(%dma_wait3A_107 : memref<10000x128xf32, #tpu.memory_space<hbm>>) dst(%arg9 : memref<64x128xf32, #tpu.memory_space<vmem>>)
      %run_scoped3A_108 = arith.constant 4 : i32
      "tpu.region"() ({
        %run_scoped3A_253 = tpu.sem_alloc : memref<!tpu.dma_semaphore, #tpu.memory_space<semaphore_mem>>
        %dma_start3A_254 = arith.constant 0 : i32
        %dma_start3A_255 = tpu.memref_slice %arg8[%run_scoped3A_108, %dma_start3A_254] : memref<16x64xi32, #tpu.memory_space<vmem>> -> memref<1x64xi32, #tpu.memory_space<vmem>>
        %dma_start3A_256 = tpu.memref_squeeze %dma_start3A_255 : memref<1x64xi32, #tpu.memory_space<vmem>> -> memref<64xi32, #tpu.memory_space<vmem>>
        %dma_start3A_257 = arith.constant 0 : i32
        %dma_start3A_258 = arith.constant 0 : i32
        %dma_start3A_259 = tpu.memref_slice %arg13[%dma_start3A_257, %dma_start3A_258] : memref<10240x128xf32, #tpu.memory_space<vmem_shared>> -> memref<10240x128xf32, #tpu.memory_space<vmem_shared>>
        tpu.enqueue_indirect_dma source(%arg9 : memref<64x128xf32, #tpu.memory_space<vmem>>) target(%dma_start3A_259 : memref<10240x128xf32, #tpu.memory_space<vmem_shared>>) offsets(%dma_start3A_256 : memref<64xi32, #tpu.memory_space<vmem>>) semaphore(%run_scoped3A_253 : memref<!tpu.dma_semaphore, #tpu.memory_space<semaphore_mem>>) {add = true}
        %dma_wait3A_260 = arith.constant 0 : i32
        %dma_wait3A_261 = tpu.memref_slice %arg8[%run_scoped3A_108, %dma_wait3A_260] : memref<16x64xi32, #tpu.memory_space<vmem>> -> memref<1x64xi32, #tpu.memory_space<vmem>>
        %dma_wait3A_262 = tpu.memref_squeeze %dma_wait3A_261 : memref<1x64xi32, #tpu.memory_space<vmem>> -> memref<64xi32, #tpu.memory_space<vmem>>
        %dma_wait3A_263 = arith.constant 0 : i32
        %dma_wait3A_264 = arith.constant 0 : i32
        %dma_wait3A_265 = tpu.memref_slice %arg13[%dma_wait3A_263, %dma_wait3A_264] : memref<10240x128xf32, #tpu.memory_space<vmem_shared>> -> memref<10240x128xf32, #tpu.memory_space<vmem_shared>>
        tpu.wait_indirect_dma semaphore(%run_scoped3A_253 : memref<!tpu.dma_semaphore, #tpu.memory_space<semaphore_mem>>) src(%arg9 : memref<64x128xf32, #tpu.memory_space<vmem>>) dst(%dma_wait3A_265 : memref<10240x128xf32, #tpu.memory_space<vmem_shared>>)
        tpu.yield
      }) : () -> ()
      %dma_start3A_109 = arith.constant 8 : i32
      %dma_start3A_110 = arith.constant 0 : i32
      %dma_start3A_111 = tpu.memref_slice %arg7[%dma_start3A_109, %dma_start3A_110] : memref<16x64xi32, #tpu.memory_space<vmem>> -> memref<1x64xi32, #tpu.memory_space<vmem>>
      %dma_start3A_112 = tpu.memref_squeeze %dma_start3A_111 : memref<1x64xi32, #tpu.memory_space<vmem>> -> memref<64xi32, #tpu.memory_space<vmem>>
      %dma_start3A_113 = arith.constant 0 : i32
      %dma_start3A_114 = arith.constant 0 : i32
      %dma_start3A_115 = tpu.memref_slice %arg2[%dma_start3A_113, %dma_start3A_114] : memref<10000x128xf32, #tpu.memory_space<hbm>> -> memref<10000x128xf32, #tpu.memory_space<hbm>>
      tpu.enqueue_indirect_dma source(%dma_start3A_115 : memref<10000x128xf32, #tpu.memory_space<hbm>>) target(%arg9 : memref<64x128xf32, #tpu.memory_space<vmem>>) offsets(%dma_start3A_112 : memref<64xi32, #tpu.memory_space<vmem>>) semaphore(%arg14 : memref<!tpu.dma_semaphore, #tpu.memory_space<semaphore_mem>>)
      %dma_wait3A_116 = arith.constant 5 : i32
      %dma_wait3A_117 = arith.constant 0 : i32
      %dma_wait3A_118 = tpu.memref_slice %arg7[%dma_wait3A_116, %dma_wait3A_117] : memref<16x64xi32, #tpu.memory_space<vmem>> -> memref<1x64xi32, #tpu.memory_space<vmem>>
      %dma_wait3A_119 = tpu.memref_squeeze %dma_wait3A_118 : memref<1x64xi32, #tpu.memory_space<vmem>> -> memref<64xi32, #tpu.memory_space<vmem>>
      %dma_wait3A_120 = arith.constant 0 : i32
      %dma_wait3A_121 = arith.constant 0 : i32
      %dma_wait3A_122 = tpu.memref_slice %arg2[%dma_wait3A_120, %dma_wait3A_121] : memref<10000x128xf32, #tpu.memory_space<hbm>> -> memref<10000x128xf32, #tpu.memory_space<hbm>>
      tpu.wait_indirect_dma semaphore(%arg14 : memref<!tpu.dma_semaphore, #tpu.memory_space<semaphore_mem>>) src(%dma_wait3A_122 : memref<10000x128xf32, #tpu.memory_space<hbm>>) dst(%arg10 : memref<64x128xf32, #tpu.memory_space<vmem>>)
      %run_scoped3A_123 = arith.constant 5 : i32
      "tpu.region"() ({
        %run_scoped3A_253 = tpu.sem_alloc : memref<!tpu.dma_semaphore, #tpu.memory_space<semaphore_mem>>
        %dma_start3A_254 = arith.constant 0 : i32
        %dma_start3A_255 = tpu.memref_slice %arg8[%run_scoped3A_123, %dma_start3A_254] : memref<16x64xi32, #tpu.memory_space<vmem>> -> memref<1x64xi32, #tpu.memory_space<vmem>>
        %dma_start3A_256 = tpu.memref_squeeze %dma_start3A_255 : memref<1x64xi32, #tpu.memory_space<vmem>> -> memref<64xi32, #tpu.memory_space<vmem>>
        %dma_start3A_257 = arith.constant 0 : i32
        %dma_start3A_258 = arith.constant 0 : i32
        %dma_start3A_259 = tpu.memref_slice %arg13[%dma_start3A_257, %dma_start3A_258] : memref<10240x128xf32, #tpu.memory_space<vmem_shared>> -> memref<10240x128xf32, #tpu.memory_space<vmem_shared>>
        tpu.enqueue_indirect_dma source(%arg10 : memref<64x128xf32, #tpu.memory_space<vmem>>) target(%dma_start3A_259 : memref<10240x128xf32, #tpu.memory_space<vmem_shared>>) offsets(%dma_start3A_256 : memref<64xi32, #tpu.memory_space<vmem>>) semaphore(%run_scoped3A_253 : memref<!tpu.dma_semaphore, #tpu.memory_space<semaphore_mem>>) {add = true}
        %dma_wait3A_260 = arith.constant 0 : i32
        %dma_wait3A_261 = tpu.memref_slice %arg8[%run_scoped3A_123, %dma_wait3A_260] : memref<16x64xi32, #tpu.memory_space<vmem>> -> memref<1x64xi32, #tpu.memory_space<vmem>>
        %dma_wait3A_262 = tpu.memref_squeeze %dma_wait3A_261 : memref<1x64xi32, #tpu.memory_space<vmem>> -> memref<64xi32, #tpu.memory_space<vmem>>
        %dma_wait3A_263 = arith.constant 0 : i32
        %dma_wait3A_264 = arith.constant 0 : i32
        %dma_wait3A_265 = tpu.memref_slice %arg13[%dma_wait3A_263, %dma_wait3A_264] : memref<10240x128xf32, #tpu.memory_space<vmem_shared>> -> memref<10240x128xf32, #tpu.memory_space<vmem_shared>>
        tpu.wait_indirect_dma semaphore(%run_scoped3A_253 : memref<!tpu.dma_semaphore, #tpu.memory_space<semaphore_mem>>) src(%arg10 : memref<64x128xf32, #tpu.memory_space<vmem>>) dst(%dma_wait3A_265 : memref<10240x128xf32, #tpu.memory_space<vmem_shared>>)
        tpu.yield
      }) : () -> ()
      %dma_start3A_124 = arith.constant 9 : i32
      %dma_start3A_125 = arith.constant 0 : i32
      %dma_start3A_126 = tpu.memref_slice %arg7[%dma_start3A_124, %dma_start3A_125] : memref<16x64xi32, #tpu.memory_space<vmem>> -> memref<1x64xi32, #tpu.memory_space<vmem>>
      %dma_start3A_127 = tpu.memref_squeeze %dma_start3A_126 : memref<1x64xi32, #tpu.memory_space<vmem>> -> memref<64xi32, #tpu.memory_space<vmem>>
      %dma_start3A_128 = arith.constant 0 : i32
      %dma_start3A_129 = arith.constant 0 : i32
      %dma_start3A_130 = tpu.memref_slice %arg2[%dma_start3A_128, %dma_start3A_129] : memref<10000x128xf32, #tpu.memory_space<hbm>> -> memref<10000x128xf32, #tpu.memory_space<hbm>>
      tpu.enqueue_indirect_dma source(%dma_start3A_130 : memref<10000x128xf32, #tpu.memory_space<hbm>>) target(%arg10 : memref<64x128xf32, #tpu.memory_space<vmem>>) offsets(%dma_start3A_127 : memref<64xi32, #tpu.memory_space<vmem>>) semaphore(%arg14 : memref<!tpu.dma_semaphore, #tpu.memory_space<semaphore_mem>>)
      %dma_wait3A_131 = arith.constant 6 : i32
      %dma_wait3A_132 = arith.constant 0 : i32
      %dma_wait3A_133 = tpu.memref_slice %arg7[%dma_wait3A_131, %dma_wait3A_132] : memref<16x64xi32, #tpu.memory_space<vmem>> -> memref<1x64xi32, #tpu.memory_space<vmem>>
      %dma_wait3A_134 = tpu.memref_squeeze %dma_wait3A_133 : memref<1x64xi32, #tpu.memory_space<vmem>> -> memref<64xi32, #tpu.memory_space<vmem>>
      %dma_wait3A_135 = arith.constant 0 : i32
      %dma_wait3A_136 = arith.constant 0 : i32
      %dma_wait3A_137 = tpu.memref_slice %arg2[%dma_wait3A_135, %dma_wait3A_136] : memref<10000x128xf32, #tpu.memory_space<hbm>> -> memref<10000x128xf32, #tpu.memory_space<hbm>>
      tpu.wait_indirect_dma semaphore(%arg14 : memref<!tpu.dma_semaphore, #tpu.memory_space<semaphore_mem>>) src(%dma_wait3A_137 : memref<10000x128xf32, #tpu.memory_space<hbm>>) dst(%arg11 : memref<64x128xf32, #tpu.memory_space<vmem>>)
      %run_scoped3A_138 = arith.constant 6 : i32
      "tpu.region"() ({
        %run_scoped3A_253 = tpu.sem_alloc : memref<!tpu.dma_semaphore, #tpu.memory_space<semaphore_mem>>
        %dma_start3A_254 = arith.constant 0 : i32
        %dma_start3A_255 = tpu.memref_slice %arg8[%run_scoped3A_138, %dma_start3A_254] : memref<16x64xi32, #tpu.memory_space<vmem>> -> memref<1x64xi32, #tpu.memory_space<vmem>>
        %dma_start3A_256 = tpu.memref_squeeze %dma_start3A_255 : memref<1x64xi32, #tpu.memory_space<vmem>> -> memref<64xi32, #tpu.memory_space<vmem>>
        %dma_start3A_257 = arith.constant 0 : i32
        %dma_start3A_258 = arith.constant 0 : i32
        %dma_start3A_259 = tpu.memref_slice %arg13[%dma_start3A_257, %dma_start3A_258] : memref<10240x128xf32, #tpu.memory_space<vmem_shared>> -> memref<10240x128xf32, #tpu.memory_space<vmem_shared>>
        tpu.enqueue_indirect_dma source(%arg11 : memref<64x128xf32, #tpu.memory_space<vmem>>) target(%dma_start3A_259 : memref<10240x128xf32, #tpu.memory_space<vmem_shared>>) offsets(%dma_start3A_256 : memref<64xi32, #tpu.memory_space<vmem>>) semaphore(%run_scoped3A_253 : memref<!tpu.dma_semaphore, #tpu.memory_space<semaphore_mem>>) {add = true}
        %dma_wait3A_260 = arith.constant 0 : i32
        %dma_wait3A_261 = tpu.memref_slice %arg8[%run_scoped3A_138, %dma_wait3A_260] : memref<16x64xi32, #tpu.memory_space<vmem>> -> memref<1x64xi32, #tpu.memory_space<vmem>>
        %dma_wait3A_262 = tpu.memref_squeeze %dma_wait3A_261 : memref<1x64xi32, #tpu.memory_space<vmem>> -> memref<64xi32, #tpu.memory_space<vmem>>
        %dma_wait3A_263 = arith.constant 0 : i32
        %dma_wait3A_264 = arith.constant 0 : i32
        %dma_wait3A_265 = tpu.memref_slice %arg13[%dma_wait3A_263, %dma_wait3A_264] : memref<10240x128xf32, #tpu.memory_space<vmem_shared>> -> memref<10240x128xf32, #tpu.memory_space<vmem_shared>>
        tpu.wait_indirect_dma semaphore(%run_scoped3A_253 : memref<!tpu.dma_semaphore, #tpu.memory_space<semaphore_mem>>) src(%arg11 : memref<64x128xf32, #tpu.memory_space<vmem>>) dst(%dma_wait3A_265 : memref<10240x128xf32, #tpu.memory_space<vmem_shared>>)
        tpu.yield
      }) : () -> ()
      %dma_start3A_139 = arith.constant 10 : i32
      %dma_start3A_140 = arith.constant 0 : i32
      %dma_start3A_141 = tpu.memref_slice %arg7[%dma_start3A_139, %dma_start3A_140] : memref<16x64xi32, #tpu.memory_space<vmem>> -> memref<1x64xi32, #tpu.memory_space<vmem>>
      %dma_start3A_142 = tpu.memref_squeeze %dma_start3A_141 : memref<1x64xi32, #tpu.memory_space<vmem>> -> memref<64xi32, #tpu.memory_space<vmem>>
      %dma_start3A_143 = arith.constant 0 : i32
      %dma_start3A_144 = arith.constant 0 : i32
      %dma_start3A_145 = tpu.memref_slice %arg2[%dma_start3A_143, %dma_start3A_144] : memref<10000x128xf32, #tpu.memory_space<hbm>> -> memref<10000x128xf32, #tpu.memory_space<hbm>>
      tpu.enqueue_indirect_dma source(%dma_start3A_145 : memref<10000x128xf32, #tpu.memory_space<hbm>>) target(%arg11 : memref<64x128xf32, #tpu.memory_space<vmem>>) offsets(%dma_start3A_142 : memref<64xi32, #tpu.memory_space<vmem>>) semaphore(%arg14 : memref<!tpu.dma_semaphore, #tpu.memory_space<semaphore_mem>>)
      %dma_wait3A_146 = arith.constant 7 : i32
      %dma_wait3A_147 = arith.constant 0 : i32
      %dma_wait3A_148 = tpu.memref_slice %arg7[%dma_wait3A_146, %dma_wait3A_147] : memref<16x64xi32, #tpu.memory_space<vmem>> -> memref<1x64xi32, #tpu.memory_space<vmem>>
      %dma_wait3A_149 = tpu.memref_squeeze %dma_wait3A_148 : memref<1x64xi32, #tpu.memory_space<vmem>> -> memref<64xi32, #tpu.memory_space<vmem>>
      %dma_wait3A_150 = arith.constant 0 : i32
      %dma_wait3A_151 = arith.constant 0 : i32
      %dma_wait3A_152 = tpu.memref_slice %arg2[%dma_wait3A_150, %dma_wait3A_151] : memref<10000x128xf32, #tpu.memory_space<hbm>> -> memref<10000x128xf32, #tpu.memory_space<hbm>>
      tpu.wait_indirect_dma semaphore(%arg14 : memref<!tpu.dma_semaphore, #tpu.memory_space<semaphore_mem>>) src(%dma_wait3A_152 : memref<10000x128xf32, #tpu.memory_space<hbm>>) dst(%arg12 : memref<64x128xf32, #tpu.memory_space<vmem>>)
      %run_scoped3A_153 = arith.constant 7 : i32
      "tpu.region"() ({
        %run_scoped3A_253 = tpu.sem_alloc : memref<!tpu.dma_semaphore, #tpu.memory_space<semaphore_mem>>
        %dma_start3A_254 = arith.constant 0 : i32
        %dma_start3A_255 = tpu.memref_slice %arg8[%run_scoped3A_153, %dma_start3A_254] : memref<16x64xi32, #tpu.memory_space<vmem>> -> memref<1x64xi32, #tpu.memory_space<vmem>>
        %dma_start3A_256 = tpu.memref_squeeze %dma_start3A_255 : memref<1x64xi32, #tpu.memory_space<vmem>> -> memref<64xi32, #tpu.memory_space<vmem>>
        %dma_start3A_257 = arith.constant 0 : i32
        %dma_start3A_258 = arith.constant 0 : i32
        %dma_start3A_259 = tpu.memref_slice %arg13[%dma_start3A_257, %dma_start3A_258] : memref<10240x128xf32, #tpu.memory_space<vmem_shared>> -> memref<10240x128xf32, #tpu.memory_space<vmem_shared>>
        tpu.enqueue_indirect_dma source(%arg12 : memref<64x128xf32, #tpu.memory_space<vmem>>) target(%dma_start3A_259 : memref<10240x128xf32, #tpu.memory_space<vmem_shared>>) offsets(%dma_start3A_256 : memref<64xi32, #tpu.memory_space<vmem>>) semaphore(%run_scoped3A_253 : memref<!tpu.dma_semaphore, #tpu.memory_space<semaphore_mem>>) {add = true}
        %dma_wait3A_260 = arith.constant 0 : i32
        %dma_wait3A_261 = tpu.memref_slice %arg8[%run_scoped3A_153, %dma_wait3A_260] : memref<16x64xi32, #tpu.memory_space<vmem>> -> memref<1x64xi32, #tpu.memory_space<vmem>>
        %dma_wait3A_262 = tpu.memref_squeeze %dma_wait3A_261 : memref<1x64xi32, #tpu.memory_space<vmem>> -> memref<64xi32, #tpu.memory_space<vmem>>
        %dma_wait3A_263 = arith.constant 0 : i32
        %dma_wait3A_264 = arith.constant 0 : i32
        %dma_wait3A_265 = tpu.memref_slice %arg13[%dma_wait3A_263, %dma_wait3A_264] : memref<10240x128xf32, #tpu.memory_space<vmem_shared>> -> memref<10240x128xf32, #tpu.memory_space<vmem_shared>>
        tpu.wait_indirect_dma semaphore(%run_scoped3A_253 : memref<!tpu.dma_semaphore, #tpu.memory_space<semaphore_mem>>) src(%arg12 : memref<64x128xf32, #tpu.memory_space<vmem>>) dst(%dma_wait3A_265 : memref<10240x128xf32, #tpu.memory_space<vmem_shared>>)
        tpu.yield
      }) : () -> ()
      %dma_start3A_154 = arith.constant 11 : i32
      %dma_start3A_155 = arith.constant 0 : i32
      %dma_start3A_156 = tpu.memref_slice %arg7[%dma_start3A_154, %dma_start3A_155] : memref<16x64xi32, #tpu.memory_space<vmem>> -> memref<1x64xi32, #tpu.memory_space<vmem>>
      %dma_start3A_157 = tpu.memref_squeeze %dma_start3A_156 : memref<1x64xi32, #tpu.memory_space<vmem>> -> memref<64xi32, #tpu.memory_space<vmem>>
      %dma_start3A_158 = arith.constant 0 : i32
      %dma_start3A_159 = arith.constant 0 : i32
      %dma_start3A_160 = tpu.memref_slice %arg2[%dma_start3A_158, %dma_start3A_159] : memref<10000x128xf32, #tpu.memory_space<hbm>> -> memref<10000x128xf32, #tpu.memory_space<hbm>>
      tpu.enqueue_indirect_dma source(%dma_start3A_160 : memref<10000x128xf32, #tpu.memory_space<hbm>>) target(%arg12 : memref<64x128xf32, #tpu.memory_space<vmem>>) offsets(%dma_start3A_157 : memref<64xi32, #tpu.memory_space<vmem>>) semaphore(%arg14 : memref<!tpu.dma_semaphore, #tpu.memory_space<semaphore_mem>>)
      %dma_wait3A_161 = arith.constant 8 : i32
      %dma_wait3A_162 = arith.constant 0 : i32
      %dma_wait3A_163 = tpu.memref_slice %arg7[%dma_wait3A_161, %dma_wait3A_162] : memref<16x64xi32, #tpu.memory_space<vmem>> -> memref<1x64xi32, #tpu.memory_space<vmem>>
      %dma_wait3A_164 = tpu.memref_squeeze %dma_wait3A_163 : memref<1x64xi32, #tpu.memory_space<vmem>> -> memref<64xi32, #tpu.memory_space<vmem>>
      %dma_wait3A_165 = arith.constant 0 : i32
      %dma_wait3A_166 = arith.constant 0 : i32
      %dma_wait3A_167 = tpu.memref_slice %arg2[%dma_wait3A_165, %dma_wait3A_166] : memref<10000x128xf32, #tpu.memory_space<hbm>> -> memref<10000x128xf32, #tpu.memory_space<hbm>>
      tpu.wait_indirect_dma semaphore(%arg14 : memref<!tpu.dma_semaphore, #tpu.memory_space<semaphore_mem>>) src(%dma_wait3A_167 : memref<10000x128xf32, #tpu.memory_space<hbm>>) dst(%arg9 : memref<64x128xf32, #tpu.memory_space<vmem>>)
      %run_scoped3A_168 = arith.constant 8 : i32
      "tpu.region"() ({
        %run_scoped3A_253 = tpu.sem_alloc : memref<!tpu.dma_semaphore, #tpu.memory_space<semaphore_mem>>
        %dma_start3A_254 = arith.constant 0 : i32
        %dma_start3A_255 = tpu.memref_slice %arg8[%run_scoped3A_168, %dma_start3A_254] : memref<16x64xi32, #tpu.memory_space<vmem>> -> memref<1x64xi32, #tpu.memory_space<vmem>>
        %dma_start3A_256 = tpu.memref_squeeze %dma_start3A_255 : memref<1x64xi32, #tpu.memory_space<vmem>> -> memref<64xi32, #tpu.memory_space<vmem>>
        %dma_start3A_257 = arith.constant 0 : i32
        %dma_start3A_258 = arith.constant 0 : i32
        %dma_start3A_259 = tpu.memref_slice %arg13[%dma_start3A_257, %dma_start3A_258] : memref<10240x128xf32, #tpu.memory_space<vmem_shared>> -> memref<10240x128xf32, #tpu.memory_space<vmem_shared>>
        tpu.enqueue_indirect_dma source(%arg9 : memref<64x128xf32, #tpu.memory_space<vmem>>) target(%dma_start3A_259 : memref<10240x128xf32, #tpu.memory_space<vmem_shared>>) offsets(%dma_start3A_256 : memref<64xi32, #tpu.memory_space<vmem>>) semaphore(%run_scoped3A_253 : memref<!tpu.dma_semaphore, #tpu.memory_space<semaphore_mem>>) {add = true}
        %dma_wait3A_260 = arith.constant 0 : i32
        %dma_wait3A_261 = tpu.memref_slice %arg8[%run_scoped3A_168, %dma_wait3A_260] : memref<16x64xi32, #tpu.memory_space<vmem>> -> memref<1x64xi32, #tpu.memory_space<vmem>>
        %dma_wait3A_262 = tpu.memref_squeeze %dma_wait3A_261 : memref<1x64xi32, #tpu.memory_space<vmem>> -> memref<64xi32, #tpu.memory_space<vmem>>
        %dma_wait3A_263 = arith.constant 0 : i32
        %dma_wait3A_264 = arith.constant 0 : i32
        %dma_wait3A_265 = tpu.memref_slice %arg13[%dma_wait3A_263, %dma_wait3A_264] : memref<10240x128xf32, #tpu.memory_space<vmem_shared>> -> memref<10240x128xf32, #tpu.memory_space<vmem_shared>>
        tpu.wait_indirect_dma semaphore(%run_scoped3A_253 : memref<!tpu.dma_semaphore, #tpu.memory_space<semaphore_mem>>) src(%arg9 : memref<64x128xf32, #tpu.memory_space<vmem>>) dst(%dma_wait3A_265 : memref<10240x128xf32, #tpu.memory_space<vmem_shared>>)
        tpu.yield
      }) : () -> ()
      %dma_start3A_169 = arith.constant 12 : i32
      %dma_start3A_170 = arith.constant 0 : i32
      %dma_start3A_171 = tpu.memref_slice %arg7[%dma_start3A_169, %dma_start3A_170] : memref<16x64xi32, #tpu.memory_space<vmem>> -> memref<1x64xi32, #tpu.memory_space<vmem>>
      %dma_start3A_172 = tpu.memref_squeeze %dma_start3A_171 : memref<1x64xi32, #tpu.memory_space<vmem>> -> memref<64xi32, #tpu.memory_space<vmem>>
      %dma_start3A_173 = arith.constant 0 : i32
      %dma_start3A_174 = arith.constant 0 : i32
      %dma_start3A_175 = tpu.memref_slice %arg2[%dma_start3A_173, %dma_start3A_174] : memref<10000x128xf32, #tpu.memory_space<hbm>> -> memref<10000x128xf32, #tpu.memory_space<hbm>>
      tpu.enqueue_indirect_dma source(%dma_start3A_175 : memref<10000x128xf32, #tpu.memory_space<hbm>>) target(%arg9 : memref<64x128xf32, #tpu.memory_space<vmem>>) offsets(%dma_start3A_172 : memref<64xi32, #tpu.memory_space<vmem>>) semaphore(%arg14 : memref<!tpu.dma_semaphore, #tpu.memory_space<semaphore_mem>>)
      %dma_wait3A_176 = arith.constant 9 : i32
      %dma_wait3A_177 = arith.constant 0 : i32
      %dma_wait3A_178 = tpu.memref_slice %arg7[%dma_wait3A_176, %dma_wait3A_177] : memref<16x64xi32, #tpu.memory_space<vmem>> -> memref<1x64xi32, #tpu.memory_space<vmem>>
      %dma_wait3A_179 = tpu.memref_squeeze %dma_wait3A_178 : memref<1x64xi32, #tpu.memory_space<vmem>> -> memref<64xi32, #tpu.memory_space<vmem>>
      %dma_wait3A_180 = arith.constant 0 : i32
      %dma_wait3A_181 = arith.constant 0 : i32
      %dma_wait3A_182 = tpu.memref_slice %arg2[%dma_wait3A_180, %dma_wait3A_181] : memref<10000x128xf32, #tpu.memory_space<hbm>> -> memref<10000x128xf32, #tpu.memory_space<hbm>>
      tpu.wait_indirect_dma semaphore(%arg14 : memref<!tpu.dma_semaphore, #tpu.memory_space<semaphore_mem>>) src(%dma_wait3A_182 : memref<10000x128xf32, #tpu.memory_space<hbm>>) dst(%arg10 : memref<64x128xf32, #tpu.memory_space<vmem>>)
      %run_scoped3A_183 = arith.constant 9 : i32
      "tpu.region"() ({
        %run_scoped3A_253 = tpu.sem_alloc : memref<!tpu.dma_semaphore, #tpu.memory_space<semaphore_mem>>
        %dma_start3A_254 = arith.constant 0 : i32
        %dma_start3A_255 = tpu.memref_slice %arg8[%run_scoped3A_183, %dma_start3A_254] : memref<16x64xi32, #tpu.memory_space<vmem>> -> memref<1x64xi32, #tpu.memory_space<vmem>>
        %dma_start3A_256 = tpu.memref_squeeze %dma_start3A_255 : memref<1x64xi32, #tpu.memory_space<vmem>> -> memref<64xi32, #tpu.memory_space<vmem>>
        %dma_start3A_257 = arith.constant 0 : i32
        %dma_start3A_258 = arith.constant 0 : i32
        %dma_start3A_259 = tpu.memref_slice %arg13[%dma_start3A_257, %dma_start3A_258] : memref<10240x128xf32, #tpu.memory_space<vmem_shared>> -> memref<10240x128xf32, #tpu.memory_space<vmem_shared>>
        tpu.enqueue_indirect_dma source(%arg10 : memref<64x128xf32, #tpu.memory_space<vmem>>) target(%dma_start3A_259 : memref<10240x128xf32, #tpu.memory_space<vmem_shared>>) offsets(%dma_start3A_256 : memref<64xi32, #tpu.memory_space<vmem>>) semaphore(%run_scoped3A_253 : memref<!tpu.dma_semaphore, #tpu.memory_space<semaphore_mem>>) {add = true}
        %dma_wait3A_260 = arith.constant 0 : i32
        %dma_wait3A_261 = tpu.memref_slice %arg8[%run_scoped3A_183, %dma_wait3A_260] : memref<16x64xi32, #tpu.memory_space<vmem>> -> memref<1x64xi32, #tpu.memory_space<vmem>>
        %dma_wait3A_262 = tpu.memref_squeeze %dma_wait3A_261 : memref<1x64xi32, #tpu.memory_space<vmem>> -> memref<64xi32, #tpu.memory_space<vmem>>
        %dma_wait3A_263 = arith.constant 0 : i32
        %dma_wait3A_264 = arith.constant 0 : i32
        %dma_wait3A_265 = tpu.memref_slice %arg13[%dma_wait3A_263, %dma_wait3A_264] : memref<10240x128xf32, #tpu.memory_space<vmem_shared>> -> memref<10240x128xf32, #tpu.memory_space<vmem_shared>>
        tpu.wait_indirect_dma semaphore(%run_scoped3A_253 : memref<!tpu.dma_semaphore, #tpu.memory_space<semaphore_mem>>) src(%arg10 : memref<64x128xf32, #tpu.memory_space<vmem>>) dst(%dma_wait3A_265 : memref<10240x128xf32, #tpu.memory_space<vmem_shared>>)
        tpu.yield
      }) : () -> ()
      %dma_start3A_184 = arith.constant 13 : i32
      %dma_start3A_185 = arith.constant 0 : i32
      %dma_start3A_186 = tpu.memref_slice %arg7[%dma_start3A_184, %dma_start3A_185] : memref<16x64xi32, #tpu.memory_space<vmem>> -> memref<1x64xi32, #tpu.memory_space<vmem>>
      %dma_start3A_187 = tpu.memref_squeeze %dma_start3A_186 : memref<1x64xi32, #tpu.memory_space<vmem>> -> memref<64xi32, #tpu.memory_space<vmem>>
      %dma_start3A_188 = arith.constant 0 : i32
      %dma_start3A_189 = arith.constant 0 : i32
      %dma_start3A_190 = tpu.memref_slice %arg2[%dma_start3A_188, %dma_start3A_189] : memref<10000x128xf32, #tpu.memory_space<hbm>> -> memref<10000x128xf32, #tpu.memory_space<hbm>>
      tpu.enqueue_indirect_dma source(%dma_start3A_190 : memref<10000x128xf32, #tpu.memory_space<hbm>>) target(%arg10 : memref<64x128xf32, #tpu.memory_space<vmem>>) offsets(%dma_start3A_187 : memref<64xi32, #tpu.memory_space<vmem>>) semaphore(%arg14 : memref<!tpu.dma_semaphore, #tpu.memory_space<semaphore_mem>>)
      %dma_wait3A_191 = arith.constant 10 : i32
      %dma_wait3A_192 = arith.constant 0 : i32
      %dma_wait3A_193 = tpu.memref_slice %arg7[%dma_wait3A_191, %dma_wait3A_192] : memref<16x64xi32, #tpu.memory_space<vmem>> -> memref<1x64xi32, #tpu.memory_space<vmem>>
      %dma_wait3A_194 = tpu.memref_squeeze %dma_wait3A_193 : memref<1x64xi32, #tpu.memory_space<vmem>> -> memref<64xi32, #tpu.memory_space<vmem>>
      %dma_wait3A_195 = arith.constant 0 : i32
      %dma_wait3A_196 = arith.constant 0 : i32
      %dma_wait3A_197 = tpu.memref_slice %arg2[%dma_wait3A_195, %dma_wait3A_196] : memref<10000x128xf32, #tpu.memory_space<hbm>> -> memref<10000x128xf32, #tpu.memory_space<hbm>>
      tpu.wait_indirect_dma semaphore(%arg14 : memref<!tpu.dma_semaphore, #tpu.memory_space<semaphore_mem>>) src(%dma_wait3A_197 : memref<10000x128xf32, #tpu.memory_space<hbm>>) dst(%arg11 : memref<64x128xf32, #tpu.memory_space<vmem>>)
      %run_scoped3A_198 = arith.constant 10 : i32
      "tpu.region"() ({
        %run_scoped3A_253 = tpu.sem_alloc : memref<!tpu.dma_semaphore, #tpu.memory_space<semaphore_mem>>
        %dma_start3A_254 = arith.constant 0 : i32
        %dma_start3A_255 = tpu.memref_slice %arg8[%run_scoped3A_198, %dma_start3A_254] : memref<16x64xi32, #tpu.memory_space<vmem>> -> memref<1x64xi32, #tpu.memory_space<vmem>>
        %dma_start3A_256 = tpu.memref_squeeze %dma_start3A_255 : memref<1x64xi32, #tpu.memory_space<vmem>> -> memref<64xi32, #tpu.memory_space<vmem>>
        %dma_start3A_257 = arith.constant 0 : i32
        %dma_start3A_258 = arith.constant 0 : i32
        %dma_start3A_259 = tpu.memref_slice %arg13[%dma_start3A_257, %dma_start3A_258] : memref<10240x128xf32, #tpu.memory_space<vmem_shared>> -> memref<10240x128xf32, #tpu.memory_space<vmem_shared>>
        tpu.enqueue_indirect_dma source(%arg11 : memref<64x128xf32, #tpu.memory_space<vmem>>) target(%dma_start3A_259 : memref<10240x128xf32, #tpu.memory_space<vmem_shared>>) offsets(%dma_start3A_256 : memref<64xi32, #tpu.memory_space<vmem>>) semaphore(%run_scoped3A_253 : memref<!tpu.dma_semaphore, #tpu.memory_space<semaphore_mem>>) {add = true}
        %dma_wait3A_260 = arith.constant 0 : i32
        %dma_wait3A_261 = tpu.memref_slice %arg8[%run_scoped3A_198, %dma_wait3A_260] : memref<16x64xi32, #tpu.memory_space<vmem>> -> memref<1x64xi32, #tpu.memory_space<vmem>>
        %dma_wait3A_262 = tpu.memref_squeeze %dma_wait3A_261 : memref<1x64xi32, #tpu.memory_space<vmem>> -> memref<64xi32, #tpu.memory_space<vmem>>
        %dma_wait3A_263 = arith.constant 0 : i32
        %dma_wait3A_264 = arith.constant 0 : i32
        %dma_wait3A_265 = tpu.memref_slice %arg13[%dma_wait3A_263, %dma_wait3A_264] : memref<10240x128xf32, #tpu.memory_space<vmem_shared>> -> memref<10240x128xf32, #tpu.memory_space<vmem_shared>>
        tpu.wait_indirect_dma semaphore(%run_scoped3A_253 : memref<!tpu.dma_semaphore, #tpu.memory_space<semaphore_mem>>) src(%arg11 : memref<64x128xf32, #tpu.memory_space<vmem>>) dst(%dma_wait3A_265 : memref<10240x128xf32, #tpu.memory_space<vmem_shared>>)
        tpu.yield
      }) : () -> ()
      %dma_start3A_199 = arith.constant 14 : i32
      %dma_start3A_200 = arith.constant 0 : i32
      %dma_start3A_201 = tpu.memref_slice %arg7[%dma_start3A_199, %dma_start3A_200] : memref<16x64xi32, #tpu.memory_space<vmem>> -> memref<1x64xi32, #tpu.memory_space<vmem>>
      %dma_start3A_202 = tpu.memref_squeeze %dma_start3A_201 : memref<1x64xi32, #tpu.memory_space<vmem>> -> memref<64xi32, #tpu.memory_space<vmem>>
      %dma_start3A_203 = arith.constant 0 : i32
      %dma_start3A_204 = arith.constant 0 : i32
      %dma_start3A_205 = tpu.memref_slice %arg2[%dma_start3A_203, %dma_start3A_204] : memref<10000x128xf32, #tpu.memory_space<hbm>> -> memref<10000x128xf32, #tpu.memory_space<hbm>>
      tpu.enqueue_indirect_dma source(%dma_start3A_205 : memref<10000x128xf32, #tpu.memory_space<hbm>>) target(%arg11 : memref<64x128xf32, #tpu.memory_space<vmem>>) offsets(%dma_start3A_202 : memref<64xi32, #tpu.memory_space<vmem>>) semaphore(%arg14 : memref<!tpu.dma_semaphore, #tpu.memory_space<semaphore_mem>>)
      %dma_wait3A_206 = arith.constant 11 : i32
      %dma_wait3A_207 = arith.constant 0 : i32
      %dma_wait3A_208 = tpu.memref_slice %arg7[%dma_wait3A_206, %dma_wait3A_207] : memref<16x64xi32, #tpu.memory_space<vmem>> -> memref<1x64xi32, #tpu.memory_space<vmem>>
      %dma_wait3A_209 = tpu.memref_squeeze %dma_wait3A_208 : memref<1x64xi32, #tpu.memory_space<vmem>> -> memref<64xi32, #tpu.memory_space<vmem>>
      %dma_wait3A_210 = arith.constant 0 : i32
      %dma_wait3A_211 = arith.constant 0 : i32
      %dma_wait3A_212 = tpu.memref_slice %arg2[%dma_wait3A_210, %dma_wait3A_211] : memref<10000x128xf32, #tpu.memory_space<hbm>> -> memref<10000x128xf32, #tpu.memory_space<hbm>>
      tpu.wait_indirect_dma semaphore(%arg14 : memref<!tpu.dma_semaphore, #tpu.memory_space<semaphore_mem>>) src(%dma_wait3A_212 : memref<10000x128xf32, #tpu.memory_space<hbm>>) dst(%arg12 : memref<64x128xf32, #tpu.memory_space<vmem>>)
      %run_scoped3A_213 = arith.constant 11 : i32
      "tpu.region"() ({
        %run_scoped3A_253 = tpu.sem_alloc : memref<!tpu.dma_semaphore, #tpu.memory_space<semaphore_mem>>
        %dma_start3A_254 = arith.constant 0 : i32
        %dma_start3A_255 = tpu.memref_slice %arg8[%run_scoped3A_213, %dma_start3A_254] : memref<16x64xi32, #tpu.memory_space<vmem>> -> memref<1x64xi32, #tpu.memory_space<vmem>>
        %dma_start3A_256 = tpu.memref_squeeze %dma_start3A_255 : memref<1x64xi32, #tpu.memory_space<vmem>> -> memref<64xi32, #tpu.memory_space<vmem>>
        %dma_start3A_257 = arith.constant 0 : i32
        %dma_start3A_258 = arith.constant 0 : i32
        %dma_start3A_259 = tpu.memref_slice %arg13[%dma_start3A_257, %dma_start3A_258] : memref<10240x128xf32, #tpu.memory_space<vmem_shared>> -> memref<10240x128xf32, #tpu.memory_space<vmem_shared>>
        tpu.enqueue_indirect_dma source(%arg12 : memref<64x128xf32, #tpu.memory_space<vmem>>) target(%dma_start3A_259 : memref<10240x128xf32, #tpu.memory_space<vmem_shared>>) offsets(%dma_start3A_256 : memref<64xi32, #tpu.memory_space<vmem>>) semaphore(%run_scoped3A_253 : memref<!tpu.dma_semaphore, #tpu.memory_space<semaphore_mem>>) {add = true}
        %dma_wait3A_260 = arith.constant 0 : i32
        %dma_wait3A_261 = tpu.memref_slice %arg8[%run_scoped3A_213, %dma_wait3A_260] : memref<16x64xi32, #tpu.memory_space<vmem>> -> memref<1x64xi32, #tpu.memory_space<vmem>>
        %dma_wait3A_262 = tpu.memref_squeeze %dma_wait3A_261 : memref<1x64xi32, #tpu.memory_space<vmem>> -> memref<64xi32, #tpu.memory_space<vmem>>
        %dma_wait3A_263 = arith.constant 0 : i32
        %dma_wait3A_264 = arith.constant 0 : i32
        %dma_wait3A_265 = tpu.memref_slice %arg13[%dma_wait3A_263, %dma_wait3A_264] : memref<10240x128xf32, #tpu.memory_space<vmem_shared>> -> memref<10240x128xf32, #tpu.memory_space<vmem_shared>>
        tpu.wait_indirect_dma semaphore(%run_scoped3A_253 : memref<!tpu.dma_semaphore, #tpu.memory_space<semaphore_mem>>) src(%arg12 : memref<64x128xf32, #tpu.memory_space<vmem>>) dst(%dma_wait3A_265 : memref<10240x128xf32, #tpu.memory_space<vmem_shared>>)
        tpu.yield
      }) : () -> ()
      %dma_start3A_214 = arith.constant 15 : i32
      %dma_start3A_215 = arith.constant 0 : i32
      %dma_start3A_216 = tpu.memref_slice %arg7[%dma_start3A_214, %dma_start3A_215] : memref<16x64xi32, #tpu.memory_space<vmem>> -> memref<1x64xi32, #tpu.memory_space<vmem>>
      %dma_start3A_217 = tpu.memref_squeeze %dma_start3A_216 : memref<1x64xi32, #tpu.memory_space<vmem>> -> memref<64xi32, #tpu.memory_space<vmem>>
      %dma_start3A_218 = arith.constant 0 : i32
      %dma_start3A_219 = arith.constant 0 : i32
      %dma_start3A_220 = tpu.memref_slice %arg2[%dma_start3A_218, %dma_start3A_219] : memref<10000x128xf32, #tpu.memory_space<hbm>> -> memref<10000x128xf32, #tpu.memory_space<hbm>>
      tpu.enqueue_indirect_dma source(%dma_start3A_220 : memref<10000x128xf32, #tpu.memory_space<hbm>>) target(%arg12 : memref<64x128xf32, #tpu.memory_space<vmem>>) offsets(%dma_start3A_217 : memref<64xi32, #tpu.memory_space<vmem>>) semaphore(%arg14 : memref<!tpu.dma_semaphore, #tpu.memory_space<semaphore_mem>>)
      %dma_wait3A_221 = arith.constant 12 : i32
      %dma_wait3A_222 = arith.constant 0 : i32
      %dma_wait3A_223 = tpu.memref_slice %arg7[%dma_wait3A_221, %dma_wait3A_222] : memref<16x64xi32, #tpu.memory_space<vmem>> -> memref<1x64xi32, #tpu.memory_space<vmem>>
      %dma_wait3A_224 = tpu.memref_squeeze %dma_wait3A_223 : memref<1x64xi32, #tpu.memory_space<vmem>> -> memref<64xi32, #tpu.memory_space<vmem>>
      %dma_wait3A_225 = arith.constant 0 : i32
      %dma_wait3A_226 = arith.constant 0 : i32
      %dma_wait3A_227 = tpu.memref_slice %arg2[%dma_wait3A_225, %dma_wait3A_226] : memref<10000x128xf32, #tpu.memory_space<hbm>> -> memref<10000x128xf32, #tpu.memory_space<hbm>>
      tpu.wait_indirect_dma semaphore(%arg14 : memref<!tpu.dma_semaphore, #tpu.memory_space<semaphore_mem>>) src(%dma_wait3A_227 : memref<10000x128xf32, #tpu.memory_space<hbm>>) dst(%arg9 : memref<64x128xf32, #tpu.memory_space<vmem>>)
      %run_scoped3A_228 = arith.constant 12 : i32
      "tpu.region"() ({
        %run_scoped3A_253 = tpu.sem_alloc : memref<!tpu.dma_semaphore, #tpu.memory_space<semaphore_mem>>
        %dma_start3A_254 = arith.constant 0 : i32
        %dma_start3A_255 = tpu.memref_slice %arg8[%run_scoped3A_228, %dma_start3A_254] : memref<16x64xi32, #tpu.memory_space<vmem>> -> memref<1x64xi32, #tpu.memory_space<vmem>>
        %dma_start3A_256 = tpu.memref_squeeze %dma_start3A_255 : memref<1x64xi32, #tpu.memory_space<vmem>> -> memref<64xi32, #tpu.memory_space<vmem>>
        %dma_start3A_257 = arith.constant 0 : i32
        %dma_start3A_258 = arith.constant 0 : i32
        %dma_start3A_259 = tpu.memref_slice %arg13[%dma_start3A_257, %dma_start3A_258] : memref<10240x128xf32, #tpu.memory_space<vmem_shared>> -> memref<10240x128xf32, #tpu.memory_space<vmem_shared>>
        tpu.enqueue_indirect_dma source(%arg9 : memref<64x128xf32, #tpu.memory_space<vmem>>) target(%dma_start3A_259 : memref<10240x128xf32, #tpu.memory_space<vmem_shared>>) offsets(%dma_start3A_256 : memref<64xi32, #tpu.memory_space<vmem>>) semaphore(%run_scoped3A_253 : memref<!tpu.dma_semaphore, #tpu.memory_space<semaphore_mem>>) {add = true}
        %dma_wait3A_260 = arith.constant 0 : i32
        %dma_wait3A_261 = tpu.memref_slice %arg8[%run_scoped3A_228, %dma_wait3A_260] : memref<16x64xi32, #tpu.memory_space<vmem>> -> memref<1x64xi32, #tpu.memory_space<vmem>>
        %dma_wait3A_262 = tpu.memref_squeeze %dma_wait3A_261 : memref<1x64xi32, #tpu.memory_space<vmem>> -> memref<64xi32, #tpu.memory_space<vmem>>
        %dma_wait3A_263 = arith.constant 0 : i32
        %dma_wait3A_264 = arith.constant 0 : i32
        %dma_wait3A_265 = tpu.memref_slice %arg13[%dma_wait3A_263, %dma_wait3A_264] : memref<10240x128xf32, #tpu.memory_space<vmem_shared>> -> memref<10240x128xf32, #tpu.memory_space<vmem_shared>>
        tpu.wait_indirect_dma semaphore(%run_scoped3A_253 : memref<!tpu.dma_semaphore, #tpu.memory_space<semaphore_mem>>) src(%arg9 : memref<64x128xf32, #tpu.memory_space<vmem>>) dst(%dma_wait3A_265 : memref<10240x128xf32, #tpu.memory_space<vmem_shared>>)
        tpu.yield
      }) : () -> ()
      %dma_wait3A_229 = arith.constant 13 : i32
      %dma_wait3A_230 = arith.constant 0 : i32
      %dma_wait3A_231 = tpu.memref_slice %arg7[%dma_wait3A_229, %dma_wait3A_230] : memref<16x64xi32, #tpu.memory_space<vmem>> -> memref<1x64xi32, #tpu.memory_space<vmem>>
      %dma_wait3A_232 = tpu.memref_squeeze %dma_wait3A_231 : memref<1x64xi32, #tpu.memory_space<vmem>> -> memref<64xi32, #tpu.memory_space<vmem>>
      %dma_wait3A_233 = arith.constant 0 : i32
      %dma_wait3A_234 = arith.constant 0 : i32
      %dma_wait3A_235 = tpu.memref_slice %arg2[%dma_wait3A_233, %dma_wait3A_234] : memref<10000x128xf32, #tpu.memory_space<hbm>> -> memref<10000x128xf32, #tpu.memory_space<hbm>>
      tpu.wait_indirect_dma semaphore(%arg14 : memref<!tpu.dma_semaphore, #tpu.memory_space<semaphore_mem>>) src(%dma_wait3A_235 : memref<10000x128xf32, #tpu.memory_space<hbm>>) dst(%arg10 : memref<64x128xf32, #tpu.memory_space<vmem>>)
      %run_scoped3A_236 = arith.constant 13 : i32
      "tpu.region"() ({
        %run_scoped3A_253 = tpu.sem_alloc : memref<!tpu.dma_semaphore, #tpu.memory_space<semaphore_mem>>
        %dma_start3A_254 = arith.constant 0 : i32
        %dma_start3A_255 = tpu.memref_slice %arg8[%run_scoped3A_236, %dma_start3A_254] : memref<16x64xi32, #tpu.memory_space<vmem>> -> memref<1x64xi32, #tpu.memory_space<vmem>>
        %dma_start3A_256 = tpu.memref_squeeze %dma_start3A_255 : memref<1x64xi32, #tpu.memory_space<vmem>> -> memref<64xi32, #tpu.memory_space<vmem>>
        %dma_start3A_257 = arith.constant 0 : i32
        %dma_start3A_258 = arith.constant 0 : i32
        %dma_start3A_259 = tpu.memref_slice %arg13[%dma_start3A_257, %dma_start3A_258] : memref<10240x128xf32, #tpu.memory_space<vmem_shared>> -> memref<10240x128xf32, #tpu.memory_space<vmem_shared>>
        tpu.enqueue_indirect_dma source(%arg10 : memref<64x128xf32, #tpu.memory_space<vmem>>) target(%dma_start3A_259 : memref<10240x128xf32, #tpu.memory_space<vmem_shared>>) offsets(%dma_start3A_256 : memref<64xi32, #tpu.memory_space<vmem>>) semaphore(%run_scoped3A_253 : memref<!tpu.dma_semaphore, #tpu.memory_space<semaphore_mem>>) {add = true}
        %dma_wait3A_260 = arith.constant 0 : i32
        %dma_wait3A_261 = tpu.memref_slice %arg8[%run_scoped3A_236, %dma_wait3A_260] : memref<16x64xi32, #tpu.memory_space<vmem>> -> memref<1x64xi32, #tpu.memory_space<vmem>>
        %dma_wait3A_262 = tpu.memref_squeeze %dma_wait3A_261 : memref<1x64xi32, #tpu.memory_space<vmem>> -> memref<64xi32, #tpu.memory_space<vmem>>
        %dma_wait3A_263 = arith.constant 0 : i32
        %dma_wait3A_264 = arith.constant 0 : i32
        %dma_wait3A_265 = tpu.memref_slice %arg13[%dma_wait3A_263, %dma_wait3A_264] : memref<10240x128xf32, #tpu.memory_space<vmem_shared>> -> memref<10240x128xf32, #tpu.memory_space<vmem_shared>>
        tpu.wait_indirect_dma semaphore(%run_scoped3A_253 : memref<!tpu.dma_semaphore, #tpu.memory_space<semaphore_mem>>) src(%arg10 : memref<64x128xf32, #tpu.memory_space<vmem>>) dst(%dma_wait3A_265 : memref<10240x128xf32, #tpu.memory_space<vmem_shared>>)
        tpu.yield
      }) : () -> ()
      %dma_wait3A_237 = arith.constant 14 : i32
      %dma_wait3A_238 = arith.constant 0 : i32
      %dma_wait3A_239 = tpu.memref_slice %arg7[%dma_wait3A_237, %dma_wait3A_238] : memref<16x64xi32, #tpu.memory_space<vmem>> -> memref<1x64xi32, #tpu.memory_space<vmem>>
      %dma_wait3A_240 = tpu.memref_squeeze %dma_wait3A_239 : memref<1x64xi32, #tpu.memory_space<vmem>> -> memref<64xi32, #tpu.memory_space<vmem>>
      %dma_wait3A_241 = arith.constant 0 : i32
      %dma_wait3A_242 = arith.constant 0 : i32
      %dma_wait3A_243 = tpu.memref_slice %arg2[%dma_wait3A_241, %dma_wait3A_242] : memref<10000x128xf32, #tpu.memory_space<hbm>> -> memref<10000x128xf32, #tpu.memory_space<hbm>>
      tpu.wait_indirect_dma semaphore(%arg14 : memref<!tpu.dma_semaphore, #tpu.memory_space<semaphore_mem>>) src(%dma_wait3A_243 : memref<10000x128xf32, #tpu.memory_space<hbm>>) dst(%arg11 : memref<64x128xf32, #tpu.memory_space<vmem>>)
      %run_scoped3A_244 = arith.constant 14 : i32
      "tpu.region"() ({
        %run_scoped3A_253 = tpu.sem_alloc : memref<!tpu.dma_semaphore, #tpu.memory_space<semaphore_mem>>
        %dma_start3A_254 = arith.constant 0 : i32
        %dma_start3A_255 = tpu.memref_slice %arg8[%run_scoped3A_244, %dma_start3A_254] : memref<16x64xi32, #tpu.memory_space<vmem>> -> memref<1x64xi32, #tpu.memory_space<vmem>>
        %dma_start3A_256 = tpu.memref_squeeze %dma_start3A_255 : memref<1x64xi32, #tpu.memory_space<vmem>> -> memref<64xi32, #tpu.memory_space<vmem>>
        %dma_start3A_257 = arith.constant 0 : i32
        %dma_start3A_258 = arith.constant 0 : i32
        %dma_start3A_259 = tpu.memref_slice %arg13[%dma_start3A_257, %dma_start3A_258] : memref<10240x128xf32, #tpu.memory_space<vmem_shared>> -> memref<10240x128xf32, #tpu.memory_space<vmem_shared>>
        tpu.enqueue_indirect_dma source(%arg11 : memref<64x128xf32, #tpu.memory_space<vmem>>) target(%dma_start3A_259 : memref<10240x128xf32, #tpu.memory_space<vmem_shared>>) offsets(%dma_start3A_256 : memref<64xi32, #tpu.memory_space<vmem>>) semaphore(%run_scoped3A_253 : memref<!tpu.dma_semaphore, #tpu.memory_space<semaphore_mem>>) {add = true}
        %dma_wait3A_260 = arith.constant 0 : i32
        %dma_wait3A_261 = tpu.memref_slice %arg8[%run_scoped3A_244, %dma_wait3A_260] : memref<16x64xi32, #tpu.memory_space<vmem>> -> memref<1x64xi32, #tpu.memory_space<vmem>>
        %dma_wait3A_262 = tpu.memref_squeeze %dma_wait3A_261 : memref<1x64xi32, #tpu.memory_space<vmem>> -> memref<64xi32, #tpu.memory_space<vmem>>
        %dma_wait3A_263 = arith.constant 0 : i32
        %dma_wait3A_264 = arith.constant 0 : i32
        %dma_wait3A_265 = tpu.memref_slice %arg13[%dma_wait3A_263, %dma_wait3A_264] : memref<10240x128xf32, #tpu.memory_space<vmem_shared>> -> memref<10240x128xf32, #tpu.memory_space<vmem_shared>>
        tpu.wait_indirect_dma semaphore(%run_scoped3A_253 : memref<!tpu.dma_semaphore, #tpu.memory_space<semaphore_mem>>) src(%arg11 : memref<64x128xf32, #tpu.memory_space<vmem>>) dst(%dma_wait3A_265 : memref<10240x128xf32, #tpu.memory_space<vmem_shared>>)
        tpu.yield
      }) : () -> ()
      %dma_wait3A_245 = arith.constant 15 : i32
      %dma_wait3A_246 = arith.constant 0 : i32
      %dma_wait3A_247 = tpu.memref_slice %arg7[%dma_wait3A_245, %dma_wait3A_246] : memref<16x64xi32, #tpu.memory_space<vmem>> -> memref<1x64xi32, #tpu.memory_space<vmem>>
      %dma_wait3A_248 = tpu.memref_squeeze %dma_wait3A_247 : memref<1x64xi32, #tpu.memory_space<vmem>> -> memref<64xi32, #tpu.memory_space<vmem>>
      %dma_wait3A_249 = arith.constant 0 : i32
      %dma_wait3A_250 = arith.constant 0 : i32
      %dma_wait3A_251 = tpu.memref_slice %arg2[%dma_wait3A_249, %dma_wait3A_250] : memref<10000x128xf32, #tpu.memory_space<hbm>> -> memref<10000x128xf32, #tpu.memory_space<hbm>>
      tpu.wait_indirect_dma semaphore(%arg14 : memref<!tpu.dma_semaphore, #tpu.memory_space<semaphore_mem>>) src(%dma_wait3A_251 : memref<10000x128xf32, #tpu.memory_space<hbm>>) dst(%arg12 : memref<64x128xf32, #tpu.memory_space<vmem>>)
      %run_scoped3A_252 = arith.constant 15 : i32
      "tpu.region"() ({
        %run_scoped3A_253 = tpu.sem_alloc : memref<!tpu.dma_semaphore, #tpu.memory_space<semaphore_mem>>
        %dma_start3A_254 = arith.constant 0 : i32
        %dma_start3A_255 = tpu.memref_slice %arg8[%run_scoped3A_252, %dma_start3A_254] : memref<16x64xi32, #tpu.memory_space<vmem>> -> memref<1x64xi32, #tpu.memory_space<vmem>>
        %dma_start3A_256 = tpu.memref_squeeze %dma_start3A_255 : memref<1x64xi32, #tpu.memory_space<vmem>> -> memref<64xi32, #tpu.memory_space<vmem>>
        %dma_start3A_257 = arith.constant 0 : i32
        %dma_start3A_258 = arith.constant 0 : i32
        %dma_start3A_259 = tpu.memref_slice %arg13[%dma_start3A_257, %dma_start3A_258] : memref<10240x128xf32, #tpu.memory_space<vmem_shared>> -> memref<10240x128xf32, #tpu.memory_space<vmem_shared>>
        tpu.enqueue_indirect_dma source(%arg12 : memref<64x128xf32, #tpu.memory_space<vmem>>) target(%dma_start3A_259 : memref<10240x128xf32, #tpu.memory_space<vmem_shared>>) offsets(%dma_start3A_256 : memref<64xi32, #tpu.memory_space<vmem>>) semaphore(%run_scoped3A_253 : memref<!tpu.dma_semaphore, #tpu.memory_space<semaphore_mem>>) {add = true}
        %dma_wait3A_260 = arith.constant 0 : i32
        %dma_wait3A_261 = tpu.memref_slice %arg8[%run_scoped3A_252, %dma_wait3A_260] : memref<16x64xi32, #tpu.memory_space<vmem>> -> memref<1x64xi32, #tpu.memory_space<vmem>>
        %dma_wait3A_262 = tpu.memref_squeeze %dma_wait3A_261 : memref<1x64xi32, #tpu.memory_space<vmem>> -> memref<64xi32, #tpu.memory_space<vmem>>
        %dma_wait3A_263 = arith.constant 0 : i32
        %dma_wait3A_264 = arith.constant 0 : i32
        %dma_wait3A_265 = tpu.memref_slice %arg13[%dma_wait3A_263, %dma_wait3A_264] : memref<10240x128xf32, #tpu.memory_space<vmem_shared>> -> memref<10240x128xf32, #tpu.memory_space<vmem_shared>>
        tpu.wait_indirect_dma semaphore(%run_scoped3A_253 : memref<!tpu.dma_semaphore, #tpu.memory_space<semaphore_mem>>) src(%arg12 : memref<64x128xf32, #tpu.memory_space<vmem>>) dst(%dma_wait3A_265 : memref<10240x128xf32, #tpu.memory_space<vmem_shared>>)
        tpu.yield
      }) : () -> ()
    }
    %scan3A_7 = arith.constant 10 : i32
    %barrier3A_8 = arith.constant 0 : index
    tpu.barrier barrier_id(%barrier3A_8)
    %mul3A_9 = arith.constant 10240 : i32
    %mul3A_10 = arith.muli %arg0, %mul3A_9 : i32
    %add3A_11 = arith.addi %mul3A_10, %mul3A_2 : i32
    "tpu.region"() ({
      %run_scoped3A = tpu.sem_alloc : memref<!tpu.dma_semaphore, #tpu.memory_space<semaphore_mem>>
      %dma_start3A = arith.constant 0 : i32
      %dma_start3A_12 = tpu.memref_slice %arg6[%add3A_11, %dma_start3A] : memref<20480x128xf32, #tpu.memory_space<hbm>> -> memref<640x128xf32, #tpu.memory_space<hbm>>
      %dma_start3A_13 = arith.constant 0 : i32
      %dma_start3A_14 = tpu.memref_slice %arg13[%mul3A_2, %dma_start3A_13] : memref<10240x128xf32, #tpu.memory_space<vmem_shared>> -> memref<640x128xf32, #tpu.memory_space<vmem_shared>>
      tpu.enqueue_dma source(%dma_start3A_14 : memref<640x128xf32, #tpu.memory_space<vmem_shared>>) target(%dma_start3A_12 : memref<640x128xf32, #tpu.memory_space<hbm>>) target_semaphore(%run_scoped3A : memref<!tpu.dma_semaphore, #tpu.memory_space<semaphore_mem>>)
      %dma_wait3A = arith.constant 0 : i32
      %dma_wait3A_15 = tpu.memref_slice %arg6[%add3A_11, %dma_wait3A] : memref<20480x128xf32, #tpu.memory_space<hbm>> -> memref<640x128xf32, #tpu.memory_space<hbm>>
      %dma_wait3A_16 = arith.constant 0 : i32
      %dma_wait3A_17 = tpu.memref_slice %arg13[%mul3A_2, %dma_wait3A_16] : memref<10240x128xf32, #tpu.memory_space<vmem_shared>> -> memref<640x128xf32, #tpu.memory_space<vmem_shared>>
      tpu.wait_dma2 semaphore(%run_scoped3A : memref<!tpu.dma_semaphore, #tpu.memory_space<semaphore_mem>>) src(%dma_wait3A_17 : memref<640x128xf32, #tpu.memory_space<vmem_shared>>) dst(%dma_wait3A_15 : memref<640x128xf32, #tpu.memory_space<hbm>>)
      tpu.yield
    }) : () -> ()
    return
  }
}

#map = affine_map<(d0, d1) -> (0, 0, 0)>
#map1 = affine_map<(d0, d1) -> (0, 0)>
module attributes {stable_mosaic.version = 14 : i64} {
  func.func @_deg_kernel(%arg0: i32, %arg1: i32, %arg2: memref<320x16x64xi32, #tpu.memory_space<hbm>>, %arg3: memref<64x128xf32, #tpu.memory_space<hbm>>, %arg4: memref<10240x128xf32, #tpu.memory_space<hbm>>, %arg5: memref<20480x128xf32, #tpu.memory_space<hbm>>, %arg6: memref<16x64xi32, #tpu.memory_space<vmem>>, %arg7: memref<64x128xf32, #tpu.memory_space<vmem>>, %arg8: memref<10240x128xf32, #tpu.memory_space<vmem_shared>>, %arg9: memref<!tpu.dma_semaphore, #tpu.memory_space<semaphore_mem>>) attributes {dimension_semantics = [#tpu.dimension_semantics<core_parallel>, #tpu.dimension_semantics<subcore_parallel>], iteration_bounds = array<i64: 2, 16>, scalar_prefetch = 0 : i64, scratch_operands = 4 : i64, tpu.core_type = #tpu.core_type<sc_vector_subcore>, window_params = [{transform_indices = #map}, {transform_indices = #map1}, {transform_indices = #map1}, {transform_indices = #map1}]} {
    %mul3A = arith.constant 2 : i32
    %mul3A_0 = arith.muli %arg1, %mul3A : i32
    %add3A = arith.addi %mul3A_0, %arg0 : i32
    %mul3A_1 = arith.constant 640 : i32
    %mul3A_2 = arith.muli %arg1, %mul3A_1 : i32
    "tpu.region"() ({
      %run_scoped3A = tpu.sem_alloc : memref<!tpu.dma_semaphore, #tpu.memory_space<semaphore_mem>>
      tpu.enqueue_dma source(%arg3 : memref<64x128xf32, #tpu.memory_space<hbm>>) target(%arg7 : memref<64x128xf32, #tpu.memory_space<vmem>>) target_semaphore(%run_scoped3A : memref<!tpu.dma_semaphore, #tpu.memory_space<semaphore_mem>>)
      tpu.wait_dma2 semaphore(%run_scoped3A : memref<!tpu.dma_semaphore, #tpu.memory_space<semaphore_mem>>) src(%arg3 : memref<64x128xf32, #tpu.memory_space<hbm>>) dst(%arg7 : memref<64x128xf32, #tpu.memory_space<vmem>>)
      tpu.yield
    }) : () -> ()
    "tpu.region"() ({
      %run_scoped3A = tpu.sem_alloc : memref<!tpu.dma_semaphore, #tpu.memory_space<semaphore_mem>>
      %dma_start3A = arith.constant 0 : i32
      %dma_start3A_12 = tpu.memref_slice %arg8[%mul3A_2, %dma_start3A] : memref<10240x128xf32, #tpu.memory_space<vmem_shared>> -> memref<640x128xf32, #tpu.memory_space<vmem_shared>>
      %dma_start3A_13 = arith.constant 0 : i32
      %dma_start3A_14 = tpu.memref_slice %arg4[%mul3A_2, %dma_start3A_13] : memref<10240x128xf32, #tpu.memory_space<hbm>> -> memref<640x128xf32, #tpu.memory_space<hbm>>
      tpu.enqueue_dma source(%dma_start3A_14 : memref<640x128xf32, #tpu.memory_space<hbm>>) target(%dma_start3A_12 : memref<640x128xf32, #tpu.memory_space<vmem_shared>>) target_semaphore(%run_scoped3A : memref<!tpu.dma_semaphore, #tpu.memory_space<semaphore_mem>>)
      %dma_wait3A = arith.constant 0 : i32
      %dma_wait3A_15 = tpu.memref_slice %arg8[%mul3A_2, %dma_wait3A] : memref<10240x128xf32, #tpu.memory_space<vmem_shared>> -> memref<640x128xf32, #tpu.memory_space<vmem_shared>>
      %dma_wait3A_16 = arith.constant 0 : i32
      %dma_wait3A_17 = tpu.memref_slice %arg4[%mul3A_2, %dma_wait3A_16] : memref<10240x128xf32, #tpu.memory_space<hbm>> -> memref<640x128xf32, #tpu.memory_space<hbm>>
      tpu.wait_dma2 semaphore(%run_scoped3A : memref<!tpu.dma_semaphore, #tpu.memory_space<semaphore_mem>>) src(%dma_wait3A_17 : memref<640x128xf32, #tpu.memory_space<hbm>>) dst(%dma_wait3A_15 : memref<640x128xf32, #tpu.memory_space<vmem_shared>>)
      tpu.yield
    }) : () -> ()
    %barrier3A = arith.constant 0 : index
    tpu.barrier barrier_id(%barrier3A)
    %scan3A = arith.constant 0 : i32
    %scan3A_3 = arith.constant 0 : i32
    %scan3A_4 = arith.constant 10 : i32
    %scan3A_5 = arith.addi %scan3A_3, %scan3A_4 : i32
    %scan3A_6 = arith.constant 1 : i32
    scf.for %scan3A_12 = %scan3A_3 to %scan3A_5 step %scan3A_6  : i32 {
      %mul3A_13 = arith.constant 10 : i32
      %mul3A_14 = arith.muli %add3A, %mul3A_13 : i32
      %add3A_15 = arith.addi %mul3A_14, %scan3A_12 : i32
      "tpu.region"() ({
        %run_scoped3A = tpu.sem_alloc : memref<!tpu.dma_semaphore, #tpu.memory_space<semaphore_mem>>
        %dma_start3A_238 = arith.constant 0 : i32
        %dma_start3A_239 = arith.constant 0 : i32
        %dma_start3A_240 = tpu.memref_slice %arg2[%add3A_15, %dma_start3A_238, %dma_start3A_239] : memref<320x16x64xi32, #tpu.memory_space<hbm>> -> memref<1x16x64xi32, #tpu.memory_space<hbm>>
        %dma_start3A_241 = tpu.memref_squeeze %dma_start3A_240 : memref<1x16x64xi32, #tpu.memory_space<hbm>> -> memref<16x64xi32, #tpu.memory_space<hbm>>
        %dma_start3A_242 = arith.constant 0 : i32
        %dma_start3A_243 = arith.constant 0 : i32
        %dma_start3A_244 = tpu.memref_slice %arg2[%add3A_15, %dma_start3A_242, %dma_start3A_243] : memref<320x16x64xi32, #tpu.memory_space<hbm>> -> memref<1x16x64xi32, #tpu.memory_space<hbm>>
        %dma_start3A_245 = tpu.memref_squeeze %dma_start3A_244 : memref<1x16x64xi32, #tpu.memory_space<hbm>> -> memref<16x64xi32, #tpu.memory_space<hbm>>
        tpu.enqueue_dma source(%dma_start3A_245 : memref<16x64xi32, #tpu.memory_space<hbm>>) target(%arg6 : memref<16x64xi32, #tpu.memory_space<vmem>>) target_semaphore(%run_scoped3A : memref<!tpu.dma_semaphore, #tpu.memory_space<semaphore_mem>>)
        %dma_wait3A_246 = arith.constant 0 : i32
        %dma_wait3A_247 = arith.constant 0 : i32
        %dma_wait3A_248 = tpu.memref_slice %arg2[%add3A_15, %dma_wait3A_246, %dma_wait3A_247] : memref<320x16x64xi32, #tpu.memory_space<hbm>> -> memref<1x16x64xi32, #tpu.memory_space<hbm>>
        %dma_wait3A_249 = tpu.memref_squeeze %dma_wait3A_248 : memref<1x16x64xi32, #tpu.memory_space<hbm>> -> memref<16x64xi32, #tpu.memory_space<hbm>>
        %dma_wait3A_250 = arith.constant 0 : i32
        %dma_wait3A_251 = arith.constant 0 : i32
        %dma_wait3A_252 = tpu.memref_slice %arg2[%add3A_15, %dma_wait3A_250, %dma_wait3A_251] : memref<320x16x64xi32, #tpu.memory_space<hbm>> -> memref<1x16x64xi32, #tpu.memory_space<hbm>>
        %dma_wait3A_253 = tpu.memref_squeeze %dma_wait3A_252 : memref<1x16x64xi32, #tpu.memory_space<hbm>> -> memref<16x64xi32, #tpu.memory_space<hbm>>
        tpu.wait_dma2 semaphore(%run_scoped3A : memref<!tpu.dma_semaphore, #tpu.memory_space<semaphore_mem>>) src(%dma_wait3A_253 : memref<16x64xi32, #tpu.memory_space<hbm>>) dst(%arg6 : memref<16x64xi32, #tpu.memory_space<vmem>>)
        tpu.yield
      }) : () -> ()
      %dma_start3A = arith.constant 0 : i32
      %dma_start3A_16 = arith.constant 0 : i32
      %dma_start3A_17 = tpu.memref_slice %arg6[%dma_start3A, %dma_start3A_16] : memref<16x64xi32, #tpu.memory_space<vmem>> -> memref<1x64xi32, #tpu.memory_space<vmem>>
      %dma_start3A_18 = tpu.memref_squeeze %dma_start3A_17 : memref<1x64xi32, #tpu.memory_space<vmem>> -> memref<64xi32, #tpu.memory_space<vmem>>
      %dma_start3A_19 = arith.constant 0 : i32
      %dma_start3A_20 = arith.constant 0 : i32
      %dma_start3A_21 = tpu.memref_slice %arg8[%dma_start3A_19, %dma_start3A_20] : memref<10240x128xf32, #tpu.memory_space<vmem_shared>> -> memref<10240x128xf32, #tpu.memory_space<vmem_shared>>
      tpu.enqueue_indirect_dma source(%arg7 : memref<64x128xf32, #tpu.memory_space<vmem>>) target(%dma_start3A_21 : memref<10240x128xf32, #tpu.memory_space<vmem_shared>>) offsets(%dma_start3A_18 : memref<64xi32, #tpu.memory_space<vmem>>) semaphore(%arg9 : memref<!tpu.dma_semaphore, #tpu.memory_space<semaphore_mem>>) {add = true}
      %dma_start3A_22 = arith.constant 1 : i32
      %dma_start3A_23 = arith.constant 0 : i32
      %dma_start3A_24 = tpu.memref_slice %arg6[%dma_start3A_22, %dma_start3A_23] : memref<16x64xi32, #tpu.memory_space<vmem>> -> memref<1x64xi32, #tpu.memory_space<vmem>>
      %dma_start3A_25 = tpu.memref_squeeze %dma_start3A_24 : memref<1x64xi32, #tpu.memory_space<vmem>> -> memref<64xi32, #tpu.memory_space<vmem>>
      %dma_start3A_26 = arith.constant 0 : i32
      %dma_start3A_27 = arith.constant 0 : i32
      %dma_start3A_28 = tpu.memref_slice %arg8[%dma_start3A_26, %dma_start3A_27] : memref<10240x128xf32, #tpu.memory_space<vmem_shared>> -> memref<10240x128xf32, #tpu.memory_space<vmem_shared>>
      tpu.enqueue_indirect_dma source(%arg7 : memref<64x128xf32, #tpu.memory_space<vmem>>) target(%dma_start3A_28 : memref<10240x128xf32, #tpu.memory_space<vmem_shared>>) offsets(%dma_start3A_25 : memref<64xi32, #tpu.memory_space<vmem>>) semaphore(%arg9 : memref<!tpu.dma_semaphore, #tpu.memory_space<semaphore_mem>>) {add = true}
      %dma_start3A_29 = arith.constant 2 : i32
      %dma_start3A_30 = arith.constant 0 : i32
      %dma_start3A_31 = tpu.memref_slice %arg6[%dma_start3A_29, %dma_start3A_30] : memref<16x64xi32, #tpu.memory_space<vmem>> -> memref<1x64xi32, #tpu.memory_space<vmem>>
      %dma_start3A_32 = tpu.memref_squeeze %dma_start3A_31 : memref<1x64xi32, #tpu.memory_space<vmem>> -> memref<64xi32, #tpu.memory_space<vmem>>
      %dma_start3A_33 = arith.constant 0 : i32
      %dma_start3A_34 = arith.constant 0 : i32
      %dma_start3A_35 = tpu.memref_slice %arg8[%dma_start3A_33, %dma_start3A_34] : memref<10240x128xf32, #tpu.memory_space<vmem_shared>> -> memref<10240x128xf32, #tpu.memory_space<vmem_shared>>
      tpu.enqueue_indirect_dma source(%arg7 : memref<64x128xf32, #tpu.memory_space<vmem>>) target(%dma_start3A_35 : memref<10240x128xf32, #tpu.memory_space<vmem_shared>>) offsets(%dma_start3A_32 : memref<64xi32, #tpu.memory_space<vmem>>) semaphore(%arg9 : memref<!tpu.dma_semaphore, #tpu.memory_space<semaphore_mem>>) {add = true}
      %dma_start3A_36 = arith.constant 3 : i32
      %dma_start3A_37 = arith.constant 0 : i32
      %dma_start3A_38 = tpu.memref_slice %arg6[%dma_start3A_36, %dma_start3A_37] : memref<16x64xi32, #tpu.memory_space<vmem>> -> memref<1x64xi32, #tpu.memory_space<vmem>>
      %dma_start3A_39 = tpu.memref_squeeze %dma_start3A_38 : memref<1x64xi32, #tpu.memory_space<vmem>> -> memref<64xi32, #tpu.memory_space<vmem>>
      %dma_start3A_40 = arith.constant 0 : i32
      %dma_start3A_41 = arith.constant 0 : i32
      %dma_start3A_42 = tpu.memref_slice %arg8[%dma_start3A_40, %dma_start3A_41] : memref<10240x128xf32, #tpu.memory_space<vmem_shared>> -> memref<10240x128xf32, #tpu.memory_space<vmem_shared>>
      tpu.enqueue_indirect_dma source(%arg7 : memref<64x128xf32, #tpu.memory_space<vmem>>) target(%dma_start3A_42 : memref<10240x128xf32, #tpu.memory_space<vmem_shared>>) offsets(%dma_start3A_39 : memref<64xi32, #tpu.memory_space<vmem>>) semaphore(%arg9 : memref<!tpu.dma_semaphore, #tpu.memory_space<semaphore_mem>>) {add = true}
      %dma_start3A_43 = arith.constant 4 : i32
      %dma_start3A_44 = arith.constant 0 : i32
      %dma_start3A_45 = tpu.memref_slice %arg6[%dma_start3A_43, %dma_start3A_44] : memref<16x64xi32, #tpu.memory_space<vmem>> -> memref<1x64xi32, #tpu.memory_space<vmem>>
      %dma_start3A_46 = tpu.memref_squeeze %dma_start3A_45 : memref<1x64xi32, #tpu.memory_space<vmem>> -> memref<64xi32, #tpu.memory_space<vmem>>
      %dma_start3A_47 = arith.constant 0 : i32
      %dma_start3A_48 = arith.constant 0 : i32
      %dma_start3A_49 = tpu.memref_slice %arg8[%dma_start3A_47, %dma_start3A_48] : memref<10240x128xf32, #tpu.memory_space<vmem_shared>> -> memref<10240x128xf32, #tpu.memory_space<vmem_shared>>
      tpu.enqueue_indirect_dma source(%arg7 : memref<64x128xf32, #tpu.memory_space<vmem>>) target(%dma_start3A_49 : memref<10240x128xf32, #tpu.memory_space<vmem_shared>>) offsets(%dma_start3A_46 : memref<64xi32, #tpu.memory_space<vmem>>) semaphore(%arg9 : memref<!tpu.dma_semaphore, #tpu.memory_space<semaphore_mem>>) {add = true}
      %dma_start3A_50 = arith.constant 5 : i32
      %dma_start3A_51 = arith.constant 0 : i32
      %dma_start3A_52 = tpu.memref_slice %arg6[%dma_start3A_50, %dma_start3A_51] : memref<16x64xi32, #tpu.memory_space<vmem>> -> memref<1x64xi32, #tpu.memory_space<vmem>>
      %dma_start3A_53 = tpu.memref_squeeze %dma_start3A_52 : memref<1x64xi32, #tpu.memory_space<vmem>> -> memref<64xi32, #tpu.memory_space<vmem>>
      %dma_start3A_54 = arith.constant 0 : i32
      %dma_start3A_55 = arith.constant 0 : i32
      %dma_start3A_56 = tpu.memref_slice %arg8[%dma_start3A_54, %dma_start3A_55] : memref<10240x128xf32, #tpu.memory_space<vmem_shared>> -> memref<10240x128xf32, #tpu.memory_space<vmem_shared>>
      tpu.enqueue_indirect_dma source(%arg7 : memref<64x128xf32, #tpu.memory_space<vmem>>) target(%dma_start3A_56 : memref<10240x128xf32, #tpu.memory_space<vmem_shared>>) offsets(%dma_start3A_53 : memref<64xi32, #tpu.memory_space<vmem>>) semaphore(%arg9 : memref<!tpu.dma_semaphore, #tpu.memory_space<semaphore_mem>>) {add = true}
      %dma_start3A_57 = arith.constant 6 : i32
      %dma_start3A_58 = arith.constant 0 : i32
      %dma_start3A_59 = tpu.memref_slice %arg6[%dma_start3A_57, %dma_start3A_58] : memref<16x64xi32, #tpu.memory_space<vmem>> -> memref<1x64xi32, #tpu.memory_space<vmem>>
      %dma_start3A_60 = tpu.memref_squeeze %dma_start3A_59 : memref<1x64xi32, #tpu.memory_space<vmem>> -> memref<64xi32, #tpu.memory_space<vmem>>
      %dma_start3A_61 = arith.constant 0 : i32
      %dma_start3A_62 = arith.constant 0 : i32
      %dma_start3A_63 = tpu.memref_slice %arg8[%dma_start3A_61, %dma_start3A_62] : memref<10240x128xf32, #tpu.memory_space<vmem_shared>> -> memref<10240x128xf32, #tpu.memory_space<vmem_shared>>
      tpu.enqueue_indirect_dma source(%arg7 : memref<64x128xf32, #tpu.memory_space<vmem>>) target(%dma_start3A_63 : memref<10240x128xf32, #tpu.memory_space<vmem_shared>>) offsets(%dma_start3A_60 : memref<64xi32, #tpu.memory_space<vmem>>) semaphore(%arg9 : memref<!tpu.dma_semaphore, #tpu.memory_space<semaphore_mem>>) {add = true}
      %dma_start3A_64 = arith.constant 7 : i32
      %dma_start3A_65 = arith.constant 0 : i32
      %dma_start3A_66 = tpu.memref_slice %arg6[%dma_start3A_64, %dma_start3A_65] : memref<16x64xi32, #tpu.memory_space<vmem>> -> memref<1x64xi32, #tpu.memory_space<vmem>>
      %dma_start3A_67 = tpu.memref_squeeze %dma_start3A_66 : memref<1x64xi32, #tpu.memory_space<vmem>> -> memref<64xi32, #tpu.memory_space<vmem>>
      %dma_start3A_68 = arith.constant 0 : i32
      %dma_start3A_69 = arith.constant 0 : i32
      %dma_start3A_70 = tpu.memref_slice %arg8[%dma_start3A_68, %dma_start3A_69] : memref<10240x128xf32, #tpu.memory_space<vmem_shared>> -> memref<10240x128xf32, #tpu.memory_space<vmem_shared>>
      tpu.enqueue_indirect_dma source(%arg7 : memref<64x128xf32, #tpu.memory_space<vmem>>) target(%dma_start3A_70 : memref<10240x128xf32, #tpu.memory_space<vmem_shared>>) offsets(%dma_start3A_67 : memref<64xi32, #tpu.memory_space<vmem>>) semaphore(%arg9 : memref<!tpu.dma_semaphore, #tpu.memory_space<semaphore_mem>>) {add = true}
      %dma_start3A_71 = arith.constant 8 : i32
      %dma_start3A_72 = arith.constant 0 : i32
      %dma_start3A_73 = tpu.memref_slice %arg6[%dma_start3A_71, %dma_start3A_72] : memref<16x64xi32, #tpu.memory_space<vmem>> -> memref<1x64xi32, #tpu.memory_space<vmem>>
      %dma_start3A_74 = tpu.memref_squeeze %dma_start3A_73 : memref<1x64xi32, #tpu.memory_space<vmem>> -> memref<64xi32, #tpu.memory_space<vmem>>
      %dma_start3A_75 = arith.constant 0 : i32
      %dma_start3A_76 = arith.constant 0 : i32
      %dma_start3A_77 = tpu.memref_slice %arg8[%dma_start3A_75, %dma_start3A_76] : memref<10240x128xf32, #tpu.memory_space<vmem_shared>> -> memref<10240x128xf32, #tpu.memory_space<vmem_shared>>
      tpu.enqueue_indirect_dma source(%arg7 : memref<64x128xf32, #tpu.memory_space<vmem>>) target(%dma_start3A_77 : memref<10240x128xf32, #tpu.memory_space<vmem_shared>>) offsets(%dma_start3A_74 : memref<64xi32, #tpu.memory_space<vmem>>) semaphore(%arg9 : memref<!tpu.dma_semaphore, #tpu.memory_space<semaphore_mem>>) {add = true}
      %dma_start3A_78 = arith.constant 9 : i32
      %dma_start3A_79 = arith.constant 0 : i32
      %dma_start3A_80 = tpu.memref_slice %arg6[%dma_start3A_78, %dma_start3A_79] : memref<16x64xi32, #tpu.memory_space<vmem>> -> memref<1x64xi32, #tpu.memory_space<vmem>>
      %dma_start3A_81 = tpu.memref_squeeze %dma_start3A_80 : memref<1x64xi32, #tpu.memory_space<vmem>> -> memref<64xi32, #tpu.memory_space<vmem>>
      %dma_start3A_82 = arith.constant 0 : i32
      %dma_start3A_83 = arith.constant 0 : i32
      %dma_start3A_84 = tpu.memref_slice %arg8[%dma_start3A_82, %dma_start3A_83] : memref<10240x128xf32, #tpu.memory_space<vmem_shared>> -> memref<10240x128xf32, #tpu.memory_space<vmem_shared>>
      tpu.enqueue_indirect_dma source(%arg7 : memref<64x128xf32, #tpu.memory_space<vmem>>) target(%dma_start3A_84 : memref<10240x128xf32, #tpu.memory_space<vmem_shared>>) offsets(%dma_start3A_81 : memref<64xi32, #tpu.memory_space<vmem>>) semaphore(%arg9 : memref<!tpu.dma_semaphore, #tpu.memory_space<semaphore_mem>>) {add = true}
      %dma_start3A_85 = arith.constant 10 : i32
      %dma_start3A_86 = arith.constant 0 : i32
      %dma_start3A_87 = tpu.memref_slice %arg6[%dma_start3A_85, %dma_start3A_86] : memref<16x64xi32, #tpu.memory_space<vmem>> -> memref<1x64xi32, #tpu.memory_space<vmem>>
      %dma_start3A_88 = tpu.memref_squeeze %dma_start3A_87 : memref<1x64xi32, #tpu.memory_space<vmem>> -> memref<64xi32, #tpu.memory_space<vmem>>
      %dma_start3A_89 = arith.constant 0 : i32
      %dma_start3A_90 = arith.constant 0 : i32
      %dma_start3A_91 = tpu.memref_slice %arg8[%dma_start3A_89, %dma_start3A_90] : memref<10240x128xf32, #tpu.memory_space<vmem_shared>> -> memref<10240x128xf32, #tpu.memory_space<vmem_shared>>
      tpu.enqueue_indirect_dma source(%arg7 : memref<64x128xf32, #tpu.memory_space<vmem>>) target(%dma_start3A_91 : memref<10240x128xf32, #tpu.memory_space<vmem_shared>>) offsets(%dma_start3A_88 : memref<64xi32, #tpu.memory_space<vmem>>) semaphore(%arg9 : memref<!tpu.dma_semaphore, #tpu.memory_space<semaphore_mem>>) {add = true}
      %dma_start3A_92 = arith.constant 11 : i32
      %dma_start3A_93 = arith.constant 0 : i32
      %dma_start3A_94 = tpu.memref_slice %arg6[%dma_start3A_92, %dma_start3A_93] : memref<16x64xi32, #tpu.memory_space<vmem>> -> memref<1x64xi32, #tpu.memory_space<vmem>>
      %dma_start3A_95 = tpu.memref_squeeze %dma_start3A_94 : memref<1x64xi32, #tpu.memory_space<vmem>> -> memref<64xi32, #tpu.memory_space<vmem>>
      %dma_start3A_96 = arith.constant 0 : i32
      %dma_start3A_97 = arith.constant 0 : i32
      %dma_start3A_98 = tpu.memref_slice %arg8[%dma_start3A_96, %dma_start3A_97] : memref<10240x128xf32, #tpu.memory_space<vmem_shared>> -> memref<10240x128xf32, #tpu.memory_space<vmem_shared>>
      tpu.enqueue_indirect_dma source(%arg7 : memref<64x128xf32, #tpu.memory_space<vmem>>) target(%dma_start3A_98 : memref<10240x128xf32, #tpu.memory_space<vmem_shared>>) offsets(%dma_start3A_95 : memref<64xi32, #tpu.memory_space<vmem>>) semaphore(%arg9 : memref<!tpu.dma_semaphore, #tpu.memory_space<semaphore_mem>>) {add = true}
      %dma_start3A_99 = arith.constant 12 : i32
      %dma_start3A_100 = arith.constant 0 : i32
      %dma_start3A_101 = tpu.memref_slice %arg6[%dma_start3A_99, %dma_start3A_100] : memref<16x64xi32, #tpu.memory_space<vmem>> -> memref<1x64xi32, #tpu.memory_space<vmem>>
      %dma_start3A_102 = tpu.memref_squeeze %dma_start3A_101 : memref<1x64xi32, #tpu.memory_space<vmem>> -> memref<64xi32, #tpu.memory_space<vmem>>
      %dma_start3A_103 = arith.constant 0 : i32
      %dma_start3A_104 = arith.constant 0 : i32
      %dma_start3A_105 = tpu.memref_slice %arg8[%dma_start3A_103, %dma_start3A_104] : memref<10240x128xf32, #tpu.memory_space<vmem_shared>> -> memref<10240x128xf32, #tpu.memory_space<vmem_shared>>
      tpu.enqueue_indirect_dma source(%arg7 : memref<64x128xf32, #tpu.memory_space<vmem>>) target(%dma_start3A_105 : memref<10240x128xf32, #tpu.memory_space<vmem_shared>>) offsets(%dma_start3A_102 : memref<64xi32, #tpu.memory_space<vmem>>) semaphore(%arg9 : memref<!tpu.dma_semaphore, #tpu.memory_space<semaphore_mem>>) {add = true}
      %dma_start3A_106 = arith.constant 13 : i32
      %dma_start3A_107 = arith.constant 0 : i32
      %dma_start3A_108 = tpu.memref_slice %arg6[%dma_start3A_106, %dma_start3A_107] : memref<16x64xi32, #tpu.memory_space<vmem>> -> memref<1x64xi32, #tpu.memory_space<vmem>>
      %dma_start3A_109 = tpu.memref_squeeze %dma_start3A_108 : memref<1x64xi32, #tpu.memory_space<vmem>> -> memref<64xi32, #tpu.memory_space<vmem>>
      %dma_start3A_110 = arith.constant 0 : i32
      %dma_start3A_111 = arith.constant 0 : i32
      %dma_start3A_112 = tpu.memref_slice %arg8[%dma_start3A_110, %dma_start3A_111] : memref<10240x128xf32, #tpu.memory_space<vmem_shared>> -> memref<10240x128xf32, #tpu.memory_space<vmem_shared>>
      tpu.enqueue_indirect_dma source(%arg7 : memref<64x128xf32, #tpu.memory_space<vmem>>) target(%dma_start3A_112 : memref<10240x128xf32, #tpu.memory_space<vmem_shared>>) offsets(%dma_start3A_109 : memref<64xi32, #tpu.memory_space<vmem>>) semaphore(%arg9 : memref<!tpu.dma_semaphore, #tpu.memory_space<semaphore_mem>>) {add = true}
      %dma_start3A_113 = arith.constant 14 : i32
      %dma_start3A_114 = arith.constant 0 : i32
      %dma_start3A_115 = tpu.memref_slice %arg6[%dma_start3A_113, %dma_start3A_114] : memref<16x64xi32, #tpu.memory_space<vmem>> -> memref<1x64xi32, #tpu.memory_space<vmem>>
      %dma_start3A_116 = tpu.memref_squeeze %dma_start3A_115 : memref<1x64xi32, #tpu.memory_space<vmem>> -> memref<64xi32, #tpu.memory_space<vmem>>
      %dma_start3A_117 = arith.constant 0 : i32
      %dma_start3A_118 = arith.constant 0 : i32
      %dma_start3A_119 = tpu.memref_slice %arg8[%dma_start3A_117, %dma_start3A_118] : memref<10240x128xf32, #tpu.memory_space<vmem_shared>> -> memref<10240x128xf32, #tpu.memory_space<vmem_shared>>
      tpu.enqueue_indirect_dma source(%arg7 : memref<64x128xf32, #tpu.memory_space<vmem>>) target(%dma_start3A_119 : memref<10240x128xf32, #tpu.memory_space<vmem_shared>>) offsets(%dma_start3A_116 : memref<64xi32, #tpu.memory_space<vmem>>) semaphore(%arg9 : memref<!tpu.dma_semaphore, #tpu.memory_space<semaphore_mem>>) {add = true}
      %dma_start3A_120 = arith.constant 15 : i32
      %dma_start3A_121 = arith.constant 0 : i32
      %dma_start3A_122 = tpu.memref_slice %arg6[%dma_start3A_120, %dma_start3A_121] : memref<16x64xi32, #tpu.memory_space<vmem>> -> memref<1x64xi32, #tpu.memory_space<vmem>>
      %dma_start3A_123 = tpu.memref_squeeze %dma_start3A_122 : memref<1x64xi32, #tpu.memory_space<vmem>> -> memref<64xi32, #tpu.memory_space<vmem>>
      %dma_start3A_124 = arith.constant 0 : i32
      %dma_start3A_125 = arith.constant 0 : i32
      %dma_start3A_126 = tpu.memref_slice %arg8[%dma_start3A_124, %dma_start3A_125] : memref<10240x128xf32, #tpu.memory_space<vmem_shared>> -> memref<10240x128xf32, #tpu.memory_space<vmem_shared>>
      tpu.enqueue_indirect_dma source(%arg7 : memref<64x128xf32, #tpu.memory_space<vmem>>) target(%dma_start3A_126 : memref<10240x128xf32, #tpu.memory_space<vmem_shared>>) offsets(%dma_start3A_123 : memref<64xi32, #tpu.memory_space<vmem>>) semaphore(%arg9 : memref<!tpu.dma_semaphore, #tpu.memory_space<semaphore_mem>>) {add = true}
      %dma_wait3A = arith.constant 0 : i32
      %dma_wait3A_127 = arith.constant 0 : i32
      %dma_wait3A_128 = tpu.memref_slice %arg6[%dma_wait3A, %dma_wait3A_127] : memref<16x64xi32, #tpu.memory_space<vmem>> -> memref<1x64xi32, #tpu.memory_space<vmem>>
      %dma_wait3A_129 = tpu.memref_squeeze %dma_wait3A_128 : memref<1x64xi32, #tpu.memory_space<vmem>> -> memref<64xi32, #tpu.memory_space<vmem>>
      %dma_wait3A_130 = arith.constant 0 : i32
      %dma_wait3A_131 = arith.constant 0 : i32
      %dma_wait3A_132 = tpu.memref_slice %arg8[%dma_wait3A_130, %dma_wait3A_131] : memref<10240x128xf32, #tpu.memory_space<vmem_shared>> -> memref<10240x128xf32, #tpu.memory_space<vmem_shared>>
      tpu.wait_indirect_dma semaphore(%arg9 : memref<!tpu.dma_semaphore, #tpu.memory_space<semaphore_mem>>) src(%arg7 : memref<64x128xf32, #tpu.memory_space<vmem>>) dst(%dma_wait3A_132 : memref<10240x128xf32, #tpu.memory_space<vmem_shared>>)
      %dma_wait3A_133 = arith.constant 1 : i32
      %dma_wait3A_134 = arith.constant 0 : i32
      %dma_wait3A_135 = tpu.memref_slice %arg6[%dma_wait3A_133, %dma_wait3A_134] : memref<16x64xi32, #tpu.memory_space<vmem>> -> memref<1x64xi32, #tpu.memory_space<vmem>>
      %dma_wait3A_136 = tpu.memref_squeeze %dma_wait3A_135 : memref<1x64xi32, #tpu.memory_space<vmem>> -> memref<64xi32, #tpu.memory_space<vmem>>
      %dma_wait3A_137 = arith.constant 0 : i32
      %dma_wait3A_138 = arith.constant 0 : i32
      %dma_wait3A_139 = tpu.memref_slice %arg8[%dma_wait3A_137, %dma_wait3A_138] : memref<10240x128xf32, #tpu.memory_space<vmem_shared>> -> memref<10240x128xf32, #tpu.memory_space<vmem_shared>>
      tpu.wait_indirect_dma semaphore(%arg9 : memref<!tpu.dma_semaphore, #tpu.memory_space<semaphore_mem>>) src(%arg7 : memref<64x128xf32, #tpu.memory_space<vmem>>) dst(%dma_wait3A_139 : memref<10240x128xf32, #tpu.memory_space<vmem_shared>>)
      %dma_wait3A_140 = arith.constant 2 : i32
      %dma_wait3A_141 = arith.constant 0 : i32
      %dma_wait3A_142 = tpu.memref_slice %arg6[%dma_wait3A_140, %dma_wait3A_141] : memref<16x64xi32, #tpu.memory_space<vmem>> -> memref<1x64xi32, #tpu.memory_space<vmem>>
      %dma_wait3A_143 = tpu.memref_squeeze %dma_wait3A_142 : memref<1x64xi32, #tpu.memory_space<vmem>> -> memref<64xi32, #tpu.memory_space<vmem>>
      %dma_wait3A_144 = arith.constant 0 : i32
      %dma_wait3A_145 = arith.constant 0 : i32
      %dma_wait3A_146 = tpu.memref_slice %arg8[%dma_wait3A_144, %dma_wait3A_145] : memref<10240x128xf32, #tpu.memory_space<vmem_shared>> -> memref<10240x128xf32, #tpu.memory_space<vmem_shared>>
      tpu.wait_indirect_dma semaphore(%arg9 : memref<!tpu.dma_semaphore, #tpu.memory_space<semaphore_mem>>) src(%arg7 : memref<64x128xf32, #tpu.memory_space<vmem>>) dst(%dma_wait3A_146 : memref<10240x128xf32, #tpu.memory_space<vmem_shared>>)
      %dma_wait3A_147 = arith.constant 3 : i32
      %dma_wait3A_148 = arith.constant 0 : i32
      %dma_wait3A_149 = tpu.memref_slice %arg6[%dma_wait3A_147, %dma_wait3A_148] : memref<16x64xi32, #tpu.memory_space<vmem>> -> memref<1x64xi32, #tpu.memory_space<vmem>>
      %dma_wait3A_150 = tpu.memref_squeeze %dma_wait3A_149 : memref<1x64xi32, #tpu.memory_space<vmem>> -> memref<64xi32, #tpu.memory_space<vmem>>
      %dma_wait3A_151 = arith.constant 0 : i32
      %dma_wait3A_152 = arith.constant 0 : i32
      %dma_wait3A_153 = tpu.memref_slice %arg8[%dma_wait3A_151, %dma_wait3A_152] : memref<10240x128xf32, #tpu.memory_space<vmem_shared>> -> memref<10240x128xf32, #tpu.memory_space<vmem_shared>>
      tpu.wait_indirect_dma semaphore(%arg9 : memref<!tpu.dma_semaphore, #tpu.memory_space<semaphore_mem>>) src(%arg7 : memref<64x128xf32, #tpu.memory_space<vmem>>) dst(%dma_wait3A_153 : memref<10240x128xf32, #tpu.memory_space<vmem_shared>>)
      %dma_wait3A_154 = arith.constant 4 : i32
      %dma_wait3A_155 = arith.constant 0 : i32
      %dma_wait3A_156 = tpu.memref_slice %arg6[%dma_wait3A_154, %dma_wait3A_155] : memref<16x64xi32, #tpu.memory_space<vmem>> -> memref<1x64xi32, #tpu.memory_space<vmem>>
      %dma_wait3A_157 = tpu.memref_squeeze %dma_wait3A_156 : memref<1x64xi32, #tpu.memory_space<vmem>> -> memref<64xi32, #tpu.memory_space<vmem>>
      %dma_wait3A_158 = arith.constant 0 : i32
      %dma_wait3A_159 = arith.constant 0 : i32
      %dma_wait3A_160 = tpu.memref_slice %arg8[%dma_wait3A_158, %dma_wait3A_159] : memref<10240x128xf32, #tpu.memory_space<vmem_shared>> -> memref<10240x128xf32, #tpu.memory_space<vmem_shared>>
      tpu.wait_indirect_dma semaphore(%arg9 : memref<!tpu.dma_semaphore, #tpu.memory_space<semaphore_mem>>) src(%arg7 : memref<64x128xf32, #tpu.memory_space<vmem>>) dst(%dma_wait3A_160 : memref<10240x128xf32, #tpu.memory_space<vmem_shared>>)
      %dma_wait3A_161 = arith.constant 5 : i32
      %dma_wait3A_162 = arith.constant 0 : i32
      %dma_wait3A_163 = tpu.memref_slice %arg6[%dma_wait3A_161, %dma_wait3A_162] : memref<16x64xi32, #tpu.memory_space<vmem>> -> memref<1x64xi32, #tpu.memory_space<vmem>>
      %dma_wait3A_164 = tpu.memref_squeeze %dma_wait3A_163 : memref<1x64xi32, #tpu.memory_space<vmem>> -> memref<64xi32, #tpu.memory_space<vmem>>
      %dma_wait3A_165 = arith.constant 0 : i32
      %dma_wait3A_166 = arith.constant 0 : i32
      %dma_wait3A_167 = tpu.memref_slice %arg8[%dma_wait3A_165, %dma_wait3A_166] : memref<10240x128xf32, #tpu.memory_space<vmem_shared>> -> memref<10240x128xf32, #tpu.memory_space<vmem_shared>>
      tpu.wait_indirect_dma semaphore(%arg9 : memref<!tpu.dma_semaphore, #tpu.memory_space<semaphore_mem>>) src(%arg7 : memref<64x128xf32, #tpu.memory_space<vmem>>) dst(%dma_wait3A_167 : memref<10240x128xf32, #tpu.memory_space<vmem_shared>>)
      %dma_wait3A_168 = arith.constant 6 : i32
      %dma_wait3A_169 = arith.constant 0 : i32
      %dma_wait3A_170 = tpu.memref_slice %arg6[%dma_wait3A_168, %dma_wait3A_169] : memref<16x64xi32, #tpu.memory_space<vmem>> -> memref<1x64xi32, #tpu.memory_space<vmem>>
      %dma_wait3A_171 = tpu.memref_squeeze %dma_wait3A_170 : memref<1x64xi32, #tpu.memory_space<vmem>> -> memref<64xi32, #tpu.memory_space<vmem>>
      %dma_wait3A_172 = arith.constant 0 : i32
      %dma_wait3A_173 = arith.constant 0 : i32
      %dma_wait3A_174 = tpu.memref_slice %arg8[%dma_wait3A_172, %dma_wait3A_173] : memref<10240x128xf32, #tpu.memory_space<vmem_shared>> -> memref<10240x128xf32, #tpu.memory_space<vmem_shared>>
      tpu.wait_indirect_dma semaphore(%arg9 : memref<!tpu.dma_semaphore, #tpu.memory_space<semaphore_mem>>) src(%arg7 : memref<64x128xf32, #tpu.memory_space<vmem>>) dst(%dma_wait3A_174 : memref<10240x128xf32, #tpu.memory_space<vmem_shared>>)
      %dma_wait3A_175 = arith.constant 7 : i32
      %dma_wait3A_176 = arith.constant 0 : i32
      %dma_wait3A_177 = tpu.memref_slice %arg6[%dma_wait3A_175, %dma_wait3A_176] : memref<16x64xi32, #tpu.memory_space<vmem>> -> memref<1x64xi32, #tpu.memory_space<vmem>>
      %dma_wait3A_178 = tpu.memref_squeeze %dma_wait3A_177 : memref<1x64xi32, #tpu.memory_space<vmem>> -> memref<64xi32, #tpu.memory_space<vmem>>
      %dma_wait3A_179 = arith.constant 0 : i32
      %dma_wait3A_180 = arith.constant 0 : i32
      %dma_wait3A_181 = tpu.memref_slice %arg8[%dma_wait3A_179, %dma_wait3A_180] : memref<10240x128xf32, #tpu.memory_space<vmem_shared>> -> memref<10240x128xf32, #tpu.memory_space<vmem_shared>>
      tpu.wait_indirect_dma semaphore(%arg9 : memref<!tpu.dma_semaphore, #tpu.memory_space<semaphore_mem>>) src(%arg7 : memref<64x128xf32, #tpu.memory_space<vmem>>) dst(%dma_wait3A_181 : memref<10240x128xf32, #tpu.memory_space<vmem_shared>>)
      %dma_wait3A_182 = arith.constant 8 : i32
      %dma_wait3A_183 = arith.constant 0 : i32
      %dma_wait3A_184 = tpu.memref_slice %arg6[%dma_wait3A_182, %dma_wait3A_183] : memref<16x64xi32, #tpu.memory_space<vmem>> -> memref<1x64xi32, #tpu.memory_space<vmem>>
      %dma_wait3A_185 = tpu.memref_squeeze %dma_wait3A_184 : memref<1x64xi32, #tpu.memory_space<vmem>> -> memref<64xi32, #tpu.memory_space<vmem>>
      %dma_wait3A_186 = arith.constant 0 : i32
      %dma_wait3A_187 = arith.constant 0 : i32
      %dma_wait3A_188 = tpu.memref_slice %arg8[%dma_wait3A_186, %dma_wait3A_187] : memref<10240x128xf32, #tpu.memory_space<vmem_shared>> -> memref<10240x128xf32, #tpu.memory_space<vmem_shared>>
      tpu.wait_indirect_dma semaphore(%arg9 : memref<!tpu.dma_semaphore, #tpu.memory_space<semaphore_mem>>) src(%arg7 : memref<64x128xf32, #tpu.memory_space<vmem>>) dst(%dma_wait3A_188 : memref<10240x128xf32, #tpu.memory_space<vmem_shared>>)
      %dma_wait3A_189 = arith.constant 9 : i32
      %dma_wait3A_190 = arith.constant 0 : i32
      %dma_wait3A_191 = tpu.memref_slice %arg6[%dma_wait3A_189, %dma_wait3A_190] : memref<16x64xi32, #tpu.memory_space<vmem>> -> memref<1x64xi32, #tpu.memory_space<vmem>>
      %dma_wait3A_192 = tpu.memref_squeeze %dma_wait3A_191 : memref<1x64xi32, #tpu.memory_space<vmem>> -> memref<64xi32, #tpu.memory_space<vmem>>
      %dma_wait3A_193 = arith.constant 0 : i32
      %dma_wait3A_194 = arith.constant 0 : i32
      %dma_wait3A_195 = tpu.memref_slice %arg8[%dma_wait3A_193, %dma_wait3A_194] : memref<10240x128xf32, #tpu.memory_space<vmem_shared>> -> memref<10240x128xf32, #tpu.memory_space<vmem_shared>>
      tpu.wait_indirect_dma semaphore(%arg9 : memref<!tpu.dma_semaphore, #tpu.memory_space<semaphore_mem>>) src(%arg7 : memref<64x128xf32, #tpu.memory_space<vmem>>) dst(%dma_wait3A_195 : memref<10240x128xf32, #tpu.memory_space<vmem_shared>>)
      %dma_wait3A_196 = arith.constant 10 : i32
      %dma_wait3A_197 = arith.constant 0 : i32
      %dma_wait3A_198 = tpu.memref_slice %arg6[%dma_wait3A_196, %dma_wait3A_197] : memref<16x64xi32, #tpu.memory_space<vmem>> -> memref<1x64xi32, #tpu.memory_space<vmem>>
      %dma_wait3A_199 = tpu.memref_squeeze %dma_wait3A_198 : memref<1x64xi32, #tpu.memory_space<vmem>> -> memref<64xi32, #tpu.memory_space<vmem>>
      %dma_wait3A_200 = arith.constant 0 : i32
      %dma_wait3A_201 = arith.constant 0 : i32
      %dma_wait3A_202 = tpu.memref_slice %arg8[%dma_wait3A_200, %dma_wait3A_201] : memref<10240x128xf32, #tpu.memory_space<vmem_shared>> -> memref<10240x128xf32, #tpu.memory_space<vmem_shared>>
      tpu.wait_indirect_dma semaphore(%arg9 : memref<!tpu.dma_semaphore, #tpu.memory_space<semaphore_mem>>) src(%arg7 : memref<64x128xf32, #tpu.memory_space<vmem>>) dst(%dma_wait3A_202 : memref<10240x128xf32, #tpu.memory_space<vmem_shared>>)
      %dma_wait3A_203 = arith.constant 11 : i32
      %dma_wait3A_204 = arith.constant 0 : i32
      %dma_wait3A_205 = tpu.memref_slice %arg6[%dma_wait3A_203, %dma_wait3A_204] : memref<16x64xi32, #tpu.memory_space<vmem>> -> memref<1x64xi32, #tpu.memory_space<vmem>>
      %dma_wait3A_206 = tpu.memref_squeeze %dma_wait3A_205 : memref<1x64xi32, #tpu.memory_space<vmem>> -> memref<64xi32, #tpu.memory_space<vmem>>
      %dma_wait3A_207 = arith.constant 0 : i32
      %dma_wait3A_208 = arith.constant 0 : i32
      %dma_wait3A_209 = tpu.memref_slice %arg8[%dma_wait3A_207, %dma_wait3A_208] : memref<10240x128xf32, #tpu.memory_space<vmem_shared>> -> memref<10240x128xf32, #tpu.memory_space<vmem_shared>>
      tpu.wait_indirect_dma semaphore(%arg9 : memref<!tpu.dma_semaphore, #tpu.memory_space<semaphore_mem>>) src(%arg7 : memref<64x128xf32, #tpu.memory_space<vmem>>) dst(%dma_wait3A_209 : memref<10240x128xf32, #tpu.memory_space<vmem_shared>>)
      %dma_wait3A_210 = arith.constant 12 : i32
      %dma_wait3A_211 = arith.constant 0 : i32
      %dma_wait3A_212 = tpu.memref_slice %arg6[%dma_wait3A_210, %dma_wait3A_211] : memref<16x64xi32, #tpu.memory_space<vmem>> -> memref<1x64xi32, #tpu.memory_space<vmem>>
      %dma_wait3A_213 = tpu.memref_squeeze %dma_wait3A_212 : memref<1x64xi32, #tpu.memory_space<vmem>> -> memref<64xi32, #tpu.memory_space<vmem>>
      %dma_wait3A_214 = arith.constant 0 : i32
      %dma_wait3A_215 = arith.constant 0 : i32
      %dma_wait3A_216 = tpu.memref_slice %arg8[%dma_wait3A_214, %dma_wait3A_215] : memref<10240x128xf32, #tpu.memory_space<vmem_shared>> -> memref<10240x128xf32, #tpu.memory_space<vmem_shared>>
      tpu.wait_indirect_dma semaphore(%arg9 : memref<!tpu.dma_semaphore, #tpu.memory_space<semaphore_mem>>) src(%arg7 : memref<64x128xf32, #tpu.memory_space<vmem>>) dst(%dma_wait3A_216 : memref<10240x128xf32, #tpu.memory_space<vmem_shared>>)
      %dma_wait3A_217 = arith.constant 13 : i32
      %dma_wait3A_218 = arith.constant 0 : i32
      %dma_wait3A_219 = tpu.memref_slice %arg6[%dma_wait3A_217, %dma_wait3A_218] : memref<16x64xi32, #tpu.memory_space<vmem>> -> memref<1x64xi32, #tpu.memory_space<vmem>>
      %dma_wait3A_220 = tpu.memref_squeeze %dma_wait3A_219 : memref<1x64xi32, #tpu.memory_space<vmem>> -> memref<64xi32, #tpu.memory_space<vmem>>
      %dma_wait3A_221 = arith.constant 0 : i32
      %dma_wait3A_222 = arith.constant 0 : i32
      %dma_wait3A_223 = tpu.memref_slice %arg8[%dma_wait3A_221, %dma_wait3A_222] : memref<10240x128xf32, #tpu.memory_space<vmem_shared>> -> memref<10240x128xf32, #tpu.memory_space<vmem_shared>>
      tpu.wait_indirect_dma semaphore(%arg9 : memref<!tpu.dma_semaphore, #tpu.memory_space<semaphore_mem>>) src(%arg7 : memref<64x128xf32, #tpu.memory_space<vmem>>) dst(%dma_wait3A_223 : memref<10240x128xf32, #tpu.memory_space<vmem_shared>>)
      %dma_wait3A_224 = arith.constant 14 : i32
      %dma_wait3A_225 = arith.constant 0 : i32
      %dma_wait3A_226 = tpu.memref_slice %arg6[%dma_wait3A_224, %dma_wait3A_225] : memref<16x64xi32, #tpu.memory_space<vmem>> -> memref<1x64xi32, #tpu.memory_space<vmem>>
      %dma_wait3A_227 = tpu.memref_squeeze %dma_wait3A_226 : memref<1x64xi32, #tpu.memory_space<vmem>> -> memref<64xi32, #tpu.memory_space<vmem>>
      %dma_wait3A_228 = arith.constant 0 : i32
      %dma_wait3A_229 = arith.constant 0 : i32
      %dma_wait3A_230 = tpu.memref_slice %arg8[%dma_wait3A_228, %dma_wait3A_229] : memref<10240x128xf32, #tpu.memory_space<vmem_shared>> -> memref<10240x128xf32, #tpu.memory_space<vmem_shared>>
      tpu.wait_indirect_dma semaphore(%arg9 : memref<!tpu.dma_semaphore, #tpu.memory_space<semaphore_mem>>) src(%arg7 : memref<64x128xf32, #tpu.memory_space<vmem>>) dst(%dma_wait3A_230 : memref<10240x128xf32, #tpu.memory_space<vmem_shared>>)
      %dma_wait3A_231 = arith.constant 15 : i32
      %dma_wait3A_232 = arith.constant 0 : i32
      %dma_wait3A_233 = tpu.memref_slice %arg6[%dma_wait3A_231, %dma_wait3A_232] : memref<16x64xi32, #tpu.memory_space<vmem>> -> memref<1x64xi32, #tpu.memory_space<vmem>>
      %dma_wait3A_234 = tpu.memref_squeeze %dma_wait3A_233 : memref<1x64xi32, #tpu.memory_space<vmem>> -> memref<64xi32, #tpu.memory_space<vmem>>
      %dma_wait3A_235 = arith.constant 0 : i32
      %dma_wait3A_236 = arith.constant 0 : i32
      %dma_wait3A_237 = tpu.memref_slice %arg8[%dma_wait3A_235, %dma_wait3A_236] : memref<10240x128xf32, #tpu.memory_space<vmem_shared>> -> memref<10240x128xf32, #tpu.memory_space<vmem_shared>>
      tpu.wait_indirect_dma semaphore(%arg9 : memref<!tpu.dma_semaphore, #tpu.memory_space<semaphore_mem>>) src(%arg7 : memref<64x128xf32, #tpu.memory_space<vmem>>) dst(%dma_wait3A_237 : memref<10240x128xf32, #tpu.memory_space<vmem_shared>>)
    }
    %scan3A_7 = arith.constant 10 : i32
    %barrier3A_8 = arith.constant 0 : index
    tpu.barrier barrier_id(%barrier3A_8)
    %mul3A_9 = arith.constant 10240 : i32
    %mul3A_10 = arith.muli %arg0, %mul3A_9 : i32
    %add3A_11 = arith.addi %mul3A_10, %mul3A_2 : i32
    "tpu.region"() ({
      %run_scoped3A = tpu.sem_alloc : memref<!tpu.dma_semaphore, #tpu.memory_space<semaphore_mem>>
      %dma_start3A = arith.constant 0 : i32
      %dma_start3A_12 = tpu.memref_slice %arg5[%add3A_11, %dma_start3A] : memref<20480x128xf32, #tpu.memory_space<hbm>> -> memref<640x128xf32, #tpu.memory_space<hbm>>
      %dma_start3A_13 = arith.constant 0 : i32
      %dma_start3A_14 = tpu.memref_slice %arg8[%mul3A_2, %dma_start3A_13] : memref<10240x128xf32, #tpu.memory_space<vmem_shared>> -> memref<640x128xf32, #tpu.memory_space<vmem_shared>>
      tpu.enqueue_dma source(%dma_start3A_14 : memref<640x128xf32, #tpu.memory_space<vmem_shared>>) target(%dma_start3A_12 : memref<640x128xf32, #tpu.memory_space<hbm>>) target_semaphore(%run_scoped3A : memref<!tpu.dma_semaphore, #tpu.memory_space<semaphore_mem>>)
      %dma_wait3A = arith.constant 0 : i32
      %dma_wait3A_15 = tpu.memref_slice %arg5[%add3A_11, %dma_wait3A] : memref<20480x128xf32, #tpu.memory_space<hbm>> -> memref<640x128xf32, #tpu.memory_space<hbm>>
      %dma_wait3A_16 = arith.constant 0 : i32
      %dma_wait3A_17 = tpu.memref_slice %arg8[%mul3A_2, %dma_wait3A_16] : memref<10240x128xf32, #tpu.memory_space<vmem_shared>> -> memref<640x128xf32, #tpu.memory_space<vmem_shared>>
      tpu.wait_dma2 semaphore(%run_scoped3A : memref<!tpu.dma_semaphore, #tpu.memory_space<semaphore_mem>>) src(%dma_wait3A_17 : memref<640x128xf32, #tpu.memory_space<vmem_shared>>) dst(%dma_wait3A_15 : memref<640x128xf32, #tpu.memory_space<hbm>>)
      tpu.yield
    }) : () -> ()
    return
  }
}

#map = affine_map<(d0, d1) -> (0, 0)>
#map1 = affine_map<(d0, d1) -> (0, 0, 0)>
module attributes {stable_mosaic.version = 14 : i64} {
  func.func @agg(%arg0: i32, %arg1: i32, %arg2: memref<10000x128xf32, #tpu.memory_space<hbm>>, %arg3: memref<320x16x64xi32, #tpu.memory_space<hbm>>, %arg4: memref<320x16x64xi32, #tpu.memory_space<hbm>>, %arg5: memref<10240x128xf32, #tpu.memory_space<hbm>>, %arg6: memref<20480x128xf32, #tpu.memory_space<hbm>>, %arg7: memref<16x64xi32, #tpu.memory_space<vmem>>, %arg8: memref<16x64xi32, #tpu.memory_space<vmem>>, %arg9: memref<64x128xf32, #tpu.memory_space<vmem>>, %arg10: memref<64x128xf32, #tpu.memory_space<vmem>>, %arg11: memref<64x128xf32, #tpu.memory_space<vmem>>, %arg12: memref<64x128xf32, #tpu.memory_space<vmem>>, %arg13: memref<10240x128xf32, #tpu.memory_space<vmem_shared>>, %arg14: memref<!tpu.dma_semaphore, #tpu.memory_space<semaphore_mem>>) attributes {dimension_semantics = [#tpu.dimension_semantics<core_parallel>, #tpu.dimension_semantics<subcore_parallel>], iteration_bounds = array<i64: 2, 16>, scalar_prefetch = 0 : i64, scratch_operands = 8 : i64, tpu.core_type = #tpu.core_type<sc_vector_subcore>, window_params = [{transform_indices = #map}, {transform_indices = #map1}, {transform_indices = #map1}, {transform_indices = #map}, {transform_indices = #map}]} {
    %mul3A = arith.constant 2 : i32
    %mul3A_0 = arith.muli %arg1, %mul3A : i32
    %add3A = arith.addi %mul3A_0, %arg0 : i32
    %mul3A_1 = arith.constant 640 : i32
    %mul3A_2 = arith.muli %arg1, %mul3A_1 : i32
    "tpu.region"() ({
      %run_scoped3A = tpu.sem_alloc : memref<!tpu.dma_semaphore, #tpu.memory_space<semaphore_mem>>
      %dma_start3A = arith.constant 0 : i32
      %dma_start3A_12 = tpu.memref_slice %arg13[%mul3A_2, %dma_start3A] : memref<10240x128xf32, #tpu.memory_space<vmem_shared>> -> memref<640x128xf32, #tpu.memory_space<vmem_shared>>
      %dma_start3A_13 = arith.constant 0 : i32
      %dma_start3A_14 = tpu.memref_slice %arg5[%mul3A_2, %dma_start3A_13] : memref<10240x128xf32, #tpu.memory_space<hbm>> -> memref<640x128xf32, #tpu.memory_space<hbm>>
      tpu.enqueue_dma source(%dma_start3A_14 : memref<640x128xf32, #tpu.memory_space<hbm>>) target(%dma_start3A_12 : memref<640x128xf32, #tpu.memory_space<vmem_shared>>) target_semaphore(%run_scoped3A : memref<!tpu.dma_semaphore, #tpu.memory_space<semaphore_mem>>)
      %dma_wait3A = arith.constant 0 : i32
      %dma_wait3A_15 = tpu.memref_slice %arg13[%mul3A_2, %dma_wait3A] : memref<10240x128xf32, #tpu.memory_space<vmem_shared>> -> memref<640x128xf32, #tpu.memory_space<vmem_shared>>
      %dma_wait3A_16 = arith.constant 0 : i32
      %dma_wait3A_17 = tpu.memref_slice %arg5[%mul3A_2, %dma_wait3A_16] : memref<10240x128xf32, #tpu.memory_space<hbm>> -> memref<640x128xf32, #tpu.memory_space<hbm>>
      tpu.wait_dma2 semaphore(%run_scoped3A : memref<!tpu.dma_semaphore, #tpu.memory_space<semaphore_mem>>) src(%dma_wait3A_17 : memref<640x128xf32, #tpu.memory_space<hbm>>) dst(%dma_wait3A_15 : memref<640x128xf32, #tpu.memory_space<vmem_shared>>)
      tpu.yield
    }) : () -> ()
    %barrier3A = arith.constant 0 : index
    tpu.barrier barrier_id(%barrier3A)
    %scan3A = arith.constant 0 : i32
    %scan3A_3 = arith.constant 0 : i32
    %scan3A_4 = arith.constant 10 : i32
    %scan3A_5 = arith.addi %scan3A_3, %scan3A_4 : i32
    %scan3A_6 = arith.constant 1 : i32
    scf.for %scan3A_12 = %scan3A_3 to %scan3A_5 step %scan3A_6  : i32 {
      %mul3A_13 = arith.constant 10 : i32
      %mul3A_14 = arith.muli %add3A, %mul3A_13 : i32
      %add3A_15 = arith.addi %mul3A_14, %scan3A_12 : i32
      "tpu.region"() ({
        %run_scoped3A_253 = tpu.sem_alloc : memref<!tpu.dma_semaphore, #tpu.memory_space<semaphore_mem>>
        %dma_start3A_254 = arith.constant 0 : i32
        %dma_start3A_255 = arith.constant 0 : i32
        %dma_start3A_256 = tpu.memref_slice %arg3[%add3A_15, %dma_start3A_254, %dma_start3A_255] : memref<320x16x64xi32, #tpu.memory_space<hbm>> -> memref<1x16x64xi32, #tpu.memory_space<hbm>>
        %dma_start3A_257 = tpu.memref_squeeze %dma_start3A_256 : memref<1x16x64xi32, #tpu.memory_space<hbm>> -> memref<16x64xi32, #tpu.memory_space<hbm>>
        %dma_start3A_258 = arith.constant 0 : i32
        %dma_start3A_259 = arith.constant 0 : i32
        %dma_start3A_260 = tpu.memref_slice %arg3[%add3A_15, %dma_start3A_258, %dma_start3A_259] : memref<320x16x64xi32, #tpu.memory_space<hbm>> -> memref<1x16x64xi32, #tpu.memory_space<hbm>>
        %dma_start3A_261 = tpu.memref_squeeze %dma_start3A_260 : memref<1x16x64xi32, #tpu.memory_space<hbm>> -> memref<16x64xi32, #tpu.memory_space<hbm>>
        tpu.enqueue_dma source(%dma_start3A_261 : memref<16x64xi32, #tpu.memory_space<hbm>>) target(%arg7 : memref<16x64xi32, #tpu.memory_space<vmem>>) target_semaphore(%run_scoped3A_253 : memref<!tpu.dma_semaphore, #tpu.memory_space<semaphore_mem>>)
        %dma_wait3A_262 = arith.constant 0 : i32
        %dma_wait3A_263 = arith.constant 0 : i32
        %dma_wait3A_264 = tpu.memref_slice %arg3[%add3A_15, %dma_wait3A_262, %dma_wait3A_263] : memref<320x16x64xi32, #tpu.memory_space<hbm>> -> memref<1x16x64xi32, #tpu.memory_space<hbm>>
        %dma_wait3A_265 = tpu.memref_squeeze %dma_wait3A_264 : memref<1x16x64xi32, #tpu.memory_space<hbm>> -> memref<16x64xi32, #tpu.memory_space<hbm>>
        %dma_wait3A_266 = arith.constant 0 : i32
        %dma_wait3A_267 = arith.constant 0 : i32
        %dma_wait3A_268 = tpu.memref_slice %arg3[%add3A_15, %dma_wait3A_266, %dma_wait3A_267] : memref<320x16x64xi32, #tpu.memory_space<hbm>> -> memref<1x16x64xi32, #tpu.memory_space<hbm>>
        %dma_wait3A_269 = tpu.memref_squeeze %dma_wait3A_268 : memref<1x16x64xi32, #tpu.memory_space<hbm>> -> memref<16x64xi32, #tpu.memory_space<hbm>>
        tpu.wait_dma2 semaphore(%run_scoped3A_253 : memref<!tpu.dma_semaphore, #tpu.memory_space<semaphore_mem>>) src(%dma_wait3A_269 : memref<16x64xi32, #tpu.memory_space<hbm>>) dst(%arg7 : memref<16x64xi32, #tpu.memory_space<vmem>>)
        tpu.yield
      }) : () -> ()
      "tpu.region"() ({
        %run_scoped3A_253 = tpu.sem_alloc : memref<!tpu.dma_semaphore, #tpu.memory_space<semaphore_mem>>
        %dma_start3A_254 = arith.constant 0 : i32
        %dma_start3A_255 = arith.constant 0 : i32
        %dma_start3A_256 = tpu.memref_slice %arg4[%add3A_15, %dma_start3A_254, %dma_start3A_255] : memref<320x16x64xi32, #tpu.memory_space<hbm>> -> memref<1x16x64xi32, #tpu.memory_space<hbm>>
        %dma_start3A_257 = tpu.memref_squeeze %dma_start3A_256 : memref<1x16x64xi32, #tpu.memory_space<hbm>> -> memref<16x64xi32, #tpu.memory_space<hbm>>
        %dma_start3A_258 = arith.constant 0 : i32
        %dma_start3A_259 = arith.constant 0 : i32
        %dma_start3A_260 = tpu.memref_slice %arg4[%add3A_15, %dma_start3A_258, %dma_start3A_259] : memref<320x16x64xi32, #tpu.memory_space<hbm>> -> memref<1x16x64xi32, #tpu.memory_space<hbm>>
        %dma_start3A_261 = tpu.memref_squeeze %dma_start3A_260 : memref<1x16x64xi32, #tpu.memory_space<hbm>> -> memref<16x64xi32, #tpu.memory_space<hbm>>
        tpu.enqueue_dma source(%dma_start3A_261 : memref<16x64xi32, #tpu.memory_space<hbm>>) target(%arg8 : memref<16x64xi32, #tpu.memory_space<vmem>>) target_semaphore(%run_scoped3A_253 : memref<!tpu.dma_semaphore, #tpu.memory_space<semaphore_mem>>)
        %dma_wait3A_262 = arith.constant 0 : i32
        %dma_wait3A_263 = arith.constant 0 : i32
        %dma_wait3A_264 = tpu.memref_slice %arg4[%add3A_15, %dma_wait3A_262, %dma_wait3A_263] : memref<320x16x64xi32, #tpu.memory_space<hbm>> -> memref<1x16x64xi32, #tpu.memory_space<hbm>>
        %dma_wait3A_265 = tpu.memref_squeeze %dma_wait3A_264 : memref<1x16x64xi32, #tpu.memory_space<hbm>> -> memref<16x64xi32, #tpu.memory_space<hbm>>
        %dma_wait3A_266 = arith.constant 0 : i32
        %dma_wait3A_267 = arith.constant 0 : i32
        %dma_wait3A_268 = tpu.memref_slice %arg4[%add3A_15, %dma_wait3A_266, %dma_wait3A_267] : memref<320x16x64xi32, #tpu.memory_space<hbm>> -> memref<1x16x64xi32, #tpu.memory_space<hbm>>
        %dma_wait3A_269 = tpu.memref_squeeze %dma_wait3A_268 : memref<1x16x64xi32, #tpu.memory_space<hbm>> -> memref<16x64xi32, #tpu.memory_space<hbm>>
        tpu.wait_dma2 semaphore(%run_scoped3A_253 : memref<!tpu.dma_semaphore, #tpu.memory_space<semaphore_mem>>) src(%dma_wait3A_269 : memref<16x64xi32, #tpu.memory_space<hbm>>) dst(%arg8 : memref<16x64xi32, #tpu.memory_space<vmem>>)
        tpu.yield
      }) : () -> ()
      %dma_start3A = arith.constant 0 : i32
      %dma_start3A_16 = arith.constant 0 : i32
      %dma_start3A_17 = tpu.memref_slice %arg7[%dma_start3A, %dma_start3A_16] : memref<16x64xi32, #tpu.memory_space<vmem>> -> memref<1x64xi32, #tpu.memory_space<vmem>>
      %dma_start3A_18 = tpu.memref_squeeze %dma_start3A_17 : memref<1x64xi32, #tpu.memory_space<vmem>> -> memref<64xi32, #tpu.memory_space<vmem>>
      %dma_start3A_19 = arith.constant 0 : i32
      %dma_start3A_20 = arith.constant 0 : i32
      %dma_start3A_21 = tpu.memref_slice %arg2[%dma_start3A_19, %dma_start3A_20] : memref<10000x128xf32, #tpu.memory_space<hbm>> -> memref<10000x128xf32, #tpu.memory_space<hbm>>
      tpu.enqueue_indirect_dma source(%dma_start3A_21 : memref<10000x128xf32, #tpu.memory_space<hbm>>) target(%arg9 : memref<64x128xf32, #tpu.memory_space<vmem>>) offsets(%dma_start3A_18 : memref<64xi32, #tpu.memory_space<vmem>>) semaphore(%arg14 : memref<!tpu.dma_semaphore, #tpu.memory_space<semaphore_mem>>)
      %dma_start3A_22 = arith.constant 1 : i32
      %dma_start3A_23 = arith.constant 0 : i32
      %dma_start3A_24 = tpu.memref_slice %arg7[%dma_start3A_22, %dma_start3A_23] : memref<16x64xi32, #tpu.memory_space<vmem>> -> memref<1x64xi32, #tpu.memory_space<vmem>>
      %dma_start3A_25 = tpu.memref_squeeze %dma_start3A_24 : memref<1x64xi32, #tpu.memory_space<vmem>> -> memref<64xi32, #tpu.memory_space<vmem>>
      %dma_start3A_26 = arith.constant 0 : i32
      %dma_start3A_27 = arith.constant 0 : i32
      %dma_start3A_28 = tpu.memref_slice %arg2[%dma_start3A_26, %dma_start3A_27] : memref<10000x128xf32, #tpu.memory_space<hbm>> -> memref<10000x128xf32, #tpu.memory_space<hbm>>
      tpu.enqueue_indirect_dma source(%dma_start3A_28 : memref<10000x128xf32, #tpu.memory_space<hbm>>) target(%arg10 : memref<64x128xf32, #tpu.memory_space<vmem>>) offsets(%dma_start3A_25 : memref<64xi32, #tpu.memory_space<vmem>>) semaphore(%arg14 : memref<!tpu.dma_semaphore, #tpu.memory_space<semaphore_mem>>)
      %dma_start3A_29 = arith.constant 2 : i32
      %dma_start3A_30 = arith.constant 0 : i32
      %dma_start3A_31 = tpu.memref_slice %arg7[%dma_start3A_29, %dma_start3A_30] : memref<16x64xi32, #tpu.memory_space<vmem>> -> memref<1x64xi32, #tpu.memory_space<vmem>>
      %dma_start3A_32 = tpu.memref_squeeze %dma_start3A_31 : memref<1x64xi32, #tpu.memory_space<vmem>> -> memref<64xi32, #tpu.memory_space<vmem>>
      %dma_start3A_33 = arith.constant 0 : i32
      %dma_start3A_34 = arith.constant 0 : i32
      %dma_start3A_35 = tpu.memref_slice %arg2[%dma_start3A_33, %dma_start3A_34] : memref<10000x128xf32, #tpu.memory_space<hbm>> -> memref<10000x128xf32, #tpu.memory_space<hbm>>
      tpu.enqueue_indirect_dma source(%dma_start3A_35 : memref<10000x128xf32, #tpu.memory_space<hbm>>) target(%arg11 : memref<64x128xf32, #tpu.memory_space<vmem>>) offsets(%dma_start3A_32 : memref<64xi32, #tpu.memory_space<vmem>>) semaphore(%arg14 : memref<!tpu.dma_semaphore, #tpu.memory_space<semaphore_mem>>)
      %dma_start3A_36 = arith.constant 3 : i32
      %dma_start3A_37 = arith.constant 0 : i32
      %dma_start3A_38 = tpu.memref_slice %arg7[%dma_start3A_36, %dma_start3A_37] : memref<16x64xi32, #tpu.memory_space<vmem>> -> memref<1x64xi32, #tpu.memory_space<vmem>>
      %dma_start3A_39 = tpu.memref_squeeze %dma_start3A_38 : memref<1x64xi32, #tpu.memory_space<vmem>> -> memref<64xi32, #tpu.memory_space<vmem>>
      %dma_start3A_40 = arith.constant 0 : i32
      %dma_start3A_41 = arith.constant 0 : i32
      %dma_start3A_42 = tpu.memref_slice %arg2[%dma_start3A_40, %dma_start3A_41] : memref<10000x128xf32, #tpu.memory_space<hbm>> -> memref<10000x128xf32, #tpu.memory_space<hbm>>
      tpu.enqueue_indirect_dma source(%dma_start3A_42 : memref<10000x128xf32, #tpu.memory_space<hbm>>) target(%arg12 : memref<64x128xf32, #tpu.memory_space<vmem>>) offsets(%dma_start3A_39 : memref<64xi32, #tpu.memory_space<vmem>>) semaphore(%arg14 : memref<!tpu.dma_semaphore, #tpu.memory_space<semaphore_mem>>)
      %dma_wait3A = arith.constant 0 : i32
      %dma_wait3A_43 = arith.constant 0 : i32
      %dma_wait3A_44 = tpu.memref_slice %arg7[%dma_wait3A, %dma_wait3A_43] : memref<16x64xi32, #tpu.memory_space<vmem>> -> memref<1x64xi32, #tpu.memory_space<vmem>>
      %dma_wait3A_45 = tpu.memref_squeeze %dma_wait3A_44 : memref<1x64xi32, #tpu.memory_space<vmem>> -> memref<64xi32, #tpu.memory_space<vmem>>
      %dma_wait3A_46 = arith.constant 0 : i32
      %dma_wait3A_47 = arith.constant 0 : i32
      %dma_wait3A_48 = tpu.memref_slice %arg2[%dma_wait3A_46, %dma_wait3A_47] : memref<10000x128xf32, #tpu.memory_space<hbm>> -> memref<10000x128xf32, #tpu.memory_space<hbm>>
      tpu.wait_indirect_dma semaphore(%arg14 : memref<!tpu.dma_semaphore, #tpu.memory_space<semaphore_mem>>) src(%dma_wait3A_48 : memref<10000x128xf32, #tpu.memory_space<hbm>>) dst(%arg9 : memref<64x128xf32, #tpu.memory_space<vmem>>)
      %run_scoped3A = arith.constant 0 : i32
      "tpu.region"() ({
        %run_scoped3A_253 = tpu.sem_alloc : memref<!tpu.dma_semaphore, #tpu.memory_space<semaphore_mem>>
        %dma_start3A_254 = arith.constant 0 : i32
        %dma_start3A_255 = tpu.memref_slice %arg8[%run_scoped3A, %dma_start3A_254] : memref<16x64xi32, #tpu.memory_space<vmem>> -> memref<1x64xi32, #tpu.memory_space<vmem>>
        %dma_start3A_256 = tpu.memref_squeeze %dma_start3A_255 : memref<1x64xi32, #tpu.memory_space<vmem>> -> memref<64xi32, #tpu.memory_space<vmem>>
        %dma_start3A_257 = arith.constant 0 : i32
        %dma_start3A_258 = arith.constant 0 : i32
        %dma_start3A_259 = tpu.memref_slice %arg13[%dma_start3A_257, %dma_start3A_258] : memref<10240x128xf32, #tpu.memory_space<vmem_shared>> -> memref<10240x128xf32, #tpu.memory_space<vmem_shared>>
        tpu.enqueue_indirect_dma source(%arg9 : memref<64x128xf32, #tpu.memory_space<vmem>>) target(%dma_start3A_259 : memref<10240x128xf32, #tpu.memory_space<vmem_shared>>) offsets(%dma_start3A_256 : memref<64xi32, #tpu.memory_space<vmem>>) semaphore(%run_scoped3A_253 : memref<!tpu.dma_semaphore, #tpu.memory_space<semaphore_mem>>) {add = true}
        %dma_wait3A_260 = arith.constant 0 : i32
        %dma_wait3A_261 = tpu.memref_slice %arg8[%run_scoped3A, %dma_wait3A_260] : memref<16x64xi32, #tpu.memory_space<vmem>> -> memref<1x64xi32, #tpu.memory_space<vmem>>
        %dma_wait3A_262 = tpu.memref_squeeze %dma_wait3A_261 : memref<1x64xi32, #tpu.memory_space<vmem>> -> memref<64xi32, #tpu.memory_space<vmem>>
        %dma_wait3A_263 = arith.constant 0 : i32
        %dma_wait3A_264 = arith.constant 0 : i32
        %dma_wait3A_265 = tpu.memref_slice %arg13[%dma_wait3A_263, %dma_wait3A_264] : memref<10240x128xf32, #tpu.memory_space<vmem_shared>> -> memref<10240x128xf32, #tpu.memory_space<vmem_shared>>
        tpu.wait_indirect_dma semaphore(%run_scoped3A_253 : memref<!tpu.dma_semaphore, #tpu.memory_space<semaphore_mem>>) src(%arg9 : memref<64x128xf32, #tpu.memory_space<vmem>>) dst(%dma_wait3A_265 : memref<10240x128xf32, #tpu.memory_space<vmem_shared>>)
        tpu.yield
      }) : () -> ()
      %dma_start3A_49 = arith.constant 4 : i32
      %dma_start3A_50 = arith.constant 0 : i32
      %dma_start3A_51 = tpu.memref_slice %arg7[%dma_start3A_49, %dma_start3A_50] : memref<16x64xi32, #tpu.memory_space<vmem>> -> memref<1x64xi32, #tpu.memory_space<vmem>>
      %dma_start3A_52 = tpu.memref_squeeze %dma_start3A_51 : memref<1x64xi32, #tpu.memory_space<vmem>> -> memref<64xi32, #tpu.memory_space<vmem>>
      %dma_start3A_53 = arith.constant 0 : i32
      %dma_start3A_54 = arith.constant 0 : i32
      %dma_start3A_55 = tpu.memref_slice %arg2[%dma_start3A_53, %dma_start3A_54] : memref<10000x128xf32, #tpu.memory_space<hbm>> -> memref<10000x128xf32, #tpu.memory_space<hbm>>
      tpu.enqueue_indirect_dma source(%dma_start3A_55 : memref<10000x128xf32, #tpu.memory_space<hbm>>) target(%arg9 : memref<64x128xf32, #tpu.memory_space<vmem>>) offsets(%dma_start3A_52 : memref<64xi32, #tpu.memory_space<vmem>>) semaphore(%arg14 : memref<!tpu.dma_semaphore, #tpu.memory_space<semaphore_mem>>)
      %dma_wait3A_56 = arith.constant 1 : i32
      %dma_wait3A_57 = arith.constant 0 : i32
      %dma_wait3A_58 = tpu.memref_slice %arg7[%dma_wait3A_56, %dma_wait3A_57] : memref<16x64xi32, #tpu.memory_space<vmem>> -> memref<1x64xi32, #tpu.memory_space<vmem>>
      %dma_wait3A_59 = tpu.memref_squeeze %dma_wait3A_58 : memref<1x64xi32, #tpu.memory_space<vmem>> -> memref<64xi32, #tpu.memory_space<vmem>>
      %dma_wait3A_60 = arith.constant 0 : i32
      %dma_wait3A_61 = arith.constant 0 : i32
      %dma_wait3A_62 = tpu.memref_slice %arg2[%dma_wait3A_60, %dma_wait3A_61] : memref<10000x128xf32, #tpu.memory_space<hbm>> -> memref<10000x128xf32, #tpu.memory_space<hbm>>
      tpu.wait_indirect_dma semaphore(%arg14 : memref<!tpu.dma_semaphore, #tpu.memory_space<semaphore_mem>>) src(%dma_wait3A_62 : memref<10000x128xf32, #tpu.memory_space<hbm>>) dst(%arg10 : memref<64x128xf32, #tpu.memory_space<vmem>>)
      %run_scoped3A_63 = arith.constant 1 : i32
      "tpu.region"() ({
        %run_scoped3A_253 = tpu.sem_alloc : memref<!tpu.dma_semaphore, #tpu.memory_space<semaphore_mem>>
        %dma_start3A_254 = arith.constant 0 : i32
        %dma_start3A_255 = tpu.memref_slice %arg8[%run_scoped3A_63, %dma_start3A_254] : memref<16x64xi32, #tpu.memory_space<vmem>> -> memref<1x64xi32, #tpu.memory_space<vmem>>
        %dma_start3A_256 = tpu.memref_squeeze %dma_start3A_255 : memref<1x64xi32, #tpu.memory_space<vmem>> -> memref<64xi32, #tpu.memory_space<vmem>>
        %dma_start3A_257 = arith.constant 0 : i32
        %dma_start3A_258 = arith.constant 0 : i32
        %dma_start3A_259 = tpu.memref_slice %arg13[%dma_start3A_257, %dma_start3A_258] : memref<10240x128xf32, #tpu.memory_space<vmem_shared>> -> memref<10240x128xf32, #tpu.memory_space<vmem_shared>>
        tpu.enqueue_indirect_dma source(%arg10 : memref<64x128xf32, #tpu.memory_space<vmem>>) target(%dma_start3A_259 : memref<10240x128xf32, #tpu.memory_space<vmem_shared>>) offsets(%dma_start3A_256 : memref<64xi32, #tpu.memory_space<vmem>>) semaphore(%run_scoped3A_253 : memref<!tpu.dma_semaphore, #tpu.memory_space<semaphore_mem>>) {add = true}
        %dma_wait3A_260 = arith.constant 0 : i32
        %dma_wait3A_261 = tpu.memref_slice %arg8[%run_scoped3A_63, %dma_wait3A_260] : memref<16x64xi32, #tpu.memory_space<vmem>> -> memref<1x64xi32, #tpu.memory_space<vmem>>
        %dma_wait3A_262 = tpu.memref_squeeze %dma_wait3A_261 : memref<1x64xi32, #tpu.memory_space<vmem>> -> memref<64xi32, #tpu.memory_space<vmem>>
        %dma_wait3A_263 = arith.constant 0 : i32
        %dma_wait3A_264 = arith.constant 0 : i32
        %dma_wait3A_265 = tpu.memref_slice %arg13[%dma_wait3A_263, %dma_wait3A_264] : memref<10240x128xf32, #tpu.memory_space<vmem_shared>> -> memref<10240x128xf32, #tpu.memory_space<vmem_shared>>
        tpu.wait_indirect_dma semaphore(%run_scoped3A_253 : memref<!tpu.dma_semaphore, #tpu.memory_space<semaphore_mem>>) src(%arg10 : memref<64x128xf32, #tpu.memory_space<vmem>>) dst(%dma_wait3A_265 : memref<10240x128xf32, #tpu.memory_space<vmem_shared>>)
        tpu.yield
      }) : () -> ()
      %dma_start3A_64 = arith.constant 5 : i32
      %dma_start3A_65 = arith.constant 0 : i32
      %dma_start3A_66 = tpu.memref_slice %arg7[%dma_start3A_64, %dma_start3A_65] : memref<16x64xi32, #tpu.memory_space<vmem>> -> memref<1x64xi32, #tpu.memory_space<vmem>>
      %dma_start3A_67 = tpu.memref_squeeze %dma_start3A_66 : memref<1x64xi32, #tpu.memory_space<vmem>> -> memref<64xi32, #tpu.memory_space<vmem>>
      %dma_start3A_68 = arith.constant 0 : i32
      %dma_start3A_69 = arith.constant 0 : i32
      %dma_start3A_70 = tpu.memref_slice %arg2[%dma_start3A_68, %dma_start3A_69] : memref<10000x128xf32, #tpu.memory_space<hbm>> -> memref<10000x128xf32, #tpu.memory_space<hbm>>
      tpu.enqueue_indirect_dma source(%dma_start3A_70 : memref<10000x128xf32, #tpu.memory_space<hbm>>) target(%arg10 : memref<64x128xf32, #tpu.memory_space<vmem>>) offsets(%dma_start3A_67 : memref<64xi32, #tpu.memory_space<vmem>>) semaphore(%arg14 : memref<!tpu.dma_semaphore, #tpu.memory_space<semaphore_mem>>)
      %dma_wait3A_71 = arith.constant 2 : i32
      %dma_wait3A_72 = arith.constant 0 : i32
      %dma_wait3A_73 = tpu.memref_slice %arg7[%dma_wait3A_71, %dma_wait3A_72] : memref<16x64xi32, #tpu.memory_space<vmem>> -> memref<1x64xi32, #tpu.memory_space<vmem>>
      %dma_wait3A_74 = tpu.memref_squeeze %dma_wait3A_73 : memref<1x64xi32, #tpu.memory_space<vmem>> -> memref<64xi32, #tpu.memory_space<vmem>>
      %dma_wait3A_75 = arith.constant 0 : i32
      %dma_wait3A_76 = arith.constant 0 : i32
      %dma_wait3A_77 = tpu.memref_slice %arg2[%dma_wait3A_75, %dma_wait3A_76] : memref<10000x128xf32, #tpu.memory_space<hbm>> -> memref<10000x128xf32, #tpu.memory_space<hbm>>
      tpu.wait_indirect_dma semaphore(%arg14 : memref<!tpu.dma_semaphore, #tpu.memory_space<semaphore_mem>>) src(%dma_wait3A_77 : memref<10000x128xf32, #tpu.memory_space<hbm>>) dst(%arg11 : memref<64x128xf32, #tpu.memory_space<vmem>>)
      %run_scoped3A_78 = arith.constant 2 : i32
      "tpu.region"() ({
        %run_scoped3A_253 = tpu.sem_alloc : memref<!tpu.dma_semaphore, #tpu.memory_space<semaphore_mem>>
        %dma_start3A_254 = arith.constant 0 : i32
        %dma_start3A_255 = tpu.memref_slice %arg8[%run_scoped3A_78, %dma_start3A_254] : memref<16x64xi32, #tpu.memory_space<vmem>> -> memref<1x64xi32, #tpu.memory_space<vmem>>
        %dma_start3A_256 = tpu.memref_squeeze %dma_start3A_255 : memref<1x64xi32, #tpu.memory_space<vmem>> -> memref<64xi32, #tpu.memory_space<vmem>>
        %dma_start3A_257 = arith.constant 0 : i32
        %dma_start3A_258 = arith.constant 0 : i32
        %dma_start3A_259 = tpu.memref_slice %arg13[%dma_start3A_257, %dma_start3A_258] : memref<10240x128xf32, #tpu.memory_space<vmem_shared>> -> memref<10240x128xf32, #tpu.memory_space<vmem_shared>>
        tpu.enqueue_indirect_dma source(%arg11 : memref<64x128xf32, #tpu.memory_space<vmem>>) target(%dma_start3A_259 : memref<10240x128xf32, #tpu.memory_space<vmem_shared>>) offsets(%dma_start3A_256 : memref<64xi32, #tpu.memory_space<vmem>>) semaphore(%run_scoped3A_253 : memref<!tpu.dma_semaphore, #tpu.memory_space<semaphore_mem>>) {add = true}
        %dma_wait3A_260 = arith.constant 0 : i32
        %dma_wait3A_261 = tpu.memref_slice %arg8[%run_scoped3A_78, %dma_wait3A_260] : memref<16x64xi32, #tpu.memory_space<vmem>> -> memref<1x64xi32, #tpu.memory_space<vmem>>
        %dma_wait3A_262 = tpu.memref_squeeze %dma_wait3A_261 : memref<1x64xi32, #tpu.memory_space<vmem>> -> memref<64xi32, #tpu.memory_space<vmem>>
        %dma_wait3A_263 = arith.constant 0 : i32
        %dma_wait3A_264 = arith.constant 0 : i32
        %dma_wait3A_265 = tpu.memref_slice %arg13[%dma_wait3A_263, %dma_wait3A_264] : memref<10240x128xf32, #tpu.memory_space<vmem_shared>> -> memref<10240x128xf32, #tpu.memory_space<vmem_shared>>
        tpu.wait_indirect_dma semaphore(%run_scoped3A_253 : memref<!tpu.dma_semaphore, #tpu.memory_space<semaphore_mem>>) src(%arg11 : memref<64x128xf32, #tpu.memory_space<vmem>>) dst(%dma_wait3A_265 : memref<10240x128xf32, #tpu.memory_space<vmem_shared>>)
        tpu.yield
      }) : () -> ()
      %dma_start3A_79 = arith.constant 6 : i32
      %dma_start3A_80 = arith.constant 0 : i32
      %dma_start3A_81 = tpu.memref_slice %arg7[%dma_start3A_79, %dma_start3A_80] : memref<16x64xi32, #tpu.memory_space<vmem>> -> memref<1x64xi32, #tpu.memory_space<vmem>>
      %dma_start3A_82 = tpu.memref_squeeze %dma_start3A_81 : memref<1x64xi32, #tpu.memory_space<vmem>> -> memref<64xi32, #tpu.memory_space<vmem>>
      %dma_start3A_83 = arith.constant 0 : i32
      %dma_start3A_84 = arith.constant 0 : i32
      %dma_start3A_85 = tpu.memref_slice %arg2[%dma_start3A_83, %dma_start3A_84] : memref<10000x128xf32, #tpu.memory_space<hbm>> -> memref<10000x128xf32, #tpu.memory_space<hbm>>
      tpu.enqueue_indirect_dma source(%dma_start3A_85 : memref<10000x128xf32, #tpu.memory_space<hbm>>) target(%arg11 : memref<64x128xf32, #tpu.memory_space<vmem>>) offsets(%dma_start3A_82 : memref<64xi32, #tpu.memory_space<vmem>>) semaphore(%arg14 : memref<!tpu.dma_semaphore, #tpu.memory_space<semaphore_mem>>)
      %dma_wait3A_86 = arith.constant 3 : i32
      %dma_wait3A_87 = arith.constant 0 : i32
      %dma_wait3A_88 = tpu.memref_slice %arg7[%dma_wait3A_86, %dma_wait3A_87] : memref<16x64xi32, #tpu.memory_space<vmem>> -> memref<1x64xi32, #tpu.memory_space<vmem>>
      %dma_wait3A_89 = tpu.memref_squeeze %dma_wait3A_88 : memref<1x64xi32, #tpu.memory_space<vmem>> -> memref<64xi32, #tpu.memory_space<vmem>>
      %dma_wait3A_90 = arith.constant 0 : i32
      %dma_wait3A_91 = arith.constant 0 : i32
      %dma_wait3A_92 = tpu.memref_slice %arg2[%dma_wait3A_90, %dma_wait3A_91] : memref<10000x128xf32, #tpu.memory_space<hbm>> -> memref<10000x128xf32, #tpu.memory_space<hbm>>
      tpu.wait_indirect_dma semaphore(%arg14 : memref<!tpu.dma_semaphore, #tpu.memory_space<semaphore_mem>>) src(%dma_wait3A_92 : memref<10000x128xf32, #tpu.memory_space<hbm>>) dst(%arg12 : memref<64x128xf32, #tpu.memory_space<vmem>>)
      %run_scoped3A_93 = arith.constant 3 : i32
      "tpu.region"() ({
        %run_scoped3A_253 = tpu.sem_alloc : memref<!tpu.dma_semaphore, #tpu.memory_space<semaphore_mem>>
        %dma_start3A_254 = arith.constant 0 : i32
        %dma_start3A_255 = tpu.memref_slice %arg8[%run_scoped3A_93, %dma_start3A_254] : memref<16x64xi32, #tpu.memory_space<vmem>> -> memref<1x64xi32, #tpu.memory_space<vmem>>
        %dma_start3A_256 = tpu.memref_squeeze %dma_start3A_255 : memref<1x64xi32, #tpu.memory_space<vmem>> -> memref<64xi32, #tpu.memory_space<vmem>>
        %dma_start3A_257 = arith.constant 0 : i32
        %dma_start3A_258 = arith.constant 0 : i32
        %dma_start3A_259 = tpu.memref_slice %arg13[%dma_start3A_257, %dma_start3A_258] : memref<10240x128xf32, #tpu.memory_space<vmem_shared>> -> memref<10240x128xf32, #tpu.memory_space<vmem_shared>>
        tpu.enqueue_indirect_dma source(%arg12 : memref<64x128xf32, #tpu.memory_space<vmem>>) target(%dma_start3A_259 : memref<10240x128xf32, #tpu.memory_space<vmem_shared>>) offsets(%dma_start3A_256 : memref<64xi32, #tpu.memory_space<vmem>>) semaphore(%run_scoped3A_253 : memref<!tpu.dma_semaphore, #tpu.memory_space<semaphore_mem>>) {add = true}
        %dma_wait3A_260 = arith.constant 0 : i32
        %dma_wait3A_261 = tpu.memref_slice %arg8[%run_scoped3A_93, %dma_wait3A_260] : memref<16x64xi32, #tpu.memory_space<vmem>> -> memref<1x64xi32, #tpu.memory_space<vmem>>
        %dma_wait3A_262 = tpu.memref_squeeze %dma_wait3A_261 : memref<1x64xi32, #tpu.memory_space<vmem>> -> memref<64xi32, #tpu.memory_space<vmem>>
        %dma_wait3A_263 = arith.constant 0 : i32
        %dma_wait3A_264 = arith.constant 0 : i32
        %dma_wait3A_265 = tpu.memref_slice %arg13[%dma_wait3A_263, %dma_wait3A_264] : memref<10240x128xf32, #tpu.memory_space<vmem_shared>> -> memref<10240x128xf32, #tpu.memory_space<vmem_shared>>
        tpu.wait_indirect_dma semaphore(%run_scoped3A_253 : memref<!tpu.dma_semaphore, #tpu.memory_space<semaphore_mem>>) src(%arg12 : memref<64x128xf32, #tpu.memory_space<vmem>>) dst(%dma_wait3A_265 : memref<10240x128xf32, #tpu.memory_space<vmem_shared>>)
        tpu.yield
      }) : () -> ()
      %dma_start3A_94 = arith.constant 7 : i32
      %dma_start3A_95 = arith.constant 0 : i32
      %dma_start3A_96 = tpu.memref_slice %arg7[%dma_start3A_94, %dma_start3A_95] : memref<16x64xi32, #tpu.memory_space<vmem>> -> memref<1x64xi32, #tpu.memory_space<vmem>>
      %dma_start3A_97 = tpu.memref_squeeze %dma_start3A_96 : memref<1x64xi32, #tpu.memory_space<vmem>> -> memref<64xi32, #tpu.memory_space<vmem>>
      %dma_start3A_98 = arith.constant 0 : i32
      %dma_start3A_99 = arith.constant 0 : i32
      %dma_start3A_100 = tpu.memref_slice %arg2[%dma_start3A_98, %dma_start3A_99] : memref<10000x128xf32, #tpu.memory_space<hbm>> -> memref<10000x128xf32, #tpu.memory_space<hbm>>
      tpu.enqueue_indirect_dma source(%dma_start3A_100 : memref<10000x128xf32, #tpu.memory_space<hbm>>) target(%arg12 : memref<64x128xf32, #tpu.memory_space<vmem>>) offsets(%dma_start3A_97 : memref<64xi32, #tpu.memory_space<vmem>>) semaphore(%arg14 : memref<!tpu.dma_semaphore, #tpu.memory_space<semaphore_mem>>)
      %dma_wait3A_101 = arith.constant 4 : i32
      %dma_wait3A_102 = arith.constant 0 : i32
      %dma_wait3A_103 = tpu.memref_slice %arg7[%dma_wait3A_101, %dma_wait3A_102] : memref<16x64xi32, #tpu.memory_space<vmem>> -> memref<1x64xi32, #tpu.memory_space<vmem>>
      %dma_wait3A_104 = tpu.memref_squeeze %dma_wait3A_103 : memref<1x64xi32, #tpu.memory_space<vmem>> -> memref<64xi32, #tpu.memory_space<vmem>>
      %dma_wait3A_105 = arith.constant 0 : i32
      %dma_wait3A_106 = arith.constant 0 : i32
      %dma_wait3A_107 = tpu.memref_slice %arg2[%dma_wait3A_105, %dma_wait3A_106] : memref<10000x128xf32, #tpu.memory_space<hbm>> -> memref<10000x128xf32, #tpu.memory_space<hbm>>
      tpu.wait_indirect_dma semaphore(%arg14 : memref<!tpu.dma_semaphore, #tpu.memory_space<semaphore_mem>>) src(%dma_wait3A_107 : memref<10000x128xf32, #tpu.memory_space<hbm>>) dst(%arg9 : memref<64x128xf32, #tpu.memory_space<vmem>>)
      %run_scoped3A_108 = arith.constant 4 : i32
      "tpu.region"() ({
        %run_scoped3A_253 = tpu.sem_alloc : memref<!tpu.dma_semaphore, #tpu.memory_space<semaphore_mem>>
        %dma_start3A_254 = arith.constant 0 : i32
        %dma_start3A_255 = tpu.memref_slice %arg8[%run_scoped3A_108, %dma_start3A_254] : memref<16x64xi32, #tpu.memory_space<vmem>> -> memref<1x64xi32, #tpu.memory_space<vmem>>
        %dma_start3A_256 = tpu.memref_squeeze %dma_start3A_255 : memref<1x64xi32, #tpu.memory_space<vmem>> -> memref<64xi32, #tpu.memory_space<vmem>>
        %dma_start3A_257 = arith.constant 0 : i32
        %dma_start3A_258 = arith.constant 0 : i32
        %dma_start3A_259 = tpu.memref_slice %arg13[%dma_start3A_257, %dma_start3A_258] : memref<10240x128xf32, #tpu.memory_space<vmem_shared>> -> memref<10240x128xf32, #tpu.memory_space<vmem_shared>>
        tpu.enqueue_indirect_dma source(%arg9 : memref<64x128xf32, #tpu.memory_space<vmem>>) target(%dma_start3A_259 : memref<10240x128xf32, #tpu.memory_space<vmem_shared>>) offsets(%dma_start3A_256 : memref<64xi32, #tpu.memory_space<vmem>>) semaphore(%run_scoped3A_253 : memref<!tpu.dma_semaphore, #tpu.memory_space<semaphore_mem>>) {add = true}
        %dma_wait3A_260 = arith.constant 0 : i32
        %dma_wait3A_261 = tpu.memref_slice %arg8[%run_scoped3A_108, %dma_wait3A_260] : memref<16x64xi32, #tpu.memory_space<vmem>> -> memref<1x64xi32, #tpu.memory_space<vmem>>
        %dma_wait3A_262 = tpu.memref_squeeze %dma_wait3A_261 : memref<1x64xi32, #tpu.memory_space<vmem>> -> memref<64xi32, #tpu.memory_space<vmem>>
        %dma_wait3A_263 = arith.constant 0 : i32
        %dma_wait3A_264 = arith.constant 0 : i32
        %dma_wait3A_265 = tpu.memref_slice %arg13[%dma_wait3A_263, %dma_wait3A_264] : memref<10240x128xf32, #tpu.memory_space<vmem_shared>> -> memref<10240x128xf32, #tpu.memory_space<vmem_shared>>
        tpu.wait_indirect_dma semaphore(%run_scoped3A_253 : memref<!tpu.dma_semaphore, #tpu.memory_space<semaphore_mem>>) src(%arg9 : memref<64x128xf32, #tpu.memory_space<vmem>>) dst(%dma_wait3A_265 : memref<10240x128xf32, #tpu.memory_space<vmem_shared>>)
        tpu.yield
      }) : () -> ()
      %dma_start3A_109 = arith.constant 8 : i32
      %dma_start3A_110 = arith.constant 0 : i32
      %dma_start3A_111 = tpu.memref_slice %arg7[%dma_start3A_109, %dma_start3A_110] : memref<16x64xi32, #tpu.memory_space<vmem>> -> memref<1x64xi32, #tpu.memory_space<vmem>>
      %dma_start3A_112 = tpu.memref_squeeze %dma_start3A_111 : memref<1x64xi32, #tpu.memory_space<vmem>> -> memref<64xi32, #tpu.memory_space<vmem>>
      %dma_start3A_113 = arith.constant 0 : i32
      %dma_start3A_114 = arith.constant 0 : i32
      %dma_start3A_115 = tpu.memref_slice %arg2[%dma_start3A_113, %dma_start3A_114] : memref<10000x128xf32, #tpu.memory_space<hbm>> -> memref<10000x128xf32, #tpu.memory_space<hbm>>
      tpu.enqueue_indirect_dma source(%dma_start3A_115 : memref<10000x128xf32, #tpu.memory_space<hbm>>) target(%arg9 : memref<64x128xf32, #tpu.memory_space<vmem>>) offsets(%dma_start3A_112 : memref<64xi32, #tpu.memory_space<vmem>>) semaphore(%arg14 : memref<!tpu.dma_semaphore, #tpu.memory_space<semaphore_mem>>)
      %dma_wait3A_116 = arith.constant 5 : i32
      %dma_wait3A_117 = arith.constant 0 : i32
      %dma_wait3A_118 = tpu.memref_slice %arg7[%dma_wait3A_116, %dma_wait3A_117] : memref<16x64xi32, #tpu.memory_space<vmem>> -> memref<1x64xi32, #tpu.memory_space<vmem>>
      %dma_wait3A_119 = tpu.memref_squeeze %dma_wait3A_118 : memref<1x64xi32, #tpu.memory_space<vmem>> -> memref<64xi32, #tpu.memory_space<vmem>>
      %dma_wait3A_120 = arith.constant 0 : i32
      %dma_wait3A_121 = arith.constant 0 : i32
      %dma_wait3A_122 = tpu.memref_slice %arg2[%dma_wait3A_120, %dma_wait3A_121] : memref<10000x128xf32, #tpu.memory_space<hbm>> -> memref<10000x128xf32, #tpu.memory_space<hbm>>
      tpu.wait_indirect_dma semaphore(%arg14 : memref<!tpu.dma_semaphore, #tpu.memory_space<semaphore_mem>>) src(%dma_wait3A_122 : memref<10000x128xf32, #tpu.memory_space<hbm>>) dst(%arg10 : memref<64x128xf32, #tpu.memory_space<vmem>>)
      %run_scoped3A_123 = arith.constant 5 : i32
      "tpu.region"() ({
        %run_scoped3A_253 = tpu.sem_alloc : memref<!tpu.dma_semaphore, #tpu.memory_space<semaphore_mem>>
        %dma_start3A_254 = arith.constant 0 : i32
        %dma_start3A_255 = tpu.memref_slice %arg8[%run_scoped3A_123, %dma_start3A_254] : memref<16x64xi32, #tpu.memory_space<vmem>> -> memref<1x64xi32, #tpu.memory_space<vmem>>
        %dma_start3A_256 = tpu.memref_squeeze %dma_start3A_255 : memref<1x64xi32, #tpu.memory_space<vmem>> -> memref<64xi32, #tpu.memory_space<vmem>>
        %dma_start3A_257 = arith.constant 0 : i32
        %dma_start3A_258 = arith.constant 0 : i32
        %dma_start3A_259 = tpu.memref_slice %arg13[%dma_start3A_257, %dma_start3A_258] : memref<10240x128xf32, #tpu.memory_space<vmem_shared>> -> memref<10240x128xf32, #tpu.memory_space<vmem_shared>>
        tpu.enqueue_indirect_dma source(%arg10 : memref<64x128xf32, #tpu.memory_space<vmem>>) target(%dma_start3A_259 : memref<10240x128xf32, #tpu.memory_space<vmem_shared>>) offsets(%dma_start3A_256 : memref<64xi32, #tpu.memory_space<vmem>>) semaphore(%run_scoped3A_253 : memref<!tpu.dma_semaphore, #tpu.memory_space<semaphore_mem>>) {add = true}
        %dma_wait3A_260 = arith.constant 0 : i32
        %dma_wait3A_261 = tpu.memref_slice %arg8[%run_scoped3A_123, %dma_wait3A_260] : memref<16x64xi32, #tpu.memory_space<vmem>> -> memref<1x64xi32, #tpu.memory_space<vmem>>
        %dma_wait3A_262 = tpu.memref_squeeze %dma_wait3A_261 : memref<1x64xi32, #tpu.memory_space<vmem>> -> memref<64xi32, #tpu.memory_space<vmem>>
        %dma_wait3A_263 = arith.constant 0 : i32
        %dma_wait3A_264 = arith.constant 0 : i32
        %dma_wait3A_265 = tpu.memref_slice %arg13[%dma_wait3A_263, %dma_wait3A_264] : memref<10240x128xf32, #tpu.memory_space<vmem_shared>> -> memref<10240x128xf32, #tpu.memory_space<vmem_shared>>
        tpu.wait_indirect_dma semaphore(%run_scoped3A_253 : memref<!tpu.dma_semaphore, #tpu.memory_space<semaphore_mem>>) src(%arg10 : memref<64x128xf32, #tpu.memory_space<vmem>>) dst(%dma_wait3A_265 : memref<10240x128xf32, #tpu.memory_space<vmem_shared>>)
        tpu.yield
      }) : () -> ()
      %dma_start3A_124 = arith.constant 9 : i32
      %dma_start3A_125 = arith.constant 0 : i32
      %dma_start3A_126 = tpu.memref_slice %arg7[%dma_start3A_124, %dma_start3A_125] : memref<16x64xi32, #tpu.memory_space<vmem>> -> memref<1x64xi32, #tpu.memory_space<vmem>>
      %dma_start3A_127 = tpu.memref_squeeze %dma_start3A_126 : memref<1x64xi32, #tpu.memory_space<vmem>> -> memref<64xi32, #tpu.memory_space<vmem>>
      %dma_start3A_128 = arith.constant 0 : i32
      %dma_start3A_129 = arith.constant 0 : i32
      %dma_start3A_130 = tpu.memref_slice %arg2[%dma_start3A_128, %dma_start3A_129] : memref<10000x128xf32, #tpu.memory_space<hbm>> -> memref<10000x128xf32, #tpu.memory_space<hbm>>
      tpu.enqueue_indirect_dma source(%dma_start3A_130 : memref<10000x128xf32, #tpu.memory_space<hbm>>) target(%arg10 : memref<64x128xf32, #tpu.memory_space<vmem>>) offsets(%dma_start3A_127 : memref<64xi32, #tpu.memory_space<vmem>>) semaphore(%arg14 : memref<!tpu.dma_semaphore, #tpu.memory_space<semaphore_mem>>)
      %dma_wait3A_131 = arith.constant 6 : i32
      %dma_wait3A_132 = arith.constant 0 : i32
      %dma_wait3A_133 = tpu.memref_slice %arg7[%dma_wait3A_131, %dma_wait3A_132] : memref<16x64xi32, #tpu.memory_space<vmem>> -> memref<1x64xi32, #tpu.memory_space<vmem>>
      %dma_wait3A_134 = tpu.memref_squeeze %dma_wait3A_133 : memref<1x64xi32, #tpu.memory_space<vmem>> -> memref<64xi32, #tpu.memory_space<vmem>>
      %dma_wait3A_135 = arith.constant 0 : i32
      %dma_wait3A_136 = arith.constant 0 : i32
      %dma_wait3A_137 = tpu.memref_slice %arg2[%dma_wait3A_135, %dma_wait3A_136] : memref<10000x128xf32, #tpu.memory_space<hbm>> -> memref<10000x128xf32, #tpu.memory_space<hbm>>
      tpu.wait_indirect_dma semaphore(%arg14 : memref<!tpu.dma_semaphore, #tpu.memory_space<semaphore_mem>>) src(%dma_wait3A_137 : memref<10000x128xf32, #tpu.memory_space<hbm>>) dst(%arg11 : memref<64x128xf32, #tpu.memory_space<vmem>>)
      %run_scoped3A_138 = arith.constant 6 : i32
      "tpu.region"() ({
        %run_scoped3A_253 = tpu.sem_alloc : memref<!tpu.dma_semaphore, #tpu.memory_space<semaphore_mem>>
        %dma_start3A_254 = arith.constant 0 : i32
        %dma_start3A_255 = tpu.memref_slice %arg8[%run_scoped3A_138, %dma_start3A_254] : memref<16x64xi32, #tpu.memory_space<vmem>> -> memref<1x64xi32, #tpu.memory_space<vmem>>
        %dma_start3A_256 = tpu.memref_squeeze %dma_start3A_255 : memref<1x64xi32, #tpu.memory_space<vmem>> -> memref<64xi32, #tpu.memory_space<vmem>>
        %dma_start3A_257 = arith.constant 0 : i32
        %dma_start3A_258 = arith.constant 0 : i32
        %dma_start3A_259 = tpu.memref_slice %arg13[%dma_start3A_257, %dma_start3A_258] : memref<10240x128xf32, #tpu.memory_space<vmem_shared>> -> memref<10240x128xf32, #tpu.memory_space<vmem_shared>>
        tpu.enqueue_indirect_dma source(%arg11 : memref<64x128xf32, #tpu.memory_space<vmem>>) target(%dma_start3A_259 : memref<10240x128xf32, #tpu.memory_space<vmem_shared>>) offsets(%dma_start3A_256 : memref<64xi32, #tpu.memory_space<vmem>>) semaphore(%run_scoped3A_253 : memref<!tpu.dma_semaphore, #tpu.memory_space<semaphore_mem>>) {add = true}
        %dma_wait3A_260 = arith.constant 0 : i32
        %dma_wait3A_261 = tpu.memref_slice %arg8[%run_scoped3A_138, %dma_wait3A_260] : memref<16x64xi32, #tpu.memory_space<vmem>> -> memref<1x64xi32, #tpu.memory_space<vmem>>
        %dma_wait3A_262 = tpu.memref_squeeze %dma_wait3A_261 : memref<1x64xi32, #tpu.memory_space<vmem>> -> memref<64xi32, #tpu.memory_space<vmem>>
        %dma_wait3A_263 = arith.constant 0 : i32
        %dma_wait3A_264 = arith.constant 0 : i32
        %dma_wait3A_265 = tpu.memref_slice %arg13[%dma_wait3A_263, %dma_wait3A_264] : memref<10240x128xf32, #tpu.memory_space<vmem_shared>> -> memref<10240x128xf32, #tpu.memory_space<vmem_shared>>
        tpu.wait_indirect_dma semaphore(%run_scoped3A_253 : memref<!tpu.dma_semaphore, #tpu.memory_space<semaphore_mem>>) src(%arg11 : memref<64x128xf32, #tpu.memory_space<vmem>>) dst(%dma_wait3A_265 : memref<10240x128xf32, #tpu.memory_space<vmem_shared>>)
        tpu.yield
      }) : () -> ()
      %dma_start3A_139 = arith.constant 10 : i32
      %dma_start3A_140 = arith.constant 0 : i32
      %dma_start3A_141 = tpu.memref_slice %arg7[%dma_start3A_139, %dma_start3A_140] : memref<16x64xi32, #tpu.memory_space<vmem>> -> memref<1x64xi32, #tpu.memory_space<vmem>>
      %dma_start3A_142 = tpu.memref_squeeze %dma_start3A_141 : memref<1x64xi32, #tpu.memory_space<vmem>> -> memref<64xi32, #tpu.memory_space<vmem>>
      %dma_start3A_143 = arith.constant 0 : i32
      %dma_start3A_144 = arith.constant 0 : i32
      %dma_start3A_145 = tpu.memref_slice %arg2[%dma_start3A_143, %dma_start3A_144] : memref<10000x128xf32, #tpu.memory_space<hbm>> -> memref<10000x128xf32, #tpu.memory_space<hbm>>
      tpu.enqueue_indirect_dma source(%dma_start3A_145 : memref<10000x128xf32, #tpu.memory_space<hbm>>) target(%arg11 : memref<64x128xf32, #tpu.memory_space<vmem>>) offsets(%dma_start3A_142 : memref<64xi32, #tpu.memory_space<vmem>>) semaphore(%arg14 : memref<!tpu.dma_semaphore, #tpu.memory_space<semaphore_mem>>)
      %dma_wait3A_146 = arith.constant 7 : i32
      %dma_wait3A_147 = arith.constant 0 : i32
      %dma_wait3A_148 = tpu.memref_slice %arg7[%dma_wait3A_146, %dma_wait3A_147] : memref<16x64xi32, #tpu.memory_space<vmem>> -> memref<1x64xi32, #tpu.memory_space<vmem>>
      %dma_wait3A_149 = tpu.memref_squeeze %dma_wait3A_148 : memref<1x64xi32, #tpu.memory_space<vmem>> -> memref<64xi32, #tpu.memory_space<vmem>>
      %dma_wait3A_150 = arith.constant 0 : i32
      %dma_wait3A_151 = arith.constant 0 : i32
      %dma_wait3A_152 = tpu.memref_slice %arg2[%dma_wait3A_150, %dma_wait3A_151] : memref<10000x128xf32, #tpu.memory_space<hbm>> -> memref<10000x128xf32, #tpu.memory_space<hbm>>
      tpu.wait_indirect_dma semaphore(%arg14 : memref<!tpu.dma_semaphore, #tpu.memory_space<semaphore_mem>>) src(%dma_wait3A_152 : memref<10000x128xf32, #tpu.memory_space<hbm>>) dst(%arg12 : memref<64x128xf32, #tpu.memory_space<vmem>>)
      %run_scoped3A_153 = arith.constant 7 : i32
      "tpu.region"() ({
        %run_scoped3A_253 = tpu.sem_alloc : memref<!tpu.dma_semaphore, #tpu.memory_space<semaphore_mem>>
        %dma_start3A_254 = arith.constant 0 : i32
        %dma_start3A_255 = tpu.memref_slice %arg8[%run_scoped3A_153, %dma_start3A_254] : memref<16x64xi32, #tpu.memory_space<vmem>> -> memref<1x64xi32, #tpu.memory_space<vmem>>
        %dma_start3A_256 = tpu.memref_squeeze %dma_start3A_255 : memref<1x64xi32, #tpu.memory_space<vmem>> -> memref<64xi32, #tpu.memory_space<vmem>>
        %dma_start3A_257 = arith.constant 0 : i32
        %dma_start3A_258 = arith.constant 0 : i32
        %dma_start3A_259 = tpu.memref_slice %arg13[%dma_start3A_257, %dma_start3A_258] : memref<10240x128xf32, #tpu.memory_space<vmem_shared>> -> memref<10240x128xf32, #tpu.memory_space<vmem_shared>>
        tpu.enqueue_indirect_dma source(%arg12 : memref<64x128xf32, #tpu.memory_space<vmem>>) target(%dma_start3A_259 : memref<10240x128xf32, #tpu.memory_space<vmem_shared>>) offsets(%dma_start3A_256 : memref<64xi32, #tpu.memory_space<vmem>>) semaphore(%run_scoped3A_253 : memref<!tpu.dma_semaphore, #tpu.memory_space<semaphore_mem>>) {add = true}
        %dma_wait3A_260 = arith.constant 0 : i32
        %dma_wait3A_261 = tpu.memref_slice %arg8[%run_scoped3A_153, %dma_wait3A_260] : memref<16x64xi32, #tpu.memory_space<vmem>> -> memref<1x64xi32, #tpu.memory_space<vmem>>
        %dma_wait3A_262 = tpu.memref_squeeze %dma_wait3A_261 : memref<1x64xi32, #tpu.memory_space<vmem>> -> memref<64xi32, #tpu.memory_space<vmem>>
        %dma_wait3A_263 = arith.constant 0 : i32
        %dma_wait3A_264 = arith.constant 0 : i32
        %dma_wait3A_265 = tpu.memref_slice %arg13[%dma_wait3A_263, %dma_wait3A_264] : memref<10240x128xf32, #tpu.memory_space<vmem_shared>> -> memref<10240x128xf32, #tpu.memory_space<vmem_shared>>
        tpu.wait_indirect_dma semaphore(%run_scoped3A_253 : memref<!tpu.dma_semaphore, #tpu.memory_space<semaphore_mem>>) src(%arg12 : memref<64x128xf32, #tpu.memory_space<vmem>>) dst(%dma_wait3A_265 : memref<10240x128xf32, #tpu.memory_space<vmem_shared>>)
        tpu.yield
      }) : () -> ()
      %dma_start3A_154 = arith.constant 11 : i32
      %dma_start3A_155 = arith.constant 0 : i32
      %dma_start3A_156 = tpu.memref_slice %arg7[%dma_start3A_154, %dma_start3A_155] : memref<16x64xi32, #tpu.memory_space<vmem>> -> memref<1x64xi32, #tpu.memory_space<vmem>>
      %dma_start3A_157 = tpu.memref_squeeze %dma_start3A_156 : memref<1x64xi32, #tpu.memory_space<vmem>> -> memref<64xi32, #tpu.memory_space<vmem>>
      %dma_start3A_158 = arith.constant 0 : i32
      %dma_start3A_159 = arith.constant 0 : i32
      %dma_start3A_160 = tpu.memref_slice %arg2[%dma_start3A_158, %dma_start3A_159] : memref<10000x128xf32, #tpu.memory_space<hbm>> -> memref<10000x128xf32, #tpu.memory_space<hbm>>
      tpu.enqueue_indirect_dma source(%dma_start3A_160 : memref<10000x128xf32, #tpu.memory_space<hbm>>) target(%arg12 : memref<64x128xf32, #tpu.memory_space<vmem>>) offsets(%dma_start3A_157 : memref<64xi32, #tpu.memory_space<vmem>>) semaphore(%arg14 : memref<!tpu.dma_semaphore, #tpu.memory_space<semaphore_mem>>)
      %dma_wait3A_161 = arith.constant 8 : i32
      %dma_wait3A_162 = arith.constant 0 : i32
      %dma_wait3A_163 = tpu.memref_slice %arg7[%dma_wait3A_161, %dma_wait3A_162] : memref<16x64xi32, #tpu.memory_space<vmem>> -> memref<1x64xi32, #tpu.memory_space<vmem>>
      %dma_wait3A_164 = tpu.memref_squeeze %dma_wait3A_163 : memref<1x64xi32, #tpu.memory_space<vmem>> -> memref<64xi32, #tpu.memory_space<vmem>>
      %dma_wait3A_165 = arith.constant 0 : i32
      %dma_wait3A_166 = arith.constant 0 : i32
      %dma_wait3A_167 = tpu.memref_slice %arg2[%dma_wait3A_165, %dma_wait3A_166] : memref<10000x128xf32, #tpu.memory_space<hbm>> -> memref<10000x128xf32, #tpu.memory_space<hbm>>
      tpu.wait_indirect_dma semaphore(%arg14 : memref<!tpu.dma_semaphore, #tpu.memory_space<semaphore_mem>>) src(%dma_wait3A_167 : memref<10000x128xf32, #tpu.memory_space<hbm>>) dst(%arg9 : memref<64x128xf32, #tpu.memory_space<vmem>>)
      %run_scoped3A_168 = arith.constant 8 : i32
      "tpu.region"() ({
        %run_scoped3A_253 = tpu.sem_alloc : memref<!tpu.dma_semaphore, #tpu.memory_space<semaphore_mem>>
        %dma_start3A_254 = arith.constant 0 : i32
        %dma_start3A_255 = tpu.memref_slice %arg8[%run_scoped3A_168, %dma_start3A_254] : memref<16x64xi32, #tpu.memory_space<vmem>> -> memref<1x64xi32, #tpu.memory_space<vmem>>
        %dma_start3A_256 = tpu.memref_squeeze %dma_start3A_255 : memref<1x64xi32, #tpu.memory_space<vmem>> -> memref<64xi32, #tpu.memory_space<vmem>>
        %dma_start3A_257 = arith.constant 0 : i32
        %dma_start3A_258 = arith.constant 0 : i32
        %dma_start3A_259 = tpu.memref_slice %arg13[%dma_start3A_257, %dma_start3A_258] : memref<10240x128xf32, #tpu.memory_space<vmem_shared>> -> memref<10240x128xf32, #tpu.memory_space<vmem_shared>>
        tpu.enqueue_indirect_dma source(%arg9 : memref<64x128xf32, #tpu.memory_space<vmem>>) target(%dma_start3A_259 : memref<10240x128xf32, #tpu.memory_space<vmem_shared>>) offsets(%dma_start3A_256 : memref<64xi32, #tpu.memory_space<vmem>>) semaphore(%run_scoped3A_253 : memref<!tpu.dma_semaphore, #tpu.memory_space<semaphore_mem>>) {add = true}
        %dma_wait3A_260 = arith.constant 0 : i32
        %dma_wait3A_261 = tpu.memref_slice %arg8[%run_scoped3A_168, %dma_wait3A_260] : memref<16x64xi32, #tpu.memory_space<vmem>> -> memref<1x64xi32, #tpu.memory_space<vmem>>
        %dma_wait3A_262 = tpu.memref_squeeze %dma_wait3A_261 : memref<1x64xi32, #tpu.memory_space<vmem>> -> memref<64xi32, #tpu.memory_space<vmem>>
        %dma_wait3A_263 = arith.constant 0 : i32
        %dma_wait3A_264 = arith.constant 0 : i32
        %dma_wait3A_265 = tpu.memref_slice %arg13[%dma_wait3A_263, %dma_wait3A_264] : memref<10240x128xf32, #tpu.memory_space<vmem_shared>> -> memref<10240x128xf32, #tpu.memory_space<vmem_shared>>
        tpu.wait_indirect_dma semaphore(%run_scoped3A_253 : memref<!tpu.dma_semaphore, #tpu.memory_space<semaphore_mem>>) src(%arg9 : memref<64x128xf32, #tpu.memory_space<vmem>>) dst(%dma_wait3A_265 : memref<10240x128xf32, #tpu.memory_space<vmem_shared>>)
        tpu.yield
      }) : () -> ()
      %dma_start3A_169 = arith.constant 12 : i32
      %dma_start3A_170 = arith.constant 0 : i32
      %dma_start3A_171 = tpu.memref_slice %arg7[%dma_start3A_169, %dma_start3A_170] : memref<16x64xi32, #tpu.memory_space<vmem>> -> memref<1x64xi32, #tpu.memory_space<vmem>>
      %dma_start3A_172 = tpu.memref_squeeze %dma_start3A_171 : memref<1x64xi32, #tpu.memory_space<vmem>> -> memref<64xi32, #tpu.memory_space<vmem>>
      %dma_start3A_173 = arith.constant 0 : i32
      %dma_start3A_174 = arith.constant 0 : i32
      %dma_start3A_175 = tpu.memref_slice %arg2[%dma_start3A_173, %dma_start3A_174] : memref<10000x128xf32, #tpu.memory_space<hbm>> -> memref<10000x128xf32, #tpu.memory_space<hbm>>
      tpu.enqueue_indirect_dma source(%dma_start3A_175 : memref<10000x128xf32, #tpu.memory_space<hbm>>) target(%arg9 : memref<64x128xf32, #tpu.memory_space<vmem>>) offsets(%dma_start3A_172 : memref<64xi32, #tpu.memory_space<vmem>>) semaphore(%arg14 : memref<!tpu.dma_semaphore, #tpu.memory_space<semaphore_mem>>)
      %dma_wait3A_176 = arith.constant 9 : i32
      %dma_wait3A_177 = arith.constant 0 : i32
      %dma_wait3A_178 = tpu.memref_slice %arg7[%dma_wait3A_176, %dma_wait3A_177] : memref<16x64xi32, #tpu.memory_space<vmem>> -> memref<1x64xi32, #tpu.memory_space<vmem>>
      %dma_wait3A_179 = tpu.memref_squeeze %dma_wait3A_178 : memref<1x64xi32, #tpu.memory_space<vmem>> -> memref<64xi32, #tpu.memory_space<vmem>>
      %dma_wait3A_180 = arith.constant 0 : i32
      %dma_wait3A_181 = arith.constant 0 : i32
      %dma_wait3A_182 = tpu.memref_slice %arg2[%dma_wait3A_180, %dma_wait3A_181] : memref<10000x128xf32, #tpu.memory_space<hbm>> -> memref<10000x128xf32, #tpu.memory_space<hbm>>
      tpu.wait_indirect_dma semaphore(%arg14 : memref<!tpu.dma_semaphore, #tpu.memory_space<semaphore_mem>>) src(%dma_wait3A_182 : memref<10000x128xf32, #tpu.memory_space<hbm>>) dst(%arg10 : memref<64x128xf32, #tpu.memory_space<vmem>>)
      %run_scoped3A_183 = arith.constant 9 : i32
      "tpu.region"() ({
        %run_scoped3A_253 = tpu.sem_alloc : memref<!tpu.dma_semaphore, #tpu.memory_space<semaphore_mem>>
        %dma_start3A_254 = arith.constant 0 : i32
        %dma_start3A_255 = tpu.memref_slice %arg8[%run_scoped3A_183, %dma_start3A_254] : memref<16x64xi32, #tpu.memory_space<vmem>> -> memref<1x64xi32, #tpu.memory_space<vmem>>
        %dma_start3A_256 = tpu.memref_squeeze %dma_start3A_255 : memref<1x64xi32, #tpu.memory_space<vmem>> -> memref<64xi32, #tpu.memory_space<vmem>>
        %dma_start3A_257 = arith.constant 0 : i32
        %dma_start3A_258 = arith.constant 0 : i32
        %dma_start3A_259 = tpu.memref_slice %arg13[%dma_start3A_257, %dma_start3A_258] : memref<10240x128xf32, #tpu.memory_space<vmem_shared>> -> memref<10240x128xf32, #tpu.memory_space<vmem_shared>>
        tpu.enqueue_indirect_dma source(%arg10 : memref<64x128xf32, #tpu.memory_space<vmem>>) target(%dma_start3A_259 : memref<10240x128xf32, #tpu.memory_space<vmem_shared>>) offsets(%dma_start3A_256 : memref<64xi32, #tpu.memory_space<vmem>>) semaphore(%run_scoped3A_253 : memref<!tpu.dma_semaphore, #tpu.memory_space<semaphore_mem>>) {add = true}
        %dma_wait3A_260 = arith.constant 0 : i32
        %dma_wait3A_261 = tpu.memref_slice %arg8[%run_scoped3A_183, %dma_wait3A_260] : memref<16x64xi32, #tpu.memory_space<vmem>> -> memref<1x64xi32, #tpu.memory_space<vmem>>
        %dma_wait3A_262 = tpu.memref_squeeze %dma_wait3A_261 : memref<1x64xi32, #tpu.memory_space<vmem>> -> memref<64xi32, #tpu.memory_space<vmem>>
        %dma_wait3A_263 = arith.constant 0 : i32
        %dma_wait3A_264 = arith.constant 0 : i32
        %dma_wait3A_265 = tpu.memref_slice %arg13[%dma_wait3A_263, %dma_wait3A_264] : memref<10240x128xf32, #tpu.memory_space<vmem_shared>> -> memref<10240x128xf32, #tpu.memory_space<vmem_shared>>
        tpu.wait_indirect_dma semaphore(%run_scoped3A_253 : memref<!tpu.dma_semaphore, #tpu.memory_space<semaphore_mem>>) src(%arg10 : memref<64x128xf32, #tpu.memory_space<vmem>>) dst(%dma_wait3A_265 : memref<10240x128xf32, #tpu.memory_space<vmem_shared>>)
        tpu.yield
      }) : () -> ()
      %dma_start3A_184 = arith.constant 13 : i32
      %dma_start3A_185 = arith.constant 0 : i32
      %dma_start3A_186 = tpu.memref_slice %arg7[%dma_start3A_184, %dma_start3A_185] : memref<16x64xi32, #tpu.memory_space<vmem>> -> memref<1x64xi32, #tpu.memory_space<vmem>>
      %dma_start3A_187 = tpu.memref_squeeze %dma_start3A_186 : memref<1x64xi32, #tpu.memory_space<vmem>> -> memref<64xi32, #tpu.memory_space<vmem>>
      %dma_start3A_188 = arith.constant 0 : i32
      %dma_start3A_189 = arith.constant 0 : i32
      %dma_start3A_190 = tpu.memref_slice %arg2[%dma_start3A_188, %dma_start3A_189] : memref<10000x128xf32, #tpu.memory_space<hbm>> -> memref<10000x128xf32, #tpu.memory_space<hbm>>
      tpu.enqueue_indirect_dma source(%dma_start3A_190 : memref<10000x128xf32, #tpu.memory_space<hbm>>) target(%arg10 : memref<64x128xf32, #tpu.memory_space<vmem>>) offsets(%dma_start3A_187 : memref<64xi32, #tpu.memory_space<vmem>>) semaphore(%arg14 : memref<!tpu.dma_semaphore, #tpu.memory_space<semaphore_mem>>)
      %dma_wait3A_191 = arith.constant 10 : i32
      %dma_wait3A_192 = arith.constant 0 : i32
      %dma_wait3A_193 = tpu.memref_slice %arg7[%dma_wait3A_191, %dma_wait3A_192] : memref<16x64xi32, #tpu.memory_space<vmem>> -> memref<1x64xi32, #tpu.memory_space<vmem>>
      %dma_wait3A_194 = tpu.memref_squeeze %dma_wait3A_193 : memref<1x64xi32, #tpu.memory_space<vmem>> -> memref<64xi32, #tpu.memory_space<vmem>>
      %dma_wait3A_195 = arith.constant 0 : i32
      %dma_wait3A_196 = arith.constant 0 : i32
      %dma_wait3A_197 = tpu.memref_slice %arg2[%dma_wait3A_195, %dma_wait3A_196] : memref<10000x128xf32, #tpu.memory_space<hbm>> -> memref<10000x128xf32, #tpu.memory_space<hbm>>
      tpu.wait_indirect_dma semaphore(%arg14 : memref<!tpu.dma_semaphore, #tpu.memory_space<semaphore_mem>>) src(%dma_wait3A_197 : memref<10000x128xf32, #tpu.memory_space<hbm>>) dst(%arg11 : memref<64x128xf32, #tpu.memory_space<vmem>>)
      %run_scoped3A_198 = arith.constant 10 : i32
      "tpu.region"() ({
        %run_scoped3A_253 = tpu.sem_alloc : memref<!tpu.dma_semaphore, #tpu.memory_space<semaphore_mem>>
        %dma_start3A_254 = arith.constant 0 : i32
        %dma_start3A_255 = tpu.memref_slice %arg8[%run_scoped3A_198, %dma_start3A_254] : memref<16x64xi32, #tpu.memory_space<vmem>> -> memref<1x64xi32, #tpu.memory_space<vmem>>
        %dma_start3A_256 = tpu.memref_squeeze %dma_start3A_255 : memref<1x64xi32, #tpu.memory_space<vmem>> -> memref<64xi32, #tpu.memory_space<vmem>>
        %dma_start3A_257 = arith.constant 0 : i32
        %dma_start3A_258 = arith.constant 0 : i32
        %dma_start3A_259 = tpu.memref_slice %arg13[%dma_start3A_257, %dma_start3A_258] : memref<10240x128xf32, #tpu.memory_space<vmem_shared>> -> memref<10240x128xf32, #tpu.memory_space<vmem_shared>>
        tpu.enqueue_indirect_dma source(%arg11 : memref<64x128xf32, #tpu.memory_space<vmem>>) target(%dma_start3A_259 : memref<10240x128xf32, #tpu.memory_space<vmem_shared>>) offsets(%dma_start3A_256 : memref<64xi32, #tpu.memory_space<vmem>>) semaphore(%run_scoped3A_253 : memref<!tpu.dma_semaphore, #tpu.memory_space<semaphore_mem>>) {add = true}
        %dma_wait3A_260 = arith.constant 0 : i32
        %dma_wait3A_261 = tpu.memref_slice %arg8[%run_scoped3A_198, %dma_wait3A_260] : memref<16x64xi32, #tpu.memory_space<vmem>> -> memref<1x64xi32, #tpu.memory_space<vmem>>
        %dma_wait3A_262 = tpu.memref_squeeze %dma_wait3A_261 : memref<1x64xi32, #tpu.memory_space<vmem>> -> memref<64xi32, #tpu.memory_space<vmem>>
        %dma_wait3A_263 = arith.constant 0 : i32
        %dma_wait3A_264 = arith.constant 0 : i32
        %dma_wait3A_265 = tpu.memref_slice %arg13[%dma_wait3A_263, %dma_wait3A_264] : memref<10240x128xf32, #tpu.memory_space<vmem_shared>> -> memref<10240x128xf32, #tpu.memory_space<vmem_shared>>
        tpu.wait_indirect_dma semaphore(%run_scoped3A_253 : memref<!tpu.dma_semaphore, #tpu.memory_space<semaphore_mem>>) src(%arg11 : memref<64x128xf32, #tpu.memory_space<vmem>>) dst(%dma_wait3A_265 : memref<10240x128xf32, #tpu.memory_space<vmem_shared>>)
        tpu.yield
      }) : () -> ()
      %dma_start3A_199 = arith.constant 14 : i32
      %dma_start3A_200 = arith.constant 0 : i32
      %dma_start3A_201 = tpu.memref_slice %arg7[%dma_start3A_199, %dma_start3A_200] : memref<16x64xi32, #tpu.memory_space<vmem>> -> memref<1x64xi32, #tpu.memory_space<vmem>>
      %dma_start3A_202 = tpu.memref_squeeze %dma_start3A_201 : memref<1x64xi32, #tpu.memory_space<vmem>> -> memref<64xi32, #tpu.memory_space<vmem>>
      %dma_start3A_203 = arith.constant 0 : i32
      %dma_start3A_204 = arith.constant 0 : i32
      %dma_start3A_205 = tpu.memref_slice %arg2[%dma_start3A_203, %dma_start3A_204] : memref<10000x128xf32, #tpu.memory_space<hbm>> -> memref<10000x128xf32, #tpu.memory_space<hbm>>
      tpu.enqueue_indirect_dma source(%dma_start3A_205 : memref<10000x128xf32, #tpu.memory_space<hbm>>) target(%arg11 : memref<64x128xf32, #tpu.memory_space<vmem>>) offsets(%dma_start3A_202 : memref<64xi32, #tpu.memory_space<vmem>>) semaphore(%arg14 : memref<!tpu.dma_semaphore, #tpu.memory_space<semaphore_mem>>)
      %dma_wait3A_206 = arith.constant 11 : i32
      %dma_wait3A_207 = arith.constant 0 : i32
      %dma_wait3A_208 = tpu.memref_slice %arg7[%dma_wait3A_206, %dma_wait3A_207] : memref<16x64xi32, #tpu.memory_space<vmem>> -> memref<1x64xi32, #tpu.memory_space<vmem>>
      %dma_wait3A_209 = tpu.memref_squeeze %dma_wait3A_208 : memref<1x64xi32, #tpu.memory_space<vmem>> -> memref<64xi32, #tpu.memory_space<vmem>>
      %dma_wait3A_210 = arith.constant 0 : i32
      %dma_wait3A_211 = arith.constant 0 : i32
      %dma_wait3A_212 = tpu.memref_slice %arg2[%dma_wait3A_210, %dma_wait3A_211] : memref<10000x128xf32, #tpu.memory_space<hbm>> -> memref<10000x128xf32, #tpu.memory_space<hbm>>
      tpu.wait_indirect_dma semaphore(%arg14 : memref<!tpu.dma_semaphore, #tpu.memory_space<semaphore_mem>>) src(%dma_wait3A_212 : memref<10000x128xf32, #tpu.memory_space<hbm>>) dst(%arg12 : memref<64x128xf32, #tpu.memory_space<vmem>>)
      %run_scoped3A_213 = arith.constant 11 : i32
      "tpu.region"() ({
        %run_scoped3A_253 = tpu.sem_alloc : memref<!tpu.dma_semaphore, #tpu.memory_space<semaphore_mem>>
        %dma_start3A_254 = arith.constant 0 : i32
        %dma_start3A_255 = tpu.memref_slice %arg8[%run_scoped3A_213, %dma_start3A_254] : memref<16x64xi32, #tpu.memory_space<vmem>> -> memref<1x64xi32, #tpu.memory_space<vmem>>
        %dma_start3A_256 = tpu.memref_squeeze %dma_start3A_255 : memref<1x64xi32, #tpu.memory_space<vmem>> -> memref<64xi32, #tpu.memory_space<vmem>>
        %dma_start3A_257 = arith.constant 0 : i32
        %dma_start3A_258 = arith.constant 0 : i32
        %dma_start3A_259 = tpu.memref_slice %arg13[%dma_start3A_257, %dma_start3A_258] : memref<10240x128xf32, #tpu.memory_space<vmem_shared>> -> memref<10240x128xf32, #tpu.memory_space<vmem_shared>>
        tpu.enqueue_indirect_dma source(%arg12 : memref<64x128xf32, #tpu.memory_space<vmem>>) target(%dma_start3A_259 : memref<10240x128xf32, #tpu.memory_space<vmem_shared>>) offsets(%dma_start3A_256 : memref<64xi32, #tpu.memory_space<vmem>>) semaphore(%run_scoped3A_253 : memref<!tpu.dma_semaphore, #tpu.memory_space<semaphore_mem>>) {add = true}
        %dma_wait3A_260 = arith.constant 0 : i32
        %dma_wait3A_261 = tpu.memref_slice %arg8[%run_scoped3A_213, %dma_wait3A_260] : memref<16x64xi32, #tpu.memory_space<vmem>> -> memref<1x64xi32, #tpu.memory_space<vmem>>
        %dma_wait3A_262 = tpu.memref_squeeze %dma_wait3A_261 : memref<1x64xi32, #tpu.memory_space<vmem>> -> memref<64xi32, #tpu.memory_space<vmem>>
        %dma_wait3A_263 = arith.constant 0 : i32
        %dma_wait3A_264 = arith.constant 0 : i32
        %dma_wait3A_265 = tpu.memref_slice %arg13[%dma_wait3A_263, %dma_wait3A_264] : memref<10240x128xf32, #tpu.memory_space<vmem_shared>> -> memref<10240x128xf32, #tpu.memory_space<vmem_shared>>
        tpu.wait_indirect_dma semaphore(%run_scoped3A_253 : memref<!tpu.dma_semaphore, #tpu.memory_space<semaphore_mem>>) src(%arg12 : memref<64x128xf32, #tpu.memory_space<vmem>>) dst(%dma_wait3A_265 : memref<10240x128xf32, #tpu.memory_space<vmem_shared>>)
        tpu.yield
      }) : () -> ()
      %dma_start3A_214 = arith.constant 15 : i32
      %dma_start3A_215 = arith.constant 0 : i32
      %dma_start3A_216 = tpu.memref_slice %arg7[%dma_start3A_214, %dma_start3A_215] : memref<16x64xi32, #tpu.memory_space<vmem>> -> memref<1x64xi32, #tpu.memory_space<vmem>>
      %dma_start3A_217 = tpu.memref_squeeze %dma_start3A_216 : memref<1x64xi32, #tpu.memory_space<vmem>> -> memref<64xi32, #tpu.memory_space<vmem>>
      %dma_start3A_218 = arith.constant 0 : i32
      %dma_start3A_219 = arith.constant 0 : i32
      %dma_start3A_220 = tpu.memref_slice %arg2[%dma_start3A_218, %dma_start3A_219] : memref<10000x128xf32, #tpu.memory_space<hbm>> -> memref<10000x128xf32, #tpu.memory_space<hbm>>
      tpu.enqueue_indirect_dma source(%dma_start3A_220 : memref<10000x128xf32, #tpu.memory_space<hbm>>) target(%arg12 : memref<64x128xf32, #tpu.memory_space<vmem>>) offsets(%dma_start3A_217 : memref<64xi32, #tpu.memory_space<vmem>>) semaphore(%arg14 : memref<!tpu.dma_semaphore, #tpu.memory_space<semaphore_mem>>)
      %dma_wait3A_221 = arith.constant 12 : i32
      %dma_wait3A_222 = arith.constant 0 : i32
      %dma_wait3A_223 = tpu.memref_slice %arg7[%dma_wait3A_221, %dma_wait3A_222] : memref<16x64xi32, #tpu.memory_space<vmem>> -> memref<1x64xi32, #tpu.memory_space<vmem>>
      %dma_wait3A_224 = tpu.memref_squeeze %dma_wait3A_223 : memref<1x64xi32, #tpu.memory_space<vmem>> -> memref<64xi32, #tpu.memory_space<vmem>>
      %dma_wait3A_225 = arith.constant 0 : i32
      %dma_wait3A_226 = arith.constant 0 : i32
      %dma_wait3A_227 = tpu.memref_slice %arg2[%dma_wait3A_225, %dma_wait3A_226] : memref<10000x128xf32, #tpu.memory_space<hbm>> -> memref<10000x128xf32, #tpu.memory_space<hbm>>
      tpu.wait_indirect_dma semaphore(%arg14 : memref<!tpu.dma_semaphore, #tpu.memory_space<semaphore_mem>>) src(%dma_wait3A_227 : memref<10000x128xf32, #tpu.memory_space<hbm>>) dst(%arg9 : memref<64x128xf32, #tpu.memory_space<vmem>>)
      %run_scoped3A_228 = arith.constant 12 : i32
      "tpu.region"() ({
        %run_scoped3A_253 = tpu.sem_alloc : memref<!tpu.dma_semaphore, #tpu.memory_space<semaphore_mem>>
        %dma_start3A_254 = arith.constant 0 : i32
        %dma_start3A_255 = tpu.memref_slice %arg8[%run_scoped3A_228, %dma_start3A_254] : memref<16x64xi32, #tpu.memory_space<vmem>> -> memref<1x64xi32, #tpu.memory_space<vmem>>
        %dma_start3A_256 = tpu.memref_squeeze %dma_start3A_255 : memref<1x64xi32, #tpu.memory_space<vmem>> -> memref<64xi32, #tpu.memory_space<vmem>>
        %dma_start3A_257 = arith.constant 0 : i32
        %dma_start3A_258 = arith.constant 0 : i32
        %dma_start3A_259 = tpu.memref_slice %arg13[%dma_start3A_257, %dma_start3A_258] : memref<10240x128xf32, #tpu.memory_space<vmem_shared>> -> memref<10240x128xf32, #tpu.memory_space<vmem_shared>>
        tpu.enqueue_indirect_dma source(%arg9 : memref<64x128xf32, #tpu.memory_space<vmem>>) target(%dma_start3A_259 : memref<10240x128xf32, #tpu.memory_space<vmem_shared>>) offsets(%dma_start3A_256 : memref<64xi32, #tpu.memory_space<vmem>>) semaphore(%run_scoped3A_253 : memref<!tpu.dma_semaphore, #tpu.memory_space<semaphore_mem>>) {add = true}
        %dma_wait3A_260 = arith.constant 0 : i32
        %dma_wait3A_261 = tpu.memref_slice %arg8[%run_scoped3A_228, %dma_wait3A_260] : memref<16x64xi32, #tpu.memory_space<vmem>> -> memref<1x64xi32, #tpu.memory_space<vmem>>
        %dma_wait3A_262 = tpu.memref_squeeze %dma_wait3A_261 : memref<1x64xi32, #tpu.memory_space<vmem>> -> memref<64xi32, #tpu.memory_space<vmem>>
        %dma_wait3A_263 = arith.constant 0 : i32
        %dma_wait3A_264 = arith.constant 0 : i32
        %dma_wait3A_265 = tpu.memref_slice %arg13[%dma_wait3A_263, %dma_wait3A_264] : memref<10240x128xf32, #tpu.memory_space<vmem_shared>> -> memref<10240x128xf32, #tpu.memory_space<vmem_shared>>
        tpu.wait_indirect_dma semaphore(%run_scoped3A_253 : memref<!tpu.dma_semaphore, #tpu.memory_space<semaphore_mem>>) src(%arg9 : memref<64x128xf32, #tpu.memory_space<vmem>>) dst(%dma_wait3A_265 : memref<10240x128xf32, #tpu.memory_space<vmem_shared>>)
        tpu.yield
      }) : () -> ()
      %dma_wait3A_229 = arith.constant 13 : i32
      %dma_wait3A_230 = arith.constant 0 : i32
      %dma_wait3A_231 = tpu.memref_slice %arg7[%dma_wait3A_229, %dma_wait3A_230] : memref<16x64xi32, #tpu.memory_space<vmem>> -> memref<1x64xi32, #tpu.memory_space<vmem>>
      %dma_wait3A_232 = tpu.memref_squeeze %dma_wait3A_231 : memref<1x64xi32, #tpu.memory_space<vmem>> -> memref<64xi32, #tpu.memory_space<vmem>>
      %dma_wait3A_233 = arith.constant 0 : i32
      %dma_wait3A_234 = arith.constant 0 : i32
      %dma_wait3A_235 = tpu.memref_slice %arg2[%dma_wait3A_233, %dma_wait3A_234] : memref<10000x128xf32, #tpu.memory_space<hbm>> -> memref<10000x128xf32, #tpu.memory_space<hbm>>
      tpu.wait_indirect_dma semaphore(%arg14 : memref<!tpu.dma_semaphore, #tpu.memory_space<semaphore_mem>>) src(%dma_wait3A_235 : memref<10000x128xf32, #tpu.memory_space<hbm>>) dst(%arg10 : memref<64x128xf32, #tpu.memory_space<vmem>>)
      %run_scoped3A_236 = arith.constant 13 : i32
      "tpu.region"() ({
        %run_scoped3A_253 = tpu.sem_alloc : memref<!tpu.dma_semaphore, #tpu.memory_space<semaphore_mem>>
        %dma_start3A_254 = arith.constant 0 : i32
        %dma_start3A_255 = tpu.memref_slice %arg8[%run_scoped3A_236, %dma_start3A_254] : memref<16x64xi32, #tpu.memory_space<vmem>> -> memref<1x64xi32, #tpu.memory_space<vmem>>
        %dma_start3A_256 = tpu.memref_squeeze %dma_start3A_255 : memref<1x64xi32, #tpu.memory_space<vmem>> -> memref<64xi32, #tpu.memory_space<vmem>>
        %dma_start3A_257 = arith.constant 0 : i32
        %dma_start3A_258 = arith.constant 0 : i32
        %dma_start3A_259 = tpu.memref_slice %arg13[%dma_start3A_257, %dma_start3A_258] : memref<10240x128xf32, #tpu.memory_space<vmem_shared>> -> memref<10240x128xf32, #tpu.memory_space<vmem_shared>>
        tpu.enqueue_indirect_dma source(%arg10 : memref<64x128xf32, #tpu.memory_space<vmem>>) target(%dma_start3A_259 : memref<10240x128xf32, #tpu.memory_space<vmem_shared>>) offsets(%dma_start3A_256 : memref<64xi32, #tpu.memory_space<vmem>>) semaphore(%run_scoped3A_253 : memref<!tpu.dma_semaphore, #tpu.memory_space<semaphore_mem>>) {add = true}
        %dma_wait3A_260 = arith.constant 0 : i32
        %dma_wait3A_261 = tpu.memref_slice %arg8[%run_scoped3A_236, %dma_wait3A_260] : memref<16x64xi32, #tpu.memory_space<vmem>> -> memref<1x64xi32, #tpu.memory_space<vmem>>
        %dma_wait3A_262 = tpu.memref_squeeze %dma_wait3A_261 : memref<1x64xi32, #tpu.memory_space<vmem>> -> memref<64xi32, #tpu.memory_space<vmem>>
        %dma_wait3A_263 = arith.constant 0 : i32
        %dma_wait3A_264 = arith.constant 0 : i32
        %dma_wait3A_265 = tpu.memref_slice %arg13[%dma_wait3A_263, %dma_wait3A_264] : memref<10240x128xf32, #tpu.memory_space<vmem_shared>> -> memref<10240x128xf32, #tpu.memory_space<vmem_shared>>
        tpu.wait_indirect_dma semaphore(%run_scoped3A_253 : memref<!tpu.dma_semaphore, #tpu.memory_space<semaphore_mem>>) src(%arg10 : memref<64x128xf32, #tpu.memory_space<vmem>>) dst(%dma_wait3A_265 : memref<10240x128xf32, #tpu.memory_space<vmem_shared>>)
        tpu.yield
      }) : () -> ()
      %dma_wait3A_237 = arith.constant 14 : i32
      %dma_wait3A_238 = arith.constant 0 : i32
      %dma_wait3A_239 = tpu.memref_slice %arg7[%dma_wait3A_237, %dma_wait3A_238] : memref<16x64xi32, #tpu.memory_space<vmem>> -> memref<1x64xi32, #tpu.memory_space<vmem>>
      %dma_wait3A_240 = tpu.memref_squeeze %dma_wait3A_239 : memref<1x64xi32, #tpu.memory_space<vmem>> -> memref<64xi32, #tpu.memory_space<vmem>>
      %dma_wait3A_241 = arith.constant 0 : i32
      %dma_wait3A_242 = arith.constant 0 : i32
      %dma_wait3A_243 = tpu.memref_slice %arg2[%dma_wait3A_241, %dma_wait3A_242] : memref<10000x128xf32, #tpu.memory_space<hbm>> -> memref<10000x128xf32, #tpu.memory_space<hbm>>
      tpu.wait_indirect_dma semaphore(%arg14 : memref<!tpu.dma_semaphore, #tpu.memory_space<semaphore_mem>>) src(%dma_wait3A_243 : memref<10000x128xf32, #tpu.memory_space<hbm>>) dst(%arg11 : memref<64x128xf32, #tpu.memory_space<vmem>>)
      %run_scoped3A_244 = arith.constant 14 : i32
      "tpu.region"() ({
        %run_scoped3A_253 = tpu.sem_alloc : memref<!tpu.dma_semaphore, #tpu.memory_space<semaphore_mem>>
        %dma_start3A_254 = arith.constant 0 : i32
        %dma_start3A_255 = tpu.memref_slice %arg8[%run_scoped3A_244, %dma_start3A_254] : memref<16x64xi32, #tpu.memory_space<vmem>> -> memref<1x64xi32, #tpu.memory_space<vmem>>
        %dma_start3A_256 = tpu.memref_squeeze %dma_start3A_255 : memref<1x64xi32, #tpu.memory_space<vmem>> -> memref<64xi32, #tpu.memory_space<vmem>>
        %dma_start3A_257 = arith.constant 0 : i32
        %dma_start3A_258 = arith.constant 0 : i32
        %dma_start3A_259 = tpu.memref_slice %arg13[%dma_start3A_257, %dma_start3A_258] : memref<10240x128xf32, #tpu.memory_space<vmem_shared>> -> memref<10240x128xf32, #tpu.memory_space<vmem_shared>>
        tpu.enqueue_indirect_dma source(%arg11 : memref<64x128xf32, #tpu.memory_space<vmem>>) target(%dma_start3A_259 : memref<10240x128xf32, #tpu.memory_space<vmem_shared>>) offsets(%dma_start3A_256 : memref<64xi32, #tpu.memory_space<vmem>>) semaphore(%run_scoped3A_253 : memref<!tpu.dma_semaphore, #tpu.memory_space<semaphore_mem>>) {add = true}
        %dma_wait3A_260 = arith.constant 0 : i32
        %dma_wait3A_261 = tpu.memref_slice %arg8[%run_scoped3A_244, %dma_wait3A_260] : memref<16x64xi32, #tpu.memory_space<vmem>> -> memref<1x64xi32, #tpu.memory_space<vmem>>
        %dma_wait3A_262 = tpu.memref_squeeze %dma_wait3A_261 : memref<1x64xi32, #tpu.memory_space<vmem>> -> memref<64xi32, #tpu.memory_space<vmem>>
        %dma_wait3A_263 = arith.constant 0 : i32
        %dma_wait3A_264 = arith.constant 0 : i32
        %dma_wait3A_265 = tpu.memref_slice %arg13[%dma_wait3A_263, %dma_wait3A_264] : memref<10240x128xf32, #tpu.memory_space<vmem_shared>> -> memref<10240x128xf32, #tpu.memory_space<vmem_shared>>
        tpu.wait_indirect_dma semaphore(%run_scoped3A_253 : memref<!tpu.dma_semaphore, #tpu.memory_space<semaphore_mem>>) src(%arg11 : memref<64x128xf32, #tpu.memory_space<vmem>>) dst(%dma_wait3A_265 : memref<10240x128xf32, #tpu.memory_space<vmem_shared>>)
        tpu.yield
      }) : () -> ()
      %dma_wait3A_245 = arith.constant 15 : i32
      %dma_wait3A_246 = arith.constant 0 : i32
      %dma_wait3A_247 = tpu.memref_slice %arg7[%dma_wait3A_245, %dma_wait3A_246] : memref<16x64xi32, #tpu.memory_space<vmem>> -> memref<1x64xi32, #tpu.memory_space<vmem>>
      %dma_wait3A_248 = tpu.memref_squeeze %dma_wait3A_247 : memref<1x64xi32, #tpu.memory_space<vmem>> -> memref<64xi32, #tpu.memory_space<vmem>>
      %dma_wait3A_249 = arith.constant 0 : i32
      %dma_wait3A_250 = arith.constant 0 : i32
      %dma_wait3A_251 = tpu.memref_slice %arg2[%dma_wait3A_249, %dma_wait3A_250] : memref<10000x128xf32, #tpu.memory_space<hbm>> -> memref<10000x128xf32, #tpu.memory_space<hbm>>
      tpu.wait_indirect_dma semaphore(%arg14 : memref<!tpu.dma_semaphore, #tpu.memory_space<semaphore_mem>>) src(%dma_wait3A_251 : memref<10000x128xf32, #tpu.memory_space<hbm>>) dst(%arg12 : memref<64x128xf32, #tpu.memory_space<vmem>>)
      %run_scoped3A_252 = arith.constant 15 : i32
      "tpu.region"() ({
        %run_scoped3A_253 = tpu.sem_alloc : memref<!tpu.dma_semaphore, #tpu.memory_space<semaphore_mem>>
        %dma_start3A_254 = arith.constant 0 : i32
        %dma_start3A_255 = tpu.memref_slice %arg8[%run_scoped3A_252, %dma_start3A_254] : memref<16x64xi32, #tpu.memory_space<vmem>> -> memref<1x64xi32, #tpu.memory_space<vmem>>
        %dma_start3A_256 = tpu.memref_squeeze %dma_start3A_255 : memref<1x64xi32, #tpu.memory_space<vmem>> -> memref<64xi32, #tpu.memory_space<vmem>>
        %dma_start3A_257 = arith.constant 0 : i32
        %dma_start3A_258 = arith.constant 0 : i32
        %dma_start3A_259 = tpu.memref_slice %arg13[%dma_start3A_257, %dma_start3A_258] : memref<10240x128xf32, #tpu.memory_space<vmem_shared>> -> memref<10240x128xf32, #tpu.memory_space<vmem_shared>>
        tpu.enqueue_indirect_dma source(%arg12 : memref<64x128xf32, #tpu.memory_space<vmem>>) target(%dma_start3A_259 : memref<10240x128xf32, #tpu.memory_space<vmem_shared>>) offsets(%dma_start3A_256 : memref<64xi32, #tpu.memory_space<vmem>>) semaphore(%run_scoped3A_253 : memref<!tpu.dma_semaphore, #tpu.memory_space<semaphore_mem>>) {add = true}
        %dma_wait3A_260 = arith.constant 0 : i32
        %dma_wait3A_261 = tpu.memref_slice %arg8[%run_scoped3A_252, %dma_wait3A_260] : memref<16x64xi32, #tpu.memory_space<vmem>> -> memref<1x64xi32, #tpu.memory_space<vmem>>
        %dma_wait3A_262 = tpu.memref_squeeze %dma_wait3A_261 : memref<1x64xi32, #tpu.memory_space<vmem>> -> memref<64xi32, #tpu.memory_space<vmem>>
        %dma_wait3A_263 = arith.constant 0 : i32
        %dma_wait3A_264 = arith.constant 0 : i32
        %dma_wait3A_265 = tpu.memref_slice %arg13[%dma_wait3A_263, %dma_wait3A_264] : memref<10240x128xf32, #tpu.memory_space<vmem_shared>> -> memref<10240x128xf32, #tpu.memory_space<vmem_shared>>
        tpu.wait_indirect_dma semaphore(%run_scoped3A_253 : memref<!tpu.dma_semaphore, #tpu.memory_space<semaphore_mem>>) src(%arg12 : memref<64x128xf32, #tpu.memory_space<vmem>>) dst(%dma_wait3A_265 : memref<10240x128xf32, #tpu.memory_space<vmem_shared>>)
        tpu.yield
      }) : () -> ()
    }
    %scan3A_7 = arith.constant 10 : i32
    %barrier3A_8 = arith.constant 0 : index
    tpu.barrier barrier_id(%barrier3A_8)
    %mul3A_9 = arith.constant 10240 : i32
    %mul3A_10 = arith.muli %arg0, %mul3A_9 : i32
    %add3A_11 = arith.addi %mul3A_10, %mul3A_2 : i32
    "tpu.region"() ({
      %run_scoped3A = tpu.sem_alloc : memref<!tpu.dma_semaphore, #tpu.memory_space<semaphore_mem>>
      %dma_start3A = arith.constant 0 : i32
      %dma_start3A_12 = tpu.memref_slice %arg6[%add3A_11, %dma_start3A] : memref<20480x128xf32, #tpu.memory_space<hbm>> -> memref<640x128xf32, #tpu.memory_space<hbm>>
      %dma_start3A_13 = arith.constant 0 : i32
      %dma_start3A_14 = tpu.memref_slice %arg13[%mul3A_2, %dma_start3A_13] : memref<10240x128xf32, #tpu.memory_space<vmem_shared>> -> memref<640x128xf32, #tpu.memory_space<vmem_shared>>
      tpu.enqueue_dma source(%dma_start3A_14 : memref<640x128xf32, #tpu.memory_space<vmem_shared>>) target(%dma_start3A_12 : memref<640x128xf32, #tpu.memory_space<hbm>>) target_semaphore(%run_scoped3A : memref<!tpu.dma_semaphore, #tpu.memory_space<semaphore_mem>>)
      %dma_wait3A = arith.constant 0 : i32
      %dma_wait3A_15 = tpu.memref_slice %arg6[%add3A_11, %dma_wait3A] : memref<20480x128xf32, #tpu.memory_space<hbm>> -> memref<640x128xf32, #tpu.memory_space<hbm>>
      %dma_wait3A_16 = arith.constant 0 : i32
      %dma_wait3A_17 = tpu.memref_slice %arg13[%mul3A_2, %dma_wait3A_16] : memref<10240x128xf32, #tpu.memory_space<vmem_shared>> -> memref<640x128xf32, #tpu.memory_space<vmem_shared>>
      tpu.wait_dma2 semaphore(%run_scoped3A : memref<!tpu.dma_semaphore, #tpu.memory_space<semaphore_mem>>) src(%dma_wait3A_17 : memref<640x128xf32, #tpu.memory_space<vmem_shared>>) dst(%dma_wait3A_15 : memref<640x128xf32, #tpu.memory_space<hbm>>)
      tpu.yield
    }) : () -> ()
    return
  }
}

#map = affine_map<(d0, d1) -> (0, 0)>
#map1 = affine_map<(d0, d1) -> (0, 0, 0)>
module attributes {stable_mosaic.version = 14 : i64} {
  func.func @agg(%arg0: i32, %arg1: i32, %arg2: memref<10000x128xf32, #tpu.memory_space<hbm>>, %arg3: memref<320x16x64xi32, #tpu.memory_space<hbm>>, %arg4: memref<320x16x64xi32, #tpu.memory_space<hbm>>, %arg5: memref<10240x128xf32, #tpu.memory_space<hbm>>, %arg6: memref<20480x128xf32, #tpu.memory_space<hbm>>, %arg7: memref<16x64xi32, #tpu.memory_space<vmem>>, %arg8: memref<16x64xi32, #tpu.memory_space<vmem>>, %arg9: memref<64x128xf32, #tpu.memory_space<vmem>>, %arg10: memref<64x128xf32, #tpu.memory_space<vmem>>, %arg11: memref<64x128xf32, #tpu.memory_space<vmem>>, %arg12: memref<64x128xf32, #tpu.memory_space<vmem>>, %arg13: memref<10240x128xf32, #tpu.memory_space<vmem_shared>>, %arg14: memref<!tpu.dma_semaphore, #tpu.memory_space<semaphore_mem>>) attributes {dimension_semantics = [#tpu.dimension_semantics<core_parallel>, #tpu.dimension_semantics<subcore_parallel>], iteration_bounds = array<i64: 2, 16>, scalar_prefetch = 0 : i64, scratch_operands = 8 : i64, tpu.core_type = #tpu.core_type<sc_vector_subcore>, window_params = [{transform_indices = #map}, {transform_indices = #map1}, {transform_indices = #map1}, {transform_indices = #map}, {transform_indices = #map}]} {
    %mul3A = arith.constant 2 : i32
    %mul3A_0 = arith.muli %arg1, %mul3A : i32
    %add3A = arith.addi %mul3A_0, %arg0 : i32
    %mul3A_1 = arith.constant 640 : i32
    %mul3A_2 = arith.muli %arg1, %mul3A_1 : i32
    "tpu.region"() ({
      %run_scoped3A = tpu.sem_alloc : memref<!tpu.dma_semaphore, #tpu.memory_space<semaphore_mem>>
      %dma_start3A = arith.constant 0 : i32
      %dma_start3A_12 = tpu.memref_slice %arg13[%mul3A_2, %dma_start3A] : memref<10240x128xf32, #tpu.memory_space<vmem_shared>> -> memref<640x128xf32, #tpu.memory_space<vmem_shared>>
      %dma_start3A_13 = arith.constant 0 : i32
      %dma_start3A_14 = tpu.memref_slice %arg5[%mul3A_2, %dma_start3A_13] : memref<10240x128xf32, #tpu.memory_space<hbm>> -> memref<640x128xf32, #tpu.memory_space<hbm>>
      tpu.enqueue_dma source(%dma_start3A_14 : memref<640x128xf32, #tpu.memory_space<hbm>>) target(%dma_start3A_12 : memref<640x128xf32, #tpu.memory_space<vmem_shared>>) target_semaphore(%run_scoped3A : memref<!tpu.dma_semaphore, #tpu.memory_space<semaphore_mem>>)
      %dma_wait3A = arith.constant 0 : i32
      %dma_wait3A_15 = tpu.memref_slice %arg13[%mul3A_2, %dma_wait3A] : memref<10240x128xf32, #tpu.memory_space<vmem_shared>> -> memref<640x128xf32, #tpu.memory_space<vmem_shared>>
      %dma_wait3A_16 = arith.constant 0 : i32
      %dma_wait3A_17 = tpu.memref_slice %arg5[%mul3A_2, %dma_wait3A_16] : memref<10240x128xf32, #tpu.memory_space<hbm>> -> memref<640x128xf32, #tpu.memory_space<hbm>>
      tpu.wait_dma2 semaphore(%run_scoped3A : memref<!tpu.dma_semaphore, #tpu.memory_space<semaphore_mem>>) src(%dma_wait3A_17 : memref<640x128xf32, #tpu.memory_space<hbm>>) dst(%dma_wait3A_15 : memref<640x128xf32, #tpu.memory_space<vmem_shared>>)
      tpu.yield
    }) : () -> ()
    %barrier3A = arith.constant 0 : index
    tpu.barrier barrier_id(%barrier3A)
    %scan3A = arith.constant 0 : i32
    %scan3A_3 = arith.constant 0 : i32
    %scan3A_4 = arith.constant 10 : i32
    %scan3A_5 = arith.addi %scan3A_3, %scan3A_4 : i32
    %scan3A_6 = arith.constant 1 : i32
    scf.for %scan3A_12 = %scan3A_3 to %scan3A_5 step %scan3A_6  : i32 {
      %mul3A_13 = arith.constant 10 : i32
      %mul3A_14 = arith.muli %add3A, %mul3A_13 : i32
      %add3A_15 = arith.addi %mul3A_14, %scan3A_12 : i32
      "tpu.region"() ({
        %run_scoped3A_253 = tpu.sem_alloc : memref<!tpu.dma_semaphore, #tpu.memory_space<semaphore_mem>>
        %dma_start3A_254 = arith.constant 0 : i32
        %dma_start3A_255 = arith.constant 0 : i32
        %dma_start3A_256 = tpu.memref_slice %arg3[%add3A_15, %dma_start3A_254, %dma_start3A_255] : memref<320x16x64xi32, #tpu.memory_space<hbm>> -> memref<1x16x64xi32, #tpu.memory_space<hbm>>
        %dma_start3A_257 = tpu.memref_squeeze %dma_start3A_256 : memref<1x16x64xi32, #tpu.memory_space<hbm>> -> memref<16x64xi32, #tpu.memory_space<hbm>>
        %dma_start3A_258 = arith.constant 0 : i32
        %dma_start3A_259 = arith.constant 0 : i32
        %dma_start3A_260 = tpu.memref_slice %arg3[%add3A_15, %dma_start3A_258, %dma_start3A_259] : memref<320x16x64xi32, #tpu.memory_space<hbm>> -> memref<1x16x64xi32, #tpu.memory_space<hbm>>
        %dma_start3A_261 = tpu.memref_squeeze %dma_start3A_260 : memref<1x16x64xi32, #tpu.memory_space<hbm>> -> memref<16x64xi32, #tpu.memory_space<hbm>>
        tpu.enqueue_dma source(%dma_start3A_261 : memref<16x64xi32, #tpu.memory_space<hbm>>) target(%arg7 : memref<16x64xi32, #tpu.memory_space<vmem>>) target_semaphore(%run_scoped3A_253 : memref<!tpu.dma_semaphore, #tpu.memory_space<semaphore_mem>>)
        %dma_wait3A_262 = arith.constant 0 : i32
        %dma_wait3A_263 = arith.constant 0 : i32
        %dma_wait3A_264 = tpu.memref_slice %arg3[%add3A_15, %dma_wait3A_262, %dma_wait3A_263] : memref<320x16x64xi32, #tpu.memory_space<hbm>> -> memref<1x16x64xi32, #tpu.memory_space<hbm>>
        %dma_wait3A_265 = tpu.memref_squeeze %dma_wait3A_264 : memref<1x16x64xi32, #tpu.memory_space<hbm>> -> memref<16x64xi32, #tpu.memory_space<hbm>>
        %dma_wait3A_266 = arith.constant 0 : i32
        %dma_wait3A_267 = arith.constant 0 : i32
        %dma_wait3A_268 = tpu.memref_slice %arg3[%add3A_15, %dma_wait3A_266, %dma_wait3A_267] : memref<320x16x64xi32, #tpu.memory_space<hbm>> -> memref<1x16x64xi32, #tpu.memory_space<hbm>>
        %dma_wait3A_269 = tpu.memref_squeeze %dma_wait3A_268 : memref<1x16x64xi32, #tpu.memory_space<hbm>> -> memref<16x64xi32, #tpu.memory_space<hbm>>
        tpu.wait_dma2 semaphore(%run_scoped3A_253 : memref<!tpu.dma_semaphore, #tpu.memory_space<semaphore_mem>>) src(%dma_wait3A_269 : memref<16x64xi32, #tpu.memory_space<hbm>>) dst(%arg7 : memref<16x64xi32, #tpu.memory_space<vmem>>)
        tpu.yield
      }) : () -> ()
      "tpu.region"() ({
        %run_scoped3A_253 = tpu.sem_alloc : memref<!tpu.dma_semaphore, #tpu.memory_space<semaphore_mem>>
        %dma_start3A_254 = arith.constant 0 : i32
        %dma_start3A_255 = arith.constant 0 : i32
        %dma_start3A_256 = tpu.memref_slice %arg4[%add3A_15, %dma_start3A_254, %dma_start3A_255] : memref<320x16x64xi32, #tpu.memory_space<hbm>> -> memref<1x16x64xi32, #tpu.memory_space<hbm>>
        %dma_start3A_257 = tpu.memref_squeeze %dma_start3A_256 : memref<1x16x64xi32, #tpu.memory_space<hbm>> -> memref<16x64xi32, #tpu.memory_space<hbm>>
        %dma_start3A_258 = arith.constant 0 : i32
        %dma_start3A_259 = arith.constant 0 : i32
        %dma_start3A_260 = tpu.memref_slice %arg4[%add3A_15, %dma_start3A_258, %dma_start3A_259] : memref<320x16x64xi32, #tpu.memory_space<hbm>> -> memref<1x16x64xi32, #tpu.memory_space<hbm>>
        %dma_start3A_261 = tpu.memref_squeeze %dma_start3A_260 : memref<1x16x64xi32, #tpu.memory_space<hbm>> -> memref<16x64xi32, #tpu.memory_space<hbm>>
        tpu.enqueue_dma source(%dma_start3A_261 : memref<16x64xi32, #tpu.memory_space<hbm>>) target(%arg8 : memref<16x64xi32, #tpu.memory_space<vmem>>) target_semaphore(%run_scoped3A_253 : memref<!tpu.dma_semaphore, #tpu.memory_space<semaphore_mem>>)
        %dma_wait3A_262 = arith.constant 0 : i32
        %dma_wait3A_263 = arith.constant 0 : i32
        %dma_wait3A_264 = tpu.memref_slice %arg4[%add3A_15, %dma_wait3A_262, %dma_wait3A_263] : memref<320x16x64xi32, #tpu.memory_space<hbm>> -> memref<1x16x64xi32, #tpu.memory_space<hbm>>
        %dma_wait3A_265 = tpu.memref_squeeze %dma_wait3A_264 : memref<1x16x64xi32, #tpu.memory_space<hbm>> -> memref<16x64xi32, #tpu.memory_space<hbm>>
        %dma_wait3A_266 = arith.constant 0 : i32
        %dma_wait3A_267 = arith.constant 0 : i32
        %dma_wait3A_268 = tpu.memref_slice %arg4[%add3A_15, %dma_wait3A_266, %dma_wait3A_267] : memref<320x16x64xi32, #tpu.memory_space<hbm>> -> memref<1x16x64xi32, #tpu.memory_space<hbm>>
        %dma_wait3A_269 = tpu.memref_squeeze %dma_wait3A_268 : memref<1x16x64xi32, #tpu.memory_space<hbm>> -> memref<16x64xi32, #tpu.memory_space<hbm>>
        tpu.wait_dma2 semaphore(%run_scoped3A_253 : memref<!tpu.dma_semaphore, #tpu.memory_space<semaphore_mem>>) src(%dma_wait3A_269 : memref<16x64xi32, #tpu.memory_space<hbm>>) dst(%arg8 : memref<16x64xi32, #tpu.memory_space<vmem>>)
        tpu.yield
      }) : () -> ()
      %dma_start3A = arith.constant 0 : i32
      %dma_start3A_16 = arith.constant 0 : i32
      %dma_start3A_17 = tpu.memref_slice %arg7[%dma_start3A, %dma_start3A_16] : memref<16x64xi32, #tpu.memory_space<vmem>> -> memref<1x64xi32, #tpu.memory_space<vmem>>
      %dma_start3A_18 = tpu.memref_squeeze %dma_start3A_17 : memref<1x64xi32, #tpu.memory_space<vmem>> -> memref<64xi32, #tpu.memory_space<vmem>>
      %dma_start3A_19 = arith.constant 0 : i32
      %dma_start3A_20 = arith.constant 0 : i32
      %dma_start3A_21 = tpu.memref_slice %arg2[%dma_start3A_19, %dma_start3A_20] : memref<10000x128xf32, #tpu.memory_space<hbm>> -> memref<10000x128xf32, #tpu.memory_space<hbm>>
      tpu.enqueue_indirect_dma source(%dma_start3A_21 : memref<10000x128xf32, #tpu.memory_space<hbm>>) target(%arg9 : memref<64x128xf32, #tpu.memory_space<vmem>>) offsets(%dma_start3A_18 : memref<64xi32, #tpu.memory_space<vmem>>) semaphore(%arg14 : memref<!tpu.dma_semaphore, #tpu.memory_space<semaphore_mem>>)
      %dma_start3A_22 = arith.constant 1 : i32
      %dma_start3A_23 = arith.constant 0 : i32
      %dma_start3A_24 = tpu.memref_slice %arg7[%dma_start3A_22, %dma_start3A_23] : memref<16x64xi32, #tpu.memory_space<vmem>> -> memref<1x64xi32, #tpu.memory_space<vmem>>
      %dma_start3A_25 = tpu.memref_squeeze %dma_start3A_24 : memref<1x64xi32, #tpu.memory_space<vmem>> -> memref<64xi32, #tpu.memory_space<vmem>>
      %dma_start3A_26 = arith.constant 0 : i32
      %dma_start3A_27 = arith.constant 0 : i32
      %dma_start3A_28 = tpu.memref_slice %arg2[%dma_start3A_26, %dma_start3A_27] : memref<10000x128xf32, #tpu.memory_space<hbm>> -> memref<10000x128xf32, #tpu.memory_space<hbm>>
      tpu.enqueue_indirect_dma source(%dma_start3A_28 : memref<10000x128xf32, #tpu.memory_space<hbm>>) target(%arg10 : memref<64x128xf32, #tpu.memory_space<vmem>>) offsets(%dma_start3A_25 : memref<64xi32, #tpu.memory_space<vmem>>) semaphore(%arg14 : memref<!tpu.dma_semaphore, #tpu.memory_space<semaphore_mem>>)
      %dma_start3A_29 = arith.constant 2 : i32
      %dma_start3A_30 = arith.constant 0 : i32
      %dma_start3A_31 = tpu.memref_slice %arg7[%dma_start3A_29, %dma_start3A_30] : memref<16x64xi32, #tpu.memory_space<vmem>> -> memref<1x64xi32, #tpu.memory_space<vmem>>
      %dma_start3A_32 = tpu.memref_squeeze %dma_start3A_31 : memref<1x64xi32, #tpu.memory_space<vmem>> -> memref<64xi32, #tpu.memory_space<vmem>>
      %dma_start3A_33 = arith.constant 0 : i32
      %dma_start3A_34 = arith.constant 0 : i32
      %dma_start3A_35 = tpu.memref_slice %arg2[%dma_start3A_33, %dma_start3A_34] : memref<10000x128xf32, #tpu.memory_space<hbm>> -> memref<10000x128xf32, #tpu.memory_space<hbm>>
      tpu.enqueue_indirect_dma source(%dma_start3A_35 : memref<10000x128xf32, #tpu.memory_space<hbm>>) target(%arg11 : memref<64x128xf32, #tpu.memory_space<vmem>>) offsets(%dma_start3A_32 : memref<64xi32, #tpu.memory_space<vmem>>) semaphore(%arg14 : memref<!tpu.dma_semaphore, #tpu.memory_space<semaphore_mem>>)
      %dma_start3A_36 = arith.constant 3 : i32
      %dma_start3A_37 = arith.constant 0 : i32
      %dma_start3A_38 = tpu.memref_slice %arg7[%dma_start3A_36, %dma_start3A_37] : memref<16x64xi32, #tpu.memory_space<vmem>> -> memref<1x64xi32, #tpu.memory_space<vmem>>
      %dma_start3A_39 = tpu.memref_squeeze %dma_start3A_38 : memref<1x64xi32, #tpu.memory_space<vmem>> -> memref<64xi32, #tpu.memory_space<vmem>>
      %dma_start3A_40 = arith.constant 0 : i32
      %dma_start3A_41 = arith.constant 0 : i32
      %dma_start3A_42 = tpu.memref_slice %arg2[%dma_start3A_40, %dma_start3A_41] : memref<10000x128xf32, #tpu.memory_space<hbm>> -> memref<10000x128xf32, #tpu.memory_space<hbm>>
      tpu.enqueue_indirect_dma source(%dma_start3A_42 : memref<10000x128xf32, #tpu.memory_space<hbm>>) target(%arg12 : memref<64x128xf32, #tpu.memory_space<vmem>>) offsets(%dma_start3A_39 : memref<64xi32, #tpu.memory_space<vmem>>) semaphore(%arg14 : memref<!tpu.dma_semaphore, #tpu.memory_space<semaphore_mem>>)
      %dma_wait3A = arith.constant 0 : i32
      %dma_wait3A_43 = arith.constant 0 : i32
      %dma_wait3A_44 = tpu.memref_slice %arg7[%dma_wait3A, %dma_wait3A_43] : memref<16x64xi32, #tpu.memory_space<vmem>> -> memref<1x64xi32, #tpu.memory_space<vmem>>
      %dma_wait3A_45 = tpu.memref_squeeze %dma_wait3A_44 : memref<1x64xi32, #tpu.memory_space<vmem>> -> memref<64xi32, #tpu.memory_space<vmem>>
      %dma_wait3A_46 = arith.constant 0 : i32
      %dma_wait3A_47 = arith.constant 0 : i32
      %dma_wait3A_48 = tpu.memref_slice %arg2[%dma_wait3A_46, %dma_wait3A_47] : memref<10000x128xf32, #tpu.memory_space<hbm>> -> memref<10000x128xf32, #tpu.memory_space<hbm>>
      tpu.wait_indirect_dma semaphore(%arg14 : memref<!tpu.dma_semaphore, #tpu.memory_space<semaphore_mem>>) src(%dma_wait3A_48 : memref<10000x128xf32, #tpu.memory_space<hbm>>) dst(%arg9 : memref<64x128xf32, #tpu.memory_space<vmem>>)
      %run_scoped3A = arith.constant 0 : i32
      "tpu.region"() ({
        %run_scoped3A_253 = tpu.sem_alloc : memref<!tpu.dma_semaphore, #tpu.memory_space<semaphore_mem>>
        %dma_start3A_254 = arith.constant 0 : i32
        %dma_start3A_255 = tpu.memref_slice %arg8[%run_scoped3A, %dma_start3A_254] : memref<16x64xi32, #tpu.memory_space<vmem>> -> memref<1x64xi32, #tpu.memory_space<vmem>>
        %dma_start3A_256 = tpu.memref_squeeze %dma_start3A_255 : memref<1x64xi32, #tpu.memory_space<vmem>> -> memref<64xi32, #tpu.memory_space<vmem>>
        %dma_start3A_257 = arith.constant 0 : i32
        %dma_start3A_258 = arith.constant 0 : i32
        %dma_start3A_259 = tpu.memref_slice %arg13[%dma_start3A_257, %dma_start3A_258] : memref<10240x128xf32, #tpu.memory_space<vmem_shared>> -> memref<10240x128xf32, #tpu.memory_space<vmem_shared>>
        tpu.enqueue_indirect_dma source(%arg9 : memref<64x128xf32, #tpu.memory_space<vmem>>) target(%dma_start3A_259 : memref<10240x128xf32, #tpu.memory_space<vmem_shared>>) offsets(%dma_start3A_256 : memref<64xi32, #tpu.memory_space<vmem>>) semaphore(%run_scoped3A_253 : memref<!tpu.dma_semaphore, #tpu.memory_space<semaphore_mem>>) {add = true}
        %dma_wait3A_260 = arith.constant 0 : i32
        %dma_wait3A_261 = tpu.memref_slice %arg8[%run_scoped3A, %dma_wait3A_260] : memref<16x64xi32, #tpu.memory_space<vmem>> -> memref<1x64xi32, #tpu.memory_space<vmem>>
        %dma_wait3A_262 = tpu.memref_squeeze %dma_wait3A_261 : memref<1x64xi32, #tpu.memory_space<vmem>> -> memref<64xi32, #tpu.memory_space<vmem>>
        %dma_wait3A_263 = arith.constant 0 : i32
        %dma_wait3A_264 = arith.constant 0 : i32
        %dma_wait3A_265 = tpu.memref_slice %arg13[%dma_wait3A_263, %dma_wait3A_264] : memref<10240x128xf32, #tpu.memory_space<vmem_shared>> -> memref<10240x128xf32, #tpu.memory_space<vmem_shared>>
        tpu.wait_indirect_dma semaphore(%run_scoped3A_253 : memref<!tpu.dma_semaphore, #tpu.memory_space<semaphore_mem>>) src(%arg9 : memref<64x128xf32, #tpu.memory_space<vmem>>) dst(%dma_wait3A_265 : memref<10240x128xf32, #tpu.memory_space<vmem_shared>>)
        tpu.yield
      }) : () -> ()
      %dma_start3A_49 = arith.constant 4 : i32
      %dma_start3A_50 = arith.constant 0 : i32
      %dma_start3A_51 = tpu.memref_slice %arg7[%dma_start3A_49, %dma_start3A_50] : memref<16x64xi32, #tpu.memory_space<vmem>> -> memref<1x64xi32, #tpu.memory_space<vmem>>
      %dma_start3A_52 = tpu.memref_squeeze %dma_start3A_51 : memref<1x64xi32, #tpu.memory_space<vmem>> -> memref<64xi32, #tpu.memory_space<vmem>>
      %dma_start3A_53 = arith.constant 0 : i32
      %dma_start3A_54 = arith.constant 0 : i32
      %dma_start3A_55 = tpu.memref_slice %arg2[%dma_start3A_53, %dma_start3A_54] : memref<10000x128xf32, #tpu.memory_space<hbm>> -> memref<10000x128xf32, #tpu.memory_space<hbm>>
      tpu.enqueue_indirect_dma source(%dma_start3A_55 : memref<10000x128xf32, #tpu.memory_space<hbm>>) target(%arg9 : memref<64x128xf32, #tpu.memory_space<vmem>>) offsets(%dma_start3A_52 : memref<64xi32, #tpu.memory_space<vmem>>) semaphore(%arg14 : memref<!tpu.dma_semaphore, #tpu.memory_space<semaphore_mem>>)
      %dma_wait3A_56 = arith.constant 1 : i32
      %dma_wait3A_57 = arith.constant 0 : i32
      %dma_wait3A_58 = tpu.memref_slice %arg7[%dma_wait3A_56, %dma_wait3A_57] : memref<16x64xi32, #tpu.memory_space<vmem>> -> memref<1x64xi32, #tpu.memory_space<vmem>>
      %dma_wait3A_59 = tpu.memref_squeeze %dma_wait3A_58 : memref<1x64xi32, #tpu.memory_space<vmem>> -> memref<64xi32, #tpu.memory_space<vmem>>
      %dma_wait3A_60 = arith.constant 0 : i32
      %dma_wait3A_61 = arith.constant 0 : i32
      %dma_wait3A_62 = tpu.memref_slice %arg2[%dma_wait3A_60, %dma_wait3A_61] : memref<10000x128xf32, #tpu.memory_space<hbm>> -> memref<10000x128xf32, #tpu.memory_space<hbm>>
      tpu.wait_indirect_dma semaphore(%arg14 : memref<!tpu.dma_semaphore, #tpu.memory_space<semaphore_mem>>) src(%dma_wait3A_62 : memref<10000x128xf32, #tpu.memory_space<hbm>>) dst(%arg10 : memref<64x128xf32, #tpu.memory_space<vmem>>)
      %run_scoped3A_63 = arith.constant 1 : i32
      "tpu.region"() ({
        %run_scoped3A_253 = tpu.sem_alloc : memref<!tpu.dma_semaphore, #tpu.memory_space<semaphore_mem>>
        %dma_start3A_254 = arith.constant 0 : i32
        %dma_start3A_255 = tpu.memref_slice %arg8[%run_scoped3A_63, %dma_start3A_254] : memref<16x64xi32, #tpu.memory_space<vmem>> -> memref<1x64xi32, #tpu.memory_space<vmem>>
        %dma_start3A_256 = tpu.memref_squeeze %dma_start3A_255 : memref<1x64xi32, #tpu.memory_space<vmem>> -> memref<64xi32, #tpu.memory_space<vmem>>
        %dma_start3A_257 = arith.constant 0 : i32
        %dma_start3A_258 = arith.constant 0 : i32
        %dma_start3A_259 = tpu.memref_slice %arg13[%dma_start3A_257, %dma_start3A_258] : memref<10240x128xf32, #tpu.memory_space<vmem_shared>> -> memref<10240x128xf32, #tpu.memory_space<vmem_shared>>
        tpu.enqueue_indirect_dma source(%arg10 : memref<64x128xf32, #tpu.memory_space<vmem>>) target(%dma_start3A_259 : memref<10240x128xf32, #tpu.memory_space<vmem_shared>>) offsets(%dma_start3A_256 : memref<64xi32, #tpu.memory_space<vmem>>) semaphore(%run_scoped3A_253 : memref<!tpu.dma_semaphore, #tpu.memory_space<semaphore_mem>>) {add = true}
        %dma_wait3A_260 = arith.constant 0 : i32
        %dma_wait3A_261 = tpu.memref_slice %arg8[%run_scoped3A_63, %dma_wait3A_260] : memref<16x64xi32, #tpu.memory_space<vmem>> -> memref<1x64xi32, #tpu.memory_space<vmem>>
        %dma_wait3A_262 = tpu.memref_squeeze %dma_wait3A_261 : memref<1x64xi32, #tpu.memory_space<vmem>> -> memref<64xi32, #tpu.memory_space<vmem>>
        %dma_wait3A_263 = arith.constant 0 : i32
        %dma_wait3A_264 = arith.constant 0 : i32
        %dma_wait3A_265 = tpu.memref_slice %arg13[%dma_wait3A_263, %dma_wait3A_264] : memref<10240x128xf32, #tpu.memory_space<vmem_shared>> -> memref<10240x128xf32, #tpu.memory_space<vmem_shared>>
        tpu.wait_indirect_dma semaphore(%run_scoped3A_253 : memref<!tpu.dma_semaphore, #tpu.memory_space<semaphore_mem>>) src(%arg10 : memref<64x128xf32, #tpu.memory_space<vmem>>) dst(%dma_wait3A_265 : memref<10240x128xf32, #tpu.memory_space<vmem_shared>>)
        tpu.yield
      }) : () -> ()
      %dma_start3A_64 = arith.constant 5 : i32
      %dma_start3A_65 = arith.constant 0 : i32
      %dma_start3A_66 = tpu.memref_slice %arg7[%dma_start3A_64, %dma_start3A_65] : memref<16x64xi32, #tpu.memory_space<vmem>> -> memref<1x64xi32, #tpu.memory_space<vmem>>
      %dma_start3A_67 = tpu.memref_squeeze %dma_start3A_66 : memref<1x64xi32, #tpu.memory_space<vmem>> -> memref<64xi32, #tpu.memory_space<vmem>>
      %dma_start3A_68 = arith.constant 0 : i32
      %dma_start3A_69 = arith.constant 0 : i32
      %dma_start3A_70 = tpu.memref_slice %arg2[%dma_start3A_68, %dma_start3A_69] : memref<10000x128xf32, #tpu.memory_space<hbm>> -> memref<10000x128xf32, #tpu.memory_space<hbm>>
      tpu.enqueue_indirect_dma source(%dma_start3A_70 : memref<10000x128xf32, #tpu.memory_space<hbm>>) target(%arg10 : memref<64x128xf32, #tpu.memory_space<vmem>>) offsets(%dma_start3A_67 : memref<64xi32, #tpu.memory_space<vmem>>) semaphore(%arg14 : memref<!tpu.dma_semaphore, #tpu.memory_space<semaphore_mem>>)
      %dma_wait3A_71 = arith.constant 2 : i32
      %dma_wait3A_72 = arith.constant 0 : i32
      %dma_wait3A_73 = tpu.memref_slice %arg7[%dma_wait3A_71, %dma_wait3A_72] : memref<16x64xi32, #tpu.memory_space<vmem>> -> memref<1x64xi32, #tpu.memory_space<vmem>>
      %dma_wait3A_74 = tpu.memref_squeeze %dma_wait3A_73 : memref<1x64xi32, #tpu.memory_space<vmem>> -> memref<64xi32, #tpu.memory_space<vmem>>
      %dma_wait3A_75 = arith.constant 0 : i32
      %dma_wait3A_76 = arith.constant 0 : i32
      %dma_wait3A_77 = tpu.memref_slice %arg2[%dma_wait3A_75, %dma_wait3A_76] : memref<10000x128xf32, #tpu.memory_space<hbm>> -> memref<10000x128xf32, #tpu.memory_space<hbm>>
      tpu.wait_indirect_dma semaphore(%arg14 : memref<!tpu.dma_semaphore, #tpu.memory_space<semaphore_mem>>) src(%dma_wait3A_77 : memref<10000x128xf32, #tpu.memory_space<hbm>>) dst(%arg11 : memref<64x128xf32, #tpu.memory_space<vmem>>)
      %run_scoped3A_78 = arith.constant 2 : i32
      "tpu.region"() ({
        %run_scoped3A_253 = tpu.sem_alloc : memref<!tpu.dma_semaphore, #tpu.memory_space<semaphore_mem>>
        %dma_start3A_254 = arith.constant 0 : i32
        %dma_start3A_255 = tpu.memref_slice %arg8[%run_scoped3A_78, %dma_start3A_254] : memref<16x64xi32, #tpu.memory_space<vmem>> -> memref<1x64xi32, #tpu.memory_space<vmem>>
        %dma_start3A_256 = tpu.memref_squeeze %dma_start3A_255 : memref<1x64xi32, #tpu.memory_space<vmem>> -> memref<64xi32, #tpu.memory_space<vmem>>
        %dma_start3A_257 = arith.constant 0 : i32
        %dma_start3A_258 = arith.constant 0 : i32
        %dma_start3A_259 = tpu.memref_slice %arg13[%dma_start3A_257, %dma_start3A_258] : memref<10240x128xf32, #tpu.memory_space<vmem_shared>> -> memref<10240x128xf32, #tpu.memory_space<vmem_shared>>
        tpu.enqueue_indirect_dma source(%arg11 : memref<64x128xf32, #tpu.memory_space<vmem>>) target(%dma_start3A_259 : memref<10240x128xf32, #tpu.memory_space<vmem_shared>>) offsets(%dma_start3A_256 : memref<64xi32, #tpu.memory_space<vmem>>) semaphore(%run_scoped3A_253 : memref<!tpu.dma_semaphore, #tpu.memory_space<semaphore_mem>>) {add = true}
        %dma_wait3A_260 = arith.constant 0 : i32
        %dma_wait3A_261 = tpu.memref_slice %arg8[%run_scoped3A_78, %dma_wait3A_260] : memref<16x64xi32, #tpu.memory_space<vmem>> -> memref<1x64xi32, #tpu.memory_space<vmem>>
        %dma_wait3A_262 = tpu.memref_squeeze %dma_wait3A_261 : memref<1x64xi32, #tpu.memory_space<vmem>> -> memref<64xi32, #tpu.memory_space<vmem>>
        %dma_wait3A_263 = arith.constant 0 : i32
        %dma_wait3A_264 = arith.constant 0 : i32
        %dma_wait3A_265 = tpu.memref_slice %arg13[%dma_wait3A_263, %dma_wait3A_264] : memref<10240x128xf32, #tpu.memory_space<vmem_shared>> -> memref<10240x128xf32, #tpu.memory_space<vmem_shared>>
        tpu.wait_indirect_dma semaphore(%run_scoped3A_253 : memref<!tpu.dma_semaphore, #tpu.memory_space<semaphore_mem>>) src(%arg11 : memref<64x128xf32, #tpu.memory_space<vmem>>) dst(%dma_wait3A_265 : memref<10240x128xf32, #tpu.memory_space<vmem_shared>>)
        tpu.yield
      }) : () -> ()
      %dma_start3A_79 = arith.constant 6 : i32
      %dma_start3A_80 = arith.constant 0 : i32
      %dma_start3A_81 = tpu.memref_slice %arg7[%dma_start3A_79, %dma_start3A_80] : memref<16x64xi32, #tpu.memory_space<vmem>> -> memref<1x64xi32, #tpu.memory_space<vmem>>
      %dma_start3A_82 = tpu.memref_squeeze %dma_start3A_81 : memref<1x64xi32, #tpu.memory_space<vmem>> -> memref<64xi32, #tpu.memory_space<vmem>>
      %dma_start3A_83 = arith.constant 0 : i32
      %dma_start3A_84 = arith.constant 0 : i32
      %dma_start3A_85 = tpu.memref_slice %arg2[%dma_start3A_83, %dma_start3A_84] : memref<10000x128xf32, #tpu.memory_space<hbm>> -> memref<10000x128xf32, #tpu.memory_space<hbm>>
      tpu.enqueue_indirect_dma source(%dma_start3A_85 : memref<10000x128xf32, #tpu.memory_space<hbm>>) target(%arg11 : memref<64x128xf32, #tpu.memory_space<vmem>>) offsets(%dma_start3A_82 : memref<64xi32, #tpu.memory_space<vmem>>) semaphore(%arg14 : memref<!tpu.dma_semaphore, #tpu.memory_space<semaphore_mem>>)
      %dma_wait3A_86 = arith.constant 3 : i32
      %dma_wait3A_87 = arith.constant 0 : i32
      %dma_wait3A_88 = tpu.memref_slice %arg7[%dma_wait3A_86, %dma_wait3A_87] : memref<16x64xi32, #tpu.memory_space<vmem>> -> memref<1x64xi32, #tpu.memory_space<vmem>>
      %dma_wait3A_89 = tpu.memref_squeeze %dma_wait3A_88 : memref<1x64xi32, #tpu.memory_space<vmem>> -> memref<64xi32, #tpu.memory_space<vmem>>
      %dma_wait3A_90 = arith.constant 0 : i32
      %dma_wait3A_91 = arith.constant 0 : i32
      %dma_wait3A_92 = tpu.memref_slice %arg2[%dma_wait3A_90, %dma_wait3A_91] : memref<10000x128xf32, #tpu.memory_space<hbm>> -> memref<10000x128xf32, #tpu.memory_space<hbm>>
      tpu.wait_indirect_dma semaphore(%arg14 : memref<!tpu.dma_semaphore, #tpu.memory_space<semaphore_mem>>) src(%dma_wait3A_92 : memref<10000x128xf32, #tpu.memory_space<hbm>>) dst(%arg12 : memref<64x128xf32, #tpu.memory_space<vmem>>)
      %run_scoped3A_93 = arith.constant 3 : i32
      "tpu.region"() ({
        %run_scoped3A_253 = tpu.sem_alloc : memref<!tpu.dma_semaphore, #tpu.memory_space<semaphore_mem>>
        %dma_start3A_254 = arith.constant 0 : i32
        %dma_start3A_255 = tpu.memref_slice %arg8[%run_scoped3A_93, %dma_start3A_254] : memref<16x64xi32, #tpu.memory_space<vmem>> -> memref<1x64xi32, #tpu.memory_space<vmem>>
        %dma_start3A_256 = tpu.memref_squeeze %dma_start3A_255 : memref<1x64xi32, #tpu.memory_space<vmem>> -> memref<64xi32, #tpu.memory_space<vmem>>
        %dma_start3A_257 = arith.constant 0 : i32
        %dma_start3A_258 = arith.constant 0 : i32
        %dma_start3A_259 = tpu.memref_slice %arg13[%dma_start3A_257, %dma_start3A_258] : memref<10240x128xf32, #tpu.memory_space<vmem_shared>> -> memref<10240x128xf32, #tpu.memory_space<vmem_shared>>
        tpu.enqueue_indirect_dma source(%arg12 : memref<64x128xf32, #tpu.memory_space<vmem>>) target(%dma_start3A_259 : memref<10240x128xf32, #tpu.memory_space<vmem_shared>>) offsets(%dma_start3A_256 : memref<64xi32, #tpu.memory_space<vmem>>) semaphore(%run_scoped3A_253 : memref<!tpu.dma_semaphore, #tpu.memory_space<semaphore_mem>>) {add = true}
        %dma_wait3A_260 = arith.constant 0 : i32
        %dma_wait3A_261 = tpu.memref_slice %arg8[%run_scoped3A_93, %dma_wait3A_260] : memref<16x64xi32, #tpu.memory_space<vmem>> -> memref<1x64xi32, #tpu.memory_space<vmem>>
        %dma_wait3A_262 = tpu.memref_squeeze %dma_wait3A_261 : memref<1x64xi32, #tpu.memory_space<vmem>> -> memref<64xi32, #tpu.memory_space<vmem>>
        %dma_wait3A_263 = arith.constant 0 : i32
        %dma_wait3A_264 = arith.constant 0 : i32
        %dma_wait3A_265 = tpu.memref_slice %arg13[%dma_wait3A_263, %dma_wait3A_264] : memref<10240x128xf32, #tpu.memory_space<vmem_shared>> -> memref<10240x128xf32, #tpu.memory_space<vmem_shared>>
        tpu.wait_indirect_dma semaphore(%run_scoped3A_253 : memref<!tpu.dma_semaphore, #tpu.memory_space<semaphore_mem>>) src(%arg12 : memref<64x128xf32, #tpu.memory_space<vmem>>) dst(%dma_wait3A_265 : memref<10240x128xf32, #tpu.memory_space<vmem_shared>>)
        tpu.yield
      }) : () -> ()
      %dma_start3A_94 = arith.constant 7 : i32
      %dma_start3A_95 = arith.constant 0 : i32
      %dma_start3A_96 = tpu.memref_slice %arg7[%dma_start3A_94, %dma_start3A_95] : memref<16x64xi32, #tpu.memory_space<vmem>> -> memref<1x64xi32, #tpu.memory_space<vmem>>
      %dma_start3A_97 = tpu.memref_squeeze %dma_start3A_96 : memref<1x64xi32, #tpu.memory_space<vmem>> -> memref<64xi32, #tpu.memory_space<vmem>>
      %dma_start3A_98 = arith.constant 0 : i32
      %dma_start3A_99 = arith.constant 0 : i32
      %dma_start3A_100 = tpu.memref_slice %arg2[%dma_start3A_98, %dma_start3A_99] : memref<10000x128xf32, #tpu.memory_space<hbm>> -> memref<10000x128xf32, #tpu.memory_space<hbm>>
      tpu.enqueue_indirect_dma source(%dma_start3A_100 : memref<10000x128xf32, #tpu.memory_space<hbm>>) target(%arg12 : memref<64x128xf32, #tpu.memory_space<vmem>>) offsets(%dma_start3A_97 : memref<64xi32, #tpu.memory_space<vmem>>) semaphore(%arg14 : memref<!tpu.dma_semaphore, #tpu.memory_space<semaphore_mem>>)
      %dma_wait3A_101 = arith.constant 4 : i32
      %dma_wait3A_102 = arith.constant 0 : i32
      %dma_wait3A_103 = tpu.memref_slice %arg7[%dma_wait3A_101, %dma_wait3A_102] : memref<16x64xi32, #tpu.memory_space<vmem>> -> memref<1x64xi32, #tpu.memory_space<vmem>>
      %dma_wait3A_104 = tpu.memref_squeeze %dma_wait3A_103 : memref<1x64xi32, #tpu.memory_space<vmem>> -> memref<64xi32, #tpu.memory_space<vmem>>
      %dma_wait3A_105 = arith.constant 0 : i32
      %dma_wait3A_106 = arith.constant 0 : i32
      %dma_wait3A_107 = tpu.memref_slice %arg2[%dma_wait3A_105, %dma_wait3A_106] : memref<10000x128xf32, #tpu.memory_space<hbm>> -> memref<10000x128xf32, #tpu.memory_space<hbm>>
      tpu.wait_indirect_dma semaphore(%arg14 : memref<!tpu.dma_semaphore, #tpu.memory_space<semaphore_mem>>) src(%dma_wait3A_107 : memref<10000x128xf32, #tpu.memory_space<hbm>>) dst(%arg9 : memref<64x128xf32, #tpu.memory_space<vmem>>)
      %run_scoped3A_108 = arith.constant 4 : i32
      "tpu.region"() ({
        %run_scoped3A_253 = tpu.sem_alloc : memref<!tpu.dma_semaphore, #tpu.memory_space<semaphore_mem>>
        %dma_start3A_254 = arith.constant 0 : i32
        %dma_start3A_255 = tpu.memref_slice %arg8[%run_scoped3A_108, %dma_start3A_254] : memref<16x64xi32, #tpu.memory_space<vmem>> -> memref<1x64xi32, #tpu.memory_space<vmem>>
        %dma_start3A_256 = tpu.memref_squeeze %dma_start3A_255 : memref<1x64xi32, #tpu.memory_space<vmem>> -> memref<64xi32, #tpu.memory_space<vmem>>
        %dma_start3A_257 = arith.constant 0 : i32
        %dma_start3A_258 = arith.constant 0 : i32
        %dma_start3A_259 = tpu.memref_slice %arg13[%dma_start3A_257, %dma_start3A_258] : memref<10240x128xf32, #tpu.memory_space<vmem_shared>> -> memref<10240x128xf32, #tpu.memory_space<vmem_shared>>
        tpu.enqueue_indirect_dma source(%arg9 : memref<64x128xf32, #tpu.memory_space<vmem>>) target(%dma_start3A_259 : memref<10240x128xf32, #tpu.memory_space<vmem_shared>>) offsets(%dma_start3A_256 : memref<64xi32, #tpu.memory_space<vmem>>) semaphore(%run_scoped3A_253 : memref<!tpu.dma_semaphore, #tpu.memory_space<semaphore_mem>>) {add = true}
        %dma_wait3A_260 = arith.constant 0 : i32
        %dma_wait3A_261 = tpu.memref_slice %arg8[%run_scoped3A_108, %dma_wait3A_260] : memref<16x64xi32, #tpu.memory_space<vmem>> -> memref<1x64xi32, #tpu.memory_space<vmem>>
        %dma_wait3A_262 = tpu.memref_squeeze %dma_wait3A_261 : memref<1x64xi32, #tpu.memory_space<vmem>> -> memref<64xi32, #tpu.memory_space<vmem>>
        %dma_wait3A_263 = arith.constant 0 : i32
        %dma_wait3A_264 = arith.constant 0 : i32
        %dma_wait3A_265 = tpu.memref_slice %arg13[%dma_wait3A_263, %dma_wait3A_264] : memref<10240x128xf32, #tpu.memory_space<vmem_shared>> -> memref<10240x128xf32, #tpu.memory_space<vmem_shared>>
        tpu.wait_indirect_dma semaphore(%run_scoped3A_253 : memref<!tpu.dma_semaphore, #tpu.memory_space<semaphore_mem>>) src(%arg9 : memref<64x128xf32, #tpu.memory_space<vmem>>) dst(%dma_wait3A_265 : memref<10240x128xf32, #tpu.memory_space<vmem_shared>>)
        tpu.yield
      }) : () -> ()
      %dma_start3A_109 = arith.constant 8 : i32
      %dma_start3A_110 = arith.constant 0 : i32
      %dma_start3A_111 = tpu.memref_slice %arg7[%dma_start3A_109, %dma_start3A_110] : memref<16x64xi32, #tpu.memory_space<vmem>> -> memref<1x64xi32, #tpu.memory_space<vmem>>
      %dma_start3A_112 = tpu.memref_squeeze %dma_start3A_111 : memref<1x64xi32, #tpu.memory_space<vmem>> -> memref<64xi32, #tpu.memory_space<vmem>>
      %dma_start3A_113 = arith.constant 0 : i32
      %dma_start3A_114 = arith.constant 0 : i32
      %dma_start3A_115 = tpu.memref_slice %arg2[%dma_start3A_113, %dma_start3A_114] : memref<10000x128xf32, #tpu.memory_space<hbm>> -> memref<10000x128xf32, #tpu.memory_space<hbm>>
      tpu.enqueue_indirect_dma source(%dma_start3A_115 : memref<10000x128xf32, #tpu.memory_space<hbm>>) target(%arg9 : memref<64x128xf32, #tpu.memory_space<vmem>>) offsets(%dma_start3A_112 : memref<64xi32, #tpu.memory_space<vmem>>) semaphore(%arg14 : memref<!tpu.dma_semaphore, #tpu.memory_space<semaphore_mem>>)
      %dma_wait3A_116 = arith.constant 5 : i32
      %dma_wait3A_117 = arith.constant 0 : i32
      %dma_wait3A_118 = tpu.memref_slice %arg7[%dma_wait3A_116, %dma_wait3A_117] : memref<16x64xi32, #tpu.memory_space<vmem>> -> memref<1x64xi32, #tpu.memory_space<vmem>>
      %dma_wait3A_119 = tpu.memref_squeeze %dma_wait3A_118 : memref<1x64xi32, #tpu.memory_space<vmem>> -> memref<64xi32, #tpu.memory_space<vmem>>
      %dma_wait3A_120 = arith.constant 0 : i32
      %dma_wait3A_121 = arith.constant 0 : i32
      %dma_wait3A_122 = tpu.memref_slice %arg2[%dma_wait3A_120, %dma_wait3A_121] : memref<10000x128xf32, #tpu.memory_space<hbm>> -> memref<10000x128xf32, #tpu.memory_space<hbm>>
      tpu.wait_indirect_dma semaphore(%arg14 : memref<!tpu.dma_semaphore, #tpu.memory_space<semaphore_mem>>) src(%dma_wait3A_122 : memref<10000x128xf32, #tpu.memory_space<hbm>>) dst(%arg10 : memref<64x128xf32, #tpu.memory_space<vmem>>)
      %run_scoped3A_123 = arith.constant 5 : i32
      "tpu.region"() ({
        %run_scoped3A_253 = tpu.sem_alloc : memref<!tpu.dma_semaphore, #tpu.memory_space<semaphore_mem>>
        %dma_start3A_254 = arith.constant 0 : i32
        %dma_start3A_255 = tpu.memref_slice %arg8[%run_scoped3A_123, %dma_start3A_254] : memref<16x64xi32, #tpu.memory_space<vmem>> -> memref<1x64xi32, #tpu.memory_space<vmem>>
        %dma_start3A_256 = tpu.memref_squeeze %dma_start3A_255 : memref<1x64xi32, #tpu.memory_space<vmem>> -> memref<64xi32, #tpu.memory_space<vmem>>
        %dma_start3A_257 = arith.constant 0 : i32
        %dma_start3A_258 = arith.constant 0 : i32
        %dma_start3A_259 = tpu.memref_slice %arg13[%dma_start3A_257, %dma_start3A_258] : memref<10240x128xf32, #tpu.memory_space<vmem_shared>> -> memref<10240x128xf32, #tpu.memory_space<vmem_shared>>
        tpu.enqueue_indirect_dma source(%arg10 : memref<64x128xf32, #tpu.memory_space<vmem>>) target(%dma_start3A_259 : memref<10240x128xf32, #tpu.memory_space<vmem_shared>>) offsets(%dma_start3A_256 : memref<64xi32, #tpu.memory_space<vmem>>) semaphore(%run_scoped3A_253 : memref<!tpu.dma_semaphore, #tpu.memory_space<semaphore_mem>>) {add = true}
        %dma_wait3A_260 = arith.constant 0 : i32
        %dma_wait3A_261 = tpu.memref_slice %arg8[%run_scoped3A_123, %dma_wait3A_260] : memref<16x64xi32, #tpu.memory_space<vmem>> -> memref<1x64xi32, #tpu.memory_space<vmem>>
        %dma_wait3A_262 = tpu.memref_squeeze %dma_wait3A_261 : memref<1x64xi32, #tpu.memory_space<vmem>> -> memref<64xi32, #tpu.memory_space<vmem>>
        %dma_wait3A_263 = arith.constant 0 : i32
        %dma_wait3A_264 = arith.constant 0 : i32
        %dma_wait3A_265 = tpu.memref_slice %arg13[%dma_wait3A_263, %dma_wait3A_264] : memref<10240x128xf32, #tpu.memory_space<vmem_shared>> -> memref<10240x128xf32, #tpu.memory_space<vmem_shared>>
        tpu.wait_indirect_dma semaphore(%run_scoped3A_253 : memref<!tpu.dma_semaphore, #tpu.memory_space<semaphore_mem>>) src(%arg10 : memref<64x128xf32, #tpu.memory_space<vmem>>) dst(%dma_wait3A_265 : memref<10240x128xf32, #tpu.memory_space<vmem_shared>>)
        tpu.yield
      }) : () -> ()
      %dma_start3A_124 = arith.constant 9 : i32
      %dma_start3A_125 = arith.constant 0 : i32
      %dma_start3A_126 = tpu.memref_slice %arg7[%dma_start3A_124, %dma_start3A_125] : memref<16x64xi32, #tpu.memory_space<vmem>> -> memref<1x64xi32, #tpu.memory_space<vmem>>
      %dma_start3A_127 = tpu.memref_squeeze %dma_start3A_126 : memref<1x64xi32, #tpu.memory_space<vmem>> -> memref<64xi32, #tpu.memory_space<vmem>>
      %dma_start3A_128 = arith.constant 0 : i32
      %dma_start3A_129 = arith.constant 0 : i32
      %dma_start3A_130 = tpu.memref_slice %arg2[%dma_start3A_128, %dma_start3A_129] : memref<10000x128xf32, #tpu.memory_space<hbm>> -> memref<10000x128xf32, #tpu.memory_space<hbm>>
      tpu.enqueue_indirect_dma source(%dma_start3A_130 : memref<10000x128xf32, #tpu.memory_space<hbm>>) target(%arg10 : memref<64x128xf32, #tpu.memory_space<vmem>>) offsets(%dma_start3A_127 : memref<64xi32, #tpu.memory_space<vmem>>) semaphore(%arg14 : memref<!tpu.dma_semaphore, #tpu.memory_space<semaphore_mem>>)
      %dma_wait3A_131 = arith.constant 6 : i32
      %dma_wait3A_132 = arith.constant 0 : i32
      %dma_wait3A_133 = tpu.memref_slice %arg7[%dma_wait3A_131, %dma_wait3A_132] : memref<16x64xi32, #tpu.memory_space<vmem>> -> memref<1x64xi32, #tpu.memory_space<vmem>>
      %dma_wait3A_134 = tpu.memref_squeeze %dma_wait3A_133 : memref<1x64xi32, #tpu.memory_space<vmem>> -> memref<64xi32, #tpu.memory_space<vmem>>
      %dma_wait3A_135 = arith.constant 0 : i32
      %dma_wait3A_136 = arith.constant 0 : i32
      %dma_wait3A_137 = tpu.memref_slice %arg2[%dma_wait3A_135, %dma_wait3A_136] : memref<10000x128xf32, #tpu.memory_space<hbm>> -> memref<10000x128xf32, #tpu.memory_space<hbm>>
      tpu.wait_indirect_dma semaphore(%arg14 : memref<!tpu.dma_semaphore, #tpu.memory_space<semaphore_mem>>) src(%dma_wait3A_137 : memref<10000x128xf32, #tpu.memory_space<hbm>>) dst(%arg11 : memref<64x128xf32, #tpu.memory_space<vmem>>)
      %run_scoped3A_138 = arith.constant 6 : i32
      "tpu.region"() ({
        %run_scoped3A_253 = tpu.sem_alloc : memref<!tpu.dma_semaphore, #tpu.memory_space<semaphore_mem>>
        %dma_start3A_254 = arith.constant 0 : i32
        %dma_start3A_255 = tpu.memref_slice %arg8[%run_scoped3A_138, %dma_start3A_254] : memref<16x64xi32, #tpu.memory_space<vmem>> -> memref<1x64xi32, #tpu.memory_space<vmem>>
        %dma_start3A_256 = tpu.memref_squeeze %dma_start3A_255 : memref<1x64xi32, #tpu.memory_space<vmem>> -> memref<64xi32, #tpu.memory_space<vmem>>
        %dma_start3A_257 = arith.constant 0 : i32
        %dma_start3A_258 = arith.constant 0 : i32
        %dma_start3A_259 = tpu.memref_slice %arg13[%dma_start3A_257, %dma_start3A_258] : memref<10240x128xf32, #tpu.memory_space<vmem_shared>> -> memref<10240x128xf32, #tpu.memory_space<vmem_shared>>
        tpu.enqueue_indirect_dma source(%arg11 : memref<64x128xf32, #tpu.memory_space<vmem>>) target(%dma_start3A_259 : memref<10240x128xf32, #tpu.memory_space<vmem_shared>>) offsets(%dma_start3A_256 : memref<64xi32, #tpu.memory_space<vmem>>) semaphore(%run_scoped3A_253 : memref<!tpu.dma_semaphore, #tpu.memory_space<semaphore_mem>>) {add = true}
        %dma_wait3A_260 = arith.constant 0 : i32
        %dma_wait3A_261 = tpu.memref_slice %arg8[%run_scoped3A_138, %dma_wait3A_260] : memref<16x64xi32, #tpu.memory_space<vmem>> -> memref<1x64xi32, #tpu.memory_space<vmem>>
        %dma_wait3A_262 = tpu.memref_squeeze %dma_wait3A_261 : memref<1x64xi32, #tpu.memory_space<vmem>> -> memref<64xi32, #tpu.memory_space<vmem>>
        %dma_wait3A_263 = arith.constant 0 : i32
        %dma_wait3A_264 = arith.constant 0 : i32
        %dma_wait3A_265 = tpu.memref_slice %arg13[%dma_wait3A_263, %dma_wait3A_264] : memref<10240x128xf32, #tpu.memory_space<vmem_shared>> -> memref<10240x128xf32, #tpu.memory_space<vmem_shared>>
        tpu.wait_indirect_dma semaphore(%run_scoped3A_253 : memref<!tpu.dma_semaphore, #tpu.memory_space<semaphore_mem>>) src(%arg11 : memref<64x128xf32, #tpu.memory_space<vmem>>) dst(%dma_wait3A_265 : memref<10240x128xf32, #tpu.memory_space<vmem_shared>>)
        tpu.yield
      }) : () -> ()
      %dma_start3A_139 = arith.constant 10 : i32
      %dma_start3A_140 = arith.constant 0 : i32
      %dma_start3A_141 = tpu.memref_slice %arg7[%dma_start3A_139, %dma_start3A_140] : memref<16x64xi32, #tpu.memory_space<vmem>> -> memref<1x64xi32, #tpu.memory_space<vmem>>
      %dma_start3A_142 = tpu.memref_squeeze %dma_start3A_141 : memref<1x64xi32, #tpu.memory_space<vmem>> -> memref<64xi32, #tpu.memory_space<vmem>>
      %dma_start3A_143 = arith.constant 0 : i32
      %dma_start3A_144 = arith.constant 0 : i32
      %dma_start3A_145 = tpu.memref_slice %arg2[%dma_start3A_143, %dma_start3A_144] : memref<10000x128xf32, #tpu.memory_space<hbm>> -> memref<10000x128xf32, #tpu.memory_space<hbm>>
      tpu.enqueue_indirect_dma source(%dma_start3A_145 : memref<10000x128xf32, #tpu.memory_space<hbm>>) target(%arg11 : memref<64x128xf32, #tpu.memory_space<vmem>>) offsets(%dma_start3A_142 : memref<64xi32, #tpu.memory_space<vmem>>) semaphore(%arg14 : memref<!tpu.dma_semaphore, #tpu.memory_space<semaphore_mem>>)
      %dma_wait3A_146 = arith.constant 7 : i32
      %dma_wait3A_147 = arith.constant 0 : i32
      %dma_wait3A_148 = tpu.memref_slice %arg7[%dma_wait3A_146, %dma_wait3A_147] : memref<16x64xi32, #tpu.memory_space<vmem>> -> memref<1x64xi32, #tpu.memory_space<vmem>>
      %dma_wait3A_149 = tpu.memref_squeeze %dma_wait3A_148 : memref<1x64xi32, #tpu.memory_space<vmem>> -> memref<64xi32, #tpu.memory_space<vmem>>
      %dma_wait3A_150 = arith.constant 0 : i32
      %dma_wait3A_151 = arith.constant 0 : i32
      %dma_wait3A_152 = tpu.memref_slice %arg2[%dma_wait3A_150, %dma_wait3A_151] : memref<10000x128xf32, #tpu.memory_space<hbm>> -> memref<10000x128xf32, #tpu.memory_space<hbm>>
      tpu.wait_indirect_dma semaphore(%arg14 : memref<!tpu.dma_semaphore, #tpu.memory_space<semaphore_mem>>) src(%dma_wait3A_152 : memref<10000x128xf32, #tpu.memory_space<hbm>>) dst(%arg12 : memref<64x128xf32, #tpu.memory_space<vmem>>)
      %run_scoped3A_153 = arith.constant 7 : i32
      "tpu.region"() ({
        %run_scoped3A_253 = tpu.sem_alloc : memref<!tpu.dma_semaphore, #tpu.memory_space<semaphore_mem>>
        %dma_start3A_254 = arith.constant 0 : i32
        %dma_start3A_255 = tpu.memref_slice %arg8[%run_scoped3A_153, %dma_start3A_254] : memref<16x64xi32, #tpu.memory_space<vmem>> -> memref<1x64xi32, #tpu.memory_space<vmem>>
        %dma_start3A_256 = tpu.memref_squeeze %dma_start3A_255 : memref<1x64xi32, #tpu.memory_space<vmem>> -> memref<64xi32, #tpu.memory_space<vmem>>
        %dma_start3A_257 = arith.constant 0 : i32
        %dma_start3A_258 = arith.constant 0 : i32
        %dma_start3A_259 = tpu.memref_slice %arg13[%dma_start3A_257, %dma_start3A_258] : memref<10240x128xf32, #tpu.memory_space<vmem_shared>> -> memref<10240x128xf32, #tpu.memory_space<vmem_shared>>
        tpu.enqueue_indirect_dma source(%arg12 : memref<64x128xf32, #tpu.memory_space<vmem>>) target(%dma_start3A_259 : memref<10240x128xf32, #tpu.memory_space<vmem_shared>>) offsets(%dma_start3A_256 : memref<64xi32, #tpu.memory_space<vmem>>) semaphore(%run_scoped3A_253 : memref<!tpu.dma_semaphore, #tpu.memory_space<semaphore_mem>>) {add = true}
        %dma_wait3A_260 = arith.constant 0 : i32
        %dma_wait3A_261 = tpu.memref_slice %arg8[%run_scoped3A_153, %dma_wait3A_260] : memref<16x64xi32, #tpu.memory_space<vmem>> -> memref<1x64xi32, #tpu.memory_space<vmem>>
        %dma_wait3A_262 = tpu.memref_squeeze %dma_wait3A_261 : memref<1x64xi32, #tpu.memory_space<vmem>> -> memref<64xi32, #tpu.memory_space<vmem>>
        %dma_wait3A_263 = arith.constant 0 : i32
        %dma_wait3A_264 = arith.constant 0 : i32
        %dma_wait3A_265 = tpu.memref_slice %arg13[%dma_wait3A_263, %dma_wait3A_264] : memref<10240x128xf32, #tpu.memory_space<vmem_shared>> -> memref<10240x128xf32, #tpu.memory_space<vmem_shared>>
        tpu.wait_indirect_dma semaphore(%run_scoped3A_253 : memref<!tpu.dma_semaphore, #tpu.memory_space<semaphore_mem>>) src(%arg12 : memref<64x128xf32, #tpu.memory_space<vmem>>) dst(%dma_wait3A_265 : memref<10240x128xf32, #tpu.memory_space<vmem_shared>>)
        tpu.yield
      }) : () -> ()
      %dma_start3A_154 = arith.constant 11 : i32
      %dma_start3A_155 = arith.constant 0 : i32
      %dma_start3A_156 = tpu.memref_slice %arg7[%dma_start3A_154, %dma_start3A_155] : memref<16x64xi32, #tpu.memory_space<vmem>> -> memref<1x64xi32, #tpu.memory_space<vmem>>
      %dma_start3A_157 = tpu.memref_squeeze %dma_start3A_156 : memref<1x64xi32, #tpu.memory_space<vmem>> -> memref<64xi32, #tpu.memory_space<vmem>>
      %dma_start3A_158 = arith.constant 0 : i32
      %dma_start3A_159 = arith.constant 0 : i32
      %dma_start3A_160 = tpu.memref_slice %arg2[%dma_start3A_158, %dma_start3A_159] : memref<10000x128xf32, #tpu.memory_space<hbm>> -> memref<10000x128xf32, #tpu.memory_space<hbm>>
      tpu.enqueue_indirect_dma source(%dma_start3A_160 : memref<10000x128xf32, #tpu.memory_space<hbm>>) target(%arg12 : memref<64x128xf32, #tpu.memory_space<vmem>>) offsets(%dma_start3A_157 : memref<64xi32, #tpu.memory_space<vmem>>) semaphore(%arg14 : memref<!tpu.dma_semaphore, #tpu.memory_space<semaphore_mem>>)
      %dma_wait3A_161 = arith.constant 8 : i32
      %dma_wait3A_162 = arith.constant 0 : i32
      %dma_wait3A_163 = tpu.memref_slice %arg7[%dma_wait3A_161, %dma_wait3A_162] : memref<16x64xi32, #tpu.memory_space<vmem>> -> memref<1x64xi32, #tpu.memory_space<vmem>>
      %dma_wait3A_164 = tpu.memref_squeeze %dma_wait3A_163 : memref<1x64xi32, #tpu.memory_space<vmem>> -> memref<64xi32, #tpu.memory_space<vmem>>
      %dma_wait3A_165 = arith.constant 0 : i32
      %dma_wait3A_166 = arith.constant 0 : i32
      %dma_wait3A_167 = tpu.memref_slice %arg2[%dma_wait3A_165, %dma_wait3A_166] : memref<10000x128xf32, #tpu.memory_space<hbm>> -> memref<10000x128xf32, #tpu.memory_space<hbm>>
      tpu.wait_indirect_dma semaphore(%arg14 : memref<!tpu.dma_semaphore, #tpu.memory_space<semaphore_mem>>) src(%dma_wait3A_167 : memref<10000x128xf32, #tpu.memory_space<hbm>>) dst(%arg9 : memref<64x128xf32, #tpu.memory_space<vmem>>)
      %run_scoped3A_168 = arith.constant 8 : i32
      "tpu.region"() ({
        %run_scoped3A_253 = tpu.sem_alloc : memref<!tpu.dma_semaphore, #tpu.memory_space<semaphore_mem>>
        %dma_start3A_254 = arith.constant 0 : i32
        %dma_start3A_255 = tpu.memref_slice %arg8[%run_scoped3A_168, %dma_start3A_254] : memref<16x64xi32, #tpu.memory_space<vmem>> -> memref<1x64xi32, #tpu.memory_space<vmem>>
        %dma_start3A_256 = tpu.memref_squeeze %dma_start3A_255 : memref<1x64xi32, #tpu.memory_space<vmem>> -> memref<64xi32, #tpu.memory_space<vmem>>
        %dma_start3A_257 = arith.constant 0 : i32
        %dma_start3A_258 = arith.constant 0 : i32
        %dma_start3A_259 = tpu.memref_slice %arg13[%dma_start3A_257, %dma_start3A_258] : memref<10240x128xf32, #tpu.memory_space<vmem_shared>> -> memref<10240x128xf32, #tpu.memory_space<vmem_shared>>
        tpu.enqueue_indirect_dma source(%arg9 : memref<64x128xf32, #tpu.memory_space<vmem>>) target(%dma_start3A_259 : memref<10240x128xf32, #tpu.memory_space<vmem_shared>>) offsets(%dma_start3A_256 : memref<64xi32, #tpu.memory_space<vmem>>) semaphore(%run_scoped3A_253 : memref<!tpu.dma_semaphore, #tpu.memory_space<semaphore_mem>>) {add = true}
        %dma_wait3A_260 = arith.constant 0 : i32
        %dma_wait3A_261 = tpu.memref_slice %arg8[%run_scoped3A_168, %dma_wait3A_260] : memref<16x64xi32, #tpu.memory_space<vmem>> -> memref<1x64xi32, #tpu.memory_space<vmem>>
        %dma_wait3A_262 = tpu.memref_squeeze %dma_wait3A_261 : memref<1x64xi32, #tpu.memory_space<vmem>> -> memref<64xi32, #tpu.memory_space<vmem>>
        %dma_wait3A_263 = arith.constant 0 : i32
        %dma_wait3A_264 = arith.constant 0 : i32
        %dma_wait3A_265 = tpu.memref_slice %arg13[%dma_wait3A_263, %dma_wait3A_264] : memref<10240x128xf32, #tpu.memory_space<vmem_shared>> -> memref<10240x128xf32, #tpu.memory_space<vmem_shared>>
        tpu.wait_indirect_dma semaphore(%run_scoped3A_253 : memref<!tpu.dma_semaphore, #tpu.memory_space<semaphore_mem>>) src(%arg9 : memref<64x128xf32, #tpu.memory_space<vmem>>) dst(%dma_wait3A_265 : memref<10240x128xf32, #tpu.memory_space<vmem_shared>>)
        tpu.yield
      }) : () -> ()
      %dma_start3A_169 = arith.constant 12 : i32
      %dma_start3A_170 = arith.constant 0 : i32
      %dma_start3A_171 = tpu.memref_slice %arg7[%dma_start3A_169, %dma_start3A_170] : memref<16x64xi32, #tpu.memory_space<vmem>> -> memref<1x64xi32, #tpu.memory_space<vmem>>
      %dma_start3A_172 = tpu.memref_squeeze %dma_start3A_171 : memref<1x64xi32, #tpu.memory_space<vmem>> -> memref<64xi32, #tpu.memory_space<vmem>>
      %dma_start3A_173 = arith.constant 0 : i32
      %dma_start3A_174 = arith.constant 0 : i32
      %dma_start3A_175 = tpu.memref_slice %arg2[%dma_start3A_173, %dma_start3A_174] : memref<10000x128xf32, #tpu.memory_space<hbm>> -> memref<10000x128xf32, #tpu.memory_space<hbm>>
      tpu.enqueue_indirect_dma source(%dma_start3A_175 : memref<10000x128xf32, #tpu.memory_space<hbm>>) target(%arg9 : memref<64x128xf32, #tpu.memory_space<vmem>>) offsets(%dma_start3A_172 : memref<64xi32, #tpu.memory_space<vmem>>) semaphore(%arg14 : memref<!tpu.dma_semaphore, #tpu.memory_space<semaphore_mem>>)
      %dma_wait3A_176 = arith.constant 9 : i32
      %dma_wait3A_177 = arith.constant 0 : i32
      %dma_wait3A_178 = tpu.memref_slice %arg7[%dma_wait3A_176, %dma_wait3A_177] : memref<16x64xi32, #tpu.memory_space<vmem>> -> memref<1x64xi32, #tpu.memory_space<vmem>>
      %dma_wait3A_179 = tpu.memref_squeeze %dma_wait3A_178 : memref<1x64xi32, #tpu.memory_space<vmem>> -> memref<64xi32, #tpu.memory_space<vmem>>
      %dma_wait3A_180 = arith.constant 0 : i32
      %dma_wait3A_181 = arith.constant 0 : i32
      %dma_wait3A_182 = tpu.memref_slice %arg2[%dma_wait3A_180, %dma_wait3A_181] : memref<10000x128xf32, #tpu.memory_space<hbm>> -> memref<10000x128xf32, #tpu.memory_space<hbm>>
      tpu.wait_indirect_dma semaphore(%arg14 : memref<!tpu.dma_semaphore, #tpu.memory_space<semaphore_mem>>) src(%dma_wait3A_182 : memref<10000x128xf32, #tpu.memory_space<hbm>>) dst(%arg10 : memref<64x128xf32, #tpu.memory_space<vmem>>)
      %run_scoped3A_183 = arith.constant 9 : i32
      "tpu.region"() ({
        %run_scoped3A_253 = tpu.sem_alloc : memref<!tpu.dma_semaphore, #tpu.memory_space<semaphore_mem>>
        %dma_start3A_254 = arith.constant 0 : i32
        %dma_start3A_255 = tpu.memref_slice %arg8[%run_scoped3A_183, %dma_start3A_254] : memref<16x64xi32, #tpu.memory_space<vmem>> -> memref<1x64xi32, #tpu.memory_space<vmem>>
        %dma_start3A_256 = tpu.memref_squeeze %dma_start3A_255 : memref<1x64xi32, #tpu.memory_space<vmem>> -> memref<64xi32, #tpu.memory_space<vmem>>
        %dma_start3A_257 = arith.constant 0 : i32
        %dma_start3A_258 = arith.constant 0 : i32
        %dma_start3A_259 = tpu.memref_slice %arg13[%dma_start3A_257, %dma_start3A_258] : memref<10240x128xf32, #tpu.memory_space<vmem_shared>> -> memref<10240x128xf32, #tpu.memory_space<vmem_shared>>
        tpu.enqueue_indirect_dma source(%arg10 : memref<64x128xf32, #tpu.memory_space<vmem>>) target(%dma_start3A_259 : memref<10240x128xf32, #tpu.memory_space<vmem_shared>>) offsets(%dma_start3A_256 : memref<64xi32, #tpu.memory_space<vmem>>) semaphore(%run_scoped3A_253 : memref<!tpu.dma_semaphore, #tpu.memory_space<semaphore_mem>>) {add = true}
        %dma_wait3A_260 = arith.constant 0 : i32
        %dma_wait3A_261 = tpu.memref_slice %arg8[%run_scoped3A_183, %dma_wait3A_260] : memref<16x64xi32, #tpu.memory_space<vmem>> -> memref<1x64xi32, #tpu.memory_space<vmem>>
        %dma_wait3A_262 = tpu.memref_squeeze %dma_wait3A_261 : memref<1x64xi32, #tpu.memory_space<vmem>> -> memref<64xi32, #tpu.memory_space<vmem>>
        %dma_wait3A_263 = arith.constant 0 : i32
        %dma_wait3A_264 = arith.constant 0 : i32
        %dma_wait3A_265 = tpu.memref_slice %arg13[%dma_wait3A_263, %dma_wait3A_264] : memref<10240x128xf32, #tpu.memory_space<vmem_shared>> -> memref<10240x128xf32, #tpu.memory_space<vmem_shared>>
        tpu.wait_indirect_dma semaphore(%run_scoped3A_253 : memref<!tpu.dma_semaphore, #tpu.memory_space<semaphore_mem>>) src(%arg10 : memref<64x128xf32, #tpu.memory_space<vmem>>) dst(%dma_wait3A_265 : memref<10240x128xf32, #tpu.memory_space<vmem_shared>>)
        tpu.yield
      }) : () -> ()
      %dma_start3A_184 = arith.constant 13 : i32
      %dma_start3A_185 = arith.constant 0 : i32
      %dma_start3A_186 = tpu.memref_slice %arg7[%dma_start3A_184, %dma_start3A_185] : memref<16x64xi32, #tpu.memory_space<vmem>> -> memref<1x64xi32, #tpu.memory_space<vmem>>
      %dma_start3A_187 = tpu.memref_squeeze %dma_start3A_186 : memref<1x64xi32, #tpu.memory_space<vmem>> -> memref<64xi32, #tpu.memory_space<vmem>>
      %dma_start3A_188 = arith.constant 0 : i32
      %dma_start3A_189 = arith.constant 0 : i32
      %dma_start3A_190 = tpu.memref_slice %arg2[%dma_start3A_188, %dma_start3A_189] : memref<10000x128xf32, #tpu.memory_space<hbm>> -> memref<10000x128xf32, #tpu.memory_space<hbm>>
      tpu.enqueue_indirect_dma source(%dma_start3A_190 : memref<10000x128xf32, #tpu.memory_space<hbm>>) target(%arg10 : memref<64x128xf32, #tpu.memory_space<vmem>>) offsets(%dma_start3A_187 : memref<64xi32, #tpu.memory_space<vmem>>) semaphore(%arg14 : memref<!tpu.dma_semaphore, #tpu.memory_space<semaphore_mem>>)
      %dma_wait3A_191 = arith.constant 10 : i32
      %dma_wait3A_192 = arith.constant 0 : i32
      %dma_wait3A_193 = tpu.memref_slice %arg7[%dma_wait3A_191, %dma_wait3A_192] : memref<16x64xi32, #tpu.memory_space<vmem>> -> memref<1x64xi32, #tpu.memory_space<vmem>>
      %dma_wait3A_194 = tpu.memref_squeeze %dma_wait3A_193 : memref<1x64xi32, #tpu.memory_space<vmem>> -> memref<64xi32, #tpu.memory_space<vmem>>
      %dma_wait3A_195 = arith.constant 0 : i32
      %dma_wait3A_196 = arith.constant 0 : i32
      %dma_wait3A_197 = tpu.memref_slice %arg2[%dma_wait3A_195, %dma_wait3A_196] : memref<10000x128xf32, #tpu.memory_space<hbm>> -> memref<10000x128xf32, #tpu.memory_space<hbm>>
      tpu.wait_indirect_dma semaphore(%arg14 : memref<!tpu.dma_semaphore, #tpu.memory_space<semaphore_mem>>) src(%dma_wait3A_197 : memref<10000x128xf32, #tpu.memory_space<hbm>>) dst(%arg11 : memref<64x128xf32, #tpu.memory_space<vmem>>)
      %run_scoped3A_198 = arith.constant 10 : i32
      "tpu.region"() ({
        %run_scoped3A_253 = tpu.sem_alloc : memref<!tpu.dma_semaphore, #tpu.memory_space<semaphore_mem>>
        %dma_start3A_254 = arith.constant 0 : i32
        %dma_start3A_255 = tpu.memref_slice %arg8[%run_scoped3A_198, %dma_start3A_254] : memref<16x64xi32, #tpu.memory_space<vmem>> -> memref<1x64xi32, #tpu.memory_space<vmem>>
        %dma_start3A_256 = tpu.memref_squeeze %dma_start3A_255 : memref<1x64xi32, #tpu.memory_space<vmem>> -> memref<64xi32, #tpu.memory_space<vmem>>
        %dma_start3A_257 = arith.constant 0 : i32
        %dma_start3A_258 = arith.constant 0 : i32
        %dma_start3A_259 = tpu.memref_slice %arg13[%dma_start3A_257, %dma_start3A_258] : memref<10240x128xf32, #tpu.memory_space<vmem_shared>> -> memref<10240x128xf32, #tpu.memory_space<vmem_shared>>
        tpu.enqueue_indirect_dma source(%arg11 : memref<64x128xf32, #tpu.memory_space<vmem>>) target(%dma_start3A_259 : memref<10240x128xf32, #tpu.memory_space<vmem_shared>>) offsets(%dma_start3A_256 : memref<64xi32, #tpu.memory_space<vmem>>) semaphore(%run_scoped3A_253 : memref<!tpu.dma_semaphore, #tpu.memory_space<semaphore_mem>>) {add = true}
        %dma_wait3A_260 = arith.constant 0 : i32
        %dma_wait3A_261 = tpu.memref_slice %arg8[%run_scoped3A_198, %dma_wait3A_260] : memref<16x64xi32, #tpu.memory_space<vmem>> -> memref<1x64xi32, #tpu.memory_space<vmem>>
        %dma_wait3A_262 = tpu.memref_squeeze %dma_wait3A_261 : memref<1x64xi32, #tpu.memory_space<vmem>> -> memref<64xi32, #tpu.memory_space<vmem>>
        %dma_wait3A_263 = arith.constant 0 : i32
        %dma_wait3A_264 = arith.constant 0 : i32
        %dma_wait3A_265 = tpu.memref_slice %arg13[%dma_wait3A_263, %dma_wait3A_264] : memref<10240x128xf32, #tpu.memory_space<vmem_shared>> -> memref<10240x128xf32, #tpu.memory_space<vmem_shared>>
        tpu.wait_indirect_dma semaphore(%run_scoped3A_253 : memref<!tpu.dma_semaphore, #tpu.memory_space<semaphore_mem>>) src(%arg11 : memref<64x128xf32, #tpu.memory_space<vmem>>) dst(%dma_wait3A_265 : memref<10240x128xf32, #tpu.memory_space<vmem_shared>>)
        tpu.yield
      }) : () -> ()
      %dma_start3A_199 = arith.constant 14 : i32
      %dma_start3A_200 = arith.constant 0 : i32
      %dma_start3A_201 = tpu.memref_slice %arg7[%dma_start3A_199, %dma_start3A_200] : memref<16x64xi32, #tpu.memory_space<vmem>> -> memref<1x64xi32, #tpu.memory_space<vmem>>
      %dma_start3A_202 = tpu.memref_squeeze %dma_start3A_201 : memref<1x64xi32, #tpu.memory_space<vmem>> -> memref<64xi32, #tpu.memory_space<vmem>>
      %dma_start3A_203 = arith.constant 0 : i32
      %dma_start3A_204 = arith.constant 0 : i32
      %dma_start3A_205 = tpu.memref_slice %arg2[%dma_start3A_203, %dma_start3A_204] : memref<10000x128xf32, #tpu.memory_space<hbm>> -> memref<10000x128xf32, #tpu.memory_space<hbm>>
      tpu.enqueue_indirect_dma source(%dma_start3A_205 : memref<10000x128xf32, #tpu.memory_space<hbm>>) target(%arg11 : memref<64x128xf32, #tpu.memory_space<vmem>>) offsets(%dma_start3A_202 : memref<64xi32, #tpu.memory_space<vmem>>) semaphore(%arg14 : memref<!tpu.dma_semaphore, #tpu.memory_space<semaphore_mem>>)
      %dma_wait3A_206 = arith.constant 11 : i32
      %dma_wait3A_207 = arith.constant 0 : i32
      %dma_wait3A_208 = tpu.memref_slice %arg7[%dma_wait3A_206, %dma_wait3A_207] : memref<16x64xi32, #tpu.memory_space<vmem>> -> memref<1x64xi32, #tpu.memory_space<vmem>>
      %dma_wait3A_209 = tpu.memref_squeeze %dma_wait3A_208 : memref<1x64xi32, #tpu.memory_space<vmem>> -> memref<64xi32, #tpu.memory_space<vmem>>
      %dma_wait3A_210 = arith.constant 0 : i32
      %dma_wait3A_211 = arith.constant 0 : i32
      %dma_wait3A_212 = tpu.memref_slice %arg2[%dma_wait3A_210, %dma_wait3A_211] : memref<10000x128xf32, #tpu.memory_space<hbm>> -> memref<10000x128xf32, #tpu.memory_space<hbm>>
      tpu.wait_indirect_dma semaphore(%arg14 : memref<!tpu.dma_semaphore, #tpu.memory_space<semaphore_mem>>) src(%dma_wait3A_212 : memref<10000x128xf32, #tpu.memory_space<hbm>>) dst(%arg12 : memref<64x128xf32, #tpu.memory_space<vmem>>)
      %run_scoped3A_213 = arith.constant 11 : i32
      "tpu.region"() ({
        %run_scoped3A_253 = tpu.sem_alloc : memref<!tpu.dma_semaphore, #tpu.memory_space<semaphore_mem>>
        %dma_start3A_254 = arith.constant 0 : i32
        %dma_start3A_255 = tpu.memref_slice %arg8[%run_scoped3A_213, %dma_start3A_254] : memref<16x64xi32, #tpu.memory_space<vmem>> -> memref<1x64xi32, #tpu.memory_space<vmem>>
        %dma_start3A_256 = tpu.memref_squeeze %dma_start3A_255 : memref<1x64xi32, #tpu.memory_space<vmem>> -> memref<64xi32, #tpu.memory_space<vmem>>
        %dma_start3A_257 = arith.constant 0 : i32
        %dma_start3A_258 = arith.constant 0 : i32
        %dma_start3A_259 = tpu.memref_slice %arg13[%dma_start3A_257, %dma_start3A_258] : memref<10240x128xf32, #tpu.memory_space<vmem_shared>> -> memref<10240x128xf32, #tpu.memory_space<vmem_shared>>
        tpu.enqueue_indirect_dma source(%arg12 : memref<64x128xf32, #tpu.memory_space<vmem>>) target(%dma_start3A_259 : memref<10240x128xf32, #tpu.memory_space<vmem_shared>>) offsets(%dma_start3A_256 : memref<64xi32, #tpu.memory_space<vmem>>) semaphore(%run_scoped3A_253 : memref<!tpu.dma_semaphore, #tpu.memory_space<semaphore_mem>>) {add = true}
        %dma_wait3A_260 = arith.constant 0 : i32
        %dma_wait3A_261 = tpu.memref_slice %arg8[%run_scoped3A_213, %dma_wait3A_260] : memref<16x64xi32, #tpu.memory_space<vmem>> -> memref<1x64xi32, #tpu.memory_space<vmem>>
        %dma_wait3A_262 = tpu.memref_squeeze %dma_wait3A_261 : memref<1x64xi32, #tpu.memory_space<vmem>> -> memref<64xi32, #tpu.memory_space<vmem>>
        %dma_wait3A_263 = arith.constant 0 : i32
        %dma_wait3A_264 = arith.constant 0 : i32
        %dma_wait3A_265 = tpu.memref_slice %arg13[%dma_wait3A_263, %dma_wait3A_264] : memref<10240x128xf32, #tpu.memory_space<vmem_shared>> -> memref<10240x128xf32, #tpu.memory_space<vmem_shared>>
        tpu.wait_indirect_dma semaphore(%run_scoped3A_253 : memref<!tpu.dma_semaphore, #tpu.memory_space<semaphore_mem>>) src(%arg12 : memref<64x128xf32, #tpu.memory_space<vmem>>) dst(%dma_wait3A_265 : memref<10240x128xf32, #tpu.memory_space<vmem_shared>>)
        tpu.yield
      }) : () -> ()
      %dma_start3A_214 = arith.constant 15 : i32
      %dma_start3A_215 = arith.constant 0 : i32
      %dma_start3A_216 = tpu.memref_slice %arg7[%dma_start3A_214, %dma_start3A_215] : memref<16x64xi32, #tpu.memory_space<vmem>> -> memref<1x64xi32, #tpu.memory_space<vmem>>
      %dma_start3A_217 = tpu.memref_squeeze %dma_start3A_216 : memref<1x64xi32, #tpu.memory_space<vmem>> -> memref<64xi32, #tpu.memory_space<vmem>>
      %dma_start3A_218 = arith.constant 0 : i32
      %dma_start3A_219 = arith.constant 0 : i32
      %dma_start3A_220 = tpu.memref_slice %arg2[%dma_start3A_218, %dma_start3A_219] : memref<10000x128xf32, #tpu.memory_space<hbm>> -> memref<10000x128xf32, #tpu.memory_space<hbm>>
      tpu.enqueue_indirect_dma source(%dma_start3A_220 : memref<10000x128xf32, #tpu.memory_space<hbm>>) target(%arg12 : memref<64x128xf32, #tpu.memory_space<vmem>>) offsets(%dma_start3A_217 : memref<64xi32, #tpu.memory_space<vmem>>) semaphore(%arg14 : memref<!tpu.dma_semaphore, #tpu.memory_space<semaphore_mem>>)
      %dma_wait3A_221 = arith.constant 12 : i32
      %dma_wait3A_222 = arith.constant 0 : i32
      %dma_wait3A_223 = tpu.memref_slice %arg7[%dma_wait3A_221, %dma_wait3A_222] : memref<16x64xi32, #tpu.memory_space<vmem>> -> memref<1x64xi32, #tpu.memory_space<vmem>>
      %dma_wait3A_224 = tpu.memref_squeeze %dma_wait3A_223 : memref<1x64xi32, #tpu.memory_space<vmem>> -> memref<64xi32, #tpu.memory_space<vmem>>
      %dma_wait3A_225 = arith.constant 0 : i32
      %dma_wait3A_226 = arith.constant 0 : i32
      %dma_wait3A_227 = tpu.memref_slice %arg2[%dma_wait3A_225, %dma_wait3A_226] : memref<10000x128xf32, #tpu.memory_space<hbm>> -> memref<10000x128xf32, #tpu.memory_space<hbm>>
      tpu.wait_indirect_dma semaphore(%arg14 : memref<!tpu.dma_semaphore, #tpu.memory_space<semaphore_mem>>) src(%dma_wait3A_227 : memref<10000x128xf32, #tpu.memory_space<hbm>>) dst(%arg9 : memref<64x128xf32, #tpu.memory_space<vmem>>)
      %run_scoped3A_228 = arith.constant 12 : i32
      "tpu.region"() ({
        %run_scoped3A_253 = tpu.sem_alloc : memref<!tpu.dma_semaphore, #tpu.memory_space<semaphore_mem>>
        %dma_start3A_254 = arith.constant 0 : i32
        %dma_start3A_255 = tpu.memref_slice %arg8[%run_scoped3A_228, %dma_start3A_254] : memref<16x64xi32, #tpu.memory_space<vmem>> -> memref<1x64xi32, #tpu.memory_space<vmem>>
        %dma_start3A_256 = tpu.memref_squeeze %dma_start3A_255 : memref<1x64xi32, #tpu.memory_space<vmem>> -> memref<64xi32, #tpu.memory_space<vmem>>
        %dma_start3A_257 = arith.constant 0 : i32
        %dma_start3A_258 = arith.constant 0 : i32
        %dma_start3A_259 = tpu.memref_slice %arg13[%dma_start3A_257, %dma_start3A_258] : memref<10240x128xf32, #tpu.memory_space<vmem_shared>> -> memref<10240x128xf32, #tpu.memory_space<vmem_shared>>
        tpu.enqueue_indirect_dma source(%arg9 : memref<64x128xf32, #tpu.memory_space<vmem>>) target(%dma_start3A_259 : memref<10240x128xf32, #tpu.memory_space<vmem_shared>>) offsets(%dma_start3A_256 : memref<64xi32, #tpu.memory_space<vmem>>) semaphore(%run_scoped3A_253 : memref<!tpu.dma_semaphore, #tpu.memory_space<semaphore_mem>>) {add = true}
        %dma_wait3A_260 = arith.constant 0 : i32
        %dma_wait3A_261 = tpu.memref_slice %arg8[%run_scoped3A_228, %dma_wait3A_260] : memref<16x64xi32, #tpu.memory_space<vmem>> -> memref<1x64xi32, #tpu.memory_space<vmem>>
        %dma_wait3A_262 = tpu.memref_squeeze %dma_wait3A_261 : memref<1x64xi32, #tpu.memory_space<vmem>> -> memref<64xi32, #tpu.memory_space<vmem>>
        %dma_wait3A_263 = arith.constant 0 : i32
        %dma_wait3A_264 = arith.constant 0 : i32
        %dma_wait3A_265 = tpu.memref_slice %arg13[%dma_wait3A_263, %dma_wait3A_264] : memref<10240x128xf32, #tpu.memory_space<vmem_shared>> -> memref<10240x128xf32, #tpu.memory_space<vmem_shared>>
        tpu.wait_indirect_dma semaphore(%run_scoped3A_253 : memref<!tpu.dma_semaphore, #tpu.memory_space<semaphore_mem>>) src(%arg9 : memref<64x128xf32, #tpu.memory_space<vmem>>) dst(%dma_wait3A_265 : memref<10240x128xf32, #tpu.memory_space<vmem_shared>>)
        tpu.yield
      }) : () -> ()
      %dma_wait3A_229 = arith.constant 13 : i32
      %dma_wait3A_230 = arith.constant 0 : i32
      %dma_wait3A_231 = tpu.memref_slice %arg7[%dma_wait3A_229, %dma_wait3A_230] : memref<16x64xi32, #tpu.memory_space<vmem>> -> memref<1x64xi32, #tpu.memory_space<vmem>>
      %dma_wait3A_232 = tpu.memref_squeeze %dma_wait3A_231 : memref<1x64xi32, #tpu.memory_space<vmem>> -> memref<64xi32, #tpu.memory_space<vmem>>
      %dma_wait3A_233 = arith.constant 0 : i32
      %dma_wait3A_234 = arith.constant 0 : i32
      %dma_wait3A_235 = tpu.memref_slice %arg2[%dma_wait3A_233, %dma_wait3A_234] : memref<10000x128xf32, #tpu.memory_space<hbm>> -> memref<10000x128xf32, #tpu.memory_space<hbm>>
      tpu.wait_indirect_dma semaphore(%arg14 : memref<!tpu.dma_semaphore, #tpu.memory_space<semaphore_mem>>) src(%dma_wait3A_235 : memref<10000x128xf32, #tpu.memory_space<hbm>>) dst(%arg10 : memref<64x128xf32, #tpu.memory_space<vmem>>)
      %run_scoped3A_236 = arith.constant 13 : i32
      "tpu.region"() ({
        %run_scoped3A_253 = tpu.sem_alloc : memref<!tpu.dma_semaphore, #tpu.memory_space<semaphore_mem>>
        %dma_start3A_254 = arith.constant 0 : i32
        %dma_start3A_255 = tpu.memref_slice %arg8[%run_scoped3A_236, %dma_start3A_254] : memref<16x64xi32, #tpu.memory_space<vmem>> -> memref<1x64xi32, #tpu.memory_space<vmem>>
        %dma_start3A_256 = tpu.memref_squeeze %dma_start3A_255 : memref<1x64xi32, #tpu.memory_space<vmem>> -> memref<64xi32, #tpu.memory_space<vmem>>
        %dma_start3A_257 = arith.constant 0 : i32
        %dma_start3A_258 = arith.constant 0 : i32
        %dma_start3A_259 = tpu.memref_slice %arg13[%dma_start3A_257, %dma_start3A_258] : memref<10240x128xf32, #tpu.memory_space<vmem_shared>> -> memref<10240x128xf32, #tpu.memory_space<vmem_shared>>
        tpu.enqueue_indirect_dma source(%arg10 : memref<64x128xf32, #tpu.memory_space<vmem>>) target(%dma_start3A_259 : memref<10240x128xf32, #tpu.memory_space<vmem_shared>>) offsets(%dma_start3A_256 : memref<64xi32, #tpu.memory_space<vmem>>) semaphore(%run_scoped3A_253 : memref<!tpu.dma_semaphore, #tpu.memory_space<semaphore_mem>>) {add = true}
        %dma_wait3A_260 = arith.constant 0 : i32
        %dma_wait3A_261 = tpu.memref_slice %arg8[%run_scoped3A_236, %dma_wait3A_260] : memref<16x64xi32, #tpu.memory_space<vmem>> -> memref<1x64xi32, #tpu.memory_space<vmem>>
        %dma_wait3A_262 = tpu.memref_squeeze %dma_wait3A_261 : memref<1x64xi32, #tpu.memory_space<vmem>> -> memref<64xi32, #tpu.memory_space<vmem>>
        %dma_wait3A_263 = arith.constant 0 : i32
        %dma_wait3A_264 = arith.constant 0 : i32
        %dma_wait3A_265 = tpu.memref_slice %arg13[%dma_wait3A_263, %dma_wait3A_264] : memref<10240x128xf32, #tpu.memory_space<vmem_shared>> -> memref<10240x128xf32, #tpu.memory_space<vmem_shared>>
        tpu.wait_indirect_dma semaphore(%run_scoped3A_253 : memref<!tpu.dma_semaphore, #tpu.memory_space<semaphore_mem>>) src(%arg10 : memref<64x128xf32, #tpu.memory_space<vmem>>) dst(%dma_wait3A_265 : memref<10240x128xf32, #tpu.memory_space<vmem_shared>>)
        tpu.yield
      }) : () -> ()
      %dma_wait3A_237 = arith.constant 14 : i32
      %dma_wait3A_238 = arith.constant 0 : i32
      %dma_wait3A_239 = tpu.memref_slice %arg7[%dma_wait3A_237, %dma_wait3A_238] : memref<16x64xi32, #tpu.memory_space<vmem>> -> memref<1x64xi32, #tpu.memory_space<vmem>>
      %dma_wait3A_240 = tpu.memref_squeeze %dma_wait3A_239 : memref<1x64xi32, #tpu.memory_space<vmem>> -> memref<64xi32, #tpu.memory_space<vmem>>
      %dma_wait3A_241 = arith.constant 0 : i32
      %dma_wait3A_242 = arith.constant 0 : i32
      %dma_wait3A_243 = tpu.memref_slice %arg2[%dma_wait3A_241, %dma_wait3A_242] : memref<10000x128xf32, #tpu.memory_space<hbm>> -> memref<10000x128xf32, #tpu.memory_space<hbm>>
      tpu.wait_indirect_dma semaphore(%arg14 : memref<!tpu.dma_semaphore, #tpu.memory_space<semaphore_mem>>) src(%dma_wait3A_243 : memref<10000x128xf32, #tpu.memory_space<hbm>>) dst(%arg11 : memref<64x128xf32, #tpu.memory_space<vmem>>)
      %run_scoped3A_244 = arith.constant 14 : i32
      "tpu.region"() ({
        %run_scoped3A_253 = tpu.sem_alloc : memref<!tpu.dma_semaphore, #tpu.memory_space<semaphore_mem>>
        %dma_start3A_254 = arith.constant 0 : i32
        %dma_start3A_255 = tpu.memref_slice %arg8[%run_scoped3A_244, %dma_start3A_254] : memref<16x64xi32, #tpu.memory_space<vmem>> -> memref<1x64xi32, #tpu.memory_space<vmem>>
        %dma_start3A_256 = tpu.memref_squeeze %dma_start3A_255 : memref<1x64xi32, #tpu.memory_space<vmem>> -> memref<64xi32, #tpu.memory_space<vmem>>
        %dma_start3A_257 = arith.constant 0 : i32
        %dma_start3A_258 = arith.constant 0 : i32
        %dma_start3A_259 = tpu.memref_slice %arg13[%dma_start3A_257, %dma_start3A_258] : memref<10240x128xf32, #tpu.memory_space<vmem_shared>> -> memref<10240x128xf32, #tpu.memory_space<vmem_shared>>
        tpu.enqueue_indirect_dma source(%arg11 : memref<64x128xf32, #tpu.memory_space<vmem>>) target(%dma_start3A_259 : memref<10240x128xf32, #tpu.memory_space<vmem_shared>>) offsets(%dma_start3A_256 : memref<64xi32, #tpu.memory_space<vmem>>) semaphore(%run_scoped3A_253 : memref<!tpu.dma_semaphore, #tpu.memory_space<semaphore_mem>>) {add = true}
        %dma_wait3A_260 = arith.constant 0 : i32
        %dma_wait3A_261 = tpu.memref_slice %arg8[%run_scoped3A_244, %dma_wait3A_260] : memref<16x64xi32, #tpu.memory_space<vmem>> -> memref<1x64xi32, #tpu.memory_space<vmem>>
        %dma_wait3A_262 = tpu.memref_squeeze %dma_wait3A_261 : memref<1x64xi32, #tpu.memory_space<vmem>> -> memref<64xi32, #tpu.memory_space<vmem>>
        %dma_wait3A_263 = arith.constant 0 : i32
        %dma_wait3A_264 = arith.constant 0 : i32
        %dma_wait3A_265 = tpu.memref_slice %arg13[%dma_wait3A_263, %dma_wait3A_264] : memref<10240x128xf32, #tpu.memory_space<vmem_shared>> -> memref<10240x128xf32, #tpu.memory_space<vmem_shared>>
        tpu.wait_indirect_dma semaphore(%run_scoped3A_253 : memref<!tpu.dma_semaphore, #tpu.memory_space<semaphore_mem>>) src(%arg11 : memref<64x128xf32, #tpu.memory_space<vmem>>) dst(%dma_wait3A_265 : memref<10240x128xf32, #tpu.memory_space<vmem_shared>>)
        tpu.yield
      }) : () -> ()
      %dma_wait3A_245 = arith.constant 15 : i32
      %dma_wait3A_246 = arith.constant 0 : i32
      %dma_wait3A_247 = tpu.memref_slice %arg7[%dma_wait3A_245, %dma_wait3A_246] : memref<16x64xi32, #tpu.memory_space<vmem>> -> memref<1x64xi32, #tpu.memory_space<vmem>>
      %dma_wait3A_248 = tpu.memref_squeeze %dma_wait3A_247 : memref<1x64xi32, #tpu.memory_space<vmem>> -> memref<64xi32, #tpu.memory_space<vmem>>
      %dma_wait3A_249 = arith.constant 0 : i32
      %dma_wait3A_250 = arith.constant 0 : i32
      %dma_wait3A_251 = tpu.memref_slice %arg2[%dma_wait3A_249, %dma_wait3A_250] : memref<10000x128xf32, #tpu.memory_space<hbm>> -> memref<10000x128xf32, #tpu.memory_space<hbm>>
      tpu.wait_indirect_dma semaphore(%arg14 : memref<!tpu.dma_semaphore, #tpu.memory_space<semaphore_mem>>) src(%dma_wait3A_251 : memref<10000x128xf32, #tpu.memory_space<hbm>>) dst(%arg12 : memref<64x128xf32, #tpu.memory_space<vmem>>)
      %run_scoped3A_252 = arith.constant 15 : i32
      "tpu.region"() ({
        %run_scoped3A_253 = tpu.sem_alloc : memref<!tpu.dma_semaphore, #tpu.memory_space<semaphore_mem>>
        %dma_start3A_254 = arith.constant 0 : i32
        %dma_start3A_255 = tpu.memref_slice %arg8[%run_scoped3A_252, %dma_start3A_254] : memref<16x64xi32, #tpu.memory_space<vmem>> -> memref<1x64xi32, #tpu.memory_space<vmem>>
        %dma_start3A_256 = tpu.memref_squeeze %dma_start3A_255 : memref<1x64xi32, #tpu.memory_space<vmem>> -> memref<64xi32, #tpu.memory_space<vmem>>
        %dma_start3A_257 = arith.constant 0 : i32
        %dma_start3A_258 = arith.constant 0 : i32
        %dma_start3A_259 = tpu.memref_slice %arg13[%dma_start3A_257, %dma_start3A_258] : memref<10240x128xf32, #tpu.memory_space<vmem_shared>> -> memref<10240x128xf32, #tpu.memory_space<vmem_shared>>
        tpu.enqueue_indirect_dma source(%arg12 : memref<64x128xf32, #tpu.memory_space<vmem>>) target(%dma_start3A_259 : memref<10240x128xf32, #tpu.memory_space<vmem_shared>>) offsets(%dma_start3A_256 : memref<64xi32, #tpu.memory_space<vmem>>) semaphore(%run_scoped3A_253 : memref<!tpu.dma_semaphore, #tpu.memory_space<semaphore_mem>>) {add = true}
        %dma_wait3A_260 = arith.constant 0 : i32
        %dma_wait3A_261 = tpu.memref_slice %arg8[%run_scoped3A_252, %dma_wait3A_260] : memref<16x64xi32, #tpu.memory_space<vmem>> -> memref<1x64xi32, #tpu.memory_space<vmem>>
        %dma_wait3A_262 = tpu.memref_squeeze %dma_wait3A_261 : memref<1x64xi32, #tpu.memory_space<vmem>> -> memref<64xi32, #tpu.memory_space<vmem>>
        %dma_wait3A_263 = arith.constant 0 : i32
        %dma_wait3A_264 = arith.constant 0 : i32
        %dma_wait3A_265 = tpu.memref_slice %arg13[%dma_wait3A_263, %dma_wait3A_264] : memref<10240x128xf32, #tpu.memory_space<vmem_shared>> -> memref<10240x128xf32, #tpu.memory_space<vmem_shared>>
        tpu.wait_indirect_dma semaphore(%run_scoped3A_253 : memref<!tpu.dma_semaphore, #tpu.memory_space<semaphore_mem>>) src(%arg12 : memref<64x128xf32, #tpu.memory_space<vmem>>) dst(%dma_wait3A_265 : memref<10240x128xf32, #tpu.memory_space<vmem_shared>>)
        tpu.yield
      }) : () -> ()
    }
    %scan3A_7 = arith.constant 10 : i32
    %barrier3A_8 = arith.constant 0 : index
    tpu.barrier barrier_id(%barrier3A_8)
    %mul3A_9 = arith.constant 10240 : i32
    %mul3A_10 = arith.muli %arg0, %mul3A_9 : i32
    %add3A_11 = arith.addi %mul3A_10, %mul3A_2 : i32
    "tpu.region"() ({
      %run_scoped3A = tpu.sem_alloc : memref<!tpu.dma_semaphore, #tpu.memory_space<semaphore_mem>>
      %dma_start3A = arith.constant 0 : i32
      %dma_start3A_12 = tpu.memref_slice %arg6[%add3A_11, %dma_start3A] : memref<20480x128xf32, #tpu.memory_space<hbm>> -> memref<640x128xf32, #tpu.memory_space<hbm>>
      %dma_start3A_13 = arith.constant 0 : i32
      %dma_start3A_14 = tpu.memref_slice %arg13[%mul3A_2, %dma_start3A_13] : memref<10240x128xf32, #tpu.memory_space<vmem_shared>> -> memref<640x128xf32, #tpu.memory_space<vmem_shared>>
      tpu.enqueue_dma source(%dma_start3A_14 : memref<640x128xf32, #tpu.memory_space<vmem_shared>>) target(%dma_start3A_12 : memref<640x128xf32, #tpu.memory_space<hbm>>) target_semaphore(%run_scoped3A : memref<!tpu.dma_semaphore, #tpu.memory_space<semaphore_mem>>)
      %dma_wait3A = arith.constant 0 : i32
      %dma_wait3A_15 = tpu.memref_slice %arg6[%add3A_11, %dma_wait3A] : memref<20480x128xf32, #tpu.memory_space<hbm>> -> memref<640x128xf32, #tpu.memory_space<hbm>>
      %dma_wait3A_16 = arith.constant 0 : i32
      %dma_wait3A_17 = tpu.memref_slice %arg13[%mul3A_2, %dma_wait3A_16] : memref<10240x128xf32, #tpu.memory_space<vmem_shared>> -> memref<640x128xf32, #tpu.memory_space<vmem_shared>>
      tpu.wait_dma2 semaphore(%run_scoped3A : memref<!tpu.dma_semaphore, #tpu.memory_space<semaphore_mem>>) src(%dma_wait3A_17 : memref<640x128xf32, #tpu.memory_space<vmem_shared>>) dst(%dma_wait3A_15 : memref<640x128xf32, #tpu.memory_space<hbm>>)
      tpu.yield
    }) : () -> ()
    return
  }
}

module attributes {stable_mosaic.version = 14 : i64} {
  func.func @_t1_body(%arg0: i32, %arg1: memref<5000x128xf32, #tpu.memory_space<vmem>>, %arg2: memref<2x5000x128xf32, #tpu.memory_space<vmem>>, %arg3: memref<128x128xf32, #tpu.memory_space<vmem>>, %arg4: memref<5000x128xf32, #tpu.memory_space<vmem>>) attributes {dimension_semantics = [#tpu.dimension_semantics<arbitrary>], iteration_bounds = array<i64: 2>, scalar_prefetch = 0 : i64, scratch_operands = 0 : i64, tpu.core_type = #tpu.core_type<tc>, window_params = [{transform_indices = @transform_0, window_bounds = array<i64: 5000, 128>}, {transform_indices = @transform_1, window_bounds = array<i64: 2, 5000, 128>}, {pipeline_mode = #tpu.pipeline_mode<synchronous>, transform_indices = @transform_2, window_bounds = array<i64: 128, 128>}, {transform_indices = @transform_3, window_bounds = array<i64: 5000, 128>}]} {
    %get3A = arith.constant 0 : index
    %get3A_0 = arith.constant 0 : index
    %get3A_1 = arith.constant 0 : index
    %get3A_2 = vector.load %arg2[%get3A, %get3A_0, %get3A_1] : memref<2x5000x128xf32, #tpu.memory_space<vmem>>, vector<2x5000x128xf32>
    %slice3A = vector.extract_strided_slice %get3A_2 {offsets = [0, 0, 0], sizes = [1, 5000, 1], strides = [1, 1, 1]} : vector<2x5000x128xf32> to vector<1x5000x1xf32>
    %squeeze3A = vector.shape_cast %slice3A : vector<1x5000x1xf32> to vector<5000xf32>
    %slice3A_3 = vector.extract_strided_slice %get3A_2 {offsets = [1, 0, 0], sizes = [1, 5000, 1], strides = [1, 1, 1]} : vector<2x5000x128xf32> to vector<1x5000x1xf32>
    %squeeze3A_4 = vector.shape_cast %slice3A_3 : vector<1x5000x1xf32> to vector<5000xf32>
    %add3A = arith.addf %squeeze3A, %squeeze3A_4 : vector<5000xf32>
    %add3A_5 = arith.constant 1.000000e+00 : f32
    %add3A_6 = vector.broadcast %add3A_5 : f32 to vector<5000xf32>
    %add3A_7 = arith.addf %add3A, %add3A_6 : vector<5000xf32>
    %rsqrt3A = math.rsqrt %add3A_7 : vector<5000xf32>
    %get3A_8 = arith.constant 0 : index
    %get3A_9 = arith.constant 0 : index
    %get3A_10 = vector.load %arg1[%get3A_8, %get3A_9] : memref<5000x128xf32, #tpu.memory_space<vmem>>, vector<5000x128xf32>
    %get3A_11 = arith.constant 0 : index
    %get3A_12 = arith.constant 0 : index
    %get3A_13 = vector.load %arg3[%get3A_11, %get3A_12] : memref<128x128xf32, #tpu.memory_space<vmem>>, vector<128x128xf32>
    %dot_general3A = arith.constant dense<0.000000e+00> : vector<5000x128xf32>
    %dot_general3A_14 = tpu.matmul %get3A_10, %get3A_13, %dot_general3A {dimension_numbers = #tpu.dot_dimension_numbers<[1], [0], [0], [1], [0, 0, 1, 1], [], []>, transpose_lhs_hint = false} : vector<5000x128xf32>, vector<128x128xf32>, vector<5000x128xf32> -> vector<5000x128xf32>
    %broadcast_in_dim3A = vector.shape_cast %rsqrt3A : vector<5000xf32> to vector<5000x1xf32>
    %mul3A = vector.broadcast %broadcast_in_dim3A : vector<5000x1xf32> to vector<5000x128xf32>
    %mul3A_15 = arith.mulf %dot_general3A_14, %mul3A : vector<5000x128xf32>
    %swap3A = arith.constant 0 : index
    %swap3A_16 = arith.constant 0 : index
    %swap3A_17 = vector.load %arg4[%swap3A, %swap3A_16] : memref<5000x128xf32, #tpu.memory_space<vmem>>, vector<5000x128xf32>
    tpu.vector_store %arg4[%swap3A, %swap3A_16], %mul3A_15 {strides = array<i32>} : memref<5000x128xf32, #tpu.memory_space<vmem>>, vector<5000x128xf32>,
    return
  }
  func.func @transform_0(%arg0: i32) -> (i32, i32) {
    %c0_i32 = arith.constant 0 : i32
    %c0_i32_0 = arith.constant 0 : i32
    return %arg0, %c0_i32 : i32, i32
  }
  func.func @transform_1(%arg0: i32) -> (i32, i32, i32) {
    %c0_i32 = arith.constant 0 : i32
    %c0_i32_0 = arith.constant 0 : i32
    %c0_i32_1 = arith.constant 0 : i32
    return %c0_i32, %arg0, %c0_i32_0 : i32, i32, i32
  }
  func.func @transform_2(%arg0: i32) -> (i32, i32) {
    %c0_i32 = arith.constant 0 : i32
    %c0_i32_0 = arith.constant 0 : i32
    %c0_i32_1 = arith.constant 0 : i32
    return %c0_i32, %c0_i32_0 : i32, i32
  }
  func.func @transform_3(%arg0: i32) -> (i32, i32) {
    %c0_i32 = arith.constant 0 : i32
    %c0_i32_0 = arith.constant 0 : i32
    return %arg0, %c0_i32 : i32, i32
  }
}

module attributes {stable_mosaic.version = 14 : i64} {
  func.func @_tmid_body(%arg0: i32, %arg1: memref<2x5000x128xf32, #tpu.memory_space<vmem>>, %arg2: memref<5000x128xf32, #tpu.memory_space<vmem>>, %arg3: memref<2x5000x128xf32, #tpu.memory_space<vmem>>, %arg4: memref<1x128xf32, #tpu.memory_space<vmem>>, %arg5: memref<128x128xf32, #tpu.memory_space<vmem>>, %arg6: memref<5000x128xf32, #tpu.memory_space<vmem>>) attributes {dimension_semantics = [#tpu.dimension_semantics<arbitrary>], iteration_bounds = array<i64: 2>, scalar_prefetch = 0 : i64, scratch_operands = 0 : i64, tpu.core_type = #tpu.core_type<tc>, window_params = [{transform_indices = @transform_0, window_bounds = array<i64: 2, 5000, 128>}, {transform_indices = @transform_1, window_bounds = array<i64: 5000, 128>}, {transform_indices = @transform_2, window_bounds = array<i64: 2, 5000, 128>}, {pipeline_mode = #tpu.pipeline_mode<synchronous>, transform_indices = @transform_3, window_bounds = array<i64: 1, 128>}, {pipeline_mode = #tpu.pipeline_mode<synchronous>, transform_indices = @transform_4, window_bounds = array<i64: 128, 128>}, {transform_indices = @transform_5, window_bounds = array<i64: 5000, 128>}]} {
    %get3A = arith.constant 0 : index
    %get3A_0 = arith.constant 0 : index
    %get3A_1 = arith.constant 0 : index
    %get3A_2 = vector.load %arg3[%get3A, %get3A_0, %get3A_1] : memref<2x5000x128xf32, #tpu.memory_space<vmem>>, vector<2x5000x128xf32>
    %slice3A = vector.extract_strided_slice %get3A_2 {offsets = [0, 0, 0], sizes = [1, 5000, 1], strides = [1, 1, 1]} : vector<2x5000x128xf32> to vector<1x5000x1xf32>
    %squeeze3A = vector.shape_cast %slice3A : vector<1x5000x1xf32> to vector<5000xf32>
    %slice3A_3 = vector.extract_strided_slice %get3A_2 {offsets = [1, 0, 0], sizes = [1, 5000, 1], strides = [1, 1, 1]} : vector<2x5000x128xf32> to vector<1x5000x1xf32>
    %squeeze3A_4 = vector.shape_cast %slice3A_3 : vector<1x5000x1xf32> to vector<5000xf32>
    %add3A = arith.addf %squeeze3A, %squeeze3A_4 : vector<5000xf32>
    %add3A_5 = arith.constant 1.000000e+00 : f32
    %add3A_6 = vector.broadcast %add3A_5 : f32 to vector<5000xf32>
    %add3A_7 = arith.addf %add3A, %add3A_6 : vector<5000xf32>
    %rsqrt3A = math.rsqrt %add3A_7 : vector<5000xf32>
    %get3A_8 = arith.constant 0 : index
    %get3A_9 = arith.constant 0 : index
    %get3A_10 = arith.constant 0 : index
    %get3A_11 = vector.load %arg1[%get3A_8, %get3A_9, %get3A_10] : memref<2x5000x128xf32, #tpu.memory_space<vmem>>, vector<1x5000x128xf32>
    %get3A_12 = vector.shape_cast %get3A_11 : vector<1x5000x128xf32> to vector<5000x128xf32>
    %get3A_13 = arith.constant 1 : index
    %get3A_14 = arith.constant 0 : index
    %get3A_15 = arith.constant 0 : index
    %get3A_16 = vector.load %arg1[%get3A_13, %get3A_14, %get3A_15] : memref<2x5000x128xf32, #tpu.memory_space<vmem>>, vector<1x5000x128xf32>
    %get3A_17 = vector.shape_cast %get3A_16 : vector<1x5000x128xf32> to vector<5000x128xf32>
    %add3A_18 = arith.addf %get3A_12, %get3A_17 : vector<5000x128xf32>
    %get3A_19 = arith.constant 0 : index
    %get3A_20 = arith.constant 0 : index
    %get3A_21 = vector.load %arg2[%get3A_19, %get3A_20] : memref<5000x128xf32, #tpu.memory_space<vmem>>, vector<5000x128xf32>
    %add3A_22 = arith.addf %add3A_18, %get3A_21 : vector<5000x128xf32>
    %broadcast_in_dim3A = vector.shape_cast %rsqrt3A : vector<5000xf32> to vector<5000x1xf32>
    %mul3A = vector.broadcast %broadcast_in_dim3A : vector<5000x1xf32> to vector<5000x128xf32>
    %mul3A_23 = arith.mulf %add3A_22, %mul3A : vector<5000x128xf32>
    %get3A_24 = arith.constant 0 : index
    %get3A_25 = arith.constant 0 : index
    %get3A_26 = vector.load %arg4[%get3A_24, %get3A_25] : memref<1x128xf32, #tpu.memory_space<vmem>>, vector<1x128xf32>
    %add3A_27 = vector.broadcast %get3A_26 : vector<1x128xf32> to vector<5000x128xf32>
    %add3A_28 = arith.addf %mul3A_23, %add3A_27 : vector<5000x128xf32>
    %max3A = arith.constant 0.000000e+00 : f32
    %max3A_29 = vector.broadcast %max3A : f32 to vector<5000x128xf32>
    %max3A_30 = arith.maximumf %add3A_28, %max3A_29 : vector<5000x128xf32>
    %get3A_31 = arith.constant 0 : index
    %get3A_32 = arith.constant 0 : index
    %get3A_33 = vector.load %arg5[%get3A_31, %get3A_32] : memref<128x128xf32, #tpu.memory_space<vmem>>, vector<128x128xf32>
    %dot_general3A = arith.constant dense<0.000000e+00> : vector<5000x128xf32>
    %dot_general3A_34 = tpu.matmul %max3A_30, %get3A_33, %dot_general3A {dimension_numbers = #tpu.dot_dimension_numbers<[1], [0], [0], [1], [0, 0, 1, 1], [], []>, transpose_lhs_hint = false} : vector<5000x128xf32>, vector<128x128xf32>, vector<5000x128xf32> -> vector<5000x128xf32>
    %broadcast_in_dim3A_35 = vector.shape_cast %rsqrt3A : vector<5000xf32> to vector<5000x1xf32>
    %mul3A_36 = vector.broadcast %broadcast_in_dim3A_35 : vector<5000x1xf32> to vector<5000x128xf32>
    %mul3A_37 = arith.mulf %dot_general3A_34, %mul3A_36 : vector<5000x128xf32>
    %swap3A = arith.constant 0 : index
    %swap3A_38 = arith.constant 0 : index
    %swap3A_39 = vector.load %arg6[%swap3A, %swap3A_38] : memref<5000x128xf32, #tpu.memory_space<vmem>>, vector<5000x128xf32>
    tpu.vector_store %arg6[%swap3A, %swap3A_38], %mul3A_37 {strides = array<i32>} : memref<5000x128xf32, #tpu.memory_space<vmem>>, vector<5000x128xf32>,
    return
  }
  func.func @transform_0(%arg0: i32) -> (i32, i32, i32) {
    %c0_i32 = arith.constant 0 : i32
    %c0_i32_0 = arith.constant 0 : i32
    %c0_i32_1 = arith.constant 0 : i32
    return %c0_i32, %arg0, %c0_i32_0 : i32, i32, i32
  }
  func.func @transform_1(%arg0: i32) -> (i32, i32) {
    %c0_i32 = arith.constant 0 : i32
    %c0_i32_0 = arith.constant 0 : i32
    return %arg0, %c0_i32 : i32, i32
  }
  func.func @transform_2(%arg0: i32) -> (i32, i32, i32) {
    %c0_i32 = arith.constant 0 : i32
    %c0_i32_0 = arith.constant 0 : i32
    %c0_i32_1 = arith.constant 0 : i32
    return %c0_i32, %arg0, %c0_i32_0 : i32, i32, i32
  }
  func.func @transform_3(%arg0: i32) -> (i32, i32) {
    %c0_i32 = arith.constant 0 : i32
    %c0_i32_0 = arith.constant 0 : i32
    %c0_i32_1 = arith.constant 0 : i32
    return %c0_i32, %c0_i32_0 : i32, i32
  }
  func.func @transform_4(%arg0: i32) -> (i32, i32) {
    %c0_i32 = arith.constant 0 : i32
    %c0_i32_0 = arith.constant 0 : i32
    %c0_i32_1 = arith.constant 0 : i32
    return %c0_i32, %c0_i32_0 : i32, i32
  }
  func.func @transform_5(%arg0: i32) -> (i32, i32) {
    %c0_i32 = arith.constant 0 : i32
    %c0_i32_0 = arith.constant 0 : i32
    return %arg0, %c0_i32 : i32, i32
  }
}

module attributes {stable_mosaic.version = 14 : i64} {
  func.func @_tout_body(%arg0: i32, %arg1: memref<2x5000x128xf32, #tpu.memory_space<vmem>>, %arg2: memref<5000x128xf32, #tpu.memory_space<vmem>>, %arg3: memref<2x5000x128xf32, #tpu.memory_space<vmem>>, %arg4: memref<1x64xf32, #tpu.memory_space<vmem>>, %arg5: memref<5000x64xf32, #tpu.memory_space<vmem>>) attributes {dimension_semantics = [#tpu.dimension_semantics<arbitrary>], iteration_bounds = array<i64: 2>, scalar_prefetch = 0 : i64, scratch_operands = 0 : i64, tpu.core_type = #tpu.core_type<tc>, window_params = [{transform_indices = @transform_0, window_bounds = array<i64: 2, 5000, 128>}, {transform_indices = @transform_1, window_bounds = array<i64: 5000, 128>}, {transform_indices = @transform_2, window_bounds = array<i64: 2, 5000, 128>}, {pipeline_mode = #tpu.pipeline_mode<synchronous>, transform_indices = @transform_3, window_bounds = array<i64: 1, 64>}, {transform_indices = @transform_4, window_bounds = array<i64: 5000, 64>}]} {
    %get3A = arith.constant 0 : index
    %get3A_0 = arith.constant 0 : index
    %get3A_1 = arith.constant 0 : index
    %get3A_2 = vector.load %arg3[%get3A, %get3A_0, %get3A_1] : memref<2x5000x128xf32, #tpu.memory_space<vmem>>, vector<2x5000x128xf32>
    %slice3A = vector.extract_strided_slice %get3A_2 {offsets = [0, 0, 0], sizes = [1, 5000, 1], strides = [1, 1, 1]} : vector<2x5000x128xf32> to vector<1x5000x1xf32>
    %squeeze3A = vector.shape_cast %slice3A : vector<1x5000x1xf32> to vector<5000xf32>
    %slice3A_3 = vector.extract_strided_slice %get3A_2 {offsets = [1, 0, 0], sizes = [1, 5000, 1], strides = [1, 1, 1]} : vector<2x5000x128xf32> to vector<1x5000x1xf32>
    %squeeze3A_4 = vector.shape_cast %slice3A_3 : vector<1x5000x1xf32> to vector<5000xf32>
    %add3A = arith.addf %squeeze3A, %squeeze3A_4 : vector<5000xf32>
    %add3A_5 = arith.constant 1.000000e+00 : f32
    %add3A_6 = vector.broadcast %add3A_5 : f32 to vector<5000xf32>
    %add3A_7 = arith.addf %add3A, %add3A_6 : vector<5000xf32>
    %rsqrt3A = math.rsqrt %add3A_7 : vector<5000xf32>
    %get3A_8 = arith.constant 0 : index
    %get3A_9 = arith.constant 0 : index
    %get3A_10 = arith.constant 0 : index
    %get3A_11 = vector.load %arg1[%get3A_8, %get3A_9, %get3A_10] : memref<2x5000x128xf32, #tpu.memory_space<vmem>>, vector<1x5000x128xf32>
    %get3A_12 = vector.shape_cast %get3A_11 : vector<1x5000x128xf32> to vector<5000x128xf32>
    %get3A_13 = arith.constant 1 : index
    %get3A_14 = arith.constant 0 : index
    %get3A_15 = arith.constant 0 : index
    %get3A_16 = vector.load %arg1[%get3A_13, %get3A_14, %get3A_15] : memref<2x5000x128xf32, #tpu.memory_space<vmem>>, vector<1x5000x128xf32>
    %get3A_17 = vector.shape_cast %get3A_16 : vector<1x5000x128xf32> to vector<5000x128xf32>
    %add3A_18 = arith.addf %get3A_12, %get3A_17 : vector<5000x128xf32>
    %get3A_19 = arith.constant 0 : index
    %get3A_20 = arith.constant 0 : index
    %get3A_21 = vector.load %arg2[%get3A_19, %get3A_20] : memref<5000x128xf32, #tpu.memory_space<vmem>>, vector<5000x128xf32>
    %add3A_22 = arith.addf %add3A_18, %get3A_21 : vector<5000x128xf32>
    %slice3A_23 = vector.extract_strided_slice %add3A_22 {offsets = [0, 0], sizes = [5000, 64], strides = [1, 1]} : vector<5000x128xf32> to vector<5000x64xf32>
    %broadcast_in_dim3A = vector.shape_cast %rsqrt3A : vector<5000xf32> to vector<5000x1xf32>
    %mul3A = vector.broadcast %broadcast_in_dim3A : vector<5000x1xf32> to vector<5000x64xf32>
    %mul3A_24 = arith.mulf %slice3A_23, %mul3A : vector<5000x64xf32>
    %get3A_25 = arith.constant 0 : index
    %get3A_26 = arith.constant 0 : index
    %get3A_27 = vector.load %arg4[%get3A_25, %get3A_26] : memref<1x64xf32, #tpu.memory_space<vmem>>, vector<1x64xf32>
    %add3A_28 = vector.broadcast %get3A_27 : vector<1x64xf32> to vector<5000x64xf32>
    %add3A_29 = arith.addf %mul3A_24, %add3A_28 : vector<5000x64xf32>
    %swap3A = arith.constant 0 : index
    %swap3A_30 = arith.constant 0 : index
    %swap3A_31 = vector.load %arg5[%swap3A, %swap3A_30] : memref<5000x64xf32, #tpu.memory_space<vmem>>, vector<5000x64xf32>
    tpu.vector_store %arg5[%swap3A, %swap3A_30], %add3A_29 {strides = array<i32>} : memref<5000x64xf32, #tpu.memory_space<vmem>>, vector<5000x64xf32>,
    return
  }
  func.func @transform_0(%arg0: i32) -> (i32, i32, i32) {
    %c0_i32 = arith.constant 0 : i32
    %c0_i32_0 = arith.constant 0 : i32
    %c0_i32_1 = arith.constant 0 : i32
    return %c0_i32, %arg0, %c0_i32_0 : i32, i32, i32
  }
  func.func @transform_1(%arg0: i32) -> (i32, i32) {
    %c0_i32 = arith.constant 0 : i32
    %c0_i32_0 = arith.constant 0 : i32
    return %arg0, %c0_i32 : i32, i32
  }
  func.func @transform_2(%arg0: i32) -> (i32, i32, i32) {
    %c0_i32 = arith.constant 0 : i32
    %c0_i32_0 = arith.constant 0 : i32
    %c0_i32_1 = arith.constant 0 : i32
    return %c0_i32, %arg0, %c0_i32_0 : i32, i32, i32
  }
  func.func @transform_3(%arg0: i32) -> (i32, i32) {
    %c0_i32 = arith.constant 0 : i32
    %c0_i32_0 = arith.constant 0 : i32
    %c0_i32_1 = arith.constant 0 : i32
    return %c0_i32, %c0_i32_0 : i32, i32
  }
  func.func @transform_4(%arg0: i32) -> (i32, i32) {
    %c0_i32 = arith.constant 0 : i32
    %c0_i32_0 = arith.constant 0 : i32
    return %arg0, %c0_i32 : i32, i32
  }
}

</mosaic_0001>

<sc_bundles>
// kernel: kernel.10.cloned.1.call-start
scs
__scs_entry_jumppad:
0x0: {  	(pc) =	sbr.rel $0x88, $3  }
0x1: {  	(tag) =	ssettag $0x0;
	lr =	simm.s32 $0x1  }
0x2: {  	[smem:$0x3F99] =	sst lr;
	_ =	strace $0xD0000000  }
0x3: {  	_ = 	snop  }
0x4: {  	_ = 	snop  }
0x5: {  	_ = 	snop  }
0x6: {  	_ = 	snop  }
0x7: {  	_ = 	snop  }
__scs_overlays_trampoline_lowered:
0x8: {  	[smem:$0x3FA8] =	sst s0  }
0x9: {  	[smem:$0x3FA9] =	sst s1  }
0xa: {  	[smem:$0x3FAA] =	sst s2  }
0xb: {  	[smem:$0x3FAB] =	sst s3  }
0xc: {  	[smem:$0x3FAC] =	sst s4  }
0xd: {  	[smem:$0x3FAD] =	sst s5  }
0xe: {  	[smem:$0x3FAE] =	sst s6  }
0xf: {  	[smem:$0x3FAF] =	sst s7  }
0x10: {  	[smem:$0x3FB0] =	sst s8  }
0x11: {  	[smem:$0x3FB1] =	sst s9;
	s0 =	simm.s32 @!p0 $0x0  }
0x12: {  	s1 =	sld [smem:$0x3F97];
	s0 =	simm.s32 @p0 $0x1  }
0x13: {  	[smem:$0x3FB2] =	sst s0;
	s0 =	simm.s32 @!p1 $0x0  }
0x14: {  	s2 =	sld [smem:$0x3F96];
	s0 =	simm.s32 @p1 $0x1  }
0x15: {  	[smem:$0x3FB3] =	sst s0;
	s0 =	simm.s32 @!p2 $0x0  }
0x16: {  	s3 =	sld [smem:$0x3FDB];
	s0 =	simm.s32 @p2 $0x1  }
0x17: {  	s4 =	simm.s32 $0x1BF5;
	[smem:$0x3FB5] =	sst s0  }
0x18: {  	s0 =	sld [smem:$0x3F98];
	_ =	swait.ge [sflag:s4], $0x0  }
0x19: {  	s7 =	sld [smem:$0x3F99]  }
0x1a: {  	s8 =	sadd.s32 $0xFFFFE003, lr  }
0x1b: {  	s9 =	sadd.s32 $0xFFFFFEF7, lr;
	s5 =	simm.s32 $0xFFFFFFFF;
	p2 =	slt.u32 s8, $0xFFFFF086  }
0x1c: {  	p1 =	slt.u32 s9, $0xF7A;
	s5 =	simm.s32 @!p2 $0x0  }
0x1d: {  	s5 =	simm.s32 @p1 $0x1;
	p0 =	seq.s32 s7, s2  }
0x1e: {  	s7 =	smul.u32 @!p0 $0xF7A, s2;
	p2 =	seq.s32 @!p0 s5, $0x0  }
0x1f: {  	s9 =	smul.u32 $0xF7A, s1;
	s8 =	simm.s32 @!p0 $0x1BF5;
	p2 =	por !p2, p0  }
0x20: {  	[sflag:s8] =	ssyncset.s32 @!p0 $0xFFFFF086;
	s6 =	sadd.s32 @!p0 s3, s7;
	s7 =	simm.s32 @!p0 $0x108  }
0x21: {  	s3 =	sadd.s32 s3, s9;
	s6 =	sadd.s32 @!p0 $0x88, s6;
	s7 =	simm.s32 @p2 $0x1082  }
0x22: {  	[simem:s7], [sflag:s8] =	dma.local @!p0 [hbm:s6], $0xF7A  }
0x23: {  	s9 =	sor.u32 $0xD0000000, s2;
	s6 =	simm.s32 $0x108;
	_ =	swait.ge @!p0 [sflag:s8], $0x0  }
0x24: {  	s3 =	sadd.s32 $0x88, s3;
	s6 =	simm.s32 @!p1 $0x1082;
	[sflag:s4] =	ssyncset.s32 $0xFFFFF086  }
0x25: {  	[simem:s6], [sflag:s4] =	dma.local [hbm:s3], $0xF7A  }
0x26: {  	[smem:$0x3F99] =	sst s1;
	(tag) =	ssettag s2;
	_ =	strace s9  }
0x27: {  	s1 =	sld [smem:$0x3FA9]  }
0x28: {  	s2 =	sld [smem:$0x3FAA]  }
0x29: {  	s4 =	sld [smem:$0x3FAC]  }
0x2a: {  	p0 =	seq.s32 s5, $0x0;
	s5 =	sld [smem:$0x3FAD]  }
0x2b: {  	s6 =	sld [smem:$0x3FAE]  }
0x2c: {  	s7 =	sld [smem:$0x3FAF]  }
0x2d: {  	s3 =	simm.s32 $0x108;
	s8 =	sld [smem:$0x3FB0]  }
0x2e: {  	s3 =	simm.s32 @!p0 $0x1082;
	s9 =	sld [smem:$0x3FB1]  }
0x2f: {  	lr =	sadd.s32 s0, s3;
	s0 =	sld [smem:$0x3FA8]  }
0x30: {  	s3 =	sld [smem:$0x3FAB]  }
0x31: {  	[smem:$0x3FB4] =	sst s10  }
0x32: {  	s10 =	sld [smem:$0x3FB2];
	_ =	sdelay $0x3  }
0x33: {  	p0 =	seq.s32 s10, $0x1;
	s10 =	sld [smem:$0x3FB4];
	_ =	sdelay $0x3  }
0x34: {  	[smem:$0x3FB4] =	sst s10  }
0x35: {  	s10 =	sld [smem:$0x3FB3];
	_ =	sdelay $0x3  }
0x36: {  	p1 =	seq.s32 s10, $0x1;
	s10 =	sld [smem:$0x3FB4];
	_ =	sdelay $0x3  }
0x37: {  	[smem:$0x3FB4] =	sst s10  }
0x38: {  	s10 =	sld [smem:$0x3FB5]  }
0x39: {  	_ = 	snop;
	(pc) =	sbr.ind lr, $3  }
0x3a: {  	_ = 	snop  }
0x3b: {  	_ = 	snop  }
0x3c: {  	p2 =	seq.s32 s10, $0x1;
	s10 =	sld [smem:$0x3FB4]  }
0x3d: {  	_ =	shalt  }
0x3e: {  	_ =	shalt  }
0x3f: {  	_ =	shalt  }
0x40: {  	_ =	shalt  }
0x41: {  	_ =	shalt  }
0x42: {  	_ =	shalt  }
0x43: {  	_ =	shalt  }
0x44: {  	_ =	shalt  }
0x45: {  	_ =	shalt  }
0x46: {  	_ =	shalt  }
0x47: {  	_ =	shalt  }
0x48: {  	_ =	shalt  }
0x49: {  	_ =	shalt  }
0x4a: {  	_ =	shalt  }
0x4b: {  	_ =	shalt  }
0x4c: {  	_ =	shalt  }
0x4d: {  	_ =	shalt  }
0x4e: {  	_ =	shalt  }
0x4f: {  	_ =	shalt  }
0x50: {  	_ =	shalt  }
0x51: {  	_ =	shalt  }
0x52: {  	_ =	shalt  }
0x53: {  	_ =	shalt  }
0x54: {  	_ =	shalt  }
0x55: {  	_ =	shalt  }
0x56: {  	_ =	shalt  }
0x57: {  	_ =	shalt  }
0x58: {  	_ =	shalt  }
0x59: {  	_ =	shalt  }
0x5a: {  	_ =	shalt  }
0x5b: {  	_ =	shalt  }
0x5c: {  	_ =	shalt  }
0x5d: {  	_ =	shalt  }
0x5e: {  	_ =	shalt  }
0x5f: {  	_ =	shalt  }
0x60: {  	_ =	shalt  }
0x61: {  	_ =	shalt  }
0x62: {  	_ =	shalt  }
0x63: {  	_ =	shalt  }
0x64: {  	_ =	shalt  }
0x65: {  	_ =	shalt  }
0x66: {  	_ =	shalt  }
0x67: {  	_ =	shalt  }
0x68: {  	_ =	shalt  }
0x69: {  	_ =	shalt  }
0x6a: {  	_ =	shalt  }
0x6b: {  	_ =	shalt  }
0x6c: {  	_ =	shalt  }
0x6d: {  	_ =	shalt  }
0x6e: {  	_ =	shalt  }
0x6f: {  	_ =	shalt  }
0x70: {  	_ =	shalt  }
0x71: {  	_ =	shalt  }
0x72: {  	_ =	shalt  }
0x73: {  	_ =	shalt  }
0x74: {  	_ =	shalt  }
0x75: {  	_ =	shalt  }
0x76: {  	_ =	shalt  }
0x77: {  	_ =	shalt  }
0x78: {  	_ =	shalt  }
0x79: {  	_ =	shalt  }
0x7a: {  	_ =	shalt  }
0x7b: {  	_ =	shalt  }
0x7c: {  	_ =	shalt  }
0x7d: {  	_ =	shalt  }
0x7e: {  	_ =	shalt  }
0x7f: {  	_ =	shalt  }
0x80: {  	_ =	shalt  }
0x81: {  	_ =	shalt  }
0x82: {  	_ =	shalt  }
0x83: {  	_ =	shalt  }
0x84: {  	_ =	shalt  }
0x85: {  	_ =	shalt  }
0x86: {  	_ =	shalt  }
0x87: {  	_ =	shalt  }
.Lfunc_end0:
.L_simem_size_0:
called_computation_lowered:
.L_overlay_start_0:
0x88: {  	s2 =	sld [smem:$0x3FD9]  }
0x89: {  	s3 =	sld [smem:$0x3FFE];
	_ =	sdelay $0x1  }
0x8a: {  	s1 =	srdreg.scid  }
0x8b: {  	s0 =	sand.u32 $0x1, s1  }
0x8c: {  	s17 =	sshll.u32 s0, $0xA;
	s2 =	sadd.s32 s3, s2  }
0x8d: {  	s2 =	sadd.s32 s2, s17  }
0x8e: {  	[smem:$0x3FC0] =	sst s2  }
0x8f: {  	_ = 	snop  }
0x90: {  	s2 =	sld [smem:$0x3FD0];
	(tm) =	ssettm $0x1  }
0x91: {  	s18 =	sld [smem:$0x3FFB];
	_ =	sdelay $0x3  }
0x92: {  	_ =	strace s18  }
0x93: {  	s3 =	sld [smem:$0x3FFC];
	_ =	sdelay $0x3  }
0x94: {  	_ =	strace s3  }
0x95: {  	s3 =	sld [smem:$0x3FFD];
	_ =	sdelay $0x3  }
0x96: {  	_ =	strace s3  }
0x97: {  	_ =	strace $0x8FFFFFFF  }
0x98: {  	s19 =	sld [smem:$0x3FDB];
	_ =	sdelay $0x1  }
0x99: {  	s4 =	simm.s32 $_scs_section_size  }
0x9a: {  	s5 =	simm.s32 $_size__tile_overlayer_lowered;
	s6 =	simm.s32 $_tile_overlayer_lowered  }
0x9b: {  	s22 =	simm.s32 $0x1BFF;
	s21 =	sshll.u32 s6, $0x1;
	s3 =	sadd.s32 s4, s19  }
0x9c: {  	s7 =	simm.s32 $0x0;
	s20 =	sshll.u32 s5, $0x1;
	s5 =	sadd.s32 s21, s3  }
0x9d: {  	[timem:s7], [sflag:s22] =	dma.local [hbm:s5], s20  }
0x9e: {  	_ =	swait.ge [sflag:s22], s20  }
0x9f: {  	s4 =	ssub.s32 $0x0, s20;
	[sflag:s22] =	ssyncset.done $0x0  }
0xa0: {  	[sflag:s22] =	ssyncadd.s32 s4;
	_ =	sdelay $0x1  }
0xa1: {  	s23 =	simm.s32 $0x1B8B  }
0xa2: {  	_ =	swait.ge [sflag:s23], $0x1  }
0xa3: {  	[sflag:s23] =	ssyncset.done $0x0  }
0xa4: {  	s25 =	simm.s32 $0x1B8E;
	s24 =	sld [smem:$0x3FFE];
	[sflag:s23] =	ssyncadd.s32 $0xFFFFFFFF  }
0xa5: {  	s26 =	simm.s32 $execute0_lowered;
	[smem:$0x3FD2] =	sst s25  }
0xa6: {  	s5 =	sshll.u32 s26, $0x1;
	_ =	strace $0x80000046;
	[dreg:$0x1] =	wrdreg $0xFFFFFFFF  }
0xa7: {  	s28 =	simm.s32 $_size_execute0_lowered;
	s3 =	sadd.s32 s3, s5;
	[dreg:$0x0] =	wrdreg $0x0  }
0xa8: {  	s5 =	sshll.u32 s28, $0x1;
	[dreg:$0x2] =	wrdreg s3  }
0xa9: {  	[dreg:$0x3] =	wrdreg s5  }
0xaa: {  	[dreg:$0x4] =	wrdreg $0xC0  }
0xab: {  	_ =	task [dreg:s7], $0x5FFFF  }
0xac: {  	[dreg:$0x1] =	wrdreg $0xFFFFFFFF  }
0xad: {  	[dreg:$0x0] =	wrdreg $0x60  }
0xae: {  	[dreg:$0x2] =	wrdreg s24  }
0xaf: {  	[dreg:$0x3] =	wrdreg s2  }
0xb0: {  	[dreg:$0x4] =	wrdreg $0x28000  }
0xb1: {  	[dreg:$0x5] =	wrdreg $0x9  }
0xb2: {  	_ =	task.clear_ibuf [dreg:s7], $0x6FFFF;
	_ =	strace $0x90000046  }
0xb3: {  	s29 =	simm.s32 $0x9;
	_ =	strace $0x80000048  }
0xb4: {  	_ =	swait.ge [sflag:s29], $0x1  }
0xb5: {  	[sflag:s29] =	ssyncadd.s32 $0xFFFFFFFF  }
0xb6: {  	_ =	strace $0x90000048  }
0xb7: {  	_ =	sfence  }
0xb8: {  	s30 =	sld [smem:$0x0];
	_ =	sdelay $0x2  }
0xb9: {  	s31 =	sshll.u32 s1, $0xD;
	s1 =	sshrl.u32 s1, $0x2  }
0xba: {  	s3 =	sand.u32 $0x4000, s31;
	s1 =	sadd.s32 s1, s30  }
0xbb: {  	s0 =	sor.u32 s3, s0;
	s1 =	sshll.u32 s1, $0x11  }
0xbc: {  	s0 =	sor.u32 s1, s0  }
0xbd: {  	s0 =	sadd.s32 $0x8F2B, s0  }
0xbe: {  	[sflag:s0] =	ssyncadd.remote.s32 $0x1  }
0xbf: {  	_ =	sfence.sel $0xFFFF  }
0xc0: {  	[dreg:$0x0] =	wrdreg $0xFFFFFFFF;
	(pc) =	sbr.abs _section_cstart, $3  }
0xc1: {  	[dreg:$0x1] =	wrdreg $0xFFFFFFFF  }
0xc2: {  	_ =	task.clear_ibuf [dreg:s7], $0x2FFFF;
	_ =	strace $0x9FFFFFFF  }
0xc3: {  	(tm) =	ssettm $0x7FFFFFFF  }
tec
execute0_lowered:
.L_overlay_start_1:
0x0: {  	(tag) =	ssettag $0x1  }
0x1: {  	s0 =	rddreg [dreg:$0x0]  }
0x2: {  	s3 =	rddreg [dreg:$0x2];
	s10 =	stileid.u32  }
0x3: {  	s2 =	srdreg.scid;
	s4 =	simm.s32 $0x0;
	s9 =	simm.s32 $0x800  }
0x4: {  	s13 =	simm.s32 $0x40;
	s14 =	simm.s32 $0x80;
	s15 =	simm.s32 $0x100  }
0x5: {  	s16 =	simm.s32 $0x180;
	s17 =	simm.s32 $0x200;
	s18 =	simm.s32 $0x280  }
0x6: {  	s19 =	simm.s32 $0x300;
	s20 =	simm.s32 $0x380;
	s21 =	simm.s32 $0x400  }
0x7: {  	s22 =	simm.s32 $0x480;
	s23 =	simm.s32 $0x500;
	s28 =	simm.s32 $0x700  }
0x8: {  	s29 =	simm.s32 $0x780;
	s30 =	simm.s32 $0x1;
	s1 =	smul.u32 $0x1400, s10  }
0x9: {  	s31 =	simm.s32 $0x0;
	s5 =	smul.u32 $0x2800, s10;
	s2 =	sand.u32 $0x1, s2  }
0xa: {  	[smem:$0x7FF] =	sst s4;
	s7 =	smul.u32 $0x50000, s10;
	s26 =	sshll.u32 s10, $0x6  }
0xb: {  	s10 =	simm.s32 $0x2;
	s6 =	smul.u32 $0x28000, s2;
	_ =	strace $0x80000047  }
0xc: {  	s24 =	ssub.s32 $0x2, s2;
	s2 =	smul.u32 $0xA00, s2;
	s11 =	sor.u32 $0x1C02, s26  }
0xd: {  	s26 =	simm.s32 $0x680;
	s1 =	sadd.s32 s1, s0;
	s8 =	sshrl.u32 s24, $0x1  }
0xe: {  	s7 =	sshrl.u32 s7, $0x2;
	s6 =	sadd.s32 s5, s6;
	s5 =	sadd.s32 s5, s0  }
0xf: {  	s8 =	ssub.s32 s24, s8;
	s12 =	sadd.s32 s7, s3;
	s25 =	sadd.s32 s2, s1  }
0x10: {  	s24 =	simm.s32 $0x580;
	s0 =	sadd.s32 s6, s0;
	s5 =	sadd.s32 $0x17200, s5  }
0x11: {  	s7 =	smax.u32 s8, $0x1;
	s8 =	sadd.s32 $0x3200, s25;
	s12 =	sshrl.u32 s12, $0x3  }
0x12: {  	s25 =	simm.s32 $0x600;
	[dreg:$0x4] =	wrdreg s5;
	s6 =	sadd.s32 $0x3F200, s0  }
.LBB2_1:
0x13: {  	s0 =	rddreg [dreg:$0x1]  }
0x14: {  	[tilespmem:s9], [sflag:$0x2] =	stream.linear.gather [hbm4b:s0+s4], $0x2000, $0x38;
	[tilespmem:$0x16800] =	vst v63  }
0x15: {  	_ =	swait.ge [sflag:s10], $0x2000  }
0x16: {  	[sflag:s10] =	ssyncset.done $0x0  }
0x17: {  	s2 =	rddreg [dreg:$0x4];
	[sflag:s10] =	ssyncadd.s32 $0xFFFFE000  }
0x18: {  	[spmem:s12], [sflag:s11] =	dma.local [hbm:s2], $0x2800  }
0x19: {  	_ =	swait.ge [sflag:s10], $0x2800  }
0x1a: {  	[sflag:s10] =	ssyncset.done $0x0  }
0x1b: {  	[sflag:s10] =	ssyncadd.s32 $0xFFFFD800  }
0x1c: {  	s5 =	sadd.s32 $0x0, s8;
	[bflag:$0x0] =	sbarrier.arrive $0xFFFF  }
0x1d: {  	[tilespmem:s4], [sflag:$0x2] =	stream.linear.gather [hbm4b:s5+s4], $0x800, $0x38;
	[tilespmem:$0x16800] =	vst v63  }
0x1e: {  	_ =	swait.ge [sflag:s10], $0x800  }
0x1f: {  	[sflag:s10] =	ssyncset.done $0x0  }
0x20: {  	[sflag:s10] =	ssyncadd.s32 $0xFFFFF800  }
0x21: {  	[spmem:s3] =	stream.indirect.scatter.add.f32 [tilespmem:s9], [sflag:$0x1], $0x80, s4, s13, $0xb8;
	[tilespmem:$0x16800] =	vst v63  }
0x22: {  	_ = 	snop  }
0x23: {  	[spmem:s3] =	stream.indirect.scatter.add.f32 [tilespmem:s9], [sflag:$0x1], $0x80, s14, s13, $0xb8;
	[tilespmem:$0x16800] =	vst v63  }
0x24: {  	_ = 	snop  }
0x25: {  	[spmem:s3] =	stream.indirect.scatter.add.f32 [tilespmem:s9], [sflag:$0x1], $0x80, s15, s13, $0xb8;
	[tilespmem:$0x16800] =	vst v63  }
0x26: {  	_ = 	snop  }
0x27: {  	[spmem:s3] =	stream.indirect.scatter.add.f32 [tilespmem:s9], [sflag:$0x1], $0x80, s16, s13, $0xb8;
	[tilespmem:$0x16800] =	vst v63  }
0x28: {  	_ = 	snop  }
0x29: {  	[spmem:s3] =	stream.indirect.scatter.add.f32 [tilespmem:s9], [sflag:$0x1], $0x80, s17, s13, $0xb8;
	[tilespmem:$0x16800] =	vst v63  }
0x2a: {  	_ = 	snop  }
0x2b: {  	[spmem:s3] =	stream.indirect.scatter.add.f32 [tilespmem:s9], [sflag:$0x1], $0x80, s18, s13, $0xb8;
	[tilespmem:$0x16800] =	vst v63  }
0x2c: {  	_ = 	snop  }
0x2d: {  	[spmem:s3] =	stream.indirect.scatter.add.f32 [tilespmem:s9], [sflag:$0x1], $0x80, s19, s13, $0xb8;
	[tilespmem:$0x16800] =	vst v63  }
0x2e: {  	_ = 	snop  }
0x2f: {  	[spmem:s3] =	stream.indirect.scatter.add.f32 [tilespmem:s9], [sflag:$0x1], $0x80, s20, s13, $0xb8;
	[tilespmem:$0x16800] =	vst v63  }
0x30: {  	_ = 	snop  }
0x31: {  	[spmem:s3] =	stream.indirect.scatter.add.f32 [tilespmem:s9], [sflag:$0x1], $0x80, s21, s13, $0xb8;
	[tilespmem:$0x16800] =	vst v63  }
0x32: {  	_ = 	snop  }
0x33: {  	[spmem:s3] =	stream.indirect.scatter.add.f32 [tilespmem:s9], [sflag:$0x1], $0x80, s22, s13, $0xb8;
	[tilespmem:$0x16800] =	vst v63  }
0x34: {  	_ = 	snop  }
0x35: {  	[spmem:s3] =	stream.indirect.scatter.add.f32 [tilespmem:s9], [sflag:$0x1], $0x80, s23, s13, $0xb8;
	[tilespmem:$0x16800] =	vst v63  }
0x36: {  	_ = 	snop  }
0x37: {  	[spmem:s3] =	stream.indirect.scatter.add.f32 [tilespmem:s9], [sflag:$0x1], $0x80, s24, s13, $0xb8;
	[tilespmem:$0x16800] =	vst v63  }
0x38: {  	_ = 	snop  }
0x39: {  	[spmem:s3] =	stream.indirect.scatter.add.f32 [tilespmem:s9], [sflag:$0x1], $0x80, s25, s13, $0xb8;
	[tilespmem:$0x16800] =	vst v63  }
0x3a: {  	_ = 	snop  }
0x3b: {  	[spmem:s3] =	stream.indirect.scatter.add.f32 [tilespmem:s9], [sflag:$0x1], $0x80, s26, s13, $0xb8;
	[tilespmem:$0x16800] =	vst v63  }
0x3c: {  	_ = 	snop  }
0x3d: {  	[spmem:s3] =	stream.indirect.scatter.add.f32 [tilespmem:s9], [sflag:$0x1], $0x80, s28, s13, $0xb8;
	[tilespmem:$0x16800] =	vst v63  }
0x3e: {  	_ = 	snop  }
0x3f: {  	[spmem:s3] =	stream.indirect.scatter.add.f32 [tilespmem:s9], [sflag:$0x1], $0x80, s29, s13, $0xb8;
	[tilespmem:$0x16800] =	vst v63  }
0x40: {  	_ =	swait.ge [sflag:s30], $0x2000  }
0x41: {  	[sflag:s30] =	ssyncset.done $0x0  }
0x42: {  	[sflag:s30] =	ssyncadd.s32 $0xFFFFE000  }
0x43: {  	_ =	swait.ge [sflag:s30], $0x2000  }
0x44: {  	[sflag:s30] =	ssyncset.done $0x0  }
0x45: {  	[sflag:s30] =	ssyncadd.s32 $0xFFFFE000  }
0x46: {  	_ =	swait.ge [sflag:s30], $0x2000  }
0x47: {  	[sflag:s30] =	ssyncset.done $0x0  }
0x48: {  	[sflag:s30] =	ssyncadd.s32 $0xFFFFE000  }
0x49: {  	_ =	swait.ge [sflag:s30], $0x2000  }
0x4a: {  	[sflag:s30] =	ssyncset.done $0x0  }
0x4b: {  	[sflag:s30] =	ssyncadd.s32 $0xFFFFE000  }
0x4c: {  	_ =	swait.ge [sflag:s30], $0x2000  }
0x4d: {  	[sflag:s30] =	ssyncset.done $0x0  }
0x4e: {  	[sflag:s30] =	ssyncadd.s32 $0xFFFFE000  }
0x4f: {  	_ =	swait.ge [sflag:s30], $0x2000  }
0x50: {  	[sflag:s30] =	ssyncset.done $0x0  }
0x51: {  	[sflag:s30] =	ssyncadd.s32 $0xFFFFE000  }
0x52: {  	_ =	swait.ge [sflag:s30], $0x2000  }
0x53: {  	[sflag:s30] =	ssyncset.done $0x0  }
0x54: {  	[sflag:s30] =	ssyncadd.s32 $0xFFFFE000  }
0x55: {  	_ =	swait.ge [sflag:s30], $0x2000  }
0x56: {  	[sflag:s30] =	ssyncset.done $0x0  }
0x57: {  	[sflag:s30] =	ssyncadd.s32 $0xFFFFE000  }
0x58: {  	_ =	swait.ge [sflag:s30], $0x2000  }
0x59: {  	[sflag:s30] =	ssyncset.done $0x0  }
0x5a: {  	[sflag:s30] =	ssyncadd.s32 $0xFFFFE000  }
0x5b: {  	_ =	swait.ge [sflag:s30], $0x2000  }
0x5c: {  	[sflag:s30] =	ssyncset.done $0x0  }
0x5d: {  	[sflag:s30] =	ssyncadd.s32 $0xFFFFE000  }
0x5e: {  	_ =	swait.ge [sflag:s30], $0x2000  }
0x5f: {  	[sflag:s30] =	ssyncset.done $0x0  }
0x60: {  	[sflag:s30] =	ssyncadd.s32 $0xFFFFE000  }
0x61: {  	_ =	swait.ge [sflag:s30], $0x2000  }
0x62: {  	[sflag:s30] =	ssyncset.done $0x0  }
0x63: {  	[sflag:s30] =	ssyncadd.s32 $0xFFFFE000  }
0x64: {  	_ =	swait.ge [sflag:s30], $0x2000  }
0x65: {  	[sflag:s30] =	ssyncset.done $0x0  }
0x66: {  	[sflag:s30] =	ssyncadd.s32 $0xFFFFE000  }
0x67: {  	_ =	swait.ge [sflag:s30], $0x2000  }
0x68: {  	[sflag:s30] =	ssyncset.done $0x0  }
0x69: {  	[sflag:s30] =	ssyncadd.s32 $0xFFFFE000  }
0x6a: {  	_ =	swait.ge [sflag:s30], $0x2000  }
0x6b: {  	[sflag:s30] =	ssyncset.done $0x0  }
0x6c: {  	[sflag:s30] =	ssyncadd.s32 $0xFFFFE000  }
0x6d: {  	_ =	swait.ge [sflag:s30], $0x2000  }
0x6e: {  	s1 =	simm.s32 $0x200;
	s0 =	simm.s32 $0x100;
	[sflag:s30] =	ssyncset.done $0x0  }
.LBB2_2:
0x6f: {  	s5 =	sadd.s32 s0, s8  }
0x70: {  	[sflag:s30] =	ssyncadd.s32 $0xFFFFE000;
	s0 =	smov.u32 s1;
	s2 =	sadd.s32 $0x100, s1  }
0x71: {  	[tilespmem:s4], [sflag:$0x2] =	stream.linear.gather [hbm4b:s5+s4], $0x800, $0x38;
	[tilespmem:$0x16800] =	vst v63  }
0x72: {  	p0 =	sne.s32 s1, $0x900;
	_ =	swait.ge [sflag:s10], $0x800  }
0x73: {  	[sflag:s10] =	ssyncset.done $0x0  }
0x74: {  	[sflag:s10] =	ssyncadd.s32 $0xFFFFF800  }
0x75: {  	[spmem:s3] =	stream.indirect.scatter.add.f32 [tilespmem:s9], [sflag:$0x1], $0x80, s4, s13, $0xb8;
	[tilespmem:$0x16800] =	vst v63  }
0x76: {  	_ = 	snop  }
0x77: {  	[spmem:s3] =	stream.indirect.scatter.add.f32 [tilespmem:s9], [sflag:$0x1], $0x80, s14, s13, $0xb8;
	[tilespmem:$0x16800] =	vst v63  }
0x78: {  	_ = 	snop  }
0x79: {  	[spmem:s3] =	stream.indirect.scatter.add.f32 [tilespmem:s9], [sflag:$0x1], $0x80, s15, s13, $0xb8;
	[tilespmem:$0x16800] =	vst v63  }
0x7a: {  	_ = 	snop  }
0x7b: {  	[spmem:s3] =	stream.indirect.scatter.add.f32 [tilespmem:s9], [sflag:$0x1], $0x80, s16, s13, $0xb8;
	[tilespmem:$0x16800] =	vst v63  }
0x7c: {  	_ = 	snop  }
0x7d: {  	[spmem:s3] =	stream.indirect.scatter.add.f32 [tilespmem:s9], [sflag:$0x1], $0x80, s17, s13, $0xb8;
	[tilespmem:$0x16800] =	vst v63  }
0x7e: {  	_ = 	snop  }
0x7f: {  	[spmem:s3] =	stream.indirect.scatter.add.f32 [tilespmem:s9], [sflag:$0x1], $0x80, s18, s13, $0xb8;
	[tilespmem:$0x16800] =	vst v63  }
0x80: {  	_ = 	snop  }
0x81: {  	[spmem:s3] =	stream.indirect.scatter.add.f32 [tilespmem:s9], [sflag:$0x1], $0x80, s19, s13, $0xb8;
	[tilespmem:$0x16800] =	vst v63  }
0x82: {  	_ = 	snop  }
0x83: {  	[spmem:s3] =	stream.indirect.scatter.add.f32 [tilespmem:s9], [sflag:$0x1], $0x80, s20, s13, $0xb8;
	[tilespmem:$0x16800] =	vst v63  }
0x84: {  	_ = 	snop  }
0x85: {  	[spmem:s3] =	stream.indirect.scatter.add.f32 [tilespmem:s9], [sflag:$0x1], $0x80, s21, s13, $0xb8;
	[tilespmem:$0x16800] =	vst v63  }
0x86: {  	_ = 	snop  }
0x87: {  	[spmem:s3] =	stream.indirect.scatter.add.f32 [tilespmem:s9], [sflag:$0x1], $0x80, s22, s13, $0xb8;
	[tilespmem:$0x16800] =	vst v63  }
0x88: {  	_ = 	snop  }
0x89: {  	[spmem:s3] =	stream.indirect.scatter.add.f32 [tilespmem:s9], [sflag:$0x1], $0x80, s23, s13, $0xb8;
	[tilespmem:$0x16800] =	vst v63  }
0x8a: {  	_ = 	snop  }
0x8b: {  	[spmem:s3] =	stream.indirect.scatter.add.f32 [tilespmem:s9], [sflag:$0x1], $0x80, s24, s13, $0xb8;
	[tilespmem:$0x16800] =	vst v63  }
0x8c: {  	_ = 	snop  }
0x8d: {  	[spmem:s3] =	stream.indirect.scatter.add.f32 [tilespmem:s9], [sflag:$0x1], $0x80, s25, s13, $0xb8;
	[tilespmem:$0x16800] =	vst v63  }
0x8e: {  	_ = 	snop  }
0x8f: {  	[spmem:s3] =	stream.indirect.scatter.add.f32 [tilespmem:s9], [sflag:$0x1], $0x80, s26, s13, $0xb8;
	[tilespmem:$0x16800] =	vst v63  }
0x90: {  	_ = 	snop  }
0x91: {  	[spmem:s3] =	stream.indirect.scatter.add.f32 [tilespmem:s9], [sflag:$0x1], $0x80, s28, s13, $0xb8;
	[tilespmem:$0x16800] =	vst v63  }
0x92: {  	_ = 	snop  }
0x93: {  	[spmem:s3] =	stream.indirect.scatter.add.f32 [tilespmem:s9], [sflag:$0x1], $0x80, s29, s13, $0xb8;
	[tilespmem:$0x16800] =	vst v63  }
0x94: {  	_ =	swait.ge [sflag:s30], $0x2000  }
0x95: {  	[sflag:s30] =	ssyncset.done $0x0  }
0x96: {  	[sflag:s30] =	ssyncadd.s32 $0xFFFFE000  }
0x97: {  	_ =	swait.ge [sflag:s30], $0x2000  }
0x98: {  	[sflag:s30] =	ssyncset.done $0x0  }
0x99: {  	[sflag:s30] =	ssyncadd.s32 $0xFFFFE000  }
0x9a: {  	_ =	swait.ge [sflag:s30], $0x2000  }
0x9b: {  	[sflag:s30] =	ssyncset.done $0x0  }
0x9c: {  	[sflag:s30] =	ssyncadd.s32 $0xFFFFE000  }
0x9d: {  	_ =	swait.ge [sflag:s30], $0x2000  }
0x9e: {  	[sflag:s30] =	ssyncset.done $0x0  }
0x9f: {  	[sflag:s30] =	ssyncadd.s32 $0xFFFFE000  }
0xa0: {  	_ =	swait.ge [sflag:s30], $0x2000  }
0xa1: {  	[sflag:s30] =	ssyncset.done $0x0  }
0xa2: {  	[sflag:s30] =	ssyncadd.s32 $0xFFFFE000  }
0xa3: {  	_ =	swait.ge [sflag:s30], $0x2000  }
0xa4: {  	[sflag:s30] =	ssyncset.done $0x0  }
0xa5: {  	[sflag:s30] =	ssyncadd.s32 $0xFFFFE000  }
0xa6: {  	_ =	swait.ge [sflag:s30], $0x2000  }
0xa7: {  	[sflag:s30] =	ssyncset.done $0x0  }
0xa8: {  	[sflag:s30] =	ssyncadd.s32 $0xFFFFE000  }
0xa9: {  	_ =	swait.ge [sflag:s30], $0x2000  }
0xaa: {  	[sflag:s30] =	ssyncset.done $0x0  }
0xab: {  	[sflag:s30] =	ssyncadd.s32 $0xFFFFE000  }
0xac: {  	_ =	swait.ge [sflag:s30], $0x2000  }
0xad: {  	[sflag:s30] =	ssyncset.done $0x0  }
0xae: {  	[sflag:s30] =	ssyncadd.s32 $0xFFFFE000  }
0xaf: {  	_ =	swait.ge [sflag:s30], $0x2000  }
0xb0: {  	[sflag:s30] =	ssyncset.done $0x0  }
0xb1: {  	[sflag:s30] =	ssyncadd.s32 $0xFFFFE000  }
0xb2: {  	_ =	swait.ge [sflag:s30], $0x2000  }
0xb3: {  	[sflag:s30] =	ssyncset.done $0x0  }
0xb4: {  	[sflag:s30] =	ssyncadd.s32 $0xFFFFE000  }
0xb5: {  	_ =	swait.ge [sflag:s30], $0x2000  }
0xb6: {  	[sflag:s30] =	ssyncset.done $0x0  }
0xb7: {  	[sflag:s30] =	ssyncadd.s32 $0xFFFFE000  }
0xb8: {  	_ =	swait.ge [sflag:s30], $0x2000  }
0xb9: {  	[sflag:s30] =	ssyncset.done $0x0  }
0xba: {  	[sflag:s30] =	ssyncadd.s32 $0xFFFFE000  }
0xbb: {  	_ =	swait.ge [sflag:s30], $0x2000  }
0xbc: {  	[sflag:s30] =	ssyncset.done $0x0  }
0xbd: {  	[sflag:s30] =	ssyncadd.s32 $0xFFFFE000  }
.Ltmp0:
0xbe: {  	_ =	swait.ge [sflag:s30], $0x2000;
	(pc) =	sbr.rel @p0 .LBB2_2-.Ltmp0, $4  }
0xbf: {  	[sflag:s30] =	ssyncset.done $0x0  }
0xc0: {  	[sflag:s30] =	ssyncadd.s32 $0xFFFFE000  }
0xc1: {  	_ =	swait.ge [sflag:s30], $0x2000  }
0xc2: {  	s1 =	smov.u32 s2;
	[sflag:s30] =	ssyncset.done $0x0  }
0xc3: {  	s0 =	sadd.s32 s0, s8;
	[sflag:s30] =	ssyncadd.s32 $0xFFFFE000  }
0xc4: {  	[tilespmem:s4], [sflag:$0x2] =	stream.linear.gather [hbm4b:s0+s4], $0x800, $0x38;
	[tilespmem:$0x16800] =	vst v63  }
0xc5: {  	_ =	swait.ge [sflag:s10], $0x800  }
0xc6: {  	[sflag:s10] =	ssyncset.done $0x0  }
0xc7: {  	[sflag:s10] =	ssyncadd.s32 $0xFFFFF800  }
0xc8: {  	[spmem:s3] =	stream.indirect.scatter.add.f32 [tilespmem:s9], [sflag:$0x1], $0x80, s4, s13, $0xb8;
	[tilespmem:$0x16800] =	vst v63  }
0xc9: {  	_ = 	snop  }
0xca: {  	[spmem:s3] =	stream.indirect.scatter.add.f32 [tilespmem:s9], [sflag:$0x1], $0x80, s14, s13, $0xb8;
	[tilespmem:$0x16800] =	vst v63  }
0xcb: {  	_ = 	snop  }
0xcc: {  	[spmem:s3] =	stream.indirect.scatter.add.f32 [tilespmem:s9], [sflag:$0x1], $0x80, s15, s13, $0xb8;
	[tilespmem:$0x16800] =	vst v63  }
0xcd: {  	_ = 	snop  }
0xce: {  	[spmem:s3] =	stream.indirect.scatter.add.f32 [tilespmem:s9], [sflag:$0x1], $0x80, s16, s13, $0xb8;
	[tilespmem:$0x16800] =	vst v63  }
0xcf: {  	_ = 	snop  }
0xd0: {  	[spmem:s3] =	stream.indirect.scatter.add.f32 [tilespmem:s9], [sflag:$0x1], $0x80, s17, s13, $0xb8;
	[tilespmem:$0x16800] =	vst v63  }
0xd1: {  	_ = 	snop  }
0xd2: {  	[spmem:s3] =	stream.indirect.scatter.add.f32 [tilespmem:s9], [sflag:$0x1], $0x80, s18, s13, $0xb8;
	[tilespmem:$0x16800] =	vst v63  }
0xd3: {  	_ = 	snop  }
0xd4: {  	[spmem:s3] =	stream.indirect.scatter.add.f32 [tilespmem:s9], [sflag:$0x1], $0x80, s19, s13, $0xb8;
	[tilespmem:$0x16800] =	vst v63  }
0xd5: {  	_ = 	snop  }
0xd6: {  	[spmem:s3] =	stream.indirect.scatter.add.f32 [tilespmem:s9], [sflag:$0x1], $0x80, s20, s13, $0xb8;
	[tilespmem:$0x16800] =	vst v63  }
0xd7: {  	_ = 	snop  }
0xd8: {  	[spmem:s3] =	stream.indirect.scatter.add.f32 [tilespmem:s9], [sflag:$0x1], $0x80, s21, s13, $0xb8;
	[tilespmem:$0x16800] =	vst v63  }
0xd9: {  	_ = 	snop  }
0xda: {  	[spmem:s3] =	stream.indirect.scatter.add.f32 [tilespmem:s9], [sflag:$0x1], $0x80, s22, s13, $0xb8;
	[tilespmem:$0x16800] =	vst v63  }
0xdb: {  	_ = 	snop  }
0xdc: {  	[spmem:s3] =	stream.indirect.scatter.add.f32 [tilespmem:s9], [sflag:$0x1], $0x80, s23, s13, $0xb8;
	[tilespmem:$0x16800] =	vst v63  }
0xdd: {  	_ = 	snop  }
0xde: {  	[spmem:s3] =	stream.indirect.scatter.add.f32 [tilespmem:s9], [sflag:$0x1], $0x80, s24, s13, $0xb8;
	[tilespmem:$0x16800] =	vst v63  }
0xdf: {  	_ = 	snop  }
0xe0: {  	[spmem:s3] =	stream.indirect.scatter.add.f32 [tilespmem:s9], [sflag:$0x1], $0x80, s25, s13, $0xb8;
	[tilespmem:$0x16800] =	vst v63  }
0xe1: {  	_ = 	snop  }
0xe2: {  	[spmem:s3] =	stream.indirect.scatter.add.f32 [tilespmem:s9], [sflag:$0x1], $0x80, s26, s13, $0xb8;
	[tilespmem:$0x16800] =	vst v63  }
0xe3: {  	_ = 	snop  }
0xe4: {  	[spmem:s3] =	stream.indirect.scatter.add.f32 [tilespmem:s9], [sflag:$0x1], $0x80, s28, s13, $0xb8;
	[tilespmem:$0x16800] =	vst v63  }
0xe5: {  	_ = 	snop  }
0xe6: {  	[spmem:s3] =	stream.indirect.scatter.add.f32 [tilespmem:s9], [sflag:$0x1], $0x80, s29, s13, $0xb8;
	[tilespmem:$0x16800] =	vst v63  }
0xe7: {  	_ =	swait.ge [sflag:s30], $0x2000  }
0xe8: {  	[sflag:s30] =	ssyncset.done $0x0  }
0xe9: {  	[sflag:s30] =	ssyncadd.s32 $0xFFFFE000  }
0xea: {  	_ =	swait.ge [sflag:s30], $0x2000  }
0xeb: {  	[sflag:s30] =	ssyncset.done $0x0  }
0xec: {  	[sflag:s30] =	ssyncadd.s32 $0xFFFFE000  }
0xed: {  	_ =	swait.ge [sflag:s30], $0x2000  }
0xee: {  	[sflag:s30] =	ssyncset.done $0x0  }
0xef: {  	[sflag:s30] =	ssyncadd.s32 $0xFFFFE000  }
0xf0: {  	_ =	swait.ge [sflag:s30], $0x2000  }
0xf1: {  	[sflag:s30] =	ssyncset.done $0x0  }
0xf2: {  	[sflag:s30] =	ssyncadd.s32 $0xFFFFE000  }
0xf3: {  	_ =	swait.ge [sflag:s30], $0x2000  }
0xf4: {  	[sflag:s30] =	ssyncset.done $0x0  }
0xf5: {  	[sflag:s30] =	ssyncadd.s32 $0xFFFFE000  }
0xf6: {  	_ =	swait.ge [sflag:s30], $0x2000  }
0xf7: {  	[sflag:s30] =	ssyncset.done $0x0  }
0xf8: {  	[sflag:s30] =	ssyncadd.s32 $0xFFFFE000  }
0xf9: {  	_ =	swait.ge [sflag:s30], $0x2000  }
0xfa: {  	[sflag:s30] =	ssyncset.done $0x0  }
0xfb: {  	[sflag:s30] =	ssyncadd.s32 $0xFFFFE000  }
0xfc: {  	_ =	swait.ge [sflag:s30], $0x2000  }
0xfd: {  	[sflag:s30] =	ssyncset.done $0x0  }
0xfe: {  	[sflag:s30] =	ssyncadd.s32 $0xFFFFE000  }
0xff: {  	_ =	swait.ge [sflag:s30], $0x2000  }
0x100: {  	[sflag:s30] =	ssyncset.done $0x0  }
0x101: {  	[sflag:s30] =	ssyncadd.s32 $0xFFFFE000  }
0x102: {  	_ =	swait.ge [sflag:s30], $0x2000  }
0x103: {  	[sflag:s30] =	ssyncset.done $0x0  }
0x104: {  	[sflag:s30] =	ssyncadd.s32 $0xFFFFE000  }
0x105: {  	_ =	swait.ge [sflag:s30], $0x2000  }
0x106: {  	[sflag:s30] =	ssyncset.done $0x0  }
0x107: {  	[sflag:s30] =	ssyncadd.s32 $0xFFFFE000  }
0x108: {  	_ =	swait.ge [sflag:s30], $0x2000  }
0x109: {  	[sflag:s30] =	ssyncset.done $0x0  }
0x10a: {  	[sflag:s30] =	ssyncadd.s32 $0xFFFFE000  }
0x10b: {  	_ =	swait.ge [sflag:s30], $0x2000  }
0x10c: {  	[sflag:s30] =	ssyncset.done $0x0  }
0x10d: {  	[sflag:s30] =	ssyncadd.s32 $0xFFFFE000  }
0x10e: {  	_ =	swait.ge [sflag:s30], $0x2000  }
0x10f: {  	[sflag:s30] =	ssyncset.done $0x0  }
0x110: {  	[sflag:s30] =	ssyncadd.s32 $0xFFFFE000  }
0x111: {  	_ =	swait.ge [sflag:s30], $0x2000  }
0x112: {  	[sflag:s30] =	ssyncset.done $0x0  }
0x113: {  	[sflag:s30] =	ssyncadd.s32 $0xFFFFE000  }
0x114: {  	_ =	swait.ge [sflag:s30], $0x2000  }
0x115: {  	s31 =	sadd.s32 $0x1, s31;
	[sflag:s30] =	ssyncset.done $0x0  }
0x116: {  	p0 =	sne.s32 s31, s7;
	[sflag:s30] =	ssyncadd.s32 $0xFFFFE000  }
.Ltmp1:
0x117: {  	[bflag:$0x0] =	sbarrier.arrive $0xFFFF;
	(pc) =	sbr.rel @p0 .LBB2_1-.Ltmp1, $4  }
0x118: {  	[hbm:s6], [sflag:s11] =	dma.local [spmem:s12], $0x2800  }
0x119: {  	_ =	swait.ge [sflag:s10], $0x2800  }
0x11a: {  	[sflag:s10] =	ssyncset.done $0x0  }
0x11b: {  	[sflag:s10] =	ssyncadd.s32 $0xFFFFD800  }
0x11c: {  	_ =	sfence.sel $0x180000  }
0x11d: {  	[bflag:$0x0] =	sbarrier.arrive $0xFFFF  }
0x11e: {  	_ =	strace $0x90000047  }
0x11f: {  	s0 =	stileid.u32;
	[bflag:$0x2] =	sbarrier.arrive $0xFFFF  }
0x120: {  	p0 =	sne.s32 s0, $0x0;
	s0 =	rddreg [dreg:$0x3]  }
0x121: {  	s0 =	sadd.s32 @!p0 $0x100000, s0  }
0x122: {  	[sflag:s0] =	ssyncadd.tile.s32 @!p0 $0x1;
	_ =	shalt  }
.Lfunc_end2:
_tile_overlayer_lowered:
.L_overlay_start_2:
0x123: {  	(tag) =	ssettag $0x2  }
0x124: {  	s0 =	rddreg [dreg:$0x0];
	s2 =	stileid.u32  }
0x125: {  	s1 =	rddreg [dreg:$0x1];
	p0 =	sne.s32 s2, $0x0  }
0x126: {  	s3 =	rddreg [dreg:$0x2];
	[bflag:$0x3] =	sbarrier.arrive $0xFFFF;
	s2 =	simm.s32 @!p0 $0x1C02  }
0x127: {  	[timem:s3], [sflag:s2] =	dma.local @!p0 [hbm:s0], s1  }
0x128: {  	s0 =	simm.s32 @!p0 $0x2  }
0x129: {  	_ =	swait.ge @!p0 [sflag:s0], s1  }
0x12a: {  	s1 =	ssub.s32 @!p0 $0x0, s1;
	[sflag:s0] =	ssyncset.done @!p0 $0x0  }
0x12b: {  	[sflag:s0] =	ssyncadd.s32 @!p0 s1  }
0x12c: {  	[bflag:$0x3] =	sbarrier.arrive $0xFFFF  }
0x12d: {  	_ =	shalt  }

// kernel: kernel.13.cloned.1.call-start
scs
__scs_entry_jumppad:
0x0: {  	(pc) =	sbr.rel $0x88, $3  }
0x1: {  	(tag) =	ssettag $0x0;
	lr =	simm.s32 $0x1  }
0x2: {  	[smem:$0x3F99] =	sst lr;
	_ =	strace $0xD0000000  }
0x3: {  	_ = 	snop  }
0x4: {  	_ = 	snop  }
0x5: {  	_ = 	snop  }
0x6: {  	_ = 	snop  }
0x7: {  	_ = 	snop  }
__scs_overlays_trampoline_lowered:
0x8: {  	[smem:$0x3FA8] =	sst s0  }
0x9: {  	[smem:$0x3FA9] =	sst s1  }
0xa: {  	[smem:$0x3FAA] =	sst s2  }
0xb: {  	[smem:$0x3FAB] =	sst s3  }
0xc: {  	[smem:$0x3FAC] =	sst s4  }
0xd: {  	[smem:$0x3FAD] =	sst s5  }
0xe: {  	[smem:$0x3FAE] =	sst s6  }
0xf: {  	[smem:$0x3FAF] =	sst s7  }
0x10: {  	[smem:$0x3FB0] =	sst s8  }
0x11: {  	[smem:$0x3FB1] =	sst s9;
	s0 =	simm.s32 @!p0 $0x0  }
0x12: {  	s1 =	sld [smem:$0x3F97];
	s0 =	simm.s32 @p0 $0x1  }
0x13: {  	[smem:$0x3FB2] =	sst s0;
	s0 =	simm.s32 @!p1 $0x0  }
0x14: {  	s2 =	sld [smem:$0x3F96];
	s0 =	simm.s32 @p1 $0x1  }
0x15: {  	[smem:$0x3FB3] =	sst s0;
	s0 =	simm.s32 @!p2 $0x0  }
0x16: {  	s3 =	sld [smem:$0x3FDB];
	s0 =	simm.s32 @p2 $0x1  }
0x17: {  	s4 =	simm.s32 $0x1BF5;
	[smem:$0x3FB5] =	sst s0  }
0x18: {  	s0 =	sld [smem:$0x3F98];
	_ =	swait.ge [sflag:s4], $0x0  }
0x19: {  	s7 =	sld [smem:$0x3F99]  }
0x1a: {  	s8 =	sadd.s32 $0xFFFFE003, lr  }
0x1b: {  	s9 =	sadd.s32 $0xFFFFFEF7, lr;
	s5 =	simm.s32 $0xFFFFFFFF;
	p2 =	slt.u32 s8, $0xFFFFF086  }
0x1c: {  	p1 =	slt.u32 s9, $0xF7A;
	s5 =	simm.s32 @!p2 $0x0  }
0x1d: {  	s5 =	simm.s32 @p1 $0x1;
	p0 =	seq.s32 s7, s2  }
0x1e: {  	s7 =	smul.u32 @!p0 $0xF7A, s2;
	p2 =	seq.s32 @!p0 s5, $0x0  }
0x1f: {  	s9 =	smul.u32 $0xF7A, s1;
	s8 =	simm.s32 @!p0 $0x1BF5;
	p2 =	por !p2, p0  }
0x20: {  	[sflag:s8] =	ssyncset.s32 @!p0 $0xFFFFF086;
	s6 =	sadd.s32 @!p0 s3, s7;
	s7 =	simm.s32 @!p0 $0x108  }
0x21: {  	s3 =	sadd.s32 s3, s9;
	s6 =	sadd.s32 @!p0 $0x88, s6;
	s7 =	simm.s32 @p2 $0x1082  }
0x22: {  	[simem:s7], [sflag:s8] =	dma.local @!p0 [hbm:s6], $0xF7A  }
0x23: {  	s9 =	sor.u32 $0xD0000000, s2;
	s6 =	simm.s32 $0x108;
	_ =	swait.ge @!p0 [sflag:s8], $0x0  }
0x24: {  	s3 =	sadd.s32 $0x88, s3;
	s6 =	simm.s32 @!p1 $0x1082;
	[sflag:s4] =	ssyncset.s32 $0xFFFFF086  }
0x25: {  	[simem:s6], [sflag:s4] =	dma.local [hbm:s3], $0xF7A  }
0x26: {  	[smem:$0x3F99] =	sst s1;
	(tag) =	ssettag s2;
	_ =	strace s9  }
0x27: {  	s1 =	sld [smem:$0x3FA9]  }
0x28: {  	s2 =	sld [smem:$0x3FAA]  }
0x29: {  	s4 =	sld [smem:$0x3FAC]  }
0x2a: {  	p0 =	seq.s32 s5, $0x0;
	s5 =	sld [smem:$0x3FAD]  }
0x2b: {  	s6 =	sld [smem:$0x3FAE]  }
0x2c: {  	s7 =	sld [smem:$0x3FAF]  }
0x2d: {  	s3 =	simm.s32 $0x108;
	s8 =	sld [smem:$0x3FB0]  }
0x2e: {  	s3 =	simm.s32 @!p0 $0x1082;
	s9 =	sld [smem:$0x3FB1]  }
0x2f: {  	lr =	sadd.s32 s0, s3;
	s0 =	sld [smem:$0x3FA8]  }
0x30: {  	s3 =	sld [smem:$0x3FAB]  }
0x31: {  	[smem:$0x3FB4] =	sst s10  }
0x32: {  	s10 =	sld [smem:$0x3FB2];
	_ =	sdelay $0x3  }
0x33: {  	p0 =	seq.s32 s10, $0x1;
	s10 =	sld [smem:$0x3FB4];
	_ =	sdelay $0x3  }
0x34: {  	[smem:$0x3FB4] =	sst s10  }
0x35: {  	s10 =	sld [smem:$0x3FB3];
	_ =	sdelay $0x3  }
0x36: {  	p1 =	seq.s32 s10, $0x1;
	s10 =	sld [smem:$0x3FB4];
	_ =	sdelay $0x3  }
0x37: {  	[smem:$0x3FB4] =	sst s10  }
0x38: {  	s10 =	sld [smem:$0x3FB5]  }
0x39: {  	_ = 	snop;
	(pc) =	sbr.ind lr, $3  }
0x3a: {  	_ = 	snop  }
0x3b: {  	_ = 	snop  }
0x3c: {  	p2 =	seq.s32 s10, $0x1;
	s10 =	sld [smem:$0x3FB4]  }
0x3d: {  	_ =	shalt  }
0x3e: {  	_ =	shalt  }
0x3f: {  	_ =	shalt  }
0x40: {  	_ =	shalt  }
0x41: {  	_ =	shalt  }
0x42: {  	_ =	shalt  }
0x43: {  	_ =	shalt  }
0x44: {  	_ =	shalt  }
0x45: {  	_ =	shalt  }
0x46: {  	_ =	shalt  }
0x47: {  	_ =	shalt  }
0x48: {  	_ =	shalt  }
0x49: {  	_ =	shalt  }
0x4a: {  	_ =	shalt  }
0x4b: {  	_ =	shalt  }
0x4c: {  	_ =	shalt  }
0x4d: {  	_ =	shalt  }
0x4e: {  	_ =	shalt  }
0x4f: {  	_ =	shalt  }
0x50: {  	_ =	shalt  }
0x51: {  	_ =	shalt  }
0x52: {  	_ =	shalt  }
0x53: {  	_ =	shalt  }
0x54: {  	_ =	shalt  }
0x55: {  	_ =	shalt  }
0x56: {  	_ =	shalt  }
0x57: {  	_ =	shalt  }
0x58: {  	_ =	shalt  }
0x59: {  	_ =	shalt  }
0x5a: {  	_ =	shalt  }
0x5b: {  	_ =	shalt  }
0x5c: {  	_ =	shalt  }
0x5d: {  	_ =	shalt  }
0x5e: {  	_ =	shalt  }
0x5f: {  	_ =	shalt  }
0x60: {  	_ =	shalt  }
0x61: {  	_ =	shalt  }
0x62: {  	_ =	shalt  }
0x63: {  	_ =	shalt  }
0x64: {  	_ =	shalt  }
0x65: {  	_ =	shalt  }
0x66: {  	_ =	shalt  }
0x67: {  	_ =	shalt  }
0x68: {  	_ =	shalt  }
0x69: {  	_ =	shalt  }
0x6a: {  	_ =	shalt  }
0x6b: {  	_ =	shalt  }
0x6c: {  	_ =	shalt  }
0x6d: {  	_ =	shalt  }
0x6e: {  	_ =	shalt  }
0x6f: {  	_ =	shalt  }
0x70: {  	_ =	shalt  }
0x71: {  	_ =	shalt  }
0x72: {  	_ =	shalt  }
0x73: {  	_ =	shalt  }
0x74: {  	_ =	shalt  }
0x75: {  	_ =	shalt  }
0x76: {  	_ =	shalt  }
0x77: {  	_ =	shalt  }
0x78: {  	_ =	shalt  }
0x79: {  	_ =	shalt  }
0x7a: {  	_ =	shalt  }
0x7b: {  	_ =	shalt  }
0x7c: {  	_ =	shalt  }
0x7d: {  	_ =	shalt  }
0x7e: {  	_ =	shalt  }
0x7f: {  	_ =	shalt  }
0x80: {  	_ =	shalt  }
0x81: {  	_ =	shalt  }
0x82: {  	_ =	shalt  }
0x83: {  	_ =	shalt  }
0x84: {  	_ =	shalt  }
0x85: {  	_ =	shalt  }
0x86: {  	_ =	shalt  }
0x87: {  	_ =	shalt  }
.Lfunc_end0:
.L_simem_size_0:
called_computation.1_lowered:
.L_overlay_start_0:
0x88: {  	s2 =	sld [smem:$0x3FD9]  }
0x89: {  	s3 =	sld [smem:$0x3FFE];
	_ =	sdelay $0x1  }
0x8a: {  	s1 =	srdreg.scid  }
0x8b: {  	s0 =	sand.u32 $0x1, s1  }
0x8c: {  	s16 =	sshll.u32 s0, $0xA;
	s2 =	sadd.s32 s3, s2  }
0x8d: {  	s2 =	sadd.s32 s2, s16  }
0x8e: {  	[smem:$0x3FC0] =	sst s2  }
0x8f: {  	_ = 	snop  }
0x90: {  	(tm) =	ssettm $0x1  }
0x91: {  	s17 =	sld [smem:$0x3FFB];
	_ =	sdelay $0x3  }
0x92: {  	_ =	strace s17  }
0x93: {  	s2 =	sld [smem:$0x3FFC];
	_ =	sdelay $0x3  }
0x94: {  	_ =	strace s2  }
0x95: {  	s2 =	sld [smem:$0x3FFD];
	_ =	sdelay $0x3  }
0x96: {  	_ =	strace s2  }
0x97: {  	_ =	strace $0x8FFFFFFF  }
0x98: {  	s18 =	sld [smem:$0x3FDB];
	_ =	sdelay $0x1  }
0x99: {  	s19 =	simm.s32 $_scs_section_size  }
0x9a: {  	s4 =	simm.s32 $_size__tile_overlayer_lowered;
	s5 =	simm.s32 $_tile_overlayer_lowered  }
0x9b: {  	s22 =	simm.s32 $0x1BFF;
	s21 =	sshll.u32 s5, $0x1;
	s2 =	sadd.s32 s19, s18  }
0x9c: {  	s6 =	simm.s32 $0x0;
	s20 =	sshll.u32 s4, $0x1;
	s4 =	sadd.s32 s21, s2  }
0x9d: {  	[timem:s6], [sflag:s22] =	dma.local [hbm:s4], s20  }
0x9e: {  	_ =	swait.ge [sflag:s22], s20  }
0x9f: {  	s3 =	ssub.s32 $0x0, s20;
	[sflag:s22] =	ssyncset.done $0x0  }
0xa0: {  	[sflag:s22] =	ssyncadd.s32 s3;
	_ =	sdelay $0x1  }
0xa1: {  	s23 =	simm.s32 $0x1B8B  }
0xa2: {  	_ =	swait.ge [sflag:s23], $0x1  }
0xa3: {  	[sflag:s23] =	ssyncset.done $0x0  }
0xa4: {  	s25 =	simm.s32 $0x1B8E;
	s24 =	sld [smem:$0x3FFE];
	[sflag:s23] =	ssyncadd.s32 $0xFFFFFFFF  }
0xa5: {  	s26 =	simm.s32 $execute0_lowered;
	[smem:$0x3FD2] =	sst s25  }
0xa6: {  	s4 =	sshll.u32 s26, $0x1;
	_ =	strace $0x80000049;
	[dreg:$0x1] =	wrdreg $0xFFFFFFFF  }
0xa7: {  	s28 =	simm.s32 $_size_execute0_lowered;
	s2 =	sadd.s32 s2, s4;
	[dreg:$0x0] =	wrdreg $0x0  }
0xa8: {  	s4 =	sshll.u32 s28, $0x1;
	[dreg:$0x2] =	wrdreg s2  }
0xa9: {  	[dreg:$0x3] =	wrdreg s4  }
0xaa: {  	[dreg:$0x4] =	wrdreg $0xC0  }
0xab: {  	_ =	task [dreg:s6], $0x5FFFF  }
0xac: {  	[dreg:$0x1] =	wrdreg $0xFFFFFFFF  }
0xad: {  	[dreg:$0x0] =	wrdreg $0x60  }
0xae: {  	[dreg:$0x2] =	wrdreg s24  }
0xaf: {  	[dreg:$0x3] =	wrdreg $0x90000  }
0xb0: {  	[dreg:$0x4] =	wrdreg $0x9  }
0xb1: {  	_ =	task.clear_ibuf [dreg:s6], $0x5FFFF;
	_ =	strace $0x90000049  }
0xb2: {  	s29 =	simm.s32 $0x9;
	_ =	strace $0x8000004B  }
0xb3: {  	_ =	swait.ge [sflag:s29], $0x1  }
0xb4: {  	[sflag:s29] =	ssyncadd.s32 $0xFFFFFFFF  }
0xb5: {  	_ =	strace $0x9000004B  }
0xb6: {  	_ =	sfence  }
0xb7: {  	s30 =	sld [smem:$0x0];
	_ =	sdelay $0x2  }
0xb8: {  	s31 =	sshll.u32 s1, $0xD;
	s1 =	sshrl.u32 s1, $0x2  }
0xb9: {  	s3 =	sand.u32 $0x4000, s31;
	s1 =	sadd.s32 s1, s30  }
0xba: {  	s0 =	sor.u32 s3, s0;
	s1 =	sshll.u32 s1, $0x11  }
0xbb: {  	s0 =	sor.u32 s1, s0  }
0xbc: {  	s0 =	sadd.s32 $0x8F2B, s0  }
0xbd: {  	[sflag:s0] =	ssyncadd.remote.s32 $0x1  }
0xbe: {  	_ =	sfence.sel $0xFFFF  }
0xbf: {  	[dreg:$0x0] =	wrdreg $0xFFFFFFFF;
	(pc) =	sbr.abs _section_cstart, $3  }
0xc0: {  	[dreg:$0x1] =	wrdreg $0xFFFFFFFF  }
0xc1: {  	_ =	task.clear_ibuf [dreg:s6], $0x2FFFF;
	_ =	strace $0x9FFFFFFF  }
0xc2: {  	(tm) =	ssettm $0x7FFFFFFF  }
0xc3: {  	_ =	shalt  }
tec
execute0_lowered:
.L_overlay_start_1:
0x0: {  	(tag) =	ssettag $0x1  }
0x1: {  	s0 =	rddreg [dreg:$0x0]  }
0x2: {  	s2 =	rddreg [dreg:$0x1]  }
0x3: {  	s10 =	stileid.u32;
	s3 =	simm.s32 $0x0;
	s4 =	srdreg.scid  }
0x4: {  	s11 =	simm.s32 $0x80;
	s13 =	simm.s32 $0x100;
	s14 =	simm.s32 $0x180  }
0x5: {  	s15 =	simm.s32 $0x200;
	s17 =	simm.s32 $0x880;
	s18 =	simm.s32 $0x280  }
0x6: {  	s19 =	simm.s32 $0x900;
	s20 =	simm.s32 $0x300;
	[smem:$0x7FF] =	sst s3  }
0x7: {  	s21 =	simm.s32 $0x980;
	_ =	strace $0x8000004A;
	[dreg:$0x5] =	wrdreg s11  }
0x8: {  	s22 =	simm.s32 $0x380;
	s28 =	simm.s32 $0x700;
	[dreg:$0x6] =	wrdreg s13  }
0x9: {  	s29 =	simm.s32 $0xD80;
	s30 =	simm.s32 $0x780;
	[dreg:$0x7] =	wrdreg s14  }
0xa: {  	s31 =	simm.s32 $0xE00;
	s1 =	smul.u32 $0x1400, s10;
	[dreg:$0x8] =	wrdreg s15  }
0xb: {  	s5 =	smul.u32 $0x2800, s10;
	s6 =	sand.u32 $0x1, s4;
	[dreg:$0x9] =	wrdreg s17  }
0xc: {  	s4 =	sadd.s32 $0xA3200, s0;
	s23 =	smul.u32 $0x50000, s10;
	[dreg:$0xa] =	wrdreg s18  }
0xd: {  	s12 =	sshll.u32 s10, $0x6;
	s7 =	smul.u32 $0x28000, s6;
	[dreg:$0xb] =	wrdreg s19  }
0xe: {  	s10 =	simm.s32 $0x2;
	s9 =	smul.u32 $0xA00, s6;
	[dreg:$0xc] =	wrdreg s20  }
0xf: {  	s6 =	ssub.s32 $0x2, s6;
	s11 =	simm.s32 $0x800;
	[dreg:$0xd] =	wrdreg s21  }
0x10: {  	s13 =	simm.s32 $0x1000;
	s14 =	simm.s32 $0x3000;
	[dreg:$0xe] =	wrdreg s22  }
0x11: {  	s15 =	simm.s32 $0x5000;
	s17 =	simm.s32 $0x1;
	s18 =	simm.s32 $0xB00  }
0x12: {  	s19 =	simm.s32 $0x500;
	s20 =	simm.s32 $0xB80;
	s21 =	simm.s32 $0x580  }
0x13: {  	s22 =	simm.s32 $0xC00;
	s1 =	sadd.s32 s1, s0;
	s8 =	sadd.s32 s5, s0  }
0x14: {  	s24 =	sshrl.u32 s6, $0x1;
	s25 =	sshrl.u32 s23, $0x2;
	s23 =	simm.s32 $0xA00  }
0x15: {  	s5 =	sadd.s32 s5, s7;
	s1 =	sadd.s32 s9, s1;
	s9 =	sadd.s32 $0x17200, s8  }
0x16: {  	s7 =	sor.u32 $0x1C02, s12;
	s12 =	simm.s32 $0x40;
	[dreg:$0xf] =	wrdreg s23  }
0x17: {  	s23 =	simm.s32 $0x600;
	s0 =	sadd.s32 s5, s0;
	[dreg:$0x13] =	wrdreg s9  }
0x18: {  	s5 =	ssub.s32 s6, s24;
	s26 =	sadd.s32 $0x3200, s1;
	[dreg:$0x14] =	wrdreg s7  }
0x19: {  	s6 =	sadd.s32 s25, s2;
	s1 =	sadd.s32 $0x8F200, s1;
	[dreg:$0x3] =	wrdreg s26  }
0x1a: {  	s24 =	simm.s32 $0x400;
	s25 =	simm.s32 $0xA80;
	[dreg:$0x4] =	wrdreg s1  }
0x1b: {  	s9 =	simm.s32 $0x0;
	s0 =	sadd.s32 $0xCA400, s0;
	[dreg:$0x10] =	wrdreg s24  }
0x1c: {  	s16 =	smax.u32 s5, $0x1;
	s8 =	sshrl.u32 s6, $0x3;
	[dreg:$0x11] =	wrdreg s25  }
0x1d: {  	s26 =	simm.s32 $0x480;
	s24 =	simm.s32 $0xC80;
	[dreg:$0x15] =	wrdreg s0  }
0x1e: {  	s25 =	simm.s32 $0x680;
	s1 =	simm.s32 $0xF00;
	[dreg:$0x16] =	wrdreg s16  }
0x1f: {  	s5 =	simm.s32 $0xF80;
	s16 =	simm.s32 $0x7000;
	[dreg:$0x12] =	wrdreg s26  }
0x20: {  	s26 =	simm.s32 $0xD00;
	s0 =	simm.s32 $0xE80;
	[dreg:$0x17] =	wrdreg s8  }
.LBB2_1:
0x21: {  	[dreg:$0x18] =	wrdreg s9  }
0x22: {  	s6 =	rddreg [dreg:$0x13]  }
0x23: {  	[spmem:s8], [sflag:s7] =	dma.local [hbm:s6], $0x2800  }
0x24: {  	_ =	swait.ge [sflag:s10], $0x2800  }
0x25: {  	[sflag:s10] =	ssyncset.done $0x0  }
0x26: {  	[sflag:s10] =	ssyncadd.s32 $0xFFFFD800  }
0x27: {  	[bflag:$0x0] =	sbarrier.arrive $0xFFFF  }
0x28: {  	s9 =	rddreg [dreg:$0x4]  }
0x29: {  	s6 =	sadd.s32 $0x0, s9  }
0x2a: {  	[tilespmem:s3], [sflag:$0x2] =	stream.linear.gather [hbm4b:s6+s3], $0x800, $0x38;
	[tilespmem:$0x1D000] =	vst v63  }
0x2b: {  	_ =	swait.ge [sflag:s10], $0x800  }
0x2c: {  	s7 =	rddreg [dreg:$0x3];
	[sflag:s10] =	ssyncset.done $0x0  }
0x2d: {  	[sflag:s10] =	ssyncadd.s32 $0xFFFFF800;
	s6 =	sadd.s32 $0x0, s7  }
0x2e: {  	[tilespmem:s11], [sflag:$0x2] =	stream.linear.gather [hbm4b:s6+s3], $0x800, $0x38;
	[tilespmem:$0x1D000] =	vst v63  }
0x2f: {  	_ =	swait.ge [sflag:s10], $0x800  }
0x30: {  	[sflag:s10] =	ssyncset.done $0x0  }
0x31: {  	[sflag:s10] =	ssyncadd.s32 $0xFFFFF800  }
0x32: {  	[tilespmem:s13], [sflag:$0x1] =	stream.indirect.gather [hbm4b:s4+s12], $0x80, s3, s12, $0xb8;
	[tilespmem:$0x1D000] =	vst v63  }
0x33: {  	s8 =	rddreg [dreg:$0x5]  }
0x34: {  	[tilespmem:s14], [sflag:$0x1] =	stream.indirect.gather [hbm4b:s4+s12], $0x80, s8, s12, $0xb8;
	[tilespmem:$0x1D000] =	vst v63  }
0x35: {  	s9 =	rddreg [dreg:$0x6]  }
0x36: {  	[tilespmem:s15], [sflag:$0x1] =	stream.indirect.gather [hbm4b:s4+s12], $0x80, s9, s12, $0xb8;
	[tilespmem:$0x1D000] =	vst v63  }
0x37: {  	s7 =	rddreg [dreg:$0x7]  }
0x38: {  	[tilespmem:s16], [sflag:$0x1] =	stream.indirect.gather [hbm4b:s4+s12], $0x80, s7, s12, $0xb8;
	[tilespmem:$0x1D000] =	vst v63  }
0x39: {  	_ =	swait.ge [sflag:s17], $0x2000  }
0x3a: {  	[sflag:s17] =	ssyncset.done $0x0  }
0x3b: {  	[sflag:s17] =	ssyncadd.s32 $0xFFFFE000  }
0x3c: {  	[spmem:s2] =	stream.indirect.scatter.add.f32 [tilespmem:s13], [sflag:$0x2], $0x80, s11, s12, $0xb8;
	[tilespmem:$0x1D000] =	vst v63  }
0x3d: {  	_ =	swait.ge [sflag:s10], $0x2000  }
0x3e: {  	[sflag:s10] =	ssyncset.done $0x0  }
0x3f: {  	s8 =	rddreg [dreg:$0x8];
	[sflag:s10] =	ssyncadd.s32 $0xFFFFE000  }
0x40: {  	[tilespmem:s13], [sflag:$0x1] =	stream.indirect.gather [hbm4b:s4+s12], $0x80, s8, s12, $0xb8;
	[tilespmem:$0x1D000] =	vst v63  }
0x41: {  	_ =	swait.ge [sflag:s17], $0x2000  }
0x42: {  	[sflag:s17] =	ssyncset.done $0x0  }
0x43: {  	s9 =	rddreg [dreg:$0x9];
	[sflag:s17] =	ssyncadd.s32 $0xFFFFE000  }
0x44: {  	[spmem:s2] =	stream.indirect.scatter.add.f32 [tilespmem:s14], [sflag:$0x2], $0x80, s9, s12, $0xb8;
	[tilespmem:$0x1D000] =	vst v63  }
0x45: {  	_ =	swait.ge [sflag:s10], $0x2000  }
0x46: {  	[sflag:s10] =	ssyncset.done $0x0  }
0x47: {  	s7 =	rddreg [dreg:$0xa];
	[sflag:s10] =	ssyncadd.s32 $0xFFFFE000  }
0x48: {  	[tilespmem:s14], [sflag:$0x1] =	stream.indirect.gather [hbm4b:s4+s12], $0x80, s7, s12, $0xb8;
	[tilespmem:$0x1D000] =	vst v63  }
0x49: {  	_ =	swait.ge [sflag:s17], $0x2000  }
0x4a: {  	[sflag:s17] =	ssyncset.done $0x0  }
0x4b: {  	s8 =	rddreg [dreg:$0xb];
	[sflag:s17] =	ssyncadd.s32 $0xFFFFE000  }
0x4c: {  	[spmem:s2] =	stream.indirect.scatter.add.f32 [tilespmem:s15], [sflag:$0x2], $0x80, s8, s12, $0xb8;
	[tilespmem:$0x1D000] =	vst v63  }
0x4d: {  	_ =	swait.ge [sflag:s10], $0x2000  }
0x4e: {  	[sflag:s10] =	ssyncset.done $0x0  }
0x4f: {  	s9 =	rddreg [dreg:$0xc];
	[sflag:s10] =	ssyncadd.s32 $0xFFFFE000  }
0x50: {  	[tilespmem:s15], [sflag:$0x1] =	stream.indirect.gather [hbm4b:s4+s12], $0x80, s9, s12, $0xb8;
	[tilespmem:$0x1D000] =	vst v63  }
0x51: {  	_ =	swait.ge [sflag:s17], $0x2000  }
0x52: {  	[sflag:s17] =	ssyncset.done $0x0  }
0x53: {  	s7 =	rddreg [dreg:$0xd];
	[sflag:s17] =	ssyncadd.s32 $0xFFFFE000  }
0x54: {  	[spmem:s2] =	stream.indirect.scatter.add.f32 [tilespmem:s16], [sflag:$0x2], $0x80, s7, s12, $0xb8;
	[tilespmem:$0x1D000] =	vst v63  }
0x55: {  	_ =	swait.ge [sflag:s10], $0x2000  }
0x56: {  	[sflag:s10] =	ssyncset.done $0x0  }
0x57: {  	s8 =	rddreg [dreg:$0xe];
	[sflag:s10] =	ssyncadd.s32 $0xFFFFE000  }
0x58: {  	[tilespmem:s16], [sflag:$0x1] =	stream.indirect.gather [hbm4b:s4+s12], $0x80, s8, s12, $0xb8;
	[tilespmem:$0x1D000] =	vst v63  }
0x59: {  	_ =	swait.ge [sflag:s17], $0x2000  }
0x5a: {  	[sflag:s17] =	ssyncset.done $0x0  }
0x5b: {  	s9 =	rddreg [dreg:$0xf];
	[sflag:s17] =	ssyncadd.s32 $0xFFFFE000  }
0x5c: {  	[spmem:s2] =	stream.indirect.scatter.add.f32 [tilespmem:s13], [sflag:$0x2], $0x80, s9, s12, $0xb8;
	[tilespmem:$0x1D000] =	vst v63  }
0x5d: {  	_ =	swait.ge [sflag:s10], $0x2000  }
0x5e: {  	[sflag:s10] =	ssyncset.done $0x0  }
0x5f: {  	s7 =	rddreg [dreg:$0x10];
	[sflag:s10] =	ssyncadd.s32 $0xFFFFE000  }
0x60: {  	[tilespmem:s13], [sflag:$0x1] =	stream.indirect.gather [hbm4b:s4+s12], $0x80, s7, s12, $0xb8;
	[tilespmem:$0x1D000] =	vst v63  }
0x61: {  	_ =	swait.ge [sflag:s17], $0x2000  }
0x62: {  	[sflag:s17] =	ssyncset.done $0x0  }
0x63: {  	s8 =	rddreg [dreg:$0x11];
	[sflag:s17] =	ssyncadd.s32 $0xFFFFE000  }
0x64: {  	[spmem:s2] =	stream.indirect.scatter.add.f32 [tilespmem:s14], [sflag:$0x2], $0x80, s8, s12, $0xb8;
	[tilespmem:$0x1D000] =	vst v63  }
0x65: {  	_ =	swait.ge [sflag:s10], $0x2000  }
0x66: {  	[sflag:s10] =	ssyncset.done $0x0  }
0x67: {  	s9 =	rddreg [dreg:$0x12];
	[sflag:s10] =	ssyncadd.s32 $0xFFFFE000  }
0x68: {  	[tilespmem:s14], [sflag:$0x1] =	stream.indirect.gather [hbm4b:s4+s12], $0x80, s9, s12, $0xb8;
	[tilespmem:$0x1D000] =	vst v63  }
0x69: {  	_ =	swait.ge [sflag:s17], $0x2000  }
0x6a: {  	[sflag:s17] =	ssyncset.done $0x0  }
0x6b: {  	[sflag:s17] =	ssyncadd.s32 $0xFFFFE000  }
0x6c: {  	[spmem:s2] =	stream.indirect.scatter.add.f32 [tilespmem:s15], [sflag:$0x2], $0x80, s18, s12, $0xb8;
	[tilespmem:$0x1D000] =	vst v63  }
0x6d: {  	_ =	swait.ge [sflag:s10], $0x2000  }
0x6e: {  	[sflag:s10] =	ssyncset.done $0x0  }
0x6f: {  	[sflag:s10] =	ssyncadd.s32 $0xFFFFE000  }
0x70: {  	[tilespmem:s15], [sflag:$0x1] =	stream.indirect.gather [hbm4b:s4+s12], $0x80, s19, s12, $0xb8;
	[tilespmem:$0x1D000] =	vst v63  }
0x71: {  	_ =	swait.ge [sflag:s17], $0x2000  }
0x72: {  	[sflag:s17] =	ssyncset.done $0x0  }
0x73: {  	[sflag:s17] =	ssyncadd.s32 $0xFFFFE000  }
0x74: {  	[spmem:s2] =	stream.indirect.scatter.add.f32 [tilespmem:s16], [sflag:$0x2], $0x80, s20, s12, $0xb8;
	[tilespmem:$0x1D000] =	vst v63  }
0x75: {  	_ =	swait.ge [sflag:s10], $0x2000  }
0x76: {  	[sflag:s10] =	ssyncset.done $0x0  }
0x77: {  	[sflag:s10] =	ssyncadd.s32 $0xFFFFE000  }
0x78: {  	[tilespmem:s16], [sflag:$0x1] =	stream.indirect.gather [hbm4b:s4+s12], $0x80, s21, s12, $0xb8;
	[tilespmem:$0x1D000] =	vst v63  }
0x79: {  	_ =	swait.ge [sflag:s17], $0x2000  }
0x7a: {  	[sflag:s17] =	ssyncset.done $0x0  }
0x7b: {  	[sflag:s17] =	ssyncadd.s32 $0xFFFFE000  }
0x7c: {  	[spmem:s2] =	stream.indirect.scatter.add.f32 [tilespmem:s13], [sflag:$0x2], $0x80, s22, s12, $0xb8;
	[tilespmem:$0x1D000] =	vst v63  }
0x7d: {  	_ =	swait.ge [sflag:s10], $0x2000  }
0x7e: {  	[sflag:s10] =	ssyncset.done $0x0  }
0x7f: {  	[sflag:s10] =	ssyncadd.s32 $0xFFFFE000  }
0x80: {  	[tilespmem:s13], [sflag:$0x1] =	stream.indirect.gather [hbm4b:s4+s12], $0x80, s23, s12, $0xb8;
	[tilespmem:$0x1D000] =	vst v63  }
0x81: {  	_ =	swait.ge [sflag:s17], $0x2000  }
0x82: {  	[sflag:s17] =	ssyncset.done $0x0  }
0x83: {  	[sflag:s17] =	ssyncadd.s32 $0xFFFFE000  }
0x84: {  	[spmem:s2] =	stream.indirect.scatter.add.f32 [tilespmem:s14], [sflag:$0x2], $0x80, s24, s12, $0xb8;
	[tilespmem:$0x1D000] =	vst v63  }
0x85: {  	_ =	swait.ge [sflag:s10], $0x2000  }
0x86: {  	[sflag:s10] =	ssyncset.done $0x0  }
0x87: {  	[sflag:s10] =	ssyncadd.s32 $0xFFFFE000  }
0x88: {  	[tilespmem:s14], [sflag:$0x1] =	stream.indirect.gather [hbm4b:s4+s12], $0x80, s25, s12, $0xb8;
	[tilespmem:$0x1D000] =	vst v63  }
0x89: {  	_ =	swait.ge [sflag:s17], $0x2000  }
0x8a: {  	[sflag:s17] =	ssyncset.done $0x0  }
0x8b: {  	[sflag:s17] =	ssyncadd.s32 $0xFFFFE000  }
0x8c: {  	[spmem:s2] =	stream.indirect.scatter.add.f32 [tilespmem:s15], [sflag:$0x2], $0x80, s26, s12, $0xb8;
	[tilespmem:$0x1D000] =	vst v63  }
0x8d: {  	_ =	swait.ge [sflag:s10], $0x2000  }
0x8e: {  	[sflag:s10] =	ssyncset.done $0x0  }
0x8f: {  	[sflag:s10] =	ssyncadd.s32 $0xFFFFE000  }
0x90: {  	[tilespmem:s15], [sflag:$0x1] =	stream.indirect.gather [hbm4b:s4+s12], $0x80, s28, s12, $0xb8;
	[tilespmem:$0x1D000] =	vst v63  }
0x91: {  	_ =	swait.ge [sflag:s17], $0x2000  }
0x92: {  	[sflag:s17] =	ssyncset.done $0x0  }
0x93: {  	[sflag:s17] =	ssyncadd.s32 $0xFFFFE000  }
0x94: {  	[spmem:s2] =	stream.indirect.scatter.add.f32 [tilespmem:s16], [sflag:$0x2], $0x80, s29, s12, $0xb8;
	[tilespmem:$0x1D000] =	vst v63  }
0x95: {  	_ =	swait.ge [sflag:s10], $0x2000  }
0x96: {  	[sflag:s10] =	ssyncset.done $0x0  }
0x97: {  	[sflag:s10] =	ssyncadd.s32 $0xFFFFE000  }
0x98: {  	[tilespmem:s16], [sflag:$0x1] =	stream.indirect.gather [hbm4b:s4+s12], $0x80, s30, s12, $0xb8;
	[tilespmem:$0x1D000] =	vst v63  }
0x99: {  	_ =	swait.ge [sflag:s17], $0x2000  }
0x9a: {  	[sflag:s17] =	ssyncset.done $0x0  }
0x9b: {  	[sflag:s17] =	ssyncadd.s32 $0xFFFFE000  }
0x9c: {  	[spmem:s2] =	stream.indirect.scatter.add.f32 [tilespmem:s13], [sflag:$0x2], $0x80, s31, s12, $0xb8;
	[tilespmem:$0x1D000] =	vst v63  }
0x9d: {  	_ =	swait.ge [sflag:s10], $0x2000  }
0x9e: {  	[sflag:s10] =	ssyncset.done $0x0  }
0x9f: {  	[sflag:s10] =	ssyncadd.s32 $0xFFFFE000  }
0xa0: {  	_ =	swait.ge [sflag:s17], $0x2000  }
0xa1: {  	[sflag:s17] =	ssyncset.done $0x0  }
0xa2: {  	[sflag:s17] =	ssyncadd.s32 $0xFFFFE000  }
0xa3: {  	[spmem:s2] =	stream.indirect.scatter.add.f32 [tilespmem:s14], [sflag:$0x2], $0x80, s0, s12, $0xb8;
	[tilespmem:$0x1D000] =	vst v63  }
0xa4: {  	_ =	swait.ge [sflag:s10], $0x2000  }
0xa5: {  	[sflag:s10] =	ssyncset.done $0x0  }
0xa6: {  	[sflag:s10] =	ssyncadd.s32 $0xFFFFE000  }
0xa7: {  	_ =	swait.ge [sflag:s17], $0x2000  }
0xa8: {  	[sflag:s17] =	ssyncset.done $0x0  }
0xa9: {  	[sflag:s17] =	ssyncadd.s32 $0xFFFFE000  }
0xaa: {  	[spmem:s2] =	stream.indirect.scatter.add.f32 [tilespmem:s15], [sflag:$0x2], $0x80, s1, s12, $0xb8;
	[tilespmem:$0x1D000] =	vst v63  }
0xab: {  	_ =	swait.ge [sflag:s10], $0x2000  }
0xac: {  	[sflag:s10] =	ssyncset.done $0x0  }
0xad: {  	[sflag:s10] =	ssyncadd.s32 $0xFFFFE000  }
0xae: {  	_ =	swait.ge [sflag:s17], $0x2000  }
0xaf: {  	[sflag:s17] =	ssyncset.done $0x0  }
0xb0: {  	[sflag:s17] =	ssyncadd.s32 $0xFFFFE000  }
0xb1: {  	[spmem:s2] =	stream.indirect.scatter.add.f32 [tilespmem:s16], [sflag:$0x2], $0x80, s5, s12, $0xb8;
	[tilespmem:$0x1D000] =	vst v63  }
0xb2: {  	s6 =	simm.s32 $0x200;
	_ =	swait.ge [sflag:s10], $0x2000  }
0xb3: {  	s8 =	simm.s32 $0x100;
	s9 =	rddreg [dreg:$0x4];
	[sflag:s10] =	ssyncset.done $0x0  }
.LBB2_2:
0xb4: {  	[sflag:s10] =	ssyncadd.s32 $0xFFFFE000;
	s9 =	sadd.s32 s8, s9  }
0xb5: {  	[tilespmem:s3], [sflag:$0x2] =	stream.linear.gather [hbm4b:s9+s3], $0x800, $0x38;
	[tilespmem:$0x1D000] =	vst v63  }
0xb6: {  	_ =	swait.ge [sflag:s10], $0x800  }
0xb7: {  	s9 =	rddreg [dreg:$0x3];
	[sflag:s10] =	ssyncset.done $0x0  }
0xb8: {  	[sflag:s10] =	ssyncadd.s32 $0xFFFFF800;
	s9 =	sadd.s32 s8, s9  }
0xb9: {  	[tilespmem:s11], [sflag:$0x2] =	stream.linear.gather [hbm4b:s9+s3], $0x800, $0x38;
	[tilespmem:$0x1D000] =	vst v63  }
0xba: {  	_ =	swait.ge [sflag:s10], $0x800  }
0xbb: {  	[sflag:s10] =	ssyncset.done $0x0  }
0xbc: {  	s7 =	smov.u32 s6;
	[sflag:s10] =	ssyncadd.s32 $0xFFFFF800  }
0xbd: {  	[tilespmem:s13], [sflag:$0x1] =	stream.indirect.gather [hbm4b:s4+s12], $0x80, s3, s12, $0xb8;
	[tilespmem:$0x1D000] =	vst v63  }
0xbe: {  	s8 =	smov.u32 s7;
	s7 =	rddreg [dreg:$0x5]  }
0xbf: {  	[tilespmem:s14], [sflag:$0x1] =	stream.indirect.gather [hbm4b:s4+s12], $0x80, s7, s12, $0xb8;
	[tilespmem:$0x1D000] =	vst v63  }
0xc0: {  	s9 =	rddreg [dreg:$0x6]  }
0xc1: {  	[tilespmem:s15], [sflag:$0x1] =	stream.indirect.gather [hbm4b:s4+s12], $0x80, s9, s12, $0xb8;
	[tilespmem:$0x1D000] =	vst v63  }
0xc2: {  	s7 =	rddreg [dreg:$0x7]  }
0xc3: {  	[tilespmem:s16], [sflag:$0x1] =	stream.indirect.gather [hbm4b:s4+s12], $0x80, s7, s12, $0xb8;
	[tilespmem:$0x1D000] =	vst v63  }
0xc4: {  	_ =	swait.ge [sflag:s17], $0x2000  }
0xc5: {  	[sflag:s17] =	ssyncset.done $0x0  }
0xc6: {  	[sflag:s17] =	ssyncadd.s32 $0xFFFFE000  }
0xc7: {  	[spmem:s2] =	stream.indirect.scatter.add.f32 [tilespmem:s13], [sflag:$0x2], $0x80, s11, s12, $0xb8;
	[tilespmem:$0x1D000] =	vst v63  }
0xc8: {  	_ =	swait.ge [sflag:s10], $0x2000  }
0xc9: {  	[sflag:s10] =	ssyncset.done $0x0  }
0xca: {  	s9 =	rddreg [dreg:$0x8];
	[sflag:s10] =	ssyncadd.s32 $0xFFFFE000  }
0xcb: {  	[tilespmem:s13], [sflag:$0x1] =	stream.indirect.gather [hbm4b:s4+s12], $0x80, s9, s12, $0xb8;
	[tilespmem:$0x1D000] =	vst v63  }
0xcc: {  	_ =	swait.ge [sflag:s17], $0x2000  }
0xcd: {  	[sflag:s17] =	ssyncset.done $0x0  }
0xce: {  	s9 =	rddreg [dreg:$0x9];
	[sflag:s17] =	ssyncadd.s32 $0xFFFFE000  }
0xcf: {  	[spmem:s2] =	stream.indirect.scatter.add.f32 [tilespmem:s14], [sflag:$0x2], $0x80, s9, s12, $0xb8;
	[tilespmem:$0x1D000] =	vst v63  }
0xd0: {  	_ =	swait.ge [sflag:s10], $0x2000  }
0xd1: {  	[sflag:s10] =	ssyncset.done $0x0  }
0xd2: {  	s9 =	rddreg [dreg:$0xa];
	[sflag:s10] =	ssyncadd.s32 $0xFFFFE000  }
0xd3: {  	[tilespmem:s14], [sflag:$0x1] =	stream.indirect.gather [hbm4b:s4+s12], $0x80, s9, s12, $0xb8;
	[tilespmem:$0x1D000] =	vst v63  }
0xd4: {  	_ =	swait.ge [sflag:s17], $0x2000  }
0xd5: {  	[sflag:s17] =	ssyncset.done $0x0  }
0xd6: {  	s9 =	rddreg [dreg:$0xb];
	[sflag:s17] =	ssyncadd.s32 $0xFFFFE000  }
0xd7: {  	[spmem:s2] =	stream.indirect.scatter.add.f32 [tilespmem:s15], [sflag:$0x2], $0x80, s9, s12, $0xb8;
	[tilespmem:$0x1D000] =	vst v63  }
0xd8: {  	_ =	swait.ge [sflag:s10], $0x2000  }
0xd9: {  	[sflag:s10] =	ssyncset.done $0x0  }
0xda: {  	s9 =	rddreg [dreg:$0xc];
	[sflag:s10] =	ssyncadd.s32 $0xFFFFE000  }
0xdb: {  	[tilespmem:s15], [sflag:$0x1] =	stream.indirect.gather [hbm4b:s4+s12], $0x80, s9, s12, $0xb8;
	[tilespmem:$0x1D000] =	vst v63  }
0xdc: {  	_ =	swait.ge [sflag:s17], $0x2000  }
0xdd: {  	[sflag:s17] =	ssyncset.done $0x0  }
0xde: {  	s9 =	rddreg [dreg:$0xd];
	[sflag:s17] =	ssyncadd.s32 $0xFFFFE000  }
0xdf: {  	[spmem:s2] =	stream.indirect.scatter.add.f32 [tilespmem:s16], [sflag:$0x2], $0x80, s9, s12, $0xb8;
	[tilespmem:$0x1D000] =	vst v63  }
0xe0: {  	_ =	swait.ge [sflag:s10], $0x2000  }
0xe1: {  	[sflag:s10] =	ssyncset.done $0x0  }
0xe2: {  	s9 =	rddreg [dreg:$0xe];
	[sflag:s10] =	ssyncadd.s32 $0xFFFFE000  }
0xe3: {  	[tilespmem:s16], [sflag:$0x1] =	stream.indirect.gather [hbm4b:s4+s12], $0x80, s9, s12, $0xb8;
	[tilespmem:$0x1D000] =	vst v63  }
0xe4: {  	_ =	swait.ge [sflag:s17], $0x2000  }
0xe5: {  	[sflag:s17] =	ssyncset.done $0x0  }
0xe6: {  	s9 =	rddreg [dreg:$0xf];
	[sflag:s17] =	ssyncadd.s32 $0xFFFFE000  }
0xe7: {  	[spmem:s2] =	stream.indirect.scatter.add.f32 [tilespmem:s13], [sflag:$0x2], $0x80, s9, s12, $0xb8;
	[tilespmem:$0x1D000] =	vst v63  }
0xe8: {  	_ =	swait.ge [sflag:s10], $0x2000  }
0xe9: {  	[sflag:s10] =	ssyncset.done $0x0  }
0xea: {  	s9 =	rddreg [dreg:$0x10];
	[sflag:s10] =	ssyncadd.s32 $0xFFFFE000  }
0xeb: {  	[tilespmem:s13], [sflag:$0x1] =	stream.indirect.gather [hbm4b:s4+s12], $0x80, s9, s12, $0xb8;
	[tilespmem:$0x1D000] =	vst v63  }
0xec: {  	_ =	swait.ge [sflag:s17], $0x2000  }
0xed: {  	[sflag:s17] =	ssyncset.done $0x0  }
0xee: {  	s9 =	rddreg [dreg:$0x11];
	[sflag:s17] =	ssyncadd.s32 $0xFFFFE000  }
0xef: {  	[spmem:s2] =	stream.indirect.scatter.add.f32 [tilespmem:s14], [sflag:$0x2], $0x80, s9, s12, $0xb8;
	[tilespmem:$0x1D000] =	vst v63  }
0xf0: {  	_ =	swait.ge [sflag:s10], $0x2000  }
0xf1: {  	[sflag:s10] =	ssyncset.done $0x0  }
0xf2: {  	s9 =	rddreg [dreg:$0x12];
	[sflag:s10] =	ssyncadd.s32 $0xFFFFE000  }
0xf3: {  	[tilespmem:s14], [sflag:$0x1] =	stream.indirect.gather [hbm4b:s4+s12], $0x80, s9, s12, $0xb8;
	[tilespmem:$0x1D000] =	vst v63  }
0xf4: {  	_ =	swait.ge [sflag:s17], $0x2000  }
0xf5: {  	[sflag:s17] =	ssyncset.done $0x0  }
0xf6: {  	[sflag:s17] =	ssyncadd.s32 $0xFFFFE000  }
0xf7: {  	[spmem:s2] =	stream.indirect.scatter.add.f32 [tilespmem:s15], [sflag:$0x2], $0x80, s18, s12, $0xb8;
	[tilespmem:$0x1D000] =	vst v63  }
0xf8: {  	_ =	swait.ge [sflag:s10], $0x2000  }
0xf9: {  	[sflag:s10] =	ssyncset.done $0x0  }
0xfa: {  	[sflag:s10] =	ssyncadd.s32 $0xFFFFE000  }
0xfb: {  	[tilespmem:s15], [sflag:$0x1] =	stream.indirect.gather [hbm4b:s4+s12], $0x80, s19, s12, $0xb8;
	[tilespmem:$0x1D000] =	vst v63  }
0xfc: {  	_ =	swait.ge [sflag:s17], $0x2000  }
0xfd: {  	[sflag:s17] =	ssyncset.done $0x0  }
0xfe: {  	[sflag:s17] =	ssyncadd.s32 $0xFFFFE000  }
0xff: {  	[spmem:s2] =	stream.indirect.scatter.add.f32 [tilespmem:s16], [sflag:$0x2], $0x80, s20, s12, $0xb8;
	[tilespmem:$0x1D000] =	vst v63  }
0x100: {  	_ =	swait.ge [sflag:s10], $0x2000  }
0x101: {  	[sflag:s10] =	ssyncset.done $0x0  }
0x102: {  	[sflag:s10] =	ssyncadd.s32 $0xFFFFE000  }
0x103: {  	[tilespmem:s16], [sflag:$0x1] =	stream.indirect.gather [hbm4b:s4+s12], $0x80, s21, s12, $0xb8;
	[tilespmem:$0x1D000] =	vst v63  }
0x104: {  	_ =	swait.ge [sflag:s17], $0x2000  }
0x105: {  	[sflag:s17] =	ssyncset.done $0x0  }
0x106: {  	[sflag:s17] =	ssyncadd.s32 $0xFFFFE000  }
0x107: {  	[spmem:s2] =	stream.indirect.scatter.add.f32 [tilespmem:s13], [sflag:$0x2], $0x80, s22, s12, $0xb8;
	[tilespmem:$0x1D000] =	vst v63  }
0x108: {  	_ =	swait.ge [sflag:s10], $0x2000  }
0x109: {  	[sflag:s10] =	ssyncset.done $0x0  }
0x10a: {  	[sflag:s10] =	ssyncadd.s32 $0xFFFFE000  }
0x10b: {  	[tilespmem:s13], [sflag:$0x1] =	stream.indirect.gather [hbm4b:s4+s12], $0x80, s23, s12, $0xb8;
	[tilespmem:$0x1D000] =	vst v63  }
0x10c: {  	_ =	swait.ge [sflag:s17], $0x2000  }
0x10d: {  	[sflag:s17] =	ssyncset.done $0x0  }
0x10e: {  	[sflag:s17] =	ssyncadd.s32 $0xFFFFE000  }
0x10f: {  	[spmem:s2] =	stream.indirect.scatter.add.f32 [tilespmem:s14], [sflag:$0x2], $0x80, s24, s12, $0xb8;
	[tilespmem:$0x1D000] =	vst v63  }
0x110: {  	_ =	swait.ge [sflag:s10], $0x2000  }
0x111: {  	[sflag:s10] =	ssyncset.done $0x0  }
0x112: {  	[sflag:s10] =	ssyncadd.s32 $0xFFFFE000  }
0x113: {  	[tilespmem:s14], [sflag:$0x1] =	stream.indirect.gather [hbm4b:s4+s12], $0x80, s25, s12, $0xb8;
	[tilespmem:$0x1D000] =	vst v63  }
0x114: {  	_ =	swait.ge [sflag:s17], $0x2000  }
0x115: {  	[sflag:s17] =	ssyncset.done $0x0  }
0x116: {  	[sflag:s17] =	ssyncadd.s32 $0xFFFFE000  }
0x117: {  	[spmem:s2] =	stream.indirect.scatter.add.f32 [tilespmem:s15], [sflag:$0x2], $0x80, s26, s12, $0xb8;
	[tilespmem:$0x1D000] =	vst v63  }
0x118: {  	_ =	swait.ge [sflag:s10], $0x2000  }
0x119: {  	[sflag:s10] =	ssyncset.done $0x0  }
0x11a: {  	[sflag:s10] =	ssyncadd.s32 $0xFFFFE000  }
0x11b: {  	[tilespmem:s15], [sflag:$0x1] =	stream.indirect.gather [hbm4b:s4+s12], $0x80, s28, s12, $0xb8;
	[tilespmem:$0x1D000] =	vst v63  }
0x11c: {  	_ =	swait.ge [sflag:s17], $0x2000  }
0x11d: {  	[sflag:s17] =	ssyncset.done $0x0  }
0x11e: {  	[sflag:s17] =	ssyncadd.s32 $0xFFFFE000  }
0x11f: {  	[spmem:s2] =	stream.indirect.scatter.add.f32 [tilespmem:s16], [sflag:$0x2], $0x80, s29, s12, $0xb8;
	[tilespmem:$0x1D000] =	vst v63  }
0x120: {  	_ =	swait.ge [sflag:s10], $0x2000  }
0x121: {  	[sflag:s10] =	ssyncset.done $0x0  }
0x122: {  	[sflag:s10] =	ssyncadd.s32 $0xFFFFE000  }
0x123: {  	[tilespmem:s16], [sflag:$0x1] =	stream.indirect.gather [hbm4b:s4+s12], $0x80, s30, s12, $0xb8;
	[tilespmem:$0x1D000] =	vst v63  }
0x124: {  	_ =	swait.ge [sflag:s17], $0x2000  }
0x125: {  	[sflag:s17] =	ssyncset.done $0x0  }
0x126: {  	[sflag:s17] =	ssyncadd.s32 $0xFFFFE000  }
0x127: {  	[spmem:s2] =	stream.indirect.scatter.add.f32 [tilespmem:s13], [sflag:$0x2], $0x80, s31, s12, $0xb8;
	[tilespmem:$0x1D000] =	vst v63  }
0x128: {  	_ =	swait.ge [sflag:s10], $0x2000  }
0x129: {  	[sflag:s10] =	ssyncset.done $0x0  }
0x12a: {  	[sflag:s10] =	ssyncadd.s32 $0xFFFFE000  }
0x12b: {  	_ =	swait.ge [sflag:s17], $0x2000  }
0x12c: {  	[sflag:s17] =	ssyncset.done $0x0  }
0x12d: {  	[sflag:s17] =	ssyncadd.s32 $0xFFFFE000  }
0x12e: {  	[spmem:s2] =	stream.indirect.scatter.add.f32 [tilespmem:s14], [sflag:$0x2], $0x80, s0, s12, $0xb8;
	[tilespmem:$0x1D000] =	vst v63  }
0x12f: {  	_ =	swait.ge [sflag:s10], $0x2000  }
0x130: {  	[sflag:s10] =	ssyncset.done $0x0  }
0x131: {  	[sflag:s10] =	ssyncadd.s32 $0xFFFFE000  }
0x132: {  	_ =	swait.ge [sflag:s17], $0x2000  }
0x133: {  	[sflag:s17] =	ssyncset.done $0x0  }
0x134: {  	[sflag:s17] =	ssyncadd.s32 $0xFFFFE000  }
0x135: {  	[spmem:s2] =	stream.indirect.scatter.add.f32 [tilespmem:s15], [sflag:$0x2], $0x80, s1, s12, $0xb8;
	[tilespmem:$0x1D000] =	vst v63  }
0x136: {  	_ =	swait.ge [sflag:s10], $0x2000  }
0x137: {  	[sflag:s10] =	ssyncset.done $0x0  }
0x138: {  	[sflag:s10] =	ssyncadd.s32 $0xFFFFE000  }
0x139: {  	p0 =	sne.s32 s6, $0x900;
	_ =	swait.ge [sflag:s17], $0x2000  }
.Ltmp0:
0x13a: {  	[sflag:s17] =	ssyncset.done $0x0;
	(pc) =	sbr.rel @p0 .LBB2_2-.Ltmp0, $4  }
0x13b: {  	[sflag:s17] =	ssyncadd.s32 $0xFFFFE000  }
0x13c: {  	[spmem:s2] =	stream.indirect.scatter.add.f32 [tilespmem:s16], [sflag:$0x2], $0x80, s5, s12, $0xb8;
	[tilespmem:$0x1D000] =	vst v63  }
0x13d: {  	_ =	swait.ge [sflag:s10], $0x2000  }
0x13e: {  	s6 =	sadd.s32 $0x100, s6;
	s9 =	rddreg [dreg:$0x4];
	[sflag:s10] =	ssyncset.done $0x0  }
0x13f: {  	[sflag:s10] =	ssyncadd.s32 $0xFFFFE000;
	s6 =	sadd.s32 s8, s9  }
0x140: {  	[tilespmem:s3], [sflag:$0x2] =	stream.linear.gather [hbm4b:s6+s3], $0x800, $0x38;
	[tilespmem:$0x1D000] =	vst v63  }
0x141: {  	_ =	swait.ge [sflag:s10], $0x800  }
0x142: {  	s7 =	rddreg [dreg:$0x3];
	[sflag:s10] =	ssyncset.done $0x0  }
0x143: {  	[sflag:s10] =	ssyncadd.s32 $0xFFFFF800;
	s6 =	sadd.s32 s8, s7  }
0x144: {  	[tilespmem:s11], [sflag:$0x2] =	stream.linear.gather [hbm4b:s6+s3], $0x800, $0x38;
	[tilespmem:$0x1D000] =	vst v63  }
0x145: {  	_ =	swait.ge [sflag:s10], $0x800  }
0x146: {  	[sflag:s10] =	ssyncset.done $0x0  }
0x147: {  	[sflag:s10] =	ssyncadd.s32 $0xFFFFF800  }
0x148: {  	[tilespmem:s13], [sflag:$0x1] =	stream.indirect.gather [hbm4b:s4+s12], $0x80, s3, s12, $0xb8;
	[tilespmem:$0x1D000] =	vst v63  }
0x149: {  	s8 =	rddreg [dreg:$0x5]  }
0x14a: {  	[tilespmem:s14], [sflag:$0x1] =	stream.indirect.gather [hbm4b:s4+s12], $0x80, s8, s12, $0xb8;
	[tilespmem:$0x1D000] =	vst v63  }
0x14b: {  	s7 =	rddreg [dreg:$0x6]  }
0x14c: {  	[tilespmem:s15], [sflag:$0x1] =	stream.indirect.gather [hbm4b:s4+s12], $0x80, s7, s12, $0xb8;
	[tilespmem:$0x1D000] =	vst v63  }
0x14d: {  	s9 =	rddreg [dreg:$0x7]  }
0x14e: {  	[tilespmem:s16], [sflag:$0x1] =	stream.indirect.gather [hbm4b:s4+s12], $0x80, s9, s12, $0xb8;
	[tilespmem:$0x1D000] =	vst v63  }
0x14f: {  	_ =	swait.ge [sflag:s17], $0x2000  }
0x150: {  	[sflag:s17] =	ssyncset.done $0x0  }
0x151: {  	[sflag:s17] =	ssyncadd.s32 $0xFFFFE000  }
0x152: {  	[spmem:s2] =	stream.indirect.scatter.add.f32 [tilespmem:s13], [sflag:$0x2], $0x80, s11, s12, $0xb8;
	[tilespmem:$0x1D000] =	vst v63  }
0x153: {  	_ =	swait.ge [sflag:s10], $0x2000  }
0x154: {  	[sflag:s10] =	ssyncset.done $0x0  }
0x155: {  	s7 =	rddreg [dreg:$0x8];
	[sflag:s10] =	ssyncadd.s32 $0xFFFFE000  }
0x156: {  	[tilespmem:s13], [sflag:$0x1] =	stream.indirect.gather [hbm4b:s4+s12], $0x80, s7, s12, $0xb8;
	[tilespmem:$0x1D000] =	vst v63  }
0x157: {  	_ =	swait.ge [sflag:s17], $0x2000  }
0x158: {  	[sflag:s17] =	ssyncset.done $0x0  }
0x159: {  	s8 =	rddreg [dreg:$0x9];
	[sflag:s17] =	ssyncadd.s32 $0xFFFFE000  }
0x15a: {  	[spmem:s2] =	stream.indirect.scatter.add.f32 [tilespmem:s14], [sflag:$0x2], $0x80, s8, s12, $0xb8;
	[tilespmem:$0x1D000] =	vst v63  }
0x15b: {  	_ =	swait.ge [sflag:s10], $0x2000  }
0x15c: {  	[sflag:s10] =	ssyncset.done $0x0  }
0x15d: {  	s9 =	rddreg [dreg:$0xa];
	[sflag:s10] =	ssyncadd.s32 $0xFFFFE000  }
0x15e: {  	[tilespmem:s14], [sflag:$0x1] =	stream.indirect.gather [hbm4b:s4+s12], $0x80, s9, s12, $0xb8;
	[tilespmem:$0x1D000] =	vst v63  }
0x15f: {  	_ =	swait.ge [sflag:s17], $0x2000  }
0x160: {  	[sflag:s17] =	ssyncset.done $0x0  }
0x161: {  	s7 =	rddreg [dreg:$0xb];
	[sflag:s17] =	ssyncadd.s32 $0xFFFFE000  }
0x162: {  	[spmem:s2] =	stream.indirect.scatter.add.f32 [tilespmem:s15], [sflag:$0x2], $0x80, s7, s12, $0xb8;
	[tilespmem:$0x1D000] =	vst v63  }
0x163: {  	_ =	swait.ge [sflag:s10], $0x2000  }
0x164: {  	[sflag:s10] =	ssyncset.done $0x0  }
0x165: {  	s8 =	rddreg [dreg:$0xc];
	[sflag:s10] =	ssyncadd.s32 $0xFFFFE000  }
0x166: {  	[tilespmem:s15], [sflag:$0x1] =	stream.indirect.gather [hbm4b:s4+s12], $0x80, s8, s12, $0xb8;
	[tilespmem:$0x1D000] =	vst v63  }
0x167: {  	_ =	swait.ge [sflag:s17], $0x2000  }
0x168: {  	[sflag:s17] =	ssyncset.done $0x0  }
0x169: {  	s9 =	rddreg [dreg:$0xd];
	[sflag:s17] =	ssyncadd.s32 $0xFFFFE000  }
0x16a: {  	[spmem:s2] =	stream.indirect.scatter.add.f32 [tilespmem:s16], [sflag:$0x2], $0x80, s9, s12, $0xb8;
	[tilespmem:$0x1D000] =	vst v63  }
0x16b: {  	_ =	swait.ge [sflag:s10], $0x2000  }
0x16c: {  	[sflag:s10] =	ssyncset.done $0x0  }
0x16d: {  	s7 =	rddreg [dreg:$0xe];
	[sflag:s10] =	ssyncadd.s32 $0xFFFFE000  }
0x16e: {  	[tilespmem:s16], [sflag:$0x1] =	stream.indirect.gather [hbm4b:s4+s12], $0x80, s7, s12, $0xb8;
	[tilespmem:$0x1D000] =	vst v63  }
0x16f: {  	_ =	swait.ge [sflag:s17], $0x2000  }
0x170: {  	[sflag:s17] =	ssyncset.done $0x0  }
0x171: {  	s8 =	rddreg [dreg:$0xf];
	[sflag:s17] =	ssyncadd.s32 $0xFFFFE000  }
0x172: {  	[spmem:s2] =	stream.indirect.scatter.add.f32 [tilespmem:s13], [sflag:$0x2], $0x80, s8, s12, $0xb8;
	[tilespmem:$0x1D000] =	vst v63  }
0x173: {  	_ =	swait.ge [sflag:s10], $0x2000  }
0x174: {  	[sflag:s10] =	ssyncset.done $0x0  }
0x175: {  	s9 =	rddreg [dreg:$0x10];
	[sflag:s10] =	ssyncadd.s32 $0xFFFFE000  }
0x176: {  	[tilespmem:s13], [sflag:$0x1] =	stream.indirect.gather [hbm4b:s4+s12], $0x80, s9, s12, $0xb8;
	[tilespmem:$0x1D000] =	vst v63  }
0x177: {  	_ =	swait.ge [sflag:s17], $0x2000  }
0x178: {  	[sflag:s17] =	ssyncset.done $0x0  }
0x179: {  	s7 =	rddreg [dreg:$0x11];
	[sflag:s17] =	ssyncadd.s32 $0xFFFFE000  }
0x17a: {  	[spmem:s2] =	stream.indirect.scatter.add.f32 [tilespmem:s14], [sflag:$0x2], $0x80, s7, s12, $0xb8;
	[tilespmem:$0x1D000] =	vst v63  }
0x17b: {  	_ =	swait.ge [sflag:s10], $0x2000  }
0x17c: {  	[sflag:s10] =	ssyncset.done $0x0  }
0x17d: {  	s8 =	rddreg [dreg:$0x12];
	[sflag:s10] =	ssyncadd.s32 $0xFFFFE000  }
0x17e: {  	[tilespmem:s14], [sflag:$0x1] =	stream.indirect.gather [hbm4b:s4+s12], $0x80, s8, s12, $0xb8;
	[tilespmem:$0x1D000] =	vst v63  }
0x17f: {  	_ =	swait.ge [sflag:s17], $0x2000  }
0x180: {  	[sflag:s17] =	ssyncset.done $0x0  }
0x181: {  	[sflag:s17] =	ssyncadd.s32 $0xFFFFE000  }
0x182: {  	[spmem:s2] =	stream.indirect.scatter.add.f32 [tilespmem:s15], [sflag:$0x2], $0x80, s18, s12, $0xb8;
	[tilespmem:$0x1D000] =	vst v63  }
0x183: {  	_ =	swait.ge [sflag:s10], $0x2000  }
0x184: {  	[sflag:s10] =	ssyncset.done $0x0  }
0x185: {  	[sflag:s10] =	ssyncadd.s32 $0xFFFFE000  }
0x186: {  	[tilespmem:s15], [sflag:$0x1] =	stream.indirect.gather [hbm4b:s4+s12], $0x80, s19, s12, $0xb8;
	[tilespmem:$0x1D000] =	vst v63  }
0x187: {  	_ =	swait.ge [sflag:s17], $0x2000  }
0x188: {  	[sflag:s17] =	ssyncset.done $0x0  }
0x189: {  	[sflag:s17] =	ssyncadd.s32 $0xFFFFE000  }
0x18a: {  	[spmem:s2] =	stream.indirect.scatter.add.f32 [tilespmem:s16], [sflag:$0x2], $0x80, s20, s12, $0xb8;
	[tilespmem:$0x1D000] =	vst v63  }
0x18b: {  	_ =	swait.ge [sflag:s10], $0x2000  }
0x18c: {  	[sflag:s10] =	ssyncset.done $0x0  }
0x18d: {  	[sflag:s10] =	ssyncadd.s32 $0xFFFFE000  }
0x18e: {  	[tilespmem:s16], [sflag:$0x1] =	stream.indirect.gather [hbm4b:s4+s12], $0x80, s21, s12, $0xb8;
	[tilespmem:$0x1D000] =	vst v63  }
0x18f: {  	_ =	swait.ge [sflag:s17], $0x2000  }
0x190: {  	[sflag:s17] =	ssyncset.done $0x0  }
0x191: {  	[sflag:s17] =	ssyncadd.s32 $0xFFFFE000  }
0x192: {  	[spmem:s2] =	stream.indirect.scatter.add.f32 [tilespmem:s13], [sflag:$0x2], $0x80, s22, s12, $0xb8;
	[tilespmem:$0x1D000] =	vst v63  }
0x193: {  	_ =	swait.ge [sflag:s10], $0x2000  }
0x194: {  	[sflag:s10] =	ssyncset.done $0x0  }
0x195: {  	[sflag:s10] =	ssyncadd.s32 $0xFFFFE000  }
0x196: {  	[tilespmem:s13], [sflag:$0x1] =	stream.indirect.gather [hbm4b:s4+s12], $0x80, s23, s12, $0xb8;
	[tilespmem:$0x1D000] =	vst v63  }
0x197: {  	_ =	swait.ge [sflag:s17], $0x2000  }
0x198: {  	[sflag:s17] =	ssyncset.done $0x0  }
0x199: {  	[sflag:s17] =	ssyncadd.s32 $0xFFFFE000  }
0x19a: {  	[spmem:s2] =	stream.indirect.scatter.add.f32 [tilespmem:s14], [sflag:$0x2], $0x80, s24, s12, $0xb8;
	[tilespmem:$0x1D000] =	vst v63  }
0x19b: {  	_ =	swait.ge [sflag:s10], $0x2000  }
0x19c: {  	[sflag:s10] =	ssyncset.done $0x0  }
0x19d: {  	[sflag:s10] =	ssyncadd.s32 $0xFFFFE000  }
0x19e: {  	[tilespmem:s14], [sflag:$0x1] =	stream.indirect.gather [hbm4b:s4+s12], $0x80, s25, s12, $0xb8;
	[tilespmem:$0x1D000] =	vst v63  }
0x19f: {  	_ =	swait.ge [sflag:s17], $0x2000  }
0x1a0: {  	[sflag:s17] =	ssyncset.done $0x0  }
0x1a1: {  	[sflag:s17] =	ssyncadd.s32 $0xFFFFE000  }
0x1a2: {  	[spmem:s2] =	stream.indirect.scatter.add.f32 [tilespmem:s15], [sflag:$0x2], $0x80, s26, s12, $0xb8;
	[tilespmem:$0x1D000] =	vst v63  }
0x1a3: {  	_ =	swait.ge [sflag:s10], $0x2000  }
0x1a4: {  	[sflag:s10] =	ssyncset.done $0x0  }
0x1a5: {  	[sflag:s10] =	ssyncadd.s32 $0xFFFFE000  }
0x1a6: {  	[tilespmem:s15], [sflag:$0x1] =	stream.indirect.gather [hbm4b:s4+s12], $0x80, s28, s12, $0xb8;
	[tilespmem:$0x1D000] =	vst v63  }
0x1a7: {  	_ =	swait.ge [sflag:s17], $0x2000  }
0x1a8: {  	[sflag:s17] =	ssyncset.done $0x0  }
0x1a9: {  	[sflag:s17] =	ssyncadd.s32 $0xFFFFE000  }
0x1aa: {  	[spmem:s2] =	stream.indirect.scatter.add.f32 [tilespmem:s16], [sflag:$0x2], $0x80, s29, s12, $0xb8;
	[tilespmem:$0x1D000] =	vst v63  }
0x1ab: {  	_ =	swait.ge [sflag:s10], $0x2000  }
0x1ac: {  	[sflag:s10] =	ssyncset.done $0x0  }
0x1ad: {  	[sflag:s10] =	ssyncadd.s32 $0xFFFFE000  }
0x1ae: {  	[tilespmem:s16], [sflag:$0x1] =	stream.indirect.gather [hbm4b:s4+s12], $0x80, s30, s12, $0xb8;
	[tilespmem:$0x1D000] =	vst v63  }
0x1af: {  	_ =	swait.ge [sflag:s17], $0x2000  }
0x1b0: {  	[sflag:s17] =	ssyncset.done $0x0  }
0x1b1: {  	[sflag:s17] =	ssyncadd.s32 $0xFFFFE000  }
0x1b2: {  	[spmem:s2] =	stream.indirect.scatter.add.f32 [tilespmem:s13], [sflag:$0x2], $0x80, s31, s12, $0xb8;
	[tilespmem:$0x1D000] =	vst v63  }
0x1b3: {  	_ =	swait.ge [sflag:s10], $0x2000  }
0x1b4: {  	[sflag:s10] =	ssyncset.done $0x0  }
0x1b5: {  	[sflag:s10] =	ssyncadd.s32 $0xFFFFE000  }
0x1b6: {  	_ =	swait.ge [sflag:s17], $0x2000  }
0x1b7: {  	[sflag:s17] =	ssyncset.done $0x0  }
0x1b8: {  	[sflag:s17] =	ssyncadd.s32 $0xFFFFE000  }
0x1b9: {  	[spmem:s2] =	stream.indirect.scatter.add.f32 [tilespmem:s14], [sflag:$0x2], $0x80, s0, s12, $0xb8;
	[tilespmem:$0x1D000] =	vst v63  }
0x1ba: {  	_ =	swait.ge [sflag:s10], $0x2000  }
0x1bb: {  	[sflag:s10] =	ssyncset.done $0x0  }
0x1bc: {  	[sflag:s10] =	ssyncadd.s32 $0xFFFFE000  }
0x1bd: {  	_ =	swait.ge [sflag:s17], $0x2000  }
0x1be: {  	[sflag:s17] =	ssyncset.done $0x0  }
0x1bf: {  	[sflag:s17] =	ssyncadd.s32 $0xFFFFE000  }
0x1c0: {  	[spmem:s2] =	stream.indirect.scatter.add.f32 [tilespmem:s15], [sflag:$0x2], $0x80, s1, s12, $0xb8;
	[tilespmem:$0x1D000] =	vst v63  }
0x1c1: {  	_ =	swait.ge [sflag:s10], $0x2000  }
0x1c2: {  	[sflag:s10] =	ssyncset.done $0x0  }
0x1c3: {  	[sflag:s10] =	ssyncadd.s32 $0xFFFFE000  }
0x1c4: {  	_ =	swait.ge [sflag:s17], $0x2000  }
0x1c5: {  	[sflag:s17] =	ssyncset.done $0x0  }
0x1c6: {  	[sflag:s17] =	ssyncadd.s32 $0xFFFFE000  }
0x1c7: {  	[spmem:s2] =	stream.indirect.scatter.add.f32 [tilespmem:s16], [sflag:$0x2], $0x80, s5, s12, $0xb8;
	[tilespmem:$0x1D000] =	vst v63  }
0x1c8: {  	_ =	swait.ge [sflag:s10], $0x2000  }
0x1c9: {  	[sflag:s10] =	ssyncset.done $0x0  }
0x1ca: {  	[sflag:s10] =	ssyncadd.s32 $0xFFFFE000  }
0x1cb: {  	[bflag:$0x0] =	sbarrier.arrive $0xFFFF  }
0x1cc: {  	s7 =	rddreg [dreg:$0x14]  }
0x1cd: {  	s9 =	rddreg [dreg:$0x15]  }
0x1ce: {  	s8 =	rddreg [dreg:$0x17]  }
0x1cf: {  	[hbm:s9], [sflag:s7] =	dma.local [spmem:s8], $0x2800  }
0x1d0: {  	_ =	swait.ge [sflag:s10], $0x2800  }
0x1d1: {  	s6 =	rddreg [dreg:$0x18]  }
0x1d2: {  	s9 =	sadd.s32 $0x1, s6;
	s6 =	rddreg [dreg:$0x16]  }
0x1d3: {  	p0 =	sne.s32 s9, s6  }
.Ltmp1:
0x1d4: {  	_ = 	snop;
	(pc) =	sbr.rel @p0 .LBB2_1-.Ltmp1, $3  }
0x1d5: {  	_ =	sdelay $0x1  }
0x1d6: {  	[sflag:s10] =	ssyncset.done $0x0  }
0x1d7: {  	[sflag:s10] =	ssyncadd.s32 $0xFFFFD800  }
0x1d8: {  	_ =	sfence.sel $0x180000  }
0x1d9: {  	[bflag:$0x0] =	sbarrier.arrive $0xFFFF  }
0x1da: {  	_ =	strace $0x9000004A  }
0x1db: {  	s0 =	stileid.u32;
	[bflag:$0x2] =	sbarrier.arrive $0xFFFF  }
0x1dc: {  	p0 =	sne.s32 s0, $0x0;
	s0 =	rddreg [dreg:$0x2]  }
0x1dd: {  	s0 =	sadd.s32 @!p0 $0x100000, s0  }
0x1de: {  	[sflag:s0] =	ssyncadd.tile.s32 @!p0 $0x1;
	_ =	shalt  }
.Lfunc_end2:
_tile_overlayer_lowered:
.L_overlay_start_2:
0x1df: {  	(tag) =	ssettag $0x2  }
0x1e0: {  	s0 =	rddreg [dreg:$0x0];
	s2 =	stileid.u32  }
0x1e1: {  	s1 =	rddreg [dreg:$0x1];
	p0 =	sne.s32 s2, $0x0  }
0x1e2: {  	s3 =	rddreg [dreg:$0x2];
	[bflag:$0x3] =	sbarrier.arrive $0xFFFF;
	s2 =	simm.s32 @!p0 $0x1C02  }
0x1e3: {  	[timem:s3], [sflag:s2] =	dma.local @!p0 [hbm:s0], s1  }
0x1e4: {  	s0 =	simm.s32 @!p0 $0x2  }
0x1e5: {  	_ =	swait.ge @!p0 [sflag:s0], s1  }
0x1e6: {  	s1 =	ssub.s32 @!p0 $0x0, s1;
	[sflag:s0] =	ssyncset.done @!p0 $0x0  }
0x1e7: {  	[sflag:s0] =	ssyncadd.s32 @!p0 s1  }
0x1e8: {  	[bflag:$0x3] =	sbarrier.arrive $0xFFFF  }
0x1e9: {  	_ =	shalt  }

// kernel: kernel.16.cloned.1.call-start
scs
__scs_entry_jumppad:
0x0: {  	(pc) =	sbr.rel $0x88, $3  }
0x1: {  	(tag) =	ssettag $0x0;
	lr =	simm.s32 $0x1  }
0x2: {  	[smem:$0x3F99] =	sst lr;
	_ =	strace $0xD0000000  }
0x3: {  	_ = 	snop  }
0x4: {  	_ = 	snop  }
0x5: {  	_ = 	snop  }
0x6: {  	_ = 	snop  }
0x7: {  	_ = 	snop  }
__scs_overlays_trampoline_lowered:
0x8: {  	[smem:$0x3FA8] =	sst s0  }
0x9: {  	[smem:$0x3FA9] =	sst s1  }
0xa: {  	[smem:$0x3FAA] =	sst s2  }
0xb: {  	[smem:$0x3FAB] =	sst s3  }
0xc: {  	[smem:$0x3FAC] =	sst s4  }
0xd: {  	[smem:$0x3FAD] =	sst s5  }
0xe: {  	[smem:$0x3FAE] =	sst s6  }
0xf: {  	[smem:$0x3FAF] =	sst s7  }
0x10: {  	[smem:$0x3FB0] =	sst s8  }
0x11: {  	[smem:$0x3FB1] =	sst s9;
	s0 =	simm.s32 @!p0 $0x0  }
0x12: {  	s1 =	sld [smem:$0x3F97];
	s0 =	simm.s32 @p0 $0x1  }
0x13: {  	[smem:$0x3FB2] =	sst s0;
	s0 =	simm.s32 @!p1 $0x0  }
0x14: {  	s2 =	sld [smem:$0x3F96];
	s0 =	simm.s32 @p1 $0x1  }
0x15: {  	[smem:$0x3FB3] =	sst s0;
	s0 =	simm.s32 @!p2 $0x0  }
0x16: {  	s3 =	sld [smem:$0x3FDB];
	s0 =	simm.s32 @p2 $0x1  }
0x17: {  	s4 =	simm.s32 $0x1BF5;
	[smem:$0x3FB5] =	sst s0  }
0x18: {  	s0 =	sld [smem:$0x3F98];
	_ =	swait.ge [sflag:s4], $0x0  }
0x19: {  	s7 =	sld [smem:$0x3F99]  }
0x1a: {  	s8 =	sadd.s32 $0xFFFFE003, lr  }
0x1b: {  	s9 =	sadd.s32 $0xFFFFFEF7, lr;
	s5 =	simm.s32 $0xFFFFFFFF;
	p2 =	slt.u32 s8, $0xFFFFF086  }
0x1c: {  	p1 =	slt.u32 s9, $0xF7A;
	s5 =	simm.s32 @!p2 $0x0  }
0x1d: {  	s5 =	simm.s32 @p1 $0x1;
	p0 =	seq.s32 s7, s2  }
0x1e: {  	s7 =	smul.u32 @!p0 $0xF7A, s2;
	p2 =	seq.s32 @!p0 s5, $0x0  }
0x1f: {  	s9 =	smul.u32 $0xF7A, s1;
	s8 =	simm.s32 @!p0 $0x1BF5;
	p2 =	por !p2, p0  }
0x20: {  	[sflag:s8] =	ssyncset.s32 @!p0 $0xFFFFF086;
	s6 =	sadd.s32 @!p0 s3, s7;
	s7 =	simm.s32 @!p0 $0x108  }
0x21: {  	s3 =	sadd.s32 s3, s9;
	s6 =	sadd.s32 @!p0 $0x88, s6;
	s7 =	simm.s32 @p2 $0x1082  }
0x22: {  	[simem:s7], [sflag:s8] =	dma.local @!p0 [hbm:s6], $0xF7A  }
0x23: {  	s9 =	sor.u32 $0xD0000000, s2;
	s6 =	simm.s32 $0x108;
	_ =	swait.ge @!p0 [sflag:s8], $0x0  }
0x24: {  	s3 =	sadd.s32 $0x88, s3;
	s6 =	simm.s32 @!p1 $0x1082;
	[sflag:s4] =	ssyncset.s32 $0xFFFFF086  }
0x25: {  	[simem:s6], [sflag:s4] =	dma.local [hbm:s3], $0xF7A  }
0x26: {  	[smem:$0x3F99] =	sst s1;
	(tag) =	ssettag s2;
	_ =	strace s9  }
0x27: {  	s1 =	sld [smem:$0x3FA9]  }
0x28: {  	s2 =	sld [smem:$0x3FAA]  }
0x29: {  	s4 =	sld [smem:$0x3FAC]  }
0x2a: {  	p0 =	seq.s32 s5, $0x0;
	s5 =	sld [smem:$0x3FAD]  }
0x2b: {  	s6 =	sld [smem:$0x3FAE]  }
0x2c: {  	s7 =	sld [smem:$0x3FAF]  }
0x2d: {  	s3 =	simm.s32 $0x108;
	s8 =	sld [smem:$0x3FB0]  }
0x2e: {  	s3 =	simm.s32 @!p0 $0x1082;
	s9 =	sld [smem:$0x3FB1]  }
0x2f: {  	lr =	sadd.s32 s0, s3;
	s0 =	sld [smem:$0x3FA8]  }
0x30: {  	s3 =	sld [smem:$0x3FAB]  }
0x31: {  	[smem:$0x3FB4] =	sst s10  }
0x32: {  	s10 =	sld [smem:$0x3FB2];
	_ =	sdelay $0x3  }
0x33: {  	p0 =	seq.s32 s10, $0x1;
	s10 =	sld [smem:$0x3FB4];
	_ =	sdelay $0x3  }
0x34: {  	[smem:$0x3FB4] =	sst s10  }
0x35: {  	s10 =	sld [smem:$0x3FB3];
	_ =	sdelay $0x3  }
0x36: {  	p1 =	seq.s32 s10, $0x1;
	s10 =	sld [smem:$0x3FB4];
	_ =	sdelay $0x3  }
0x37: {  	[smem:$0x3FB4] =	sst s10  }
0x38: {  	s10 =	sld [smem:$0x3FB5]  }
0x39: {  	_ = 	snop;
	(pc) =	sbr.ind lr, $3  }
0x3a: {  	_ = 	snop  }
0x3b: {  	_ = 	snop  }
0x3c: {  	p2 =	seq.s32 s10, $0x1;
	s10 =	sld [smem:$0x3FB4]  }
0x3d: {  	_ =	shalt  }
0x3e: {  	_ =	shalt  }
0x3f: {  	_ =	shalt  }
0x40: {  	_ =	shalt  }
0x41: {  	_ =	shalt  }
0x42: {  	_ =	shalt  }
0x43: {  	_ =	shalt  }
0x44: {  	_ =	shalt  }
0x45: {  	_ =	shalt  }
0x46: {  	_ =	shalt  }
0x47: {  	_ =	shalt  }
0x48: {  	_ =	shalt  }
0x49: {  	_ =	shalt  }
0x4a: {  	_ =	shalt  }
0x4b: {  	_ =	shalt  }
0x4c: {  	_ =	shalt  }
0x4d: {  	_ =	shalt  }
0x4e: {  	_ =	shalt  }
0x4f: {  	_ =	shalt  }
0x50: {  	_ =	shalt  }
0x51: {  	_ =	shalt  }
0x52: {  	_ =	shalt  }
0x53: {  	_ =	shalt  }
0x54: {  	_ =	shalt  }
0x55: {  	_ =	shalt  }
0x56: {  	_ =	shalt  }
0x57: {  	_ =	shalt  }
0x58: {  	_ =	shalt  }
0x59: {  	_ =	shalt  }
0x5a: {  	_ =	shalt  }
0x5b: {  	_ =	shalt  }
0x5c: {  	_ =	shalt  }
0x5d: {  	_ =	shalt  }
0x5e: {  	_ =	shalt  }
0x5f: {  	_ =	shalt  }
0x60: {  	_ =	shalt  }
0x61: {  	_ =	shalt  }
0x62: {  	_ =	shalt  }
0x63: {  	_ =	shalt  }
0x64: {  	_ =	shalt  }
0x65: {  	_ =	shalt  }
0x66: {  	_ =	shalt  }
0x67: {  	_ =	shalt  }
0x68: {  	_ =	shalt  }
0x69: {  	_ =	shalt  }
0x6a: {  	_ =	shalt  }
0x6b: {  	_ =	shalt  }
0x6c: {  	_ =	shalt  }
0x6d: {  	_ =	shalt  }
0x6e: {  	_ =	shalt  }
0x6f: {  	_ =	shalt  }
0x70: {  	_ =	shalt  }
0x71: {  	_ =	shalt  }
0x72: {  	_ =	shalt  }
0x73: {  	_ =	shalt  }
0x74: {  	_ =	shalt  }
0x75: {  	_ =	shalt  }
0x76: {  	_ =	shalt  }
0x77: {  	_ =	shalt  }
0x78: {  	_ =	shalt  }
0x79: {  	_ =	shalt  }
0x7a: {  	_ =	shalt  }
0x7b: {  	_ =	shalt  }
0x7c: {  	_ =	shalt  }
0x7d: {  	_ =	shalt  }
0x7e: {  	_ =	shalt  }
0x7f: {  	_ =	shalt  }
0x80: {  	_ =	shalt  }
0x81: {  	_ =	shalt  }
0x82: {  	_ =	shalt  }
0x83: {  	_ =	shalt  }
0x84: {  	_ =	shalt  }
0x85: {  	_ =	shalt  }
0x86: {  	_ =	shalt  }
0x87: {  	_ =	shalt  }
.Lfunc_end0:
.L_simem_size_0:
called_computation.2_lowered:
.L_overlay_start_0:
0x88: {  	s2 =	sld [smem:$0x3FD9]  }
0x89: {  	s3 =	sld [smem:$0x3FFE];
	_ =	sdelay $0x1  }
0x8a: {  	s1 =	srdreg.scid  }
0x8b: {  	s0 =	sand.u32 $0x1, s1  }
0x8c: {  	s16 =	sshll.u32 s0, $0xA;
	s2 =	sadd.s32 s3, s2  }
0x8d: {  	s2 =	sadd.s32 s2, s16  }
0x8e: {  	[smem:$0x3FC0] =	sst s2  }
0x8f: {  	_ = 	snop  }
0x90: {  	(tm) =	ssettm $0x1  }
0x91: {  	s17 =	sld [smem:$0x3FFB];
	_ =	sdelay $0x3  }
0x92: {  	_ =	strace s17  }
0x93: {  	s2 =	sld [smem:$0x3FFC];
	_ =	sdelay $0x3  }
0x94: {  	_ =	strace s2  }
0x95: {  	s2 =	sld [smem:$0x3FFD];
	_ =	sdelay $0x3  }
0x96: {  	_ =	strace s2  }
0x97: {  	_ =	strace $0x8FFFFFFF  }
0x98: {  	s18 =	sld [smem:$0x3FDB];
	_ =	sdelay $0x1  }
0x99: {  	s19 =	simm.s32 $_scs_section_size  }
0x9a: {  	s4 =	simm.s32 $_size__tile_overlayer_lowered;
	s5 =	simm.s32 $_tile_overlayer_lowered  }
0x9b: {  	s22 =	simm.s32 $0x1BFF;
	s21 =	sshll.u32 s5, $0x1;
	s2 =	sadd.s32 s19, s18  }
0x9c: {  	s6 =	simm.s32 $0x0;
	s20 =	sshll.u32 s4, $0x1;
	s4 =	sadd.s32 s21, s2  }
0x9d: {  	[timem:s6], [sflag:s22] =	dma.local [hbm:s4], s20  }
0x9e: {  	_ =	swait.ge [sflag:s22], s20  }
0x9f: {  	s3 =	ssub.s32 $0x0, s20;
	[sflag:s22] =	ssyncset.done $0x0  }
0xa0: {  	[sflag:s22] =	ssyncadd.s32 s3;
	_ =	sdelay $0x1  }
0xa1: {  	s23 =	simm.s32 $0x1B8B  }
0xa2: {  	_ =	swait.ge [sflag:s23], $0x1  }
0xa3: {  	[sflag:s23] =	ssyncset.done $0x0  }
0xa4: {  	s25 =	simm.s32 $0x1B8E;
	s24 =	sld [smem:$0x3FFE];
	[sflag:s23] =	ssyncadd.s32 $0xFFFFFFFF  }
0xa5: {  	s26 =	simm.s32 $execute0_lowered;
	[smem:$0x3FD2] =	sst s25  }
0xa6: {  	s4 =	sshll.u32 s26, $0x1;
	_ =	strace $0x8000004C;
	[dreg:$0x1] =	wrdreg $0xFFFFFFFF  }
0xa7: {  	s28 =	simm.s32 $_size_execute0_lowered;
	s2 =	sadd.s32 s2, s4;
	[dreg:$0x0] =	wrdreg $0x0  }
0xa8: {  	s4 =	sshll.u32 s28, $0x1;
	[dreg:$0x2] =	wrdreg s2  }
0xa9: {  	[dreg:$0x3] =	wrdreg s4  }
0xaa: {  	[dreg:$0x4] =	wrdreg $0xC0  }
0xab: {  	_ =	task [dreg:s6], $0x5FFFF  }
0xac: {  	[dreg:$0x1] =	wrdreg $0xFFFFFFFF  }
0xad: {  	[dreg:$0x0] =	wrdreg $0x60  }
0xae: {  	[dreg:$0x2] =	wrdreg s24  }
0xaf: {  	[dreg:$0x3] =	wrdreg $0x90000  }
0xb0: {  	[dreg:$0x4] =	wrdreg $0x9  }
0xb1: {  	_ =	task.clear_ibuf [dreg:s6], $0x5FFFF;
	_ =	strace $0x9000004C  }
0xb2: {  	s29 =	simm.s32 $0x9;
	_ =	strace $0x8000004E  }
0xb3: {  	_ =	swait.ge [sflag:s29], $0x1  }
0xb4: {  	[sflag:s29] =	ssyncadd.s32 $0xFFFFFFFF  }
0xb5: {  	_ =	strace $0x9000004E  }
0xb6: {  	_ =	sfence  }
0xb7: {  	s30 =	sld [smem:$0x0];
	_ =	sdelay $0x2  }
0xb8: {  	s31 =	sshll.u32 s1, $0xD;
	s1 =	sshrl.u32 s1, $0x2  }
0xb9: {  	s3 =	sand.u32 $0x4000, s31;
	s1 =	sadd.s32 s1, s30  }
0xba: {  	s0 =	sor.u32 s3, s0;
	s1 =	sshll.u32 s1, $0x11  }
0xbb: {  	s0 =	sor.u32 s1, s0  }
0xbc: {  	s0 =	sadd.s32 $0x8F2B, s0  }
0xbd: {  	[sflag:s0] =	ssyncadd.remote.s32 $0x1  }
0xbe: {  	_ =	sfence.sel $0xFFFF  }
0xbf: {  	[dreg:$0x0] =	wrdreg $0xFFFFFFFF;
	(pc) =	sbr.abs _section_cstart, $3  }
0xc0: {  	[dreg:$0x1] =	wrdreg $0xFFFFFFFF  }
0xc1: {  	_ =	task.clear_ibuf [dreg:s6], $0x2FFFF;
	_ =	strace $0x9FFFFFFF  }
0xc2: {  	(tm) =	ssettm $0x7FFFFFFF  }
0xc3: {  	_ =	shalt  }
tec
execute0_lowered:
.L_overlay_start_1:
0x0: {  	(tag) =	ssettag $0x1  }
0x1: {  	s0 =	rddreg [dreg:$0x0]  }
0x2: {  	s2 =	rddreg [dreg:$0x1]  }
0x3: {  	s10 =	stileid.u32;
	s3 =	simm.s32 $0x0;
	s4 =	srdreg.scid  }
0x4: {  	s11 =	simm.s32 $0x80;
	s13 =	simm.s32 $0x100;
	s14 =	simm.s32 $0x180  }
0x5: {  	s15 =	simm.s32 $0x200;
	s17 =	simm.s32 $0x880;
	s18 =	simm.s32 $0x280  }
0x6: {  	s19 =	simm.s32 $0x900;
	s20 =	simm.s32 $0x300;
	[smem:$0x7FF] =	sst s3  }
0x7: {  	s21 =	simm.s32 $0x980;
	_ =	strace $0x8000004D;
	[dreg:$0x5] =	wrdreg s11  }
0x8: {  	s22 =	simm.s32 $0x380;
	s28 =	simm.s32 $0x700;
	[dreg:$0x6] =	wrdreg s13  }
0x9: {  	s29 =	simm.s32 $0xD80;
	s30 =	simm.s32 $0x780;
	[dreg:$0x7] =	wrdreg s14  }
0xa: {  	s31 =	simm.s32 $0xE00;
	s1 =	smul.u32 $0x1400, s10;
	[dreg:$0x8] =	wrdreg s15  }
0xb: {  	s5 =	smul.u32 $0x2800, s10;
	s6 =	sand.u32 $0x1, s4;
	[dreg:$0x9] =	wrdreg s17  }
0xc: {  	s4 =	sadd.s32 $0xA3200, s0;
	s23 =	smul.u32 $0x50000, s10;
	[dreg:$0xa] =	wrdreg s18  }
0xd: {  	s12 =	sshll.u32 s10, $0x6;
	s7 =	smul.u32 $0x28000, s6;
	[dreg:$0xb] =	wrdreg s19  }
0xe: {  	s10 =	simm.s32 $0x2;
	s9 =	smul.u32 $0xA00, s6;
	[dreg:$0xc] =	wrdreg s20  }
0xf: {  	s6 =	ssub.s32 $0x2, s6;
	s11 =	simm.s32 $0x800;
	[dreg:$0xd] =	wrdreg s21  }
0x10: {  	s13 =	simm.s32 $0x1000;
	s14 =	simm.s32 $0x3000;
	[dreg:$0xe] =	wrdreg s22  }
0x11: {  	s15 =	simm.s32 $0x5000;
	s17 =	simm.s32 $0x1;
	s18 =	simm.s32 $0xB00  }
0x12: {  	s19 =	simm.s32 $0x500;
	s20 =	simm.s32 $0xB80;
	s21 =	simm.s32 $0x580  }
0x13: {  	s22 =	simm.s32 $0xC00;
	s1 =	sadd.s32 s1, s0;
	s8 =	sadd.s32 s5, s0  }
0x14: {  	s24 =	sshrl.u32 s6, $0x1;
	s25 =	sshrl.u32 s23, $0x2;
	s23 =	simm.s32 $0xA00  }
0x15: {  	s5 =	sadd.s32 s5, s7;
	s1 =	sadd.s32 s9, s1;
	s9 =	sadd.s32 $0x17200, s8  }
0x16: {  	s7 =	sor.u32 $0x1C02, s12;
	s12 =	simm.s32 $0x40;
	[dreg:$0xf] =	wrdreg s23  }
0x17: {  	s23 =	simm.s32 $0x600;
	s0 =	sadd.s32 s5, s0;
	[dreg:$0x13] =	wrdreg s9  }
0x18: {  	s5 =	ssub.s32 s6, s24;
	s26 =	sadd.s32 $0x3200, s1;
	[dreg:$0x14] =	wrdreg s7  }
0x19: {  	s6 =	sadd.s32 s25, s2;
	s1 =	sadd.s32 $0x8F200, s1;
	[dreg:$0x3] =	wrdreg s26  }
0x1a: {  	s24 =	simm.s32 $0x400;
	s25 =	simm.s32 $0xA80;
	[dreg:$0x4] =	wrdreg s1  }
0x1b: {  	s9 =	simm.s32 $0x0;
	s0 =	sadd.s32 $0xCA400, s0;
	[dreg:$0x10] =	wrdreg s24  }
0x1c: {  	s16 =	smax.u32 s5, $0x1;
	s8 =	sshrl.u32 s6, $0x3;
	[dreg:$0x11] =	wrdreg s25  }
0x1d: {  	s26 =	simm.s32 $0x480;
	s24 =	simm.s32 $0xC80;
	[dreg:$0x15] =	wrdreg s0  }
0x1e: {  	s25 =	simm.s32 $0x680;
	s1 =	simm.s32 $0xF00;
	[dreg:$0x16] =	wrdreg s16  }
0x1f: {  	s5 =	simm.s32 $0xF80;
	s16 =	simm.s32 $0x7000;
	[dreg:$0x12] =	wrdreg s26  }
0x20: {  	s26 =	simm.s32 $0xD00;
	s0 =	simm.s32 $0xE80;
	[dreg:$0x17] =	wrdreg s8  }
.LBB2_1:
0x21: {  	[dreg:$0x18] =	wrdreg s9  }
0x22: {  	s6 =	rddreg [dreg:$0x13]  }
0x23: {  	[spmem:s8], [sflag:s7] =	dma.local [hbm:s6], $0x2800  }
0x24: {  	_ =	swait.ge [sflag:s10], $0x2800  }
0x25: {  	[sflag:s10] =	ssyncset.done $0x0  }
0x26: {  	[sflag:s10] =	ssyncadd.s32 $0xFFFFD800  }
0x27: {  	[bflag:$0x0] =	sbarrier.arrive $0xFFFF  }
0x28: {  	s9 =	rddreg [dreg:$0x4]  }
0x29: {  	s6 =	sadd.s32 $0x0, s9  }
0x2a: {  	[tilespmem:s3], [sflag:$0x2] =	stream.linear.gather [hbm4b:s6+s3], $0x800, $0x38;
	[tilespmem:$0x1D000] =	vst v63  }
0x2b: {  	_ =	swait.ge [sflag:s10], $0x800  }
0x2c: {  	s7 =	rddreg [dreg:$0x3];
	[sflag:s10] =	ssyncset.done $0x0  }
0x2d: {  	[sflag:s10] =	ssyncadd.s32 $0xFFFFF800;
	s6 =	sadd.s32 $0x0, s7  }
0x2e: {  	[tilespmem:s11], [sflag:$0x2] =	stream.linear.gather [hbm4b:s6+s3], $0x800, $0x38;
	[tilespmem:$0x1D000] =	vst v63  }
0x2f: {  	_ =	swait.ge [sflag:s10], $0x800  }
0x30: {  	[sflag:s10] =	ssyncset.done $0x0  }
0x31: {  	[sflag:s10] =	ssyncadd.s32 $0xFFFFF800  }
0x32: {  	[tilespmem:s13], [sflag:$0x1] =	stream.indirect.gather [hbm4b:s4+s12], $0x80, s3, s12, $0xb8;
	[tilespmem:$0x1D000] =	vst v63  }
0x33: {  	s8 =	rddreg [dreg:$0x5]  }
0x34: {  	[tilespmem:s14], [sflag:$0x1] =	stream.indirect.gather [hbm4b:s4+s12], $0x80, s8, s12, $0xb8;
	[tilespmem:$0x1D000] =	vst v63  }
0x35: {  	s9 =	rddreg [dreg:$0x6]  }
0x36: {  	[tilespmem:s15], [sflag:$0x1] =	stream.indirect.gather [hbm4b:s4+s12], $0x80, s9, s12, $0xb8;
	[tilespmem:$0x1D000] =	vst v63  }
0x37: {  	s7 =	rddreg [dreg:$0x7]  }
0x38: {  	[tilespmem:s16], [sflag:$0x1] =	stream.indirect.gather [hbm4b:s4+s12], $0x80, s7, s12, $0xb8;
	[tilespmem:$0x1D000] =	vst v63  }
0x39: {  	_ =	swait.ge [sflag:s17], $0x2000  }
0x3a: {  	[sflag:s17] =	ssyncset.done $0x0  }
0x3b: {  	[sflag:s17] =	ssyncadd.s32 $0xFFFFE000  }
0x3c: {  	[spmem:s2] =	stream.indirect.scatter.add.f32 [tilespmem:s13], [sflag:$0x2], $0x80, s11, s12, $0xb8;
	[tilespmem:$0x1D000] =	vst v63  }
0x3d: {  	_ =	swait.ge [sflag:s10], $0x2000  }
0x3e: {  	[sflag:s10] =	ssyncset.done $0x0  }
0x3f: {  	s8 =	rddreg [dreg:$0x8];
	[sflag:s10] =	ssyncadd.s32 $0xFFFFE000  }
0x40: {  	[tilespmem:s13], [sflag:$0x1] =	stream.indirect.gather [hbm4b:s4+s12], $0x80, s8, s12, $0xb8;
	[tilespmem:$0x1D000] =	vst v63  }
0x41: {  	_ =	swait.ge [sflag:s17], $0x2000  }
0x42: {  	[sflag:s17] =	ssyncset.done $0x0  }
0x43: {  	s9 =	rddreg [dreg:$0x9];
	[sflag:s17] =	ssyncadd.s32 $0xFFFFE000  }
0x44: {  	[spmem:s2] =	stream.indirect.scatter.add.f32 [tilespmem:s14], [sflag:$0x2], $0x80, s9, s12, $0xb8;
	[tilespmem:$0x1D000] =	vst v63  }
0x45: {  	_ =	swait.ge [sflag:s10], $0x2000  }
0x46: {  	[sflag:s10] =	ssyncset.done $0x0  }
0x47: {  	s7 =	rddreg [dreg:$0xa];
	[sflag:s10] =	ssyncadd.s32 $0xFFFFE000  }
0x48: {  	[tilespmem:s14], [sflag:$0x1] =	stream.indirect.gather [hbm4b:s4+s12], $0x80, s7, s12, $0xb8;
	[tilespmem:$0x1D000] =	vst v63  }
0x49: {  	_ =	swait.ge [sflag:s17], $0x2000  }
0x4a: {  	[sflag:s17] =	ssyncset.done $0x0  }
0x4b: {  	s8 =	rddreg [dreg:$0xb];
	[sflag:s17] =	ssyncadd.s32 $0xFFFFE000  }
0x4c: {  	[spmem:s2] =	stream.indirect.scatter.add.f32 [tilespmem:s15], [sflag:$0x2], $0x80, s8, s12, $0xb8;
	[tilespmem:$0x1D000] =	vst v63  }
0x4d: {  	_ =	swait.ge [sflag:s10], $0x2000  }
0x4e: {  	[sflag:s10] =	ssyncset.done $0x0  }
0x4f: {  	s9 =	rddreg [dreg:$0xc];
	[sflag:s10] =	ssyncadd.s32 $0xFFFFE000  }
0x50: {  	[tilespmem:s15], [sflag:$0x1] =	stream.indirect.gather [hbm4b:s4+s12], $0x80, s9, s12, $0xb8;
	[tilespmem:$0x1D000] =	vst v63  }
0x51: {  	_ =	swait.ge [sflag:s17], $0x2000  }
0x52: {  	[sflag:s17] =	ssyncset.done $0x0  }
0x53: {  	s7 =	rddreg [dreg:$0xd];
	[sflag:s17] =	ssyncadd.s32 $0xFFFFE000  }
0x54: {  	[spmem:s2] =	stream.indirect.scatter.add.f32 [tilespmem:s16], [sflag:$0x2], $0x80, s7, s12, $0xb8;
	[tilespmem:$0x1D000] =	vst v63  }
0x55: {  	_ =	swait.ge [sflag:s10], $0x2000  }
0x56: {  	[sflag:s10] =	ssyncset.done $0x0  }
0x57: {  	s8 =	rddreg [dreg:$0xe];
	[sflag:s10] =	ssyncadd.s32 $0xFFFFE000  }
0x58: {  	[tilespmem:s16], [sflag:$0x1] =	stream.indirect.gather [hbm4b:s4+s12], $0x80, s8, s12, $0xb8;
	[tilespmem:$0x1D000] =	vst v63  }
0x59: {  	_ =	swait.ge [sflag:s17], $0x2000  }
0x5a: {  	[sflag:s17] =	ssyncset.done $0x0  }
0x5b: {  	s9 =	rddreg [dreg:$0xf];
	[sflag:s17] =	ssyncadd.s32 $0xFFFFE000  }
0x5c: {  	[spmem:s2] =	stream.indirect.scatter.add.f32 [tilespmem:s13], [sflag:$0x2], $0x80, s9, s12, $0xb8;
	[tilespmem:$0x1D000] =	vst v63  }
0x5d: {  	_ =	swait.ge [sflag:s10], $0x2000  }
0x5e: {  	[sflag:s10] =	ssyncset.done $0x0  }
0x5f: {  	s7 =	rddreg [dreg:$0x10];
	[sflag:s10] =	ssyncadd.s32 $0xFFFFE000  }
0x60: {  	[tilespmem:s13], [sflag:$0x1] =	stream.indirect.gather [hbm4b:s4+s12], $0x80, s7, s12, $0xb8;
	[tilespmem:$0x1D000] =	vst v63  }
0x61: {  	_ =	swait.ge [sflag:s17], $0x2000  }
0x62: {  	[sflag:s17] =	ssyncset.done $0x0  }
0x63: {  	s8 =	rddreg [dreg:$0x11];
	[sflag:s17] =	ssyncadd.s32 $0xFFFFE000  }
0x64: {  	[spmem:s2] =	stream.indirect.scatter.add.f32 [tilespmem:s14], [sflag:$0x2], $0x80, s8, s12, $0xb8;
	[tilespmem:$0x1D000] =	vst v63  }
0x65: {  	_ =	swait.ge [sflag:s10], $0x2000  }
0x66: {  	[sflag:s10] =	ssyncset.done $0x0  }
0x67: {  	s9 =	rddreg [dreg:$0x12];
	[sflag:s10] =	ssyncadd.s32 $0xFFFFE000  }
0x68: {  	[tilespmem:s14], [sflag:$0x1] =	stream.indirect.gather [hbm4b:s4+s12], $0x80, s9, s12, $0xb8;
	[tilespmem:$0x1D000] =	vst v63  }
0x69: {  	_ =	swait.ge [sflag:s17], $0x2000  }
0x6a: {  	[sflag:s17] =	ssyncset.done $0x0  }
0x6b: {  	[sflag:s17] =	ssyncadd.s32 $0xFFFFE000  }
0x6c: {  	[spmem:s2] =	stream.indirect.scatter.add.f32 [tilespmem:s15], [sflag:$0x2], $0x80, s18, s12, $0xb8;
	[tilespmem:$0x1D000] =	vst v63  }
0x6d: {  	_ =	swait.ge [sflag:s10], $0x2000  }
0x6e: {  	[sflag:s10] =	ssyncset.done $0x0  }
0x6f: {  	[sflag:s10] =	ssyncadd.s32 $0xFFFFE000  }
0x70: {  	[tilespmem:s15], [sflag:$0x1] =	stream.indirect.gather [hbm4b:s4+s12], $0x80, s19, s12, $0xb8;
	[tilespmem:$0x1D000] =	vst v63  }
0x71: {  	_ =	swait.ge [sflag:s17], $0x2000  }
0x72: {  	[sflag:s17] =	ssyncset.done $0x0  }
0x73: {  	[sflag:s17] =	ssyncadd.s32 $0xFFFFE000  }
0x74: {  	[spmem:s2] =	stream.indirect.scatter.add.f32 [tilespmem:s16], [sflag:$0x2], $0x80, s20, s12, $0xb8;
	[tilespmem:$0x1D000] =	vst v63  }
0x75: {  	_ =	swait.ge [sflag:s10], $0x2000  }
0x76: {  	[sflag:s10] =	ssyncset.done $0x0  }
0x77: {  	[sflag:s10] =	ssyncadd.s32 $0xFFFFE000  }
0x78: {  	[tilespmem:s16], [sflag:$0x1] =	stream.indirect.gather [hbm4b:s4+s12], $0x80, s21, s12, $0xb8;
	[tilespmem:$0x1D000] =	vst v63  }
0x79: {  	_ =	swait.ge [sflag:s17], $0x2000  }
0x7a: {  	[sflag:s17] =	ssyncset.done $0x0  }
0x7b: {  	[sflag:s17] =	ssyncadd.s32 $0xFFFFE000  }
0x7c: {  	[spmem:s2] =	stream.indirect.scatter.add.f32 [tilespmem:s13], [sflag:$0x2], $0x80, s22, s12, $0xb8;
	[tilespmem:$0x1D000] =	vst v63  }
0x7d: {  	_ =	swait.ge [sflag:s10], $0x2000  }
0x7e: {  	[sflag:s10] =	ssyncset.done $0x0  }
0x7f: {  	[sflag:s10] =	ssyncadd.s32 $0xFFFFE000  }
0x80: {  	[tilespmem:s13], [sflag:$0x1] =	stream.indirect.gather [hbm4b:s4+s12], $0x80, s23, s12, $0xb8;
	[tilespmem:$0x1D000] =	vst v63  }
0x81: {  	_ =	swait.ge [sflag:s17], $0x2000  }
0x82: {  	[sflag:s17] =	ssyncset.done $0x0  }
0x83: {  	[sflag:s17] =	ssyncadd.s32 $0xFFFFE000  }
0x84: {  	[spmem:s2] =	stream.indirect.scatter.add.f32 [tilespmem:s14], [sflag:$0x2], $0x80, s24, s12, $0xb8;
	[tilespmem:$0x1D000] =	vst v63  }
0x85: {  	_ =	swait.ge [sflag:s10], $0x2000  }
0x86: {  	[sflag:s10] =	ssyncset.done $0x0  }
0x87: {  	[sflag:s10] =	ssyncadd.s32 $0xFFFFE000  }
0x88: {  	[tilespmem:s14], [sflag:$0x1] =	stream.indirect.gather [hbm4b:s4+s12], $0x80, s25, s12, $0xb8;
	[tilespmem:$0x1D000] =	vst v63  }
0x89: {  	_ =	swait.ge [sflag:s17], $0x2000  }
0x8a: {  	[sflag:s17] =	ssyncset.done $0x0  }
0x8b: {  	[sflag:s17] =	ssyncadd.s32 $0xFFFFE000  }
0x8c: {  	[spmem:s2] =	stream.indirect.scatter.add.f32 [tilespmem:s15], [sflag:$0x2], $0x80, s26, s12, $0xb8;
	[tilespmem:$0x1D000] =	vst v63  }
0x8d: {  	_ =	swait.ge [sflag:s10], $0x2000  }
0x8e: {  	[sflag:s10] =	ssyncset.done $0x0  }
0x8f: {  	[sflag:s10] =	ssyncadd.s32 $0xFFFFE000  }
0x90: {  	[tilespmem:s15], [sflag:$0x1] =	stream.indirect.gather [hbm4b:s4+s12], $0x80, s28, s12, $0xb8;
	[tilespmem:$0x1D000] =	vst v63  }
0x91: {  	_ =	swait.ge [sflag:s17], $0x2000  }
0x92: {  	[sflag:s17] =	ssyncset.done $0x0  }
0x93: {  	[sflag:s17] =	ssyncadd.s32 $0xFFFFE000  }
0x94: {  	[spmem:s2] =	stream.indirect.scatter.add.f32 [tilespmem:s16], [sflag:$0x2], $0x80, s29, s12, $0xb8;
	[tilespmem:$0x1D000] =	vst v63  }
0x95: {  	_ =	swait.ge [sflag:s10], $0x2000  }
0x96: {  	[sflag:s10] =	ssyncset.done $0x0  }
0x97: {  	[sflag:s10] =	ssyncadd.s32 $0xFFFFE000  }
0x98: {  	[tilespmem:s16], [sflag:$0x1] =	stream.indirect.gather [hbm4b:s4+s12], $0x80, s30, s12, $0xb8;
	[tilespmem:$0x1D000] =	vst v63  }
0x99: {  	_ =	swait.ge [sflag:s17], $0x2000  }
0x9a: {  	[sflag:s17] =	ssyncset.done $0x0  }
0x9b: {  	[sflag:s17] =	ssyncadd.s32 $0xFFFFE000  }
0x9c: {  	[spmem:s2] =	stream.indirect.scatter.add.f32 [tilespmem:s13], [sflag:$0x2], $0x80, s31, s12, $0xb8;
	[tilespmem:$0x1D000] =	vst v63  }
0x9d: {  	_ =	swait.ge [sflag:s10], $0x2000  }
0x9e: {  	[sflag:s10] =	ssyncset.done $0x0  }
0x9f: {  	[sflag:s10] =	ssyncadd.s32 $0xFFFFE000  }
0xa0: {  	_ =	swait.ge [sflag:s17], $0x2000  }
0xa1: {  	[sflag:s17] =	ssyncset.done $0x0  }
0xa2: {  	[sflag:s17] =	ssyncadd.s32 $0xFFFFE000  }
0xa3: {  	[spmem:s2] =	stream.indirect.scatter.add.f32 [tilespmem:s14], [sflag:$0x2], $0x80, s0, s12, $0xb8;
	[tilespmem:$0x1D000] =	vst v63  }
0xa4: {  	_ =	swait.ge [sflag:s10], $0x2000  }
0xa5: {  	[sflag:s10] =	ssyncset.done $0x0  }
0xa6: {  	[sflag:s10] =	ssyncadd.s32 $0xFFFFE000  }
0xa7: {  	_ =	swait.ge [sflag:s17], $0x2000  }
0xa8: {  	[sflag:s17] =	ssyncset.done $0x0  }
0xa9: {  	[sflag:s17] =	ssyncadd.s32 $0xFFFFE000  }
0xaa: {  	[spmem:s2] =	stream.indirect.scatter.add.f32 [tilespmem:s15], [sflag:$0x2], $0x80, s1, s12, $0xb8;
	[tilespmem:$0x1D000] =	vst v63  }
0xab: {  	_ =	swait.ge [sflag:s10], $0x2000  }
0xac: {  	[sflag:s10] =	ssyncset.done $0x0  }
0xad: {  	[sflag:s10] =	ssyncadd.s32 $0xFFFFE000  }
0xae: {  	_ =	swait.ge [sflag:s17], $0x2000  }
0xaf: {  	[sflag:s17] =	ssyncset.done $0x0  }
0xb0: {  	[sflag:s17] =	ssyncadd.s32 $0xFFFFE000  }
0xb1: {  	[spmem:s2] =	stream.indirect.scatter.add.f32 [tilespmem:s16], [sflag:$0x2], $0x80, s5, s12, $0xb8;
	[tilespmem:$0x1D000] =	vst v63  }
0xb2: {  	s6 =	simm.s32 $0x200;
	_ =	swait.ge [sflag:s10], $0x2000  }
0xb3: {  	s8 =	simm.s32 $0x100;
	s9 =	rddreg [dreg:$0x4];
	[sflag:s10] =	ssyncset.done $0x0  }
.LBB2_2:
0xb4: {  	[sflag:s10] =	ssyncadd.s32 $0xFFFFE000;
	s9 =	sadd.s32 s8, s9  }
0xb5: {  	[tilespmem:s3], [sflag:$0x2] =	stream.linear.gather [hbm4b:s9+s3], $0x800, $0x38;
	[tilespmem:$0x1D000] =	vst v63  }
0xb6: {  	_ =	swait.ge [sflag:s10], $0x800  }
0xb7: {  	s9 =	rddreg [dreg:$0x3];
	[sflag:s10] =	ssyncset.done $0x0  }
0xb8: {  	[sflag:s10] =	ssyncadd.s32 $0xFFFFF800;
	s9 =	sadd.s32 s8, s9  }
0xb9: {  	[tilespmem:s11], [sflag:$0x2] =	stream.linear.gather [hbm4b:s9+s3], $0x800, $0x38;
	[tilespmem:$0x1D000] =	vst v63  }
0xba: {  	_ =	swait.ge [sflag:s10], $0x800  }
0xbb: {  	[sflag:s10] =	ssyncset.done $0x0  }
0xbc: {  	s7 =	smov.u32 s6;
	[sflag:s10] =	ssyncadd.s32 $0xFFFFF800  }
0xbd: {  	[tilespmem:s13], [sflag:$0x1] =	stream.indirect.gather [hbm4b:s4+s12], $0x80, s3, s12, $0xb8;
	[tilespmem:$0x1D000] =	vst v63  }
0xbe: {  	s8 =	smov.u32 s7;
	s7 =	rddreg [dreg:$0x5]  }
0xbf: {  	[tilespmem:s14], [sflag:$0x1] =	stream.indirect.gather [hbm4b:s4+s12], $0x80, s7, s12, $0xb8;
	[tilespmem:$0x1D000] =	vst v63  }
0xc0: {  	s9 =	rddreg [dreg:$0x6]  }
0xc1: {  	[tilespmem:s15], [sflag:$0x1] =	stream.indirect.gather [hbm4b:s4+s12], $0x80, s9, s12, $0xb8;
	[tilespmem:$0x1D000] =	vst v63  }
0xc2: {  	s7 =	rddreg [dreg:$0x7]  }
0xc3: {  	[tilespmem:s16], [sflag:$0x1] =	stream.indirect.gather [hbm4b:s4+s12], $0x80, s7, s12, $0xb8;
	[tilespmem:$0x1D000] =	vst v63  }
0xc4: {  	_ =	swait.ge [sflag:s17], $0x2000  }
0xc5: {  	[sflag:s17] =	ssyncset.done $0x0  }
0xc6: {  	[sflag:s17] =	ssyncadd.s32 $0xFFFFE000  }
0xc7: {  	[spmem:s2] =	stream.indirect.scatter.add.f32 [tilespmem:s13], [sflag:$0x2], $0x80, s11, s12, $0xb8;
	[tilespmem:$0x1D000] =	vst v63  }
0xc8: {  	_ =	swait.ge [sflag:s10], $0x2000  }
0xc9: {  	[sflag:s10] =	ssyncset.done $0x0  }
0xca: {  	s9 =	rddreg [dreg:$0x8];
	[sflag:s10] =	ssyncadd.s32 $0xFFFFE000  }
0xcb: {  	[tilespmem:s13], [sflag:$0x1] =	stream.indirect.gather [hbm4b:s4+s12], $0x80, s9, s12, $0xb8;
	[tilespmem:$0x1D000] =	vst v63  }
0xcc: {  	_ =	swait.ge [sflag:s17], $0x2000  }
0xcd: {  	[sflag:s17] =	ssyncset.done $0x0  }
0xce: {  	s9 =	rddreg [dreg:$0x9];
	[sflag:s17] =	ssyncadd.s32 $0xFFFFE000  }
0xcf: {  	[spmem:s2] =	stream.indirect.scatter.add.f32 [tilespmem:s14], [sflag:$0x2], $0x80, s9, s12, $0xb8;
	[tilespmem:$0x1D000] =	vst v63  }
0xd0: {  	_ =	swait.ge [sflag:s10], $0x2000  }
0xd1: {  	[sflag:s10] =	ssyncset.done $0x0  }
0xd2: {  	s9 =	rddreg [dreg:$0xa];
	[sflag:s10] =	ssyncadd.s32 $0xFFFFE000  }
0xd3: {  	[tilespmem:s14], [sflag:$0x1] =	stream.indirect.gather [hbm4b:s4+s12], $0x80, s9, s12, $0xb8;
	[tilespmem:$0x1D000] =	vst v63  }
0xd4: {  	_ =	swait.ge [sflag:s17], $0x2000  }
0xd5: {  	[sflag:s17] =	ssyncset.done $0x0  }
0xd6: {  	s9 =	rddreg [dreg:$0xb];
	[sflag:s17] =	ssyncadd.s32 $0xFFFFE000  }
0xd7: {  	[spmem:s2] =	stream.indirect.scatter.add.f32 [tilespmem:s15], [sflag:$0x2], $0x80, s9, s12, $0xb8;
	[tilespmem:$0x1D000] =	vst v63  }
0xd8: {  	_ =	swait.ge [sflag:s10], $0x2000  }
0xd9: {  	[sflag:s10] =	ssyncset.done $0x0  }
0xda: {  	s9 =	rddreg [dreg:$0xc];
	[sflag:s10] =	ssyncadd.s32 $0xFFFFE000  }
0xdb: {  	[tilespmem:s15], [sflag:$0x1] =	stream.indirect.gather [hbm4b:s4+s12], $0x80, s9, s12, $0xb8;
	[tilespmem:$0x1D000] =	vst v63  }
0xdc: {  	_ =	swait.ge [sflag:s17], $0x2000  }
0xdd: {  	[sflag:s17] =	ssyncset.done $0x0  }
0xde: {  	s9 =	rddreg [dreg:$0xd];
	[sflag:s17] =	ssyncadd.s32 $0xFFFFE000  }
0xdf: {  	[spmem:s2] =	stream.indirect.scatter.add.f32 [tilespmem:s16], [sflag:$0x2], $0x80, s9, s12, $0xb8;
	[tilespmem:$0x1D000] =	vst v63  }
0xe0: {  	_ =	swait.ge [sflag:s10], $0x2000  }
0xe1: {  	[sflag:s10] =	ssyncset.done $0x0  }
0xe2: {  	s9 =	rddreg [dreg:$0xe];
	[sflag:s10] =	ssyncadd.s32 $0xFFFFE000  }
0xe3: {  	[tilespmem:s16], [sflag:$0x1] =	stream.indirect.gather [hbm4b:s4+s12], $0x80, s9, s12, $0xb8;
	[tilespmem:$0x1D000] =	vst v63  }
0xe4: {  	_ =	swait.ge [sflag:s17], $0x2000  }
0xe5: {  	[sflag:s17] =	ssyncset.done $0x0  }
0xe6: {  	s9 =	rddreg [dreg:$0xf];
	[sflag:s17] =	ssyncadd.s32 $0xFFFFE000  }
0xe7: {  	[spmem:s2] =	stream.indirect.scatter.add.f32 [tilespmem:s13], [sflag:$0x2], $0x80, s9, s12, $0xb8;
	[tilespmem:$0x1D000] =	vst v63  }
0xe8: {  	_ =	swait.ge [sflag:s10], $0x2000  }
0xe9: {  	[sflag:s10] =	ssyncset.done $0x0  }
0xea: {  	s9 =	rddreg [dreg:$0x10];
	[sflag:s10] =	ssyncadd.s32 $0xFFFFE000  }
0xeb: {  	[tilespmem:s13], [sflag:$0x1] =	stream.indirect.gather [hbm4b:s4+s12], $0x80, s9, s12, $0xb8;
	[tilespmem:$0x1D000] =	vst v63  }
0xec: {  	_ =	swait.ge [sflag:s17], $0x2000  }
0xed: {  	[sflag:s17] =	ssyncset.done $0x0  }
0xee: {  	s9 =	rddreg [dreg:$0x11];
	[sflag:s17] =	ssyncadd.s32 $0xFFFFE000  }
0xef: {  	[spmem:s2] =	stream.indirect.scatter.add.f32 [tilespmem:s14], [sflag:$0x2], $0x80, s9, s12, $0xb8;
	[tilespmem:$0x1D000] =	vst v63  }
0xf0: {  	_ =	swait.ge [sflag:s10], $0x2000  }
0xf1: {  	[sflag:s10] =	ssyncset.done $0x0  }
0xf2: {  	s9 =	rddreg [dreg:$0x12];
	[sflag:s10] =	ssyncadd.s32 $0xFFFFE000  }
0xf3: {  	[tilespmem:s14], [sflag:$0x1] =	stream.indirect.gather [hbm4b:s4+s12], $0x80, s9, s12, $0xb8;
	[tilespmem:$0x1D000] =	vst v63  }
0xf4: {  	_ =	swait.ge [sflag:s17], $0x2000  }
0xf5: {  	[sflag:s17] =	ssyncset.done $0x0  }
0xf6: {  	[sflag:s17] =	ssyncadd.s32 $0xFFFFE000  }
0xf7: {  	[spmem:s2] =	stream.indirect.scatter.add.f32 [tilespmem:s15], [sflag:$0x2], $0x80, s18, s12, $0xb8;
	[tilespmem:$0x1D000] =	vst v63  }
0xf8: {  	_ =	swait.ge [sflag:s10], $0x2000  }
0xf9: {  	[sflag:s10] =	ssyncset.done $0x0  }
0xfa: {  	[sflag:s10] =	ssyncadd.s32 $0xFFFFE000  }
0xfb: {  	[tilespmem:s15], [sflag:$0x1] =	stream.indirect.gather [hbm4b:s4+s12], $0x80, s19, s12, $0xb8;
	[tilespmem:$0x1D000] =	vst v63  }
0xfc: {  	_ =	swait.ge [sflag:s17], $0x2000  }
0xfd: {  	[sflag:s17] =	ssyncset.done $0x0  }
0xfe: {  	[sflag:s17] =	ssyncadd.s32 $0xFFFFE000  }
0xff: {  	[spmem:s2] =	stream.indirect.scatter.add.f32 [tilespmem:s16], [sflag:$0x2], $0x80, s20, s12, $0xb8;
	[tilespmem:$0x1D000] =	vst v63  }
0x100: {  	_ =	swait.ge [sflag:s10], $0x2000  }
0x101: {  	[sflag:s10] =	ssyncset.done $0x0  }
0x102: {  	[sflag:s10] =	ssyncadd.s32 $0xFFFFE000  }
0x103: {  	[tilespmem:s16], [sflag:$0x1] =	stream.indirect.gather [hbm4b:s4+s12], $0x80, s21, s12, $0xb8;
	[tilespmem:$0x1D000] =	vst v63  }
0x104: {  	_ =	swait.ge [sflag:s17], $0x2000  }
0x105: {  	[sflag:s17] =	ssyncset.done $0x0  }
0x106: {  	[sflag:s17] =	ssyncadd.s32 $0xFFFFE000  }
0x107: {  	[spmem:s2] =	stream.indirect.scatter.add.f32 [tilespmem:s13], [sflag:$0x2], $0x80, s22, s12, $0xb8;
	[tilespmem:$0x1D000] =	vst v63  }
0x108: {  	_ =	swait.ge [sflag:s10], $0x2000  }
0x109: {  	[sflag:s10] =	ssyncset.done $0x0  }
0x10a: {  	[sflag:s10] =	ssyncadd.s32 $0xFFFFE000  }
0x10b: {  	[tilespmem:s13], [sflag:$0x1] =	stream.indirect.gather [hbm4b:s4+s12], $0x80, s23, s12, $0xb8;
	[tilespmem:$0x1D000] =	vst v63  }
0x10c: {  	_ =	swait.ge [sflag:s17], $0x2000  }
0x10d: {  	[sflag:s17] =	ssyncset.done $0x0  }
0x10e: {  	[sflag:s17] =	ssyncadd.s32 $0xFFFFE000  }
0x10f: {  	[spmem:s2] =	stream.indirect.scatter.add.f32 [tilespmem:s14], [sflag:$0x2], $0x80, s24, s12, $0xb8;
	[tilespmem:$0x1D000] =	vst v63  }
0x110: {  	_ =	swait.ge [sflag:s10], $0x2000  }
0x111: {  	[sflag:s10] =	ssyncset.done $0x0  }
0x112: {  	[sflag:s10] =	ssyncadd.s32 $0xFFFFE000  }
0x113: {  	[tilespmem:s14], [sflag:$0x1] =	stream.indirect.gather [hbm4b:s4+s12], $0x80, s25, s12, $0xb8;
	[tilespmem:$0x1D000] =	vst v63  }
0x114: {  	_ =	swait.ge [sflag:s17], $0x2000  }
0x115: {  	[sflag:s17] =	ssyncset.done $0x0  }
0x116: {  	[sflag:s17] =	ssyncadd.s32 $0xFFFFE000  }
0x117: {  	[spmem:s2] =	stream.indirect.scatter.add.f32 [tilespmem:s15], [sflag:$0x2], $0x80, s26, s12, $0xb8;
	[tilespmem:$0x1D000] =	vst v63  }
0x118: {  	_ =	swait.ge [sflag:s10], $0x2000  }
0x119: {  	[sflag:s10] =	ssyncset.done $0x0  }
0x11a: {  	[sflag:s10] =	ssyncadd.s32 $0xFFFFE000  }
0x11b: {  	[tilespmem:s15], [sflag:$0x1] =	stream.indirect.gather [hbm4b:s4+s12], $0x80, s28, s12, $0xb8;
	[tilespmem:$0x1D000] =	vst v63  }
0x11c: {  	_ =	swait.ge [sflag:s17], $0x2000  }
0x11d: {  	[sflag:s17] =	ssyncset.done $0x0  }
0x11e: {  	[sflag:s17] =	ssyncadd.s32 $0xFFFFE000  }
0x11f: {  	[spmem:s2] =	stream.indirect.scatter.add.f32 [tilespmem:s16], [sflag:$0x2], $0x80, s29, s12, $0xb8;
	[tilespmem:$0x1D000] =	vst v63  }
0x120: {  	_ =	swait.ge [sflag:s10], $0x2000  }
0x121: {  	[sflag:s10] =	ssyncset.done $0x0  }
0x122: {  	[sflag:s10] =	ssyncadd.s32 $0xFFFFE000  }
0x123: {  	[tilespmem:s16], [sflag:$0x1] =	stream.indirect.gather [hbm4b:s4+s12], $0x80, s30, s12, $0xb8;
	[tilespmem:$0x1D000] =	vst v63  }
0x124: {  	_ =	swait.ge [sflag:s17], $0x2000  }
0x125: {  	[sflag:s17] =	ssyncset.done $0x0  }
0x126: {  	[sflag:s17] =	ssyncadd.s32 $0xFFFFE000  }
0x127: {  	[spmem:s2] =	stream.indirect.scatter.add.f32 [tilespmem:s13], [sflag:$0x2], $0x80, s31, s12, $0xb8;
	[tilespmem:$0x1D000] =	vst v63  }
0x128: {  	_ =	swait.ge [sflag:s10], $0x2000  }
0x129: {  	[sflag:s10] =	ssyncset.done $0x0  }
0x12a: {  	[sflag:s10] =	ssyncadd.s32 $0xFFFFE000  }
0x12b: {  	_ =	swait.ge [sflag:s17], $0x2000  }
0x12c: {  	[sflag:s17] =	ssyncset.done $0x0  }
0x12d: {  	[sflag:s17] =	ssyncadd.s32 $0xFFFFE000  }
0x12e: {  	[spmem:s2] =	stream.indirect.scatter.add.f32 [tilespmem:s14], [sflag:$0x2], $0x80, s0, s12, $0xb8;
	[tilespmem:$0x1D000] =	vst v63  }
0x12f: {  	_ =	swait.ge [sflag:s10], $0x2000  }
0x130: {  	[sflag:s10] =	ssyncset.done $0x0  }
0x131: {  	[sflag:s10] =	ssyncadd.s32 $0xFFFFE000  }
0x132: {  	_ =	swait.ge [sflag:s17], $0x2000  }
0x133: {  	[sflag:s17] =	ssyncset.done $0x0  }
0x134: {  	[sflag:s17] =	ssyncadd.s32 $0xFFFFE000  }
0x135: {  	[spmem:s2] =	stream.indirect.scatter.add.f32 [tilespmem:s15], [sflag:$0x2], $0x80, s1, s12, $0xb8;
	[tilespmem:$0x1D000] =	vst v63  }
0x136: {  	_ =	swait.ge [sflag:s10], $0x2000  }
0x137: {  	[sflag:s10] =	ssyncset.done $0x0  }
0x138: {  	[sflag:s10] =	ssyncadd.s32 $0xFFFFE000  }
0x139: {  	p0 =	sne.s32 s6, $0x900;
	_ =	swait.ge [sflag:s17], $0x2000  }
.Ltmp0:
0x13a: {  	[sflag:s17] =	ssyncset.done $0x0;
	(pc) =	sbr.rel @p0 .LBB2_2-.Ltmp0, $4  }
0x13b: {  	[sflag:s17] =	ssyncadd.s32 $0xFFFFE000  }
0x13c: {  	[spmem:s2] =	stream.indirect.scatter.add.f32 [tilespmem:s16], [sflag:$0x2], $0x80, s5, s12, $0xb8;
	[tilespmem:$0x1D000] =	vst v63  }
0x13d: {  	_ =	swait.ge [sflag:s10], $0x2000  }
0x13e: {  	s6 =	sadd.s32 $0x100, s6;
	s9 =	rddreg [dreg:$0x4];
	[sflag:s10] =	ssyncset.done $0x0  }
0x13f: {  	[sflag:s10] =	ssyncadd.s32 $0xFFFFE000;
	s6 =	sadd.s32 s8, s9  }
0x140: {  	[tilespmem:s3], [sflag:$0x2] =	stream.linear.gather [hbm4b:s6+s3], $0x800, $0x38;
	[tilespmem:$0x1D000] =	vst v63  }
0x141: {  	_ =	swait.ge [sflag:s10], $0x800  }
0x142: {  	s7 =	rddreg [dreg:$0x3];
	[sflag:s10] =	ssyncset.done $0x0  }
0x143: {  	[sflag:s10] =	ssyncadd.s32 $0xFFFFF800;
	s6 =	sadd.s32 s8, s7  }
0x144: {  	[tilespmem:s11], [sflag:$0x2] =	stream.linear.gather [hbm4b:s6+s3], $0x800, $0x38;
	[tilespmem:$0x1D000] =	vst v63  }
0x145: {  	_ =	swait.ge [sflag:s10], $0x800  }
0x146: {  	[sflag:s10] =	ssyncset.done $0x0  }
0x147: {  	[sflag:s10] =	ssyncadd.s32 $0xFFFFF800  }
0x148: {  	[tilespmem:s13], [sflag:$0x1] =	stream.indirect.gather [hbm4b:s4+s12], $0x80, s3, s12, $0xb8;
	[tilespmem:$0x1D000] =	vst v63  }
0x149: {  	s8 =	rddreg [dreg:$0x5]  }
0x14a: {  	[tilespmem:s14], [sflag:$0x1] =	stream.indirect.gather [hbm4b:s4+s12], $0x80, s8, s12, $0xb8;
	[tilespmem:$0x1D000] =	vst v63  }
0x14b: {  	s7 =	rddreg [dreg:$0x6]  }
0x14c: {  	[tilespmem:s15], [sflag:$0x1] =	stream.indirect.gather [hbm4b:s4+s12], $0x80, s7, s12, $0xb8;
	[tilespmem:$0x1D000] =	vst v63  }
0x14d: {  	s9 =	rddreg [dreg:$0x7]  }
0x14e: {  	[tilespmem:s16], [sflag:$0x1] =	stream.indirect.gather [hbm4b:s4+s12], $0x80, s9, s12, $0xb8;
	[tilespmem:$0x1D000] =	vst v63  }
0x14f: {  	_ =	swait.ge [sflag:s17], $0x2000  }
0x150: {  	[sflag:s17] =	ssyncset.done $0x0  }
0x151: {  	[sflag:s17] =	ssyncadd.s32 $0xFFFFE000  }
0x152: {  	[spmem:s2] =	stream.indirect.scatter.add.f32 [tilespmem:s13], [sflag:$0x2], $0x80, s11, s12, $0xb8;
	[tilespmem:$0x1D000] =	vst v63  }
0x153: {  	_ =	swait.ge [sflag:s10], $0x2000  }
0x154: {  	[sflag:s10] =	ssyncset.done $0x0  }
0x155: {  	s7 =	rddreg [dreg:$0x8];
	[sflag:s10] =	ssyncadd.s32 $0xFFFFE000  }
0x156: {  	[tilespmem:s13], [sflag:$0x1] =	stream.indirect.gather [hbm4b:s4+s12], $0x80, s7, s12, $0xb8;
	[tilespmem:$0x1D000] =	vst v63  }
0x157: {  	_ =	swait.ge [sflag:s17], $0x2000  }
0x158: {  	[sflag:s17] =	ssyncset.done $0x0  }
0x159: {  	s8 =	rddreg [dreg:$0x9];
	[sflag:s17] =	ssyncadd.s32 $0xFFFFE000  }
0x15a: {  	[spmem:s2] =	stream.indirect.scatter.add.f32 [tilespmem:s14], [sflag:$0x2], $0x80, s8, s12, $0xb8;
	[tilespmem:$0x1D000] =	vst v63  }
0x15b: {  	_ =	swait.ge [sflag:s10], $0x2000  }
0x15c: {  	[sflag:s10] =	ssyncset.done $0x0  }
0x15d: {  	s9 =	rddreg [dreg:$0xa];
	[sflag:s10] =	ssyncadd.s32 $0xFFFFE000  }
0x15e: {  	[tilespmem:s14], [sflag:$0x1] =	stream.indirect.gather [hbm4b:s4+s12], $0x80, s9, s12, $0xb8;
	[tilespmem:$0x1D000] =	vst v63  }
0x15f: {  	_ =	swait.ge [sflag:s17], $0x2000  }
0x160: {  	[sflag:s17] =	ssyncset.done $0x0  }
0x161: {  	s7 =	rddreg [dreg:$0xb];
	[sflag:s17] =	ssyncadd.s32 $0xFFFFE000  }
0x162: {  	[spmem:s2] =	stream.indirect.scatter.add.f32 [tilespmem:s15], [sflag:$0x2], $0x80, s7, s12, $0xb8;
	[tilespmem:$0x1D000] =	vst v63  }
0x163: {  	_ =	swait.ge [sflag:s10], $0x2000  }
0x164: {  	[sflag:s10] =	ssyncset.done $0x0  }
0x165: {  	s8 =	rddreg [dreg:$0xc];
	[sflag:s10] =	ssyncadd.s32 $0xFFFFE000  }
0x166: {  	[tilespmem:s15], [sflag:$0x1] =	stream.indirect.gather [hbm4b:s4+s12], $0x80, s8, s12, $0xb8;
	[tilespmem:$0x1D000] =	vst v63  }
0x167: {  	_ =	swait.ge [sflag:s17], $0x2000  }
0x168: {  	[sflag:s17] =	ssyncset.done $0x0  }
0x169: {  	s9 =	rddreg [dreg:$0xd];
	[sflag:s17] =	ssyncadd.s32 $0xFFFFE000  }
0x16a: {  	[spmem:s2] =	stream.indirect.scatter.add.f32 [tilespmem:s16], [sflag:$0x2], $0x80, s9, s12, $0xb8;
	[tilespmem:$0x1D000] =	vst v63  }
0x16b: {  	_ =	swait.ge [sflag:s10], $0x2000  }
0x16c: {  	[sflag:s10] =	ssyncset.done $0x0  }
0x16d: {  	s7 =	rddreg [dreg:$0xe];
	[sflag:s10] =	ssyncadd.s32 $0xFFFFE000  }
0x16e: {  	[tilespmem:s16], [sflag:$0x1] =	stream.indirect.gather [hbm4b:s4+s12], $0x80, s7, s12, $0xb8;
	[tilespmem:$0x1D000] =	vst v63  }
0x16f: {  	_ =	swait.ge [sflag:s17], $0x2000  }
0x170: {  	[sflag:s17] =	ssyncset.done $0x0  }
0x171: {  	s8 =	rddreg [dreg:$0xf];
	[sflag:s17] =	ssyncadd.s32 $0xFFFFE000  }
0x172: {  	[spmem:s2] =	stream.indirect.scatter.add.f32 [tilespmem:s13], [sflag:$0x2], $0x80, s8, s12, $0xb8;
	[tilespmem:$0x1D000] =	vst v63  }
0x173: {  	_ =	swait.ge [sflag:s10], $0x2000  }
0x174: {  	[sflag:s10] =	ssyncset.done $0x0  }
0x175: {  	s9 =	rddreg [dreg:$0x10];
	[sflag:s10] =	ssyncadd.s32 $0xFFFFE000  }
0x176: {  	[tilespmem:s13], [sflag:$0x1] =	stream.indirect.gather [hbm4b:s4+s12], $0x80, s9, s12, $0xb8;
	[tilespmem:$0x1D000] =	vst v63  }
0x177: {  	_ =	swait.ge [sflag:s17], $0x2000  }
0x178: {  	[sflag:s17] =	ssyncset.done $0x0  }
0x179: {  	s7 =	rddreg [dreg:$0x11];
	[sflag:s17] =	ssyncadd.s32 $0xFFFFE000  }
0x17a: {  	[spmem:s2] =	stream.indirect.scatter.add.f32 [tilespmem:s14], [sflag:$0x2], $0x80, s7, s12, $0xb8;
	[tilespmem:$0x1D000] =	vst v63  }
0x17b: {  	_ =	swait.ge [sflag:s10], $0x2000  }
0x17c: {  	[sflag:s10] =	ssyncset.done $0x0  }
0x17d: {  	s8 =	rddreg [dreg:$0x12];
	[sflag:s10] =	ssyncadd.s32 $0xFFFFE000  }
0x17e: {  	[tilespmem:s14], [sflag:$0x1] =	stream.indirect.gather [hbm4b:s4+s12], $0x80, s8, s12, $0xb8;
	[tilespmem:$0x1D000] =	vst v63  }
0x17f: {  	_ =	swait.ge [sflag:s17], $0x2000  }
0x180: {  	[sflag:s17] =	ssyncset.done $0x0  }
0x181: {  	[sflag:s17] =	ssyncadd.s32 $0xFFFFE000  }
0x182: {  	[spmem:s2] =	stream.indirect.scatter.add.f32 [tilespmem:s15], [sflag:$0x2], $0x80, s18, s12, $0xb8;
	[tilespmem:$0x1D000] =	vst v63  }
0x183: {  	_ =	swait.ge [sflag:s10], $0x2000  }
0x184: {  	[sflag:s10] =	ssyncset.done $0x0  }
0x185: {  	[sflag:s10] =	ssyncadd.s32 $0xFFFFE000  }
0x186: {  	[tilespmem:s15], [sflag:$0x1] =	stream.indirect.gather [hbm4b:s4+s12], $0x80, s19, s12, $0xb8;
	[tilespmem:$0x1D000] =	vst v63  }
0x187: {  	_ =	swait.ge [sflag:s17], $0x2000  }
0x188: {  	[sflag:s17] =	ssyncset.done $0x0  }
0x189: {  	[sflag:s17] =	ssyncadd.s32 $0xFFFFE000  }
0x18a: {  	[spmem:s2] =	stream.indirect.scatter.add.f32 [tilespmem:s16], [sflag:$0x2], $0x80, s20, s12, $0xb8;
	[tilespmem:$0x1D000] =	vst v63  }
0x18b: {  	_ =	swait.ge [sflag:s10], $0x2000  }
0x18c: {  	[sflag:s10] =	ssyncset.done $0x0  }
0x18d: {  	[sflag:s10] =	ssyncadd.s32 $0xFFFFE000  }
0x18e: {  	[tilespmem:s16], [sflag:$0x1] =	stream.indirect.gather [hbm4b:s4+s12], $0x80, s21, s12, $0xb8;
	[tilespmem:$0x1D000] =	vst v63  }
0x18f: {  	_ =	swait.ge [sflag:s17], $0x2000  }
0x190: {  	[sflag:s17] =	ssyncset.done $0x0  }
0x191: {  	[sflag:s17] =	ssyncadd.s32 $0xFFFFE000  }
0x192: {  	[spmem:s2] =	stream.indirect.scatter.add.f32 [tilespmem:s13], [sflag:$0x2], $0x80, s22, s12, $0xb8;
	[tilespmem:$0x1D000] =	vst v63  }
0x193: {  	_ =	swait.ge [sflag:s10], $0x2000  }
0x194: {  	[sflag:s10] =	ssyncset.done $0x0  }
0x195: {  	[sflag:s10] =	ssyncadd.s32 $0xFFFFE000  }
0x196: {  	[tilespmem:s13], [sflag:$0x1] =	stream.indirect.gather [hbm4b:s4+s12], $0x80, s23, s12, $0xb8;
	[tilespmem:$0x1D000] =	vst v63  }
0x197: {  	_ =	swait.ge [sflag:s17], $0x2000  }
0x198: {  	[sflag:s17] =	ssyncset.done $0x0  }
0x199: {  	[sflag:s17] =	ssyncadd.s32 $0xFFFFE000  }
0x19a: {  	[spmem:s2] =	stream.indirect.scatter.add.f32 [tilespmem:s14], [sflag:$0x2], $0x80, s24, s12, $0xb8;
	[tilespmem:$0x1D000] =	vst v63  }
0x19b: {  	_ =	swait.ge [sflag:s10], $0x2000  }
0x19c: {  	[sflag:s10] =	ssyncset.done $0x0  }
0x19d: {  	[sflag:s10] =	ssyncadd.s32 $0xFFFFE000  }
0x19e: {  	[tilespmem:s14], [sflag:$0x1] =	stream.indirect.gather [hbm4b:s4+s12], $0x80, s25, s12, $0xb8;
	[tilespmem:$0x1D000] =	vst v63  }
0x19f: {  	_ =	swait.ge [sflag:s17], $0x2000  }
0x1a0: {  	[sflag:s17] =	ssyncset.done $0x0  }
0x1a1: {  	[sflag:s17] =	ssyncadd.s32 $0xFFFFE000  }
0x1a2: {  	[spmem:s2] =	stream.indirect.scatter.add.f32 [tilespmem:s15], [sflag:$0x2], $0x80, s26, s12, $0xb8;
	[tilespmem:$0x1D000] =	vst v63  }
0x1a3: {  	_ =	swait.ge [sflag:s10], $0x2000  }
0x1a4: {  	[sflag:s10] =	ssyncset.done $0x0  }
0x1a5: {  	[sflag:s10] =	ssyncadd.s32 $0xFFFFE000  }
0x1a6: {  	[tilespmem:s15], [sflag:$0x1] =	stream.indirect.gather [hbm4b:s4+s12], $0x80, s28, s12, $0xb8;
	[tilespmem:$0x1D000] =	vst v63  }
0x1a7: {  	_ =	swait.ge [sflag:s17], $0x2000  }
0x1a8: {  	[sflag:s17] =	ssyncset.done $0x0  }
0x1a9: {  	[sflag:s17] =	ssyncadd.s32 $0xFFFFE000  }
0x1aa: {  	[spmem:s2] =	stream.indirect.scatter.add.f32 [tilespmem:s16], [sflag:$0x2], $0x80, s29, s12, $0xb8;
	[tilespmem:$0x1D000] =	vst v63  }
0x1ab: {  	_ =	swait.ge [sflag:s10], $0x2000  }
0x1ac: {  	[sflag:s10] =	ssyncset.done $0x0  }
0x1ad: {  	[sflag:s10] =	ssyncadd.s32 $0xFFFFE000  }
0x1ae: {  	[tilespmem:s16], [sflag:$0x1] =	stream.indirect.gather [hbm4b:s4+s12], $0x80, s30, s12, $0xb8;
	[tilespmem:$0x1D000] =	vst v63  }
0x1af: {  	_ =	swait.ge [sflag:s17], $0x2000  }
0x1b0: {  	[sflag:s17] =	ssyncset.done $0x0  }
0x1b1: {  	[sflag:s17] =	ssyncadd.s32 $0xFFFFE000  }
0x1b2: {  	[spmem:s2] =	stream.indirect.scatter.add.f32 [tilespmem:s13], [sflag:$0x2], $0x80, s31, s12, $0xb8;
	[tilespmem:$0x1D000] =	vst v63  }
0x1b3: {  	_ =	swait.ge [sflag:s10], $0x2000  }
0x1b4: {  	[sflag:s10] =	ssyncset.done $0x0  }
0x1b5: {  	[sflag:s10] =	ssyncadd.s32 $0xFFFFE000  }
0x1b6: {  	_ =	swait.ge [sflag:s17], $0x2000  }
0x1b7: {  	[sflag:s17] =	ssyncset.done $0x0  }
0x1b8: {  	[sflag:s17] =	ssyncadd.s32 $0xFFFFE000  }
0x1b9: {  	[spmem:s2] =	stream.indirect.scatter.add.f32 [tilespmem:s14], [sflag:$0x2], $0x80, s0, s12, $0xb8;
	[tilespmem:$0x1D000] =	vst v63  }
0x1ba: {  	_ =	swait.ge [sflag:s10], $0x2000  }
0x1bb: {  	[sflag:s10] =	ssyncset.done $0x0  }
0x1bc: {  	[sflag:s10] =	ssyncadd.s32 $0xFFFFE000  }
0x1bd: {  	_ =	swait.ge [sflag:s17], $0x2000  }
0x1be: {  	[sflag:s17] =	ssyncset.done $0x0  }
0x1bf: {  	[sflag:s17] =	ssyncadd.s32 $0xFFFFE000  }
0x1c0: {  	[spmem:s2] =	stream.indirect.scatter.add.f32 [tilespmem:s15], [sflag:$0x2], $0x80, s1, s12, $0xb8;
	[tilespmem:$0x1D000] =	vst v63  }
0x1c1: {  	_ =	swait.ge [sflag:s10], $0x2000  }
0x1c2: {  	[sflag:s10] =	ssyncset.done $0x0  }
0x1c3: {  	[sflag:s10] =	ssyncadd.s32 $0xFFFFE000  }
0x1c4: {  	_ =	swait.ge [sflag:s17], $0x2000  }
0x1c5: {  	[sflag:s17] =	ssyncset.done $0x0  }
0x1c6: {  	[sflag:s17] =	ssyncadd.s32 $0xFFFFE000  }
0x1c7: {  	[spmem:s2] =	stream.indirect.scatter.add.f32 [tilespmem:s16], [sflag:$0x2], $0x80, s5, s12, $0xb8;
	[tilespmem:$0x1D000] =	vst v63  }
0x1c8: {  	_ =	swait.ge [sflag:s10], $0x2000  }
0x1c9: {  	[sflag:s10] =	ssyncset.done $0x0  }
0x1ca: {  	[sflag:s10] =	ssyncadd.s32 $0xFFFFE000  }
0x1cb: {  	[bflag:$0x0] =	sbarrier.arrive $0xFFFF  }
0x1cc: {  	s7 =	rddreg [dreg:$0x14]  }
0x1cd: {  	s9 =	rddreg [dreg:$0x15]  }
0x1ce: {  	s8 =	rddreg [dreg:$0x17]  }
0x1cf: {  	[hbm:s9], [sflag:s7] =	dma.local [spmem:s8], $0x2800  }
0x1d0: {  	_ =	swait.ge [sflag:s10], $0x2800  }
0x1d1: {  	s6 =	rddreg [dreg:$0x18]  }
0x1d2: {  	s9 =	sadd.s32 $0x1, s6;
	s6 =	rddreg [dreg:$0x16]  }
0x1d3: {  	p0 =	sne.s32 s9, s6  }
.Ltmp1:
0x1d4: {  	_ = 	snop;
	(pc) =	sbr.rel @p0 .LBB2_1-.Ltmp1, $3  }
0x1d5: {  	_ =	sdelay $0x1  }
0x1d6: {  	[sflag:s10] =	ssyncset.done $0x0  }
0x1d7: {  	[sflag:s10] =	ssyncadd.s32 $0xFFFFD800  }
0x1d8: {  	_ =	sfence.sel $0x180000  }
0x1d9: {  	[bflag:$0x0] =	sbarrier.arrive $0xFFFF  }
0x1da: {  	_ =	strace $0x9000004D  }
0x1db: {  	s0 =	stileid.u32;
	[bflag:$0x2] =	sbarrier.arrive $0xFFFF  }
0x1dc: {  	p0 =	sne.s32 s0, $0x0;
	s0 =	rddreg [dreg:$0x2]  }
0x1dd: {  	s0 =	sadd.s32 @!p0 $0x100000, s0  }
0x1de: {  	[sflag:s0] =	ssyncadd.tile.s32 @!p0 $0x1;
	_ =	shalt  }
.Lfunc_end2:
_tile_overlayer_lowered:
.L_overlay_start_2:
0x1df: {  	(tag) =	ssettag $0x2  }
0x1e0: {  	s0 =	rddreg [dreg:$0x0];
	s2 =	stileid.u32  }
0x1e1: {  	s1 =	rddreg [dreg:$0x1];
	p0 =	sne.s32 s2, $0x0  }
0x1e2: {  	s3 =	rddreg [dreg:$0x2];
	[bflag:$0x3] =	sbarrier.arrive $0xFFFF;
	s2 =	simm.s32 @!p0 $0x1C02  }
0x1e3: {  	[timem:s3], [sflag:s2] =	dma.local @!p0 [hbm:s0], s1  }
0x1e4: {  	s0 =	simm.s32 @!p0 $0x2  }
0x1e5: {  	_ =	swait.ge @!p0 [sflag:s0], s1  }
0x1e6: {  	s1 =	ssub.s32 @!p0 $0x0, s1;
	[sflag:s0] =	ssyncset.done @!p0 $0x0  }
0x1e7: {  	[sflag:s0] =	ssyncadd.s32 @!p0 s1  }
0x1e8: {  	[bflag:$0x3] =	sbarrier.arrive $0xFFFF  }
0x1e9: {  	_ =	shalt  }

// kernel: kernel.19.cloned.1.call-start
scs
__scs_entry_jumppad:
0x0: {  	(pc) =	sbr.rel $0x88, $3  }
0x1: {  	(tag) =	ssettag $0x0;
	lr =	simm.s32 $0x1  }
0x2: {  	[smem:$0x3F99] =	sst lr;
	_ =	strace $0xD0000000  }
0x3: {  	_ = 	snop  }
0x4: {  	_ = 	snop  }
0x5: {  	_ = 	snop  }
0x6: {  	_ = 	snop  }
0x7: {  	_ = 	snop  }
__scs_overlays_trampoline_lowered:
0x8: {  	[smem:$0x3FA8] =	sst s0  }
0x9: {  	[smem:$0x3FA9] =	sst s1  }
0xa: {  	[smem:$0x3FAA] =	sst s2  }
0xb: {  	[smem:$0x3FAB] =	sst s3  }
0xc: {  	[smem:$0x3FAC] =	sst s4  }
0xd: {  	[smem:$0x3FAD] =	sst s5  }
0xe: {  	[smem:$0x3FAE] =	sst s6  }
0xf: {  	[smem:$0x3FAF] =	sst s7  }
0x10: {  	[smem:$0x3FB0] =	sst s8  }
0x11: {  	[smem:$0x3FB1] =	sst s9;
	s0 =	simm.s32 @!p0 $0x0  }
0x12: {  	s1 =	sld [smem:$0x3F97];
	s0 =	simm.s32 @p0 $0x1  }
0x13: {  	[smem:$0x3FB2] =	sst s0;
	s0 =	simm.s32 @!p1 $0x0  }
0x14: {  	s2 =	sld [smem:$0x3F96];
	s0 =	simm.s32 @p1 $0x1  }
0x15: {  	[smem:$0x3FB3] =	sst s0;
	s0 =	simm.s32 @!p2 $0x0  }
0x16: {  	s3 =	sld [smem:$0x3FDB];
	s0 =	simm.s32 @p2 $0x1  }
0x17: {  	s4 =	simm.s32 $0x1BF5;
	[smem:$0x3FB5] =	sst s0  }
0x18: {  	s0 =	sld [smem:$0x3F98];
	_ =	swait.ge [sflag:s4], $0x0  }
0x19: {  	s7 =	sld [smem:$0x3F99]  }
0x1a: {  	s8 =	sadd.s32 $0xFFFFE003, lr  }
0x1b: {  	s9 =	sadd.s32 $0xFFFFFEF7, lr;
	s5 =	simm.s32 $0xFFFFFFFF;
	p2 =	slt.u32 s8, $0xFFFFF086  }
0x1c: {  	p1 =	slt.u32 s9, $0xF7A;
	s5 =	simm.s32 @!p2 $0x0  }
0x1d: {  	s5 =	simm.s32 @p1 $0x1;
	p0 =	seq.s32 s7, s2  }
0x1e: {  	s7 =	smul.u32 @!p0 $0xF7A, s2;
	p2 =	seq.s32 @!p0 s5, $0x0  }
0x1f: {  	s9 =	smul.u32 $0xF7A, s1;
	s8 =	simm.s32 @!p0 $0x1BF5;
	p2 =	por !p2, p0  }
0x20: {  	[sflag:s8] =	ssyncset.s32 @!p0 $0xFFFFF086;
	s6 =	sadd.s32 @!p0 s3, s7;
	s7 =	simm.s32 @!p0 $0x108  }
0x21: {  	s3 =	sadd.s32 s3, s9;
	s6 =	sadd.s32 @!p0 $0x88, s6;
	s7 =	simm.s32 @p2 $0x1082  }
0x22: {  	[simem:s7], [sflag:s8] =	dma.local @!p0 [hbm:s6], $0xF7A  }
0x23: {  	s9 =	sor.u32 $0xD0000000, s2;
	s6 =	simm.s32 $0x108;
	_ =	swait.ge @!p0 [sflag:s8], $0x0  }
0x24: {  	s3 =	sadd.s32 $0x88, s3;
	s6 =	simm.s32 @!p1 $0x1082;
	[sflag:s4] =	ssyncset.s32 $0xFFFFF086  }
0x25: {  	[simem:s6], [sflag:s4] =	dma.local [hbm:s3], $0xF7A  }
0x26: {  	[smem:$0x3F99] =	sst s1;
	(tag) =	ssettag s2;
	_ =	strace s9  }
0x27: {  	s1 =	sld [smem:$0x3FA9]  }
0x28: {  	s2 =	sld [smem:$0x3FAA]  }
0x29: {  	s4 =	sld [smem:$0x3FAC]  }
0x2a: {  	p0 =	seq.s32 s5, $0x0;
	s5 =	sld [smem:$0x3FAD]  }
0x2b: {  	s6 =	sld [smem:$0x3FAE]  }
0x2c: {  	s7 =	sld [smem:$0x3FAF]  }
0x2d: {  	s3 =	simm.s32 $0x108;
	s8 =	sld [smem:$0x3FB0]  }
0x2e: {  	s3 =	simm.s32 @!p0 $0x1082;
	s9 =	sld [smem:$0x3FB1]  }
0x2f: {  	lr =	sadd.s32 s0, s3;
	s0 =	sld [smem:$0x3FA8]  }
0x30: {  	s3 =	sld [smem:$0x3FAB]  }
0x31: {  	[smem:$0x3FB4] =	sst s10  }
0x32: {  	s10 =	sld [smem:$0x3FB2];
	_ =	sdelay $0x3  }
0x33: {  	p0 =	seq.s32 s10, $0x1;
	s10 =	sld [smem:$0x3FB4];
	_ =	sdelay $0x3  }
0x34: {  	[smem:$0x3FB4] =	sst s10  }
0x35: {  	s10 =	sld [smem:$0x3FB3];
	_ =	sdelay $0x3  }
0x36: {  	p1 =	seq.s32 s10, $0x1;
	s10 =	sld [smem:$0x3FB4];
	_ =	sdelay $0x3  }
0x37: {  	[smem:$0x3FB4] =	sst s10  }
0x38: {  	s10 =	sld [smem:$0x3FB5]  }
0x39: {  	_ = 	snop;
	(pc) =	sbr.ind lr, $3  }
0x3a: {  	_ = 	snop  }
0x3b: {  	_ = 	snop  }
0x3c: {  	p2 =	seq.s32 s10, $0x1;
	s10 =	sld [smem:$0x3FB4]  }
0x3d: {  	_ =	shalt  }
0x3e: {  	_ =	shalt  }
0x3f: {  	_ =	shalt  }
0x40: {  	_ =	shalt  }
0x41: {  	_ =	shalt  }
0x42: {  	_ =	shalt  }
0x43: {  	_ =	shalt  }
0x44: {  	_ =	shalt  }
0x45: {  	_ =	shalt  }
0x46: {  	_ =	shalt  }
0x47: {  	_ =	shalt  }
0x48: {  	_ =	shalt  }
0x49: {  	_ =	shalt  }
0x4a: {  	_ =	shalt  }
0x4b: {  	_ =	shalt  }
0x4c: {  	_ =	shalt  }
0x4d: {  	_ =	shalt  }
0x4e: {  	_ =	shalt  }
0x4f: {  	_ =	shalt  }
0x50: {  	_ =	shalt  }
0x51: {  	_ =	shalt  }
0x52: {  	_ =	shalt  }
0x53: {  	_ =	shalt  }
0x54: {  	_ =	shalt  }
0x55: {  	_ =	shalt  }
0x56: {  	_ =	shalt  }
0x57: {  	_ =	shalt  }
0x58: {  	_ =	shalt  }
0x59: {  	_ =	shalt  }
0x5a: {  	_ =	shalt  }
0x5b: {  	_ =	shalt  }
0x5c: {  	_ =	shalt  }
0x5d: {  	_ =	shalt  }
0x5e: {  	_ =	shalt  }
0x5f: {  	_ =	shalt  }
0x60: {  	_ =	shalt  }
0x61: {  	_ =	shalt  }
0x62: {  	_ =	shalt  }
0x63: {  	_ =	shalt  }
0x64: {  	_ =	shalt  }
0x65: {  	_ =	shalt  }
0x66: {  	_ =	shalt  }
0x67: {  	_ =	shalt  }
0x68: {  	_ =	shalt  }
0x69: {  	_ =	shalt  }
0x6a: {  	_ =	shalt  }
0x6b: {  	_ =	shalt  }
0x6c: {  	_ =	shalt  }
0x6d: {  	_ =	shalt  }
0x6e: {  	_ =	shalt  }
0x6f: {  	_ =	shalt  }
0x70: {  	_ =	shalt  }
0x71: {  	_ =	shalt  }
0x72: {  	_ =	shalt  }
0x73: {  	_ =	shalt  }
0x74: {  	_ =	shalt  }
0x75: {  	_ =	shalt  }
0x76: {  	_ =	shalt  }
0x77: {  	_ =	shalt  }
0x78: {  	_ =	shalt  }
0x79: {  	_ =	shalt  }
0x7a: {  	_ =	shalt  }
0x7b: {  	_ =	shalt  }
0x7c: {  	_ =	shalt  }
0x7d: {  	_ =	shalt  }
0x7e: {  	_ =	shalt  }
0x7f: {  	_ =	shalt  }
0x80: {  	_ =	shalt  }
0x81: {  	_ =	shalt  }
0x82: {  	_ =	shalt  }
0x83: {  	_ =	shalt  }
0x84: {  	_ =	shalt  }
0x85: {  	_ =	shalt  }
0x86: {  	_ =	shalt  }
0x87: {  	_ =	shalt  }
.Lfunc_end0:
.L_simem_size_0:
called_computation.3_lowered:
.L_overlay_start_0:
0x88: {  	s2 =	sld [smem:$0x3FD9]  }
0x89: {  	s3 =	sld [smem:$0x3FFE];
	_ =	sdelay $0x1  }
0x8a: {  	s1 =	srdreg.scid  }
0x8b: {  	s0 =	sand.u32 $0x1, s1  }
0x8c: {  	s16 =	sshll.u32 s0, $0xA;
	s2 =	sadd.s32 s3, s2  }
0x8d: {  	s2 =	sadd.s32 s2, s16  }
0x8e: {  	[smem:$0x3FC0] =	sst s2  }
0x8f: {  	_ = 	snop  }
0x90: {  	(tm) =	ssettm $0x1  }
0x91: {  	s17 =	sld [smem:$0x3FFB];
	_ =	sdelay $0x3  }
0x92: {  	_ =	strace s17  }
0x93: {  	s2 =	sld [smem:$0x3FFC];
	_ =	sdelay $0x3  }
0x94: {  	_ =	strace s2  }
0x95: {  	s2 =	sld [smem:$0x3FFD];
	_ =	sdelay $0x3  }
0x96: {  	_ =	strace s2  }
0x97: {  	_ =	strace $0x8FFFFFFF  }
0x98: {  	s18 =	sld [smem:$0x3FDB];
	_ =	sdelay $0x1  }
0x99: {  	s19 =	simm.s32 $_scs_section_size  }
0x9a: {  	s4 =	simm.s32 $_size__tile_overlayer_lowered;
	s5 =	simm.s32 $_tile_overlayer_lowered  }
0x9b: {  	s22 =	simm.s32 $0x1BFF;
	s21 =	sshll.u32 s5, $0x1;
	s2 =	sadd.s32 s19, s18  }
0x9c: {  	s6 =	simm.s32 $0x0;
	s20 =	sshll.u32 s4, $0x1;
	s4 =	sadd.s32 s21, s2  }
0x9d: {  	[timem:s6], [sflag:s22] =	dma.local [hbm:s4], s20  }
0x9e: {  	_ =	swait.ge [sflag:s22], s20  }
0x9f: {  	s3 =	ssub.s32 $0x0, s20;
	[sflag:s22] =	ssyncset.done $0x0  }
0xa0: {  	[sflag:s22] =	ssyncadd.s32 s3;
	_ =	sdelay $0x1  }
0xa1: {  	s23 =	simm.s32 $0x1B8B  }
0xa2: {  	_ =	swait.ge [sflag:s23], $0x1  }
0xa3: {  	[sflag:s23] =	ssyncset.done $0x0  }
0xa4: {  	s25 =	simm.s32 $0x1B8E;
	s24 =	sld [smem:$0x3FFE];
	[sflag:s23] =	ssyncadd.s32 $0xFFFFFFFF  }
0xa5: {  	s26 =	simm.s32 $execute0_lowered;
	[smem:$0x3FD2] =	sst s25  }
0xa6: {  	s4 =	sshll.u32 s26, $0x1;
	_ =	strace $0x8000004F;
	[dreg:$0x1] =	wrdreg $0xFFFFFFFF  }
0xa7: {  	s28 =	simm.s32 $_size_execute0_lowered;
	s2 =	sadd.s32 s2, s4;
	[dreg:$0x0] =	wrdreg $0x0  }
0xa8: {  	s4 =	sshll.u32 s28, $0x1;
	[dreg:$0x2] =	wrdreg s2  }
0xa9: {  	[dreg:$0x3] =	wrdreg s4  }
0xaa: {  	[dreg:$0x4] =	wrdreg $0xC0  }
0xab: {  	_ =	task [dreg:s6], $0x5FFFF  }
0xac: {  	[dreg:$0x1] =	wrdreg $0xFFFFFFFF  }
0xad: {  	[dreg:$0x0] =	wrdreg $0x60  }
0xae: {  	[dreg:$0x2] =	wrdreg s24  }
0xaf: {  	[dreg:$0x3] =	wrdreg $0x90000  }
0xb0: {  	[dreg:$0x4] =	wrdreg $0x9  }
0xb1: {  	_ =	task.clear_ibuf [dreg:s6], $0x5FFFF;
	_ =	strace $0x9000004F  }
0xb2: {  	s29 =	simm.s32 $0x9;
	_ =	strace $0x80000051  }
0xb3: {  	_ =	swait.ge [sflag:s29], $0x1  }
0xb4: {  	[sflag:s29] =	ssyncadd.s32 $0xFFFFFFFF  }
0xb5: {  	_ =	strace $0x90000051  }
0xb6: {  	_ =	sfence  }
0xb7: {  	s30 =	sld [smem:$0x0];
	_ =	sdelay $0x2  }
0xb8: {  	s31 =	sshll.u32 s1, $0xD;
	s1 =	sshrl.u32 s1, $0x2  }
0xb9: {  	s3 =	sand.u32 $0x4000, s31;
	s1 =	sadd.s32 s1, s30  }
0xba: {  	s0 =	sor.u32 s3, s0;
	s1 =	sshll.u32 s1, $0x11  }
0xbb: {  	s0 =	sor.u32 s1, s0  }
0xbc: {  	s0 =	sadd.s32 $0x8F2B, s0  }
0xbd: {  	[sflag:s0] =	ssyncadd.remote.s32 $0x1  }
0xbe: {  	_ =	sfence.sel $0xFFFF  }
0xbf: {  	[dreg:$0x0] =	wrdreg $0xFFFFFFFF;
	(pc) =	sbr.abs _section_cstart, $3  }
0xc0: {  	[dreg:$0x1] =	wrdreg $0xFFFFFFFF  }
0xc1: {  	_ =	task.clear_ibuf [dreg:s6], $0x2FFFF;
	_ =	strace $0x9FFFFFFF  }
0xc2: {  	(tm) =	ssettm $0x7FFFFFFF  }
0xc3: {  	_ =	shalt  }
tec
execute0_lowered:
.L_overlay_start_1:
0x0: {  	(tag) =	ssettag $0x1  }
0x1: {  	s0 =	rddreg [dreg:$0x0]  }
0x2: {  	s2 =	rddreg [dreg:$0x1]  }
0x3: {  	s10 =	stileid.u32;
	s3 =	simm.s32 $0x0;
	s4 =	srdreg.scid  }
0x4: {  	s11 =	simm.s32 $0x80;
	s13 =	simm.s32 $0x100;
	s14 =	simm.s32 $0x180  }
0x5: {  	s15 =	simm.s32 $0x200;
	s17 =	simm.s32 $0x880;
	s18 =	simm.s32 $0x280  }
0x6: {  	s19 =	simm.s32 $0x900;
	s20 =	simm.s32 $0x300;
	[smem:$0x7FF] =	sst s3  }
0x7: {  	s21 =	simm.s32 $0x980;
	_ =	strace $0x80000050;
	[dreg:$0x5] =	wrdreg s11  }
0x8: {  	s22 =	simm.s32 $0x380;
	s28 =	simm.s32 $0x700;
	[dreg:$0x6] =	wrdreg s13  }
0x9: {  	s29 =	simm.s32 $0xD80;
	s30 =	simm.s32 $0x780;
	[dreg:$0x7] =	wrdreg s14  }
0xa: {  	s31 =	simm.s32 $0xE00;
	s1 =	smul.u32 $0x1400, s10;
	[dreg:$0x8] =	wrdreg s15  }
0xb: {  	s5 =	smul.u32 $0x2800, s10;
	s6 =	sand.u32 $0x1, s4;
	[dreg:$0x9] =	wrdreg s17  }
0xc: {  	s4 =	sadd.s32 $0xA3200, s0;
	s23 =	smul.u32 $0x50000, s10;
	[dreg:$0xa] =	wrdreg s18  }
0xd: {  	s12 =	sshll.u32 s10, $0x6;
	s7 =	smul.u32 $0x28000, s6;
	[dreg:$0xb] =	wrdreg s19  }
0xe: {  	s10 =	simm.s32 $0x2;
	s9 =	smul.u32 $0xA00, s6;
	[dreg:$0xc] =	wrdreg s20  }
0xf: {  	s6 =	ssub.s32 $0x2, s6;
	s11 =	simm.s32 $0x800;
	[dreg:$0xd] =	wrdreg s21  }
0x10: {  	s13 =	simm.s32 $0x1000;
	s14 =	simm.s32 $0x3000;
	[dreg:$0xe] =	wrdreg s22  }
0x11: {  	s15 =	simm.s32 $0x5000;
	s17 =	simm.s32 $0x1;
	s18 =	simm.s32 $0xB00  }
0x12: {  	s19 =	simm.s32 $0x500;
	s20 =	simm.s32 $0xB80;
	s21 =	simm.s32 $0x580  }
0x13: {  	s22 =	simm.s32 $0xC00;
	s1 =	sadd.s32 s1, s0;
	s8 =	sadd.s32 s5, s0  }
0x14: {  	s24 =	sshrl.u32 s6, $0x1;
	s25 =	sshrl.u32 s23, $0x2;
	s23 =	simm.s32 $0xA00  }
0x15: {  	s5 =	sadd.s32 s5, s7;
	s1 =	sadd.s32 s9, s1;
	s9 =	sadd.s32 $0x17200, s8  }
0x16: {  	s7 =	sor.u32 $0x1C02, s12;
	s12 =	simm.s32 $0x40;
	[dreg:$0xf] =	wrdreg s23  }
0x17: {  	s23 =	simm.s32 $0x600;
	s0 =	sadd.s32 s5, s0;
	[dreg:$0x13] =	wrdreg s9  }
0x18: {  	s5 =	ssub.s32 s6, s24;
	s26 =	sadd.s32 $0x3200, s1;
	[dreg:$0x14] =	wrdreg s7  }
0x19: {  	s6 =	sadd.s32 s25, s2;
	s1 =	sadd.s32 $0x8F200, s1;
	[dreg:$0x3] =	wrdreg s26  }
0x1a: {  	s24 =	simm.s32 $0x400;
	s25 =	simm.s32 $0xA80;
	[dreg:$0x4] =	wrdreg s1  }
0x1b: {  	s9 =	simm.s32 $0x0;
	s0 =	sadd.s32 $0xCA400, s0;
	[dreg:$0x10] =	wrdreg s24  }
0x1c: {  	s16 =	smax.u32 s5, $0x1;
	s8 =	sshrl.u32 s6, $0x3;
	[dreg:$0x11] =	wrdreg s25  }
0x1d: {  	s26 =	simm.s32 $0x480;
	s24 =	simm.s32 $0xC80;
	[dreg:$0x15] =	wrdreg s0  }
0x1e: {  	s25 =	simm.s32 $0x680;
	s1 =	simm.s32 $0xF00;
	[dreg:$0x16] =	wrdreg s16  }
0x1f: {  	s5 =	simm.s32 $0xF80;
	s16 =	simm.s32 $0x7000;
	[dreg:$0x12] =	wrdreg s26  }
0x20: {  	s26 =	simm.s32 $0xD00;
	s0 =	simm.s32 $0xE80;
	[dreg:$0x17] =	wrdreg s8  }
.LBB2_1:
0x21: {  	[dreg:$0x18] =	wrdreg s9  }
0x22: {  	s6 =	rddreg [dreg:$0x13]  }
0x23: {  	[spmem:s8], [sflag:s7] =	dma.local [hbm:s6], $0x2800  }
0x24: {  	_ =	swait.ge [sflag:s10], $0x2800  }
0x25: {  	[sflag:s10] =	ssyncset.done $0x0  }
0x26: {  	[sflag:s10] =	ssyncadd.s32 $0xFFFFD800  }
0x27: {  	[bflag:$0x0] =	sbarrier.arrive $0xFFFF  }
0x28: {  	s9 =	rddreg [dreg:$0x4]  }
0x29: {  	s6 =	sadd.s32 $0x0, s9  }
0x2a: {  	[tilespmem:s3], [sflag:$0x2] =	stream.linear.gather [hbm4b:s6+s3], $0x800, $0x38;
	[tilespmem:$0x1D000] =	vst v63  }
0x2b: {  	_ =	swait.ge [sflag:s10], $0x800  }
0x2c: {  	s7 =	rddreg [dreg:$0x3];
	[sflag:s10] =	ssyncset.done $0x0  }
0x2d: {  	[sflag:s10] =	ssyncadd.s32 $0xFFFFF800;
	s6 =	sadd.s32 $0x0, s7  }
0x2e: {  	[tilespmem:s11], [sflag:$0x2] =	stream.linear.gather [hbm4b:s6+s3], $0x800, $0x38;
	[tilespmem:$0x1D000] =	vst v63  }
0x2f: {  	_ =	swait.ge [sflag:s10], $0x800  }
0x30: {  	[sflag:s10] =	ssyncset.done $0x0  }
0x31: {  	[sflag:s10] =	ssyncadd.s32 $0xFFFFF800  }
0x32: {  	[tilespmem:s13], [sflag:$0x1] =	stream.indirect.gather [hbm4b:s4+s12], $0x80, s3, s12, $0xb8;
	[tilespmem:$0x1D000] =	vst v63  }
0x33: {  	s8 =	rddreg [dreg:$0x5]  }
0x34: {  	[tilespmem:s14], [sflag:$0x1] =	stream.indirect.gather [hbm4b:s4+s12], $0x80, s8, s12, $0xb8;
	[tilespmem:$0x1D000] =	vst v63  }
0x35: {  	s9 =	rddreg [dreg:$0x6]  }
0x36: {  	[tilespmem:s15], [sflag:$0x1] =	stream.indirect.gather [hbm4b:s4+s12], $0x80, s9, s12, $0xb8;
	[tilespmem:$0x1D000] =	vst v63  }
0x37: {  	s7 =	rddreg [dreg:$0x7]  }
0x38: {  	[tilespmem:s16], [sflag:$0x1] =	stream.indirect.gather [hbm4b:s4+s12], $0x80, s7, s12, $0xb8;
	[tilespmem:$0x1D000] =	vst v63  }
0x39: {  	_ =	swait.ge [sflag:s17], $0x2000  }
0x3a: {  	[sflag:s17] =	ssyncset.done $0x0  }
0x3b: {  	[sflag:s17] =	ssyncadd.s32 $0xFFFFE000  }
0x3c: {  	[spmem:s2] =	stream.indirect.scatter.add.f32 [tilespmem:s13], [sflag:$0x2], $0x80, s11, s12, $0xb8;
	[tilespmem:$0x1D000] =	vst v63  }
0x3d: {  	_ =	swait.ge [sflag:s10], $0x2000  }
0x3e: {  	[sflag:s10] =	ssyncset.done $0x0  }
0x3f: {  	s8 =	rddreg [dreg:$0x8];
	[sflag:s10] =	ssyncadd.s32 $0xFFFFE000  }
0x40: {  	[tilespmem:s13], [sflag:$0x1] =	stream.indirect.gather [hbm4b:s4+s12], $0x80, s8, s12, $0xb8;
	[tilespmem:$0x1D000] =	vst v63  }
0x41: {  	_ =	swait.ge [sflag:s17], $0x2000  }
0x42: {  	[sflag:s17] =	ssyncset.done $0x0  }
0x43: {  	s9 =	rddreg [dreg:$0x9];
	[sflag:s17] =	ssyncadd.s32 $0xFFFFE000  }
0x44: {  	[spmem:s2] =	stream.indirect.scatter.add.f32 [tilespmem:s14], [sflag:$0x2], $0x80, s9, s12, $0xb8;
	[tilespmem:$0x1D000] =	vst v63  }
0x45: {  	_ =	swait.ge [sflag:s10], $0x2000  }
0x46: {  	[sflag:s10] =	ssyncset.done $0x0  }
0x47: {  	s7 =	rddreg [dreg:$0xa];
	[sflag:s10] =	ssyncadd.s32 $0xFFFFE000  }
0x48: {  	[tilespmem:s14], [sflag:$0x1] =	stream.indirect.gather [hbm4b:s4+s12], $0x80, s7, s12, $0xb8;
	[tilespmem:$0x1D000] =	vst v63  }
0x49: {  	_ =	swait.ge [sflag:s17], $0x2000  }
0x4a: {  	[sflag:s17] =	ssyncset.done $0x0  }
0x4b: {  	s8 =	rddreg [dreg:$0xb];
	[sflag:s17] =	ssyncadd.s32 $0xFFFFE000  }
0x4c: {  	[spmem:s2] =	stream.indirect.scatter.add.f32 [tilespmem:s15], [sflag:$0x2], $0x80, s8, s12, $0xb8;
	[tilespmem:$0x1D000] =	vst v63  }
0x4d: {  	_ =	swait.ge [sflag:s10], $0x2000  }
0x4e: {  	[sflag:s10] =	ssyncset.done $0x0  }
0x4f: {  	s9 =	rddreg [dreg:$0xc];
	[sflag:s10] =	ssyncadd.s32 $0xFFFFE000  }
0x50: {  	[tilespmem:s15], [sflag:$0x1] =	stream.indirect.gather [hbm4b:s4+s12], $0x80, s9, s12, $0xb8;
	[tilespmem:$0x1D000] =	vst v63  }
0x51: {  	_ =	swait.ge [sflag:s17], $0x2000  }
0x52: {  	[sflag:s17] =	ssyncset.done $0x0  }
0x53: {  	s7 =	rddreg [dreg:$0xd];
	[sflag:s17] =	ssyncadd.s32 $0xFFFFE000  }
0x54: {  	[spmem:s2] =	stream.indirect.scatter.add.f32 [tilespmem:s16], [sflag:$0x2], $0x80, s7, s12, $0xb8;
	[tilespmem:$0x1D000] =	vst v63  }
0x55: {  	_ =	swait.ge [sflag:s10], $0x2000  }
0x56: {  	[sflag:s10] =	ssyncset.done $0x0  }
0x57: {  	s8 =	rddreg [dreg:$0xe];
	[sflag:s10] =	ssyncadd.s32 $0xFFFFE000  }
0x58: {  	[tilespmem:s16], [sflag:$0x1] =	stream.indirect.gather [hbm4b:s4+s12], $0x80, s8, s12, $0xb8;
	[tilespmem:$0x1D000] =	vst v63  }
0x59: {  	_ =	swait.ge [sflag:s17], $0x2000  }
0x5a: {  	[sflag:s17] =	ssyncset.done $0x0  }
0x5b: {  	s9 =	rddreg [dreg:$0xf];
	[sflag:s17] =	ssyncadd.s32 $0xFFFFE000  }
0x5c: {  	[spmem:s2] =	stream.indirect.scatter.add.f32 [tilespmem:s13], [sflag:$0x2], $0x80, s9, s12, $0xb8;
	[tilespmem:$0x1D000] =	vst v63  }
0x5d: {  	_ =	swait.ge [sflag:s10], $0x2000  }
0x5e: {  	[sflag:s10] =	ssyncset.done $0x0  }
0x5f: {  	s7 =	rddreg [dreg:$0x10];
	[sflag:s10] =	ssyncadd.s32 $0xFFFFE000  }
0x60: {  	[tilespmem:s13], [sflag:$0x1] =	stream.indirect.gather [hbm4b:s4+s12], $0x80, s7, s12, $0xb8;
	[tilespmem:$0x1D000] =	vst v63  }
0x61: {  	_ =	swait.ge [sflag:s17], $0x2000  }
0x62: {  	[sflag:s17] =	ssyncset.done $0x0  }
0x63: {  	s8 =	rddreg [dreg:$0x11];
	[sflag:s17] =	ssyncadd.s32 $0xFFFFE000  }
0x64: {  	[spmem:s2] =	stream.indirect.scatter.add.f32 [tilespmem:s14], [sflag:$0x2], $0x80, s8, s12, $0xb8;
	[tilespmem:$0x1D000] =	vst v63  }
0x65: {  	_ =	swait.ge [sflag:s10], $0x2000  }
0x66: {  	[sflag:s10] =	ssyncset.done $0x0  }
0x67: {  	s9 =	rddreg [dreg:$0x12];
	[sflag:s10] =	ssyncadd.s32 $0xFFFFE000  }
0x68: {  	[tilespmem:s14], [sflag:$0x1] =	stream.indirect.gather [hbm4b:s4+s12], $0x80, s9, s12, $0xb8;
	[tilespmem:$0x1D000] =	vst v63  }
0x69: {  	_ =	swait.ge [sflag:s17], $0x2000  }
0x6a: {  	[sflag:s17] =	ssyncset.done $0x0  }
0x6b: {  	[sflag:s17] =	ssyncadd.s32 $0xFFFFE000  }
0x6c: {  	[spmem:s2] =	stream.indirect.scatter.add.f32 [tilespmem:s15], [sflag:$0x2], $0x80, s18, s12, $0xb8;
	[tilespmem:$0x1D000] =	vst v63  }
0x6d: {  	_ =	swait.ge [sflag:s10], $0x2000  }
0x6e: {  	[sflag:s10] =	ssyncset.done $0x0  }
0x6f: {  	[sflag:s10] =	ssyncadd.s32 $0xFFFFE000  }
0x70: {  	[tilespmem:s15], [sflag:$0x1] =	stream.indirect.gather [hbm4b:s4+s12], $0x80, s19, s12, $0xb8;
	[tilespmem:$0x1D000] =	vst v63  }
0x71: {  	_ =	swait.ge [sflag:s17], $0x2000  }
0x72: {  	[sflag:s17] =	ssyncset.done $0x0  }
0x73: {  	[sflag:s17] =	ssyncadd.s32 $0xFFFFE000  }
0x74: {  	[spmem:s2] =	stream.indirect.scatter.add.f32 [tilespmem:s16], [sflag:$0x2], $0x80, s20, s12, $0xb8;
	[tilespmem:$0x1D000] =	vst v63  }
0x75: {  	_ =	swait.ge [sflag:s10], $0x2000  }
0x76: {  	[sflag:s10] =	ssyncset.done $0x0  }
0x77: {  	[sflag:s10] =	ssyncadd.s32 $0xFFFFE000  }
0x78: {  	[tilespmem:s16], [sflag:$0x1] =	stream.indirect.gather [hbm4b:s4+s12], $0x80, s21, s12, $0xb8;
	[tilespmem:$0x1D000] =	vst v63  }
0x79: {  	_ =	swait.ge [sflag:s17], $0x2000  }
0x7a: {  	[sflag:s17] =	ssyncset.done $0x0  }
0x7b: {  	[sflag:s17] =	ssyncadd.s32 $0xFFFFE000  }
0x7c: {  	[spmem:s2] =	stream.indirect.scatter.add.f32 [tilespmem:s13], [sflag:$0x2], $0x80, s22, s12, $0xb8;
	[tilespmem:$0x1D000] =	vst v63  }
0x7d: {  	_ =	swait.ge [sflag:s10], $0x2000  }
0x7e: {  	[sflag:s10] =	ssyncset.done $0x0  }
0x7f: {  	[sflag:s10] =	ssyncadd.s32 $0xFFFFE000  }
0x80: {  	[tilespmem:s13], [sflag:$0x1] =	stream.indirect.gather [hbm4b:s4+s12], $0x80, s23, s12, $0xb8;
	[tilespmem:$0x1D000] =	vst v63  }
0x81: {  	_ =	swait.ge [sflag:s17], $0x2000  }
0x82: {  	[sflag:s17] =	ssyncset.done $0x0  }
0x83: {  	[sflag:s17] =	ssyncadd.s32 $0xFFFFE000  }
0x84: {  	[spmem:s2] =	stream.indirect.scatter.add.f32 [tilespmem:s14], [sflag:$0x2], $0x80, s24, s12, $0xb8;
	[tilespmem:$0x1D000] =	vst v63  }
0x85: {  	_ =	swait.ge [sflag:s10], $0x2000  }
0x86: {  	[sflag:s10] =	ssyncset.done $0x0  }
0x87: {  	[sflag:s10] =	ssyncadd.s32 $0xFFFFE000  }
0x88: {  	[tilespmem:s14], [sflag:$0x1] =	stream.indirect.gather [hbm4b:s4+s12], $0x80, s25, s12, $0xb8;
	[tilespmem:$0x1D000] =	vst v63  }
0x89: {  	_ =	swait.ge [sflag:s17], $0x2000  }
0x8a: {  	[sflag:s17] =	ssyncset.done $0x0  }
0x8b: {  	[sflag:s17] =	ssyncadd.s32 $0xFFFFE000  }
0x8c: {  	[spmem:s2] =	stream.indirect.scatter.add.f32 [tilespmem:s15], [sflag:$0x2], $0x80, s26, s12, $0xb8;
	[tilespmem:$0x1D000] =	vst v63  }
0x8d: {  	_ =	swait.ge [sflag:s10], $0x2000  }
0x8e: {  	[sflag:s10] =	ssyncset.done $0x0  }
0x8f: {  	[sflag:s10] =	ssyncadd.s32 $0xFFFFE000  }
0x90: {  	[tilespmem:s15], [sflag:$0x1] =	stream.indirect.gather [hbm4b:s4+s12], $0x80, s28, s12, $0xb8;
	[tilespmem:$0x1D000] =	vst v63  }
0x91: {  	_ =	swait.ge [sflag:s17], $0x2000  }
0x92: {  	[sflag:s17] =	ssyncset.done $0x0  }
0x93: {  	[sflag:s17] =	ssyncadd.s32 $0xFFFFE000  }
0x94: {  	[spmem:s2] =	stream.indirect.scatter.add.f32 [tilespmem:s16], [sflag:$0x2], $0x80, s29, s12, $0xb8;
	[tilespmem:$0x1D000] =	vst v63  }
0x95: {  	_ =	swait.ge [sflag:s10], $0x2000  }
0x96: {  	[sflag:s10] =	ssyncset.done $0x0  }
0x97: {  	[sflag:s10] =	ssyncadd.s32 $0xFFFFE000  }
0x98: {  	[tilespmem:s16], [sflag:$0x1] =	stream.indirect.gather [hbm4b:s4+s12], $0x80, s30, s12, $0xb8;
	[tilespmem:$0x1D000] =	vst v63  }
0x99: {  	_ =	swait.ge [sflag:s17], $0x2000  }
0x9a: {  	[sflag:s17] =	ssyncset.done $0x0  }
0x9b: {  	[sflag:s17] =	ssyncadd.s32 $0xFFFFE000  }
0x9c: {  	[spmem:s2] =	stream.indirect.scatter.add.f32 [tilespmem:s13], [sflag:$0x2], $0x80, s31, s12, $0xb8;
	[tilespmem:$0x1D000] =	vst v63  }
0x9d: {  	_ =	swait.ge [sflag:s10], $0x2000  }
0x9e: {  	[sflag:s10] =	ssyncset.done $0x0  }
0x9f: {  	[sflag:s10] =	ssyncadd.s32 $0xFFFFE000  }
0xa0: {  	_ =	swait.ge [sflag:s17], $0x2000  }
0xa1: {  	[sflag:s17] =	ssyncset.done $0x0  }
0xa2: {  	[sflag:s17] =	ssyncadd.s32 $0xFFFFE000  }
0xa3: {  	[spmem:s2] =	stream.indirect.scatter.add.f32 [tilespmem:s14], [sflag:$0x2], $0x80, s0, s12, $0xb8;
	[tilespmem:$0x1D000] =	vst v63  }
0xa4: {  	_ =	swait.ge [sflag:s10], $0x2000  }
0xa5: {  	[sflag:s10] =	ssyncset.done $0x0  }
0xa6: {  	[sflag:s10] =	ssyncadd.s32 $0xFFFFE000  }
0xa7: {  	_ =	swait.ge [sflag:s17], $0x2000  }
0xa8: {  	[sflag:s17] =	ssyncset.done $0x0  }
0xa9: {  	[sflag:s17] =	ssyncadd.s32 $0xFFFFE000  }
0xaa: {  	[spmem:s2] =	stream.indirect.scatter.add.f32 [tilespmem:s15], [sflag:$0x2], $0x80, s1, s12, $0xb8;
	[tilespmem:$0x1D000] =	vst v63  }
0xab: {  	_ =	swait.ge [sflag:s10], $0x2000  }
0xac: {  	[sflag:s10] =	ssyncset.done $0x0  }
0xad: {  	[sflag:s10] =	ssyncadd.s32 $0xFFFFE000  }
0xae: {  	_ =	swait.ge [sflag:s17], $0x2000  }
0xaf: {  	[sflag:s17] =	ssyncset.done $0x0  }
0xb0: {  	[sflag:s17] =	ssyncadd.s32 $0xFFFFE000  }
0xb1: {  	[spmem:s2] =	stream.indirect.scatter.add.f32 [tilespmem:s16], [sflag:$0x2], $0x80, s5, s12, $0xb8;
	[tilespmem:$0x1D000] =	vst v63  }
0xb2: {  	s6 =	simm.s32 $0x200;
	_ =	swait.ge [sflag:s10], $0x2000  }
0xb3: {  	s8 =	simm.s32 $0x100;
	s9 =	rddreg [dreg:$0x4];
	[sflag:s10] =	ssyncset.done $0x0  }
.LBB2_2:
0xb4: {  	[sflag:s10] =	ssyncadd.s32 $0xFFFFE000;
	s9 =	sadd.s32 s8, s9  }
0xb5: {  	[tilespmem:s3], [sflag:$0x2] =	stream.linear.gather [hbm4b:s9+s3], $0x800, $0x38;
	[tilespmem:$0x1D000] =	vst v63  }
0xb6: {  	_ =	swait.ge [sflag:s10], $0x800  }
0xb7: {  	s9 =	rddreg [dreg:$0x3];
	[sflag:s10] =	ssyncset.done $0x0  }
0xb8: {  	[sflag:s10] =	ssyncadd.s32 $0xFFFFF800;
	s9 =	sadd.s32 s8, s9  }
0xb9: {  	[tilespmem:s11], [sflag:$0x2] =	stream.linear.gather [hbm4b:s9+s3], $0x800, $0x38;
	[tilespmem:$0x1D000] =	vst v63  }
0xba: {  	_ =	swait.ge [sflag:s10], $0x800  }
0xbb: {  	[sflag:s10] =	ssyncset.done $0x0  }
0xbc: {  	s7 =	smov.u32 s6;
	[sflag:s10] =	ssyncadd.s32 $0xFFFFF800  }
0xbd: {  	[tilespmem:s13], [sflag:$0x1] =	stream.indirect.gather [hbm4b:s4+s12], $0x80, s3, s12, $0xb8;
	[tilespmem:$0x1D000] =	vst v63  }
0xbe: {  	s8 =	smov.u32 s7;
	s7 =	rddreg [dreg:$0x5]  }
0xbf: {  	[tilespmem:s14], [sflag:$0x1] =	stream.indirect.gather [hbm4b:s4+s12], $0x80, s7, s12, $0xb8;
	[tilespmem:$0x1D000] =	vst v63  }
0xc0: {  	s9 =	rddreg [dreg:$0x6]  }
0xc1: {  	[tilespmem:s15], [sflag:$0x1] =	stream.indirect.gather [hbm4b:s4+s12], $0x80, s9, s12, $0xb8;
	[tilespmem:$0x1D000] =	vst v63  }
0xc2: {  	s7 =	rddreg [dreg:$0x7]  }
0xc3: {  	[tilespmem:s16], [sflag:$0x1] =	stream.indirect.gather [hbm4b:s4+s12], $0x80, s7, s12, $0xb8;
	[tilespmem:$0x1D000] =	vst v63  }
0xc4: {  	_ =	swait.ge [sflag:s17], $0x2000  }
0xc5: {  	[sflag:s17] =	ssyncset.done $0x0  }
0xc6: {  	[sflag:s17] =	ssyncadd.s32 $0xFFFFE000  }
0xc7: {  	[spmem:s2] =	stream.indirect.scatter.add.f32 [tilespmem:s13], [sflag:$0x2], $0x80, s11, s12, $0xb8;
	[tilespmem:$0x1D000] =	vst v63  }
0xc8: {  	_ =	swait.ge [sflag:s10], $0x2000  }
0xc9: {  	[sflag:s10] =	ssyncset.done $0x0  }
0xca: {  	s9 =	rddreg [dreg:$0x8];
	[sflag:s10] =	ssyncadd.s32 $0xFFFFE000  }
0xcb: {  	[tilespmem:s13], [sflag:$0x1] =	stream.indirect.gather [hbm4b:s4+s12], $0x80, s9, s12, $0xb8;
	[tilespmem:$0x1D000] =	vst v63  }
0xcc: {  	_ =	swait.ge [sflag:s17], $0x2000  }
0xcd: {  	[sflag:s17] =	ssyncset.done $0x0  }
0xce: {  	s9 =	rddreg [dreg:$0x9];
	[sflag:s17] =	ssyncadd.s32 $0xFFFFE000  }
0xcf: {  	[spmem:s2] =	stream.indirect.scatter.add.f32 [tilespmem:s14], [sflag:$0x2], $0x80, s9, s12, $0xb8;
	[tilespmem:$0x1D000] =	vst v63  }
0xd0: {  	_ =	swait.ge [sflag:s10], $0x2000  }
0xd1: {  	[sflag:s10] =	ssyncset.done $0x0  }
0xd2: {  	s9 =	rddreg [dreg:$0xa];
	[sflag:s10] =	ssyncadd.s32 $0xFFFFE000  }
0xd3: {  	[tilespmem:s14], [sflag:$0x1] =	stream.indirect.gather [hbm4b:s4+s12], $0x80, s9, s12, $0xb8;
	[tilespmem:$0x1D000] =	vst v63  }
0xd4: {  	_ =	swait.ge [sflag:s17], $0x2000  }
0xd5: {  	[sflag:s17] =	ssyncset.done $0x0  }
0xd6: {  	s9 =	rddreg [dreg:$0xb];
	[sflag:s17] =	ssyncadd.s32 $0xFFFFE000  }
0xd7: {  	[spmem:s2] =	stream.indirect.scatter.add.f32 [tilespmem:s15], [sflag:$0x2], $0x80, s9, s12, $0xb8;
	[tilespmem:$0x1D000] =	vst v63  }
0xd8: {  	_ =	swait.ge [sflag:s10], $0x2000  }
0xd9: {  	[sflag:s10] =	ssyncset.done $0x0  }
0xda: {  	s9 =	rddreg [dreg:$0xc];
	[sflag:s10] =	ssyncadd.s32 $0xFFFFE000  }
0xdb: {  	[tilespmem:s15], [sflag:$0x1] =	stream.indirect.gather [hbm4b:s4+s12], $0x80, s9, s12, $0xb8;
	[tilespmem:$0x1D000] =	vst v63  }
0xdc: {  	_ =	swait.ge [sflag:s17], $0x2000  }
0xdd: {  	[sflag:s17] =	ssyncset.done $0x0  }
0xde: {  	s9 =	rddreg [dreg:$0xd];
	[sflag:s17] =	ssyncadd.s32 $0xFFFFE000  }
0xdf: {  	[spmem:s2] =	stream.indirect.scatter.add.f32 [tilespmem:s16], [sflag:$0x2], $0x80, s9, s12, $0xb8;
	[tilespmem:$0x1D000] =	vst v63  }
0xe0: {  	_ =	swait.ge [sflag:s10], $0x2000  }
0xe1: {  	[sflag:s10] =	ssyncset.done $0x0  }
0xe2: {  	s9 =	rddreg [dreg:$0xe];
	[sflag:s10] =	ssyncadd.s32 $0xFFFFE000  }
0xe3: {  	[tilespmem:s16], [sflag:$0x1] =	stream.indirect.gather [hbm4b:s4+s12], $0x80, s9, s12, $0xb8;
	[tilespmem:$0x1D000] =	vst v63  }
0xe4: {  	_ =	swait.ge [sflag:s17], $0x2000  }
0xe5: {  	[sflag:s17] =	ssyncset.done $0x0  }
0xe6: {  	s9 =	rddreg [dreg:$0xf];
	[sflag:s17] =	ssyncadd.s32 $0xFFFFE000  }
0xe7: {  	[spmem:s2] =	stream.indirect.scatter.add.f32 [tilespmem:s13], [sflag:$0x2], $0x80, s9, s12, $0xb8;
	[tilespmem:$0x1D000] =	vst v63  }
0xe8: {  	_ =	swait.ge [sflag:s10], $0x2000  }
0xe9: {  	[sflag:s10] =	ssyncset.done $0x0  }
0xea: {  	s9 =	rddreg [dreg:$0x10];
	[sflag:s10] =	ssyncadd.s32 $0xFFFFE000  }
0xeb: {  	[tilespmem:s13], [sflag:$0x1] =	stream.indirect.gather [hbm4b:s4+s12], $0x80, s9, s12, $0xb8;
	[tilespmem:$0x1D000] =	vst v63  }
0xec: {  	_ =	swait.ge [sflag:s17], $0x2000  }
0xed: {  	[sflag:s17] =	ssyncset.done $0x0  }
0xee: {  	s9 =	rddreg [dreg:$0x11];
	[sflag:s17] =	ssyncadd.s32 $0xFFFFE000  }
0xef: {  	[spmem:s2] =	stream.indirect.scatter.add.f32 [tilespmem:s14], [sflag:$0x2], $0x80, s9, s12, $0xb8;
	[tilespmem:$0x1D000] =	vst v63  }
0xf0: {  	_ =	swait.ge [sflag:s10], $0x2000  }
0xf1: {  	[sflag:s10] =	ssyncset.done $0x0  }
0xf2: {  	s9 =	rddreg [dreg:$0x12];
	[sflag:s10] =	ssyncadd.s32 $0xFFFFE000  }
0xf3: {  	[tilespmem:s14], [sflag:$0x1] =	stream.indirect.gather [hbm4b:s4+s12], $0x80, s9, s12, $0xb8;
	[tilespmem:$0x1D000] =	vst v63  }
0xf4: {  	_ =	swait.ge [sflag:s17], $0x2000  }
0xf5: {  	[sflag:s17] =	ssyncset.done $0x0  }
0xf6: {  	[sflag:s17] =	ssyncadd.s32 $0xFFFFE000  }
0xf7: {  	[spmem:s2] =	stream.indirect.scatter.add.f32 [tilespmem:s15], [sflag:$0x2], $0x80, s18, s12, $0xb8;
	[tilespmem:$0x1D000] =	vst v63  }
0xf8: {  	_ =	swait.ge [sflag:s10], $0x2000  }
0xf9: {  	[sflag:s10] =	ssyncset.done $0x0  }
0xfa: {  	[sflag:s10] =	ssyncadd.s32 $0xFFFFE000  }
0xfb: {  	[tilespmem:s15], [sflag:$0x1] =	stream.indirect.gather [hbm4b:s4+s12], $0x80, s19, s12, $0xb8;
	[tilespmem:$0x1D000] =	vst v63  }
0xfc: {  	_ =	swait.ge [sflag:s17], $0x2000  }
0xfd: {  	[sflag:s17] =	ssyncset.done $0x0  }
0xfe: {  	[sflag:s17] =	ssyncadd.s32 $0xFFFFE000  }
0xff: {  	[spmem:s2] =	stream.indirect.scatter.add.f32 [tilespmem:s16], [sflag:$0x2], $0x80, s20, s12, $0xb8;
	[tilespmem:$0x1D000] =	vst v63  }
0x100: {  	_ =	swait.ge [sflag:s10], $0x2000  }
0x101: {  	[sflag:s10] =	ssyncset.done $0x0  }
0x102: {  	[sflag:s10] =	ssyncadd.s32 $0xFFFFE000  }
0x103: {  	[tilespmem:s16], [sflag:$0x1] =	stream.indirect.gather [hbm4b:s4+s12], $0x80, s21, s12, $0xb8;
	[tilespmem:$0x1D000] =	vst v63  }
0x104: {  	_ =	swait.ge [sflag:s17], $0x2000  }
0x105: {  	[sflag:s17] =	ssyncset.done $0x0  }
0x106: {  	[sflag:s17] =	ssyncadd.s32 $0xFFFFE000  }
0x107: {  	[spmem:s2] =	stream.indirect.scatter.add.f32 [tilespmem:s13], [sflag:$0x2], $0x80, s22, s12, $0xb8;
	[tilespmem:$0x1D000] =	vst v63  }
0x108: {  	_ =	swait.ge [sflag:s10], $0x2000  }
0x109: {  	[sflag:s10] =	ssyncset.done $0x0  }
0x10a: {  	[sflag:s10] =	ssyncadd.s32 $0xFFFFE000  }
0x10b: {  	[tilespmem:s13], [sflag:$0x1] =	stream.indirect.gather [hbm4b:s4+s12], $0x80, s23, s12, $0xb8;
	[tilespmem:$0x1D000] =	vst v63  }
0x10c: {  	_ =	swait.ge [sflag:s17], $0x2000  }
0x10d: {  	[sflag:s17] =	ssyncset.done $0x0  }
0x10e: {  	[sflag:s17] =	ssyncadd.s32 $0xFFFFE000  }
0x10f: {  	[spmem:s2] =	stream.indirect.scatter.add.f32 [tilespmem:s14], [sflag:$0x2], $0x80, s24, s12, $0xb8;
	[tilespmem:$0x1D000] =	vst v63  }
0x110: {  	_ =	swait.ge [sflag:s10], $0x2000  }
0x111: {  	[sflag:s10] =	ssyncset.done $0x0  }
0x112: {  	[sflag:s10] =	ssyncadd.s32 $0xFFFFE000  }
0x113: {  	[tilespmem:s14], [sflag:$0x1] =	stream.indirect.gather [hbm4b:s4+s12], $0x80, s25, s12, $0xb8;
	[tilespmem:$0x1D000] =	vst v63  }
0x114: {  	_ =	swait.ge [sflag:s17], $0x2000  }
0x115: {  	[sflag:s17] =	ssyncset.done $0x0  }
0x116: {  	[sflag:s17] =	ssyncadd.s32 $0xFFFFE000  }
0x117: {  	[spmem:s2] =	stream.indirect.scatter.add.f32 [tilespmem:s15], [sflag:$0x2], $0x80, s26, s12, $0xb8;
	[tilespmem:$0x1D000] =	vst v63  }
0x118: {  	_ =	swait.ge [sflag:s10], $0x2000  }
0x119: {  	[sflag:s10] =	ssyncset.done $0x0  }
0x11a: {  	[sflag:s10] =	ssyncadd.s32 $0xFFFFE000  }
0x11b: {  	[tilespmem:s15], [sflag:$0x1] =	stream.indirect.gather [hbm4b:s4+s12], $0x80, s28, s12, $0xb8;
	[tilespmem:$0x1D000] =	vst v63  }
0x11c: {  	_ =	swait.ge [sflag:s17], $0x2000  }
0x11d: {  	[sflag:s17] =	ssyncset.done $0x0  }
0x11e: {  	[sflag:s17] =	ssyncadd.s32 $0xFFFFE000  }
0x11f: {  	[spmem:s2] =	stream.indirect.scatter.add.f32 [tilespmem:s16], [sflag:$0x2], $0x80, s29, s12, $0xb8;
	[tilespmem:$0x1D000] =	vst v63  }
0x120: {  	_ =	swait.ge [sflag:s10], $0x2000  }
0x121: {  	[sflag:s10] =	ssyncset.done $0x0  }
0x122: {  	[sflag:s10] =	ssyncadd.s32 $0xFFFFE000  }
0x123: {  	[tilespmem:s16], [sflag:$0x1] =	stream.indirect.gather [hbm4b:s4+s12], $0x80, s30, s12, $0xb8;
	[tilespmem:$0x1D000] =	vst v63  }
0x124: {  	_ =	swait.ge [sflag:s17], $0x2000  }
0x125: {  	[sflag:s17] =	ssyncset.done $0x0  }
0x126: {  	[sflag:s17] =	ssyncadd.s32 $0xFFFFE000  }
0x127: {  	[spmem:s2] =	stream.indirect.scatter.add.f32 [tilespmem:s13], [sflag:$0x2], $0x80, s31, s12, $0xb8;
	[tilespmem:$0x1D000] =	vst v63  }
0x128: {  	_ =	swait.ge [sflag:s10], $0x2000  }
0x129: {  	[sflag:s10] =	ssyncset.done $0x0  }
0x12a: {  	[sflag:s10] =	ssyncadd.s32 $0xFFFFE000  }
0x12b: {  	_ =	swait.ge [sflag:s17], $0x2000  }
0x12c: {  	[sflag:s17] =	ssyncset.done $0x0  }
0x12d: {  	[sflag:s17] =	ssyncadd.s32 $0xFFFFE000  }
0x12e: {  	[spmem:s2] =	stream.indirect.scatter.add.f32 [tilespmem:s14], [sflag:$0x2], $0x80, s0, s12, $0xb8;
	[tilespmem:$0x1D000] =	vst v63  }
0x12f: {  	_ =	swait.ge [sflag:s10], $0x2000  }
0x130: {  	[sflag:s10] =	ssyncset.done $0x0  }
0x131: {  	[sflag:s10] =	ssyncadd.s32 $0xFFFFE000  }
0x132: {  	_ =	swait.ge [sflag:s17], $0x2000  }
0x133: {  	[sflag:s17] =	ssyncset.done $0x0  }
0x134: {  	[sflag:s17] =	ssyncadd.s32 $0xFFFFE000  }
0x135: {  	[spmem:s2] =	stream.indirect.scatter.add.f32 [tilespmem:s15], [sflag:$0x2], $0x80, s1, s12, $0xb8;
	[tilespmem:$0x1D000] =	vst v63  }
0x136: {  	_ =	swait.ge [sflag:s10], $0x2000  }
0x137: {  	[sflag:s10] =	ssyncset.done $0x0  }
0x138: {  	[sflag:s10] =	ssyncadd.s32 $0xFFFFE000  }
0x139: {  	p0 =	sne.s32 s6, $0x900;
	_ =	swait.ge [sflag:s17], $0x2000  }
.Ltmp0:
0x13a: {  	[sflag:s17] =	ssyncset.done $0x0;
	(pc) =	sbr.rel @p0 .LBB2_2-.Ltmp0, $4  }
0x13b: {  	[sflag:s17] =	ssyncadd.s32 $0xFFFFE000  }
0x13c: {  	[spmem:s2] =	stream.indirect.scatter.add.f32 [tilespmem:s16], [sflag:$0x2], $0x80, s5, s12, $0xb8;
	[tilespmem:$0x1D000] =	vst v63  }
0x13d: {  	_ =	swait.ge [sflag:s10], $0x2000  }
0x13e: {  	s6 =	sadd.s32 $0x100, s6;
	s9 =	rddreg [dreg:$0x4];
	[sflag:s10] =	ssyncset.done $0x0  }
0x13f: {  	[sflag:s10] =	ssyncadd.s32 $0xFFFFE000;
	s6 =	sadd.s32 s8, s9  }
0x140: {  	[tilespmem:s3], [sflag:$0x2] =	stream.linear.gather [hbm4b:s6+s3], $0x800, $0x38;
	[tilespmem:$0x1D000] =	vst v63  }
0x141: {  	_ =	swait.ge [sflag:s10], $0x800  }
0x142: {  	s7 =	rddreg [dreg:$0x3];
	[sflag:s10] =	ssyncset.done $0x0  }
0x143: {  	[sflag:s10] =	ssyncadd.s32 $0xFFFFF800;
	s6 =	sadd.s32 s8, s7  }
0x144: {  	[tilespmem:s11], [sflag:$0x2] =	stream.linear.gather [hbm4b:s6+s3], $0x800, $0x38;
	[tilespmem:$0x1D000] =	vst v63  }
0x145: {  	_ =	swait.ge [sflag:s10], $0x800  }
0x146: {  	[sflag:s10] =	ssyncset.done $0x0  }
0x147: {  	[sflag:s10] =	ssyncadd.s32 $0xFFFFF800  }
0x148: {  	[tilespmem:s13], [sflag:$0x1] =	stream.indirect.gather [hbm4b:s4+s12], $0x80, s3, s12, $0xb8;
	[tilespmem:$0x1D000] =	vst v63  }
0x149: {  	s8 =	rddreg [dreg:$0x5]  }
0x14a: {  	[tilespmem:s14], [sflag:$0x1] =	stream.indirect.gather [hbm4b:s4+s12], $0x80, s8, s12, $0xb8;
	[tilespmem:$0x1D000] =	vst v63  }
0x14b: {  	s7 =	rddreg [dreg:$0x6]  }
0x14c: {  	[tilespmem:s15], [sflag:$0x1] =	stream.indirect.gather [hbm4b:s4+s12], $0x80, s7, s12, $0xb8;
	[tilespmem:$0x1D000] =	vst v63  }
0x14d: {  	s9 =	rddreg [dreg:$0x7]  }
0x14e: {  	[tilespmem:s16], [sflag:$0x1] =	stream.indirect.gather [hbm4b:s4+s12], $0x80, s9, s12, $0xb8;
	[tilespmem:$0x1D000] =	vst v63  }
0x14f: {  	_ =	swait.ge [sflag:s17], $0x2000  }
0x150: {  	[sflag:s17] =	ssyncset.done $0x0  }
0x151: {  	[sflag:s17] =	ssyncadd.s32 $0xFFFFE000  }
0x152: {  	[spmem:s2] =	stream.indirect.scatter.add.f32 [tilespmem:s13], [sflag:$0x2], $0x80, s11, s12, $0xb8;
	[tilespmem:$0x1D000] =	vst v63  }
0x153: {  	_ =	swait.ge [sflag:s10], $0x2000  }
0x154: {  	[sflag:s10] =	ssyncset.done $0x0  }
0x155: {  	s7 =	rddreg [dreg:$0x8];
	[sflag:s10] =	ssyncadd.s32 $0xFFFFE000  }
0x156: {  	[tilespmem:s13], [sflag:$0x1] =	stream.indirect.gather [hbm4b:s4+s12], $0x80, s7, s12, $0xb8;
	[tilespmem:$0x1D000] =	vst v63  }
0x157: {  	_ =	swait.ge [sflag:s17], $0x2000  }
0x158: {  	[sflag:s17] =	ssyncset.done $0x0  }
0x159: {  	s8 =	rddreg [dreg:$0x9];
	[sflag:s17] =	ssyncadd.s32 $0xFFFFE000  }
0x15a: {  	[spmem:s2] =	stream.indirect.scatter.add.f32 [tilespmem:s14], [sflag:$0x2], $0x80, s8, s12, $0xb8;
	[tilespmem:$0x1D000] =	vst v63  }
0x15b: {  	_ =	swait.ge [sflag:s10], $0x2000  }
0x15c: {  	[sflag:s10] =	ssyncset.done $0x0  }
0x15d: {  	s9 =	rddreg [dreg:$0xa];
	[sflag:s10] =	ssyncadd.s32 $0xFFFFE000  }
0x15e: {  	[tilespmem:s14], [sflag:$0x1] =	stream.indirect.gather [hbm4b:s4+s12], $0x80, s9, s12, $0xb8;
	[tilespmem:$0x1D000] =	vst v63  }
0x15f: {  	_ =	swait.ge [sflag:s17], $0x2000  }
0x160: {  	[sflag:s17] =	ssyncset.done $0x0  }
0x161: {  	s7 =	rddreg [dreg:$0xb];
	[sflag:s17] =	ssyncadd.s32 $0xFFFFE000  }
0x162: {  	[spmem:s2] =	stream.indirect.scatter.add.f32 [tilespmem:s15], [sflag:$0x2], $0x80, s7, s12, $0xb8;
	[tilespmem:$0x1D000] =	vst v63  }
0x163: {  	_ =	swait.ge [sflag:s10], $0x2000  }
0x164: {  	[sflag:s10] =	ssyncset.done $0x0  }
0x165: {  	s8 =	rddreg [dreg:$0xc];
	[sflag:s10] =	ssyncadd.s32 $0xFFFFE000  }
0x166: {  	[tilespmem:s15], [sflag:$0x1] =	stream.indirect.gather [hbm4b:s4+s12], $0x80, s8, s12, $0xb8;
	[tilespmem:$0x1D000] =	vst v63  }
0x167: {  	_ =	swait.ge [sflag:s17], $0x2000  }
0x168: {  	[sflag:s17] =	ssyncset.done $0x0  }
0x169: {  	s9 =	rddreg [dreg:$0xd];
	[sflag:s17] =	ssyncadd.s32 $0xFFFFE000  }
0x16a: {  	[spmem:s2] =	stream.indirect.scatter.add.f32 [tilespmem:s16], [sflag:$0x2], $0x80, s9, s12, $0xb8;
	[tilespmem:$0x1D000] =	vst v63  }
0x16b: {  	_ =	swait.ge [sflag:s10], $0x2000  }
0x16c: {  	[sflag:s10] =	ssyncset.done $0x0  }
0x16d: {  	s7 =	rddreg [dreg:$0xe];
	[sflag:s10] =	ssyncadd.s32 $0xFFFFE000  }
0x16e: {  	[tilespmem:s16], [sflag:$0x1] =	stream.indirect.gather [hbm4b:s4+s12], $0x80, s7, s12, $0xb8;
	[tilespmem:$0x1D000] =	vst v63  }
0x16f: {  	_ =	swait.ge [sflag:s17], $0x2000  }
0x170: {  	[sflag:s17] =	ssyncset.done $0x0  }
0x171: {  	s8 =	rddreg [dreg:$0xf];
	[sflag:s17] =	ssyncadd.s32 $0xFFFFE000  }
0x172: {  	[spmem:s2] =	stream.indirect.scatter.add.f32 [tilespmem:s13], [sflag:$0x2], $0x80, s8, s12, $0xb8;
	[tilespmem:$0x1D000] =	vst v63  }
0x173: {  	_ =	swait.ge [sflag:s10], $0x2000  }
0x174: {  	[sflag:s10] =	ssyncset.done $0x0  }
0x175: {  	s9 =	rddreg [dreg:$0x10];
	[sflag:s10] =	ssyncadd.s32 $0xFFFFE000  }
0x176: {  	[tilespmem:s13], [sflag:$0x1] =	stream.indirect.gather [hbm4b:s4+s12], $0x80, s9, s12, $0xb8;
	[tilespmem:$0x1D000] =	vst v63  }
0x177: {  	_ =	swait.ge [sflag:s17], $0x2000  }
0x178: {  	[sflag:s17] =	ssyncset.done $0x0  }
0x179: {  	s7 =	rddreg [dreg:$0x11];
	[sflag:s17] =	ssyncadd.s32 $0xFFFFE000  }
0x17a: {  	[spmem:s2] =	stream.indirect.scatter.add.f32 [tilespmem:s14], [sflag:$0x2], $0x80, s7, s12, $0xb8;
	[tilespmem:$0x1D000] =	vst v63  }
0x17b: {  	_ =	swait.ge [sflag:s10], $0x2000  }
0x17c: {  	[sflag:s10] =	ssyncset.done $0x0  }
0x17d: {  	s8 =	rddreg [dreg:$0x12];
	[sflag:s10] =	ssyncadd.s32 $0xFFFFE000  }
0x17e: {  	[tilespmem:s14], [sflag:$0x1] =	stream.indirect.gather [hbm4b:s4+s12], $0x80, s8, s12, $0xb8;
	[tilespmem:$0x1D000] =	vst v63  }
0x17f: {  	_ =	swait.ge [sflag:s17], $0x2000  }
0x180: {  	[sflag:s17] =	ssyncset.done $0x0  }
0x181: {  	[sflag:s17] =	ssyncadd.s32 $0xFFFFE000  }
0x182: {  	[spmem:s2] =	stream.indirect.scatter.add.f32 [tilespmem:s15], [sflag:$0x2], $0x80, s18, s12, $0xb8;
	[tilespmem:$0x1D000] =	vst v63  }
0x183: {  	_ =	swait.ge [sflag:s10], $0x2000  }
0x184: {  	[sflag:s10] =	ssyncset.done $0x0  }
0x185: {  	[sflag:s10] =	ssyncadd.s32 $0xFFFFE000  }
0x186: {  	[tilespmem:s15], [sflag:$0x1] =	stream.indirect.gather [hbm4b:s4+s12], $0x80, s19, s12, $0xb8;
	[tilespmem:$0x1D000] =	vst v63  }
0x187: {  	_ =	swait.ge [sflag:s17], $0x2000  }
0x188: {  	[sflag:s17] =	ssyncset.done $0x0  }
0x189: {  	[sflag:s17] =	ssyncadd.s32 $0xFFFFE000  }
0x18a: {  	[spmem:s2] =	stream.indirect.scatter.add.f32 [tilespmem:s16], [sflag:$0x2], $0x80, s20, s12, $0xb8;
	[tilespmem:$0x1D000] =	vst v63  }
0x18b: {  	_ =	swait.ge [sflag:s10], $0x2000  }
0x18c: {  	[sflag:s10] =	ssyncset.done $0x0  }
0x18d: {  	[sflag:s10] =	ssyncadd.s32 $0xFFFFE000  }
0x18e: {  	[tilespmem:s16], [sflag:$0x1] =	stream.indirect.gather [hbm4b:s4+s12], $0x80, s21, s12, $0xb8;
	[tilespmem:$0x1D000] =	vst v63  }
0x18f: {  	_ =	swait.ge [sflag:s17], $0x2000  }
0x190: {  	[sflag:s17] =	ssyncset.done $0x0  }
0x191: {  	[sflag:s17] =	ssyncadd.s32 $0xFFFFE000  }
0x192: {  	[spmem:s2] =	stream.indirect.scatter.add.f32 [tilespmem:s13], [sflag:$0x2], $0x80, s22, s12, $0xb8;
	[tilespmem:$0x1D000] =	vst v63  }
0x193: {  	_ =	swait.ge [sflag:s10], $0x2000  }
0x194: {  	[sflag:s10] =	ssyncset.done $0x0  }
0x195: {  	[sflag:s10] =	ssyncadd.s32 $0xFFFFE000  }
0x196: {  	[tilespmem:s13], [sflag:$0x1] =	stream.indirect.gather [hbm4b:s4+s12], $0x80, s23, s12, $0xb8;
	[tilespmem:$0x1D000] =	vst v63  }
0x197: {  	_ =	swait.ge [sflag:s17], $0x2000  }
0x198: {  	[sflag:s17] =	ssyncset.done $0x0  }
0x199: {  	[sflag:s17] =	ssyncadd.s32 $0xFFFFE000  }
0x19a: {  	[spmem:s2] =	stream.indirect.scatter.add.f32 [tilespmem:s14], [sflag:$0x2], $0x80, s24, s12, $0xb8;
	[tilespmem:$0x1D000] =	vst v63  }
0x19b: {  	_ =	swait.ge [sflag:s10], $0x2000  }
0x19c: {  	[sflag:s10] =	ssyncset.done $0x0  }
0x19d: {  	[sflag:s10] =	ssyncadd.s32 $0xFFFFE000  }
0x19e: {  	[tilespmem:s14], [sflag:$0x1] =	stream.indirect.gather [hbm4b:s4+s12], $0x80, s25, s12, $0xb8;
	[tilespmem:$0x1D000] =	vst v63  }
0x19f: {  	_ =	swait.ge [sflag:s17], $0x2000  }
0x1a0: {  	[sflag:s17] =	ssyncset.done $0x0  }
0x1a1: {  	[sflag:s17] =	ssyncadd.s32 $0xFFFFE000  }
0x1a2: {  	[spmem:s2] =	stream.indirect.scatter.add.f32 [tilespmem:s15], [sflag:$0x2], $0x80, s26, s12, $0xb8;
	[tilespmem:$0x1D000] =	vst v63  }
0x1a3: {  	_ =	swait.ge [sflag:s10], $0x2000  }
0x1a4: {  	[sflag:s10] =	ssyncset.done $0x0  }
0x1a5: {  	[sflag:s10] =	ssyncadd.s32 $0xFFFFE000  }
0x1a6: {  	[tilespmem:s15], [sflag:$0x1] =	stream.indirect.gather [hbm4b:s4+s12], $0x80, s28, s12, $0xb8;
	[tilespmem:$0x1D000] =	vst v63  }
0x1a7: {  	_ =	swait.ge [sflag:s17], $0x2000  }
0x1a8: {  	[sflag:s17] =	ssyncset.done $0x0  }
0x1a9: {  	[sflag:s17] =	ssyncadd.s32 $0xFFFFE000  }
0x1aa: {  	[spmem:s2] =	stream.indirect.scatter.add.f32 [tilespmem:s16], [sflag:$0x2], $0x80, s29, s12, $0xb8;
	[tilespmem:$0x1D000] =	vst v63  }
0x1ab: {  	_ =	swait.ge [sflag:s10], $0x2000  }
0x1ac: {  	[sflag:s10] =	ssyncset.done $0x0  }
0x1ad: {  	[sflag:s10] =	ssyncadd.s32 $0xFFFFE000  }
0x1ae: {  	[tilespmem:s16], [sflag:$0x1] =	stream.indirect.gather [hbm4b:s4+s12], $0x80, s30, s12, $0xb8;
	[tilespmem:$0x1D000] =	vst v63  }
0x1af: {  	_ =	swait.ge [sflag:s17], $0x2000  }
0x1b0: {  	[sflag:s17] =	ssyncset.done $0x0  }
0x1b1: {  	[sflag:s17] =	ssyncadd.s32 $0xFFFFE000  }
0x1b2: {  	[spmem:s2] =	stream.indirect.scatter.add.f32 [tilespmem:s13], [sflag:$0x2], $0x80, s31, s12, $0xb8;
	[tilespmem:$0x1D000] =	vst v63  }
0x1b3: {  	_ =	swait.ge [sflag:s10], $0x2000  }
0x1b4: {  	[sflag:s10] =	ssyncset.done $0x0  }
0x1b5: {  	[sflag:s10] =	ssyncadd.s32 $0xFFFFE000  }
0x1b6: {  	_ =	swait.ge [sflag:s17], $0x2000  }
0x1b7: {  	[sflag:s17] =	ssyncset.done $0x0  }
0x1b8: {  	[sflag:s17] =	ssyncadd.s32 $0xFFFFE000  }
0x1b9: {  	[spmem:s2] =	stream.indirect.scatter.add.f32 [tilespmem:s14], [sflag:$0x2], $0x80, s0, s12, $0xb8;
	[tilespmem:$0x1D000] =	vst v63  }
0x1ba: {  	_ =	swait.ge [sflag:s10], $0x2000  }
0x1bb: {  	[sflag:s10] =	ssyncset.done $0x0  }
0x1bc: {  	[sflag:s10] =	ssyncadd.s32 $0xFFFFE000  }
0x1bd: {  	_ =	swait.ge [sflag:s17], $0x2000  }
0x1be: {  	[sflag:s17] =	ssyncset.done $0x0  }
0x1bf: {  	[sflag:s17] =	ssyncadd.s32 $0xFFFFE000  }
0x1c0: {  	[spmem:s2] =	stream.indirect.scatter.add.f32 [tilespmem:s15], [sflag:$0x2], $0x80, s1, s12, $0xb8;
	[tilespmem:$0x1D000] =	vst v63  }
0x1c1: {  	_ =	swait.ge [sflag:s10], $0x2000  }
0x1c2: {  	[sflag:s10] =	ssyncset.done $0x0  }
0x1c3: {  	[sflag:s10] =	ssyncadd.s32 $0xFFFFE000  }
0x1c4: {  	_ =	swait.ge [sflag:s17], $0x2000  }
0x1c5: {  	[sflag:s17] =	ssyncset.done $0x0  }
0x1c6: {  	[sflag:s17] =	ssyncadd.s32 $0xFFFFE000  }
0x1c7: {  	[spmem:s2] =	stream.indirect.scatter.add.f32 [tilespmem:s16], [sflag:$0x2], $0x80, s5, s12, $0xb8;
	[tilespmem:$0x1D000] =	vst v63  }
0x1c8: {  	_ =	swait.ge [sflag:s10], $0x2000  }
0x1c9: {  	[sflag:s10] =	ssyncset.done $0x0  }
0x1ca: {  	[sflag:s10] =	ssyncadd.s32 $0xFFFFE000  }
0x1cb: {  	[bflag:$0x0] =	sbarrier.arrive $0xFFFF  }
0x1cc: {  	s7 =	rddreg [dreg:$0x14]  }
0x1cd: {  	s9 =	rddreg [dreg:$0x15]  }
0x1ce: {  	s8 =	rddreg [dreg:$0x17]  }
0x1cf: {  	[hbm:s9], [sflag:s7] =	dma.local [spmem:s8], $0x2800  }
0x1d0: {  	_ =	swait.ge [sflag:s10], $0x2800  }
0x1d1: {  	s6 =	rddreg [dreg:$0x18]  }
0x1d2: {  	s9 =	sadd.s32 $0x1, s6;
	s6 =	rddreg [dreg:$0x16]  }
0x1d3: {  	p0 =	sne.s32 s9, s6  }
.Ltmp1:
0x1d4: {  	_ = 	snop;
	(pc) =	sbr.rel @p0 .LBB2_1-.Ltmp1, $3  }
0x1d5: {  	_ =	sdelay $0x1  }
0x1d6: {  	[sflag:s10] =	ssyncset.done $0x0  }
0x1d7: {  	[sflag:s10] =	ssyncadd.s32 $0xFFFFD800  }
0x1d8: {  	_ =	sfence.sel $0x180000  }
0x1d9: {  	[bflag:$0x0] =	sbarrier.arrive $0xFFFF  }
0x1da: {  	_ =	strace $0x90000050  }
0x1db: {  	s0 =	stileid.u32;
	[bflag:$0x2] =	sbarrier.arrive $0xFFFF  }
0x1dc: {  	p0 =	sne.s32 s0, $0x0;
	s0 =	rddreg [dreg:$0x2]  }
0x1dd: {  	s0 =	sadd.s32 @!p0 $0x100000, s0  }
0x1de: {  	[sflag:s0] =	ssyncadd.tile.s32 @!p0 $0x1;
	_ =	shalt  }
.Lfunc_end2:
_tile_overlayer_lowered:
.L_overlay_start_2:
0x1df: {  	(tag) =	ssettag $0x2  }
0x1e0: {  	s0 =	rddreg [dreg:$0x0];
	s2 =	stileid.u32  }
0x1e1: {  	s1 =	rddreg [dreg:$0x1];
	p0 =	sne.s32 s2, $0x0  }
0x1e2: {  	s3 =	rddreg [dreg:$0x2];
	[bflag:$0x3] =	sbarrier.arrive $0xFFFF;
	s2 =	simm.s32 @!p0 $0x1C02  }
0x1e3: {  	[timem:s3], [sflag:s2] =	dma.local @!p0 [hbm:s0], s1  }
0x1e4: {  	s0 =	simm.s32 @!p0 $0x2  }
0x1e5: {  	_ =	swait.ge @!p0 [sflag:s0], s1  }
0x1e6: {  	s1 =	ssub.s32 @!p0 $0x0, s1;
	[sflag:s0] =	ssyncset.done @!p0 $0x0  }
0x1e7: {  	[sflag:s0] =	ssyncadd.s32 @!p0 s1  }
0x1e8: {  	[bflag:$0x3] =	sbarrier.arrive $0xFFFF  }
0x1e9: {  	_ =	shalt  }

</sc_bundles>
